<compile_context>
chip_gen: v7x
topology: tpu7x:2x2x1
jax: 0.10.2.dev20260603
libtpu: 0.0.44.dev20260713+nightly
codegen_flags: <defaults>
</compile_context>

<pallas_src>
import functools

import jax
import jax.numpy as jnp
from jax import lax
from jax.experimental import pallas as pl
from jax.experimental.pallas import tpu as pltpu
from jax.experimental.pallas import tpu_sc as plsc

N = 10000
D = 128
E = 320000

NCORE = 2
NSUB = 16
NW = NCORE * NSUB
K = 64
C = 160
EPAD = NW * C * K
NPAD = 10240
RPT = NPAD // NSUB

_F32 = jnp.float32



def _sc_body(with_deg, *refs):
    if with_deg:
        (x_hbm, comb_hbm, zrows_hbm, zvec_hbm, out_hbm, deg_hbm,
         comb_v, sa0, da0, sa1, da1, sa2, da2,
         b0, b1, b2, ones_v, g0, g1, g2,
         acc, dacc) = refs
    else:
        (x_hbm, comb_hbm, zrows_hbm, out_hbm,
         comb_v, sa0, da0, sa1, da1, sa2, da2,
         b0, b1, b2, ones_v, g0, g1, g2,
         acc) = refs
        deg_hbm = dacc = zvec_hbm = None
    bufs = (b0, b1, b2)
    gsems = (g0, g1, g2)
    stage = ((sa0, da0), (sa1, da1), (sa2, da2))

    c = lax.axis_index("c")
    s = lax.axis_index("s")
    wid = c * NSUB + s

    pltpu.sync_copy(comb_hbm.at[wid], comb_v)
    pltpu.sync_copy(zrows_hbm, acc.at[pl.ds(s * RPT, RPT)])
    if with_deg:
        pltpu.sync_copy(zvec_hbm.at[pl.ds(s * RPT, RPT)],
                        dacc.at[pl.ds(s * RPT, RPT)])

    def _ones(i, carry):
        ones_v[pl.ds(16 * i, 16)] = jnp.ones((16,), _F32)
        return carry
    lax.fori_loop(0, K // 16, _ones, 0)
    plsc.subcore_barrier()

    def _stage_idx(k, p):
        sv, dv = stage[p]
        for u in range(K // 16):
            v = comb_v[k, pl.ds(16 * u, 16)]
            sv[pl.ds(16 * u, 16)] = v & 0xFFFF
            dv[pl.ds(16 * u, 16)] = lax.shift_right_logical(v, 16)

    def _fire_gather(p):
        pltpu.async_copy(x_hbm.at[stage[p][0]], bufs[p], gsems[p])

    def _wait_gather(p):
        pltpu.make_async_copy(x_hbm.at[stage[p][0]], bufs[p],
                              gsems[p]).wait()

    def _step(k, p, fire_next):
        _wait_gather(p)
        pltpu.sync_copy(bufs[p], acc.at[stage[p][1]], add=True)
        if with_deg:
            pltpu.sync_copy(ones_v, dacc.at[stage[p][1]], add=True)
        if fire_next:
            _stage_idx(k + 3, p)
            _fire_gather(p)

    for p in range(3):
        _stage_idx(p, p)
        _fire_gather(p)

    def _group(i, carry):
        k0 = 3 * i
        _step(k0, 0, True)
        _step(k0 + 1, 1, True)
        _step(k0 + 2, 2, True)
        return carry
    lax.fori_loop(0, (C - 4) // 3, _group, 0)
    _step(C - 4, 0, True)
    _step(C - 3, 1, False)
    _step(C - 2, 2, False)
    _step(C - 1, 0, False)

    plsc.subcore_barrier()

    pltpu.sync_copy(acc.at[pl.ds(s * RPT, RPT)],
                    out_hbm.at[c, pl.ds(s * RPT, RPT)])
    if with_deg:
        pltpu.sync_copy(dacc.at[pl.ds(s * RPT, RPT)],
                        deg_hbm.at[pl.ds(c * NPAD + s * RPT, RPT)])


def _make_sc_agg(with_deg):
    mesh = plsc.VectorSubcoreMesh(core_axis_name="c", subcore_axis_name="s")
    out_type = [jax.ShapeDtypeStruct((NCORE, NPAD, D), _F32)]
    if with_deg:
        out_type.append(jax.ShapeDtypeStruct((NCORE * NPAD,), _F32))
    scratch = (
        [pltpu.VMEM((C, K), jnp.int32)]
        + [pltpu.VMEM((K,), jnp.int32)] * 6
        + [pltpu.VMEM((K, D), _F32)] * 3
        + [pltpu.VMEM((K,), _F32)]
        + [pltpu.SemaphoreType.DMA] * 3
        + [pltpu.VMEM_SHARED((NPAD, D), _F32)]
    )
    if with_deg:
        scratch.append(pltpu.VMEM_SHARED((NPAD,), _F32))
    return pl.kernel(
        functools.partial(_sc_body, with_deg),
        out_type,
        mesh=mesh,
        scratch_types=scratch,
        name="sc_edge_agg" + ("_deg" if with_deg else ""),
    )


_sc_agg_deg = _make_sc_agg(True)
_sc_agg = _make_sc_agg(False)



BN = 2000
GRID = N // BN
EB = E // GRID
EBP = EPAD // GRID
PB = EBP - EB


def _enc_body(h_ref, w_ref, b_ref, ei_ref, o_ref, comb_ref):
    o_ref[...] = h_ref[...] @ w_ref[...] + b_ref[...]
    src = ei_ref[0:1, :]
    dst = ei_ref[1:2, :]
    comb_ref[0, :, :EB] = src | (dst << 16)
    g = (pl.program_id(0) * PB
         + jax.lax.broadcasted_iota(jnp.int32, (1, PB), 1))
    pad_src = (g * 37) % N
    pad_dst = N + g % (NPAD - N)
    comb_ref[0, :, EB:] = pad_src | (pad_dst << 16)


def _encoder(h, w, b2d, edge_index):
    return pl.pallas_call(
        _enc_body,
        grid=(GRID,),
        in_specs=[
            pl.BlockSpec((BN, D), lambda i: (i, 0)),
            pl.BlockSpec((D, D), lambda i: (0, 0)),
            pl.BlockSpec((1, D), lambda i: (0, 0)),
            pl.BlockSpec((2, EB), lambda i: (0, i)),
        ],
        out_specs=[
            pl.BlockSpec((BN, D), lambda i: (i, 0)),
            pl.BlockSpec((1, 1, EBP), lambda i: (i, 0, 0)),
        ],
        out_shape=[
            jax.ShapeDtypeStruct((N, D), _F32),
            jax.ShapeDtypeStruct((GRID, 1, EBP), jnp.int32),
        ],
    )(h, w, b2d, edge_index)


def _scale_from_deg(deg_ref):
    dsum = deg_ref[:, 0:1] + deg_ref[:, 1:2]
    dsum = jnp.maximum(dsum, 1.0)
    r = lax.rsqrt(dsum)
    return r * r * r


def _layer_body(x_ref, p_ref, deg_ref, w1_ref, b1_ref, w2_ref,
                b2_ref, o_ref):
    x = x_ref[...]
    p = p_ref[...]
    w1 = w1_ref[...]
    agg = (p[0] + p[1]) * _scale_from_deg(deg_ref)
    z = jnp.maximum(x @ w1[:D] + agg @ w1[D:] + b1_ref[...], 0.0)
    o_ref[...] = x + z @ w2_ref[...] + b2_ref[...]


def _layer_pool_body(x_ref, p_ref, deg_ref, w1_ref, b1_ref, w2_ref,
                     b2_ref, wr1_ref, br1_ref, wr2_ref, br2_ref, wr3_ref,
                     br3_ref, o_ref, pool_ref, out_ref):
    x = x_ref[...]
    p = p_ref[...]
    w1 = w1_ref[...]
    agg = (p[0] + p[1]) * _scale_from_deg(deg_ref)
    z = jnp.maximum(x @ w1[:D] + agg @ w1[D:] + b1_ref[...], 0.0)
    xo = x + z @ w2_ref[...] + b2_ref[...]
    o_ref[...] = xo

    @pl.when(pl.program_id(0) == 0)
    def _():
        pool_ref[...] = jnp.zeros((1, D), _F32)
    pool_ref[...] += jnp.sum(xo, axis=0, keepdims=True)

    @pl.when(pl.program_id(0) == pl.num_programs(0) - 1)
    def _():
        hg = pool_ref[...] * (1.0 / N)
        r = jnp.maximum(hg @ wr1_ref[...] + br1_ref[...], 0.0)
        r = jnp.maximum(r @ wr2_ref[...] + br2_ref[...], 0.0)
        out_ref[...] = r @ wr3_ref[...] + br3_ref[...]


def _layer_specs():
    return [
        pl.BlockSpec((BN, D), lambda i: (i, 0)),
        pl.BlockSpec((NCORE, BN, D), lambda i: (0, i, 0)),
        pl.BlockSpec((BN, NCORE), lambda i: (i, 0)),
        pl.BlockSpec((2 * D, D), lambda i: (0, 0)),
        pl.BlockSpec((1, D), lambda i: (0, 0)),
        pl.BlockSpec((D, D), lambda i: (0, 0)),
        pl.BlockSpec((1, D), lambda i: (0, 0)),
    ]


def _layer(x, p, degT, w1, b1, w2, b2):
    return pl.pallas_call(
        _layer_body,
        grid=(N // BN,),
        in_specs=_layer_specs(),
        out_specs=pl.BlockSpec((BN, D), lambda i: (i, 0)),
        out_shape=jax.ShapeDtypeStruct((N, D), _F32),
    )(x, p, degT, w1, b1, w2, b2)


def _layer_pool(x, p, degT, w1, b1, w2, b2, wr1, br1, wr2, br2, wr3, br3):
    def full(a):
        return pl.BlockSpec(a.shape, lambda i: tuple(0 for _ in a.shape))
    nc = wr3.shape[1]
    return pl.pallas_call(
        _layer_pool_body,
        grid=(N // BN,),
        in_specs=_layer_specs() + [full(wr1), full(br1), full(wr2),
                                   full(br2), full(wr3), full(br3)],
        out_specs=[
            pl.BlockSpec((BN, D), lambda i: (i, 0)),
            pl.BlockSpec((1, D), lambda i: (0, 0)),
            pl.BlockSpec((1, nc), lambda i: (0, 0)),
        ],
        out_shape=[
            jax.ShapeDtypeStruct((N, D), _F32),
            jax.ShapeDtypeStruct((1, D), _F32),
            jax.ShapeDtypeStruct((1, nc), _F32),
        ],
    )(x, p, degT, w1, b1, w2, b2, wr1, br1, wr2, br2, wr3, br3)



def kernel(h, edge_index, e, W_enc, b_enc, W1_0, b1_0, W2_0, b2_0, W1_1, b1_1,
           W2_1, b2_1, W1_2, b1_2, W2_2, b2_2, Wr1, br1, Wr2, br2, Wr3, br3):
    del e

    zrows = jnp.zeros((RPT, D), _F32)
    zvec = jnp.zeros((NPAD,), _F32)

    x, comb_flat = _encoder(h, W_enc, b_enc.reshape(1, D), edge_index)
    comb = comb_flat.reshape(NW, C, K)

    p0, deg_flat = _sc_agg_deg(x, comb, zrows, zvec)
    degT = deg_flat.reshape(NCORE, NPAD).T

    x = _layer(x, p0, degT, W1_0, b1_0.reshape(1, D),
               W2_0, b2_0.reshape(1, D))
    (p1,) = _sc_agg(x, comb, zrows)
    x = _layer(x, p1, degT, W1_1, b1_1.reshape(1, D),
               W2_1, b2_1.reshape(1, D))
    (p2,) = _sc_agg(x, comb, zrows)
    _, _, out = _layer_pool(x, p2, degT, W1_2, b1_2.reshape(1, D),
                            W2_2, b2_2.reshape(1, D),
                            Wr1, br1.reshape(1, -1),
                            Wr2, br2.reshape(1, -1),
                            Wr3, br3.reshape(1, -1))
    return out

# --- scband reference (transcript-rebuilt; emitter-appended) ---
"""Pipeline reference for scband-graph-sage-net-64518998721150 (READ-ONLY COPY).

The authoritative reference and input builder live on the scoring server;
editing this copy changes nothing except your own understanding.
"""

import jax, jax.numpy as jnp
import numpy as np

N = 10000
E = 320000
D = 128
HID = 128
OUT = 128
NC = 10
L = 3

def _lin(x, W, b):
    return x @ W + b

def setup_inputs(seed: int = 0):
    key = jax.random.key(seed)
    ks = jax.random.split(key, 40)
    inp = {}
    inp["h"] = jax.random.normal(ks[0], (N, D), dtype=jnp.float32)
    inp["edge_index"] = jax.random.randint(ks[1], (2, E), 0, N, dtype=jnp.int32)
    inp["e"] = jax.random.normal(ks[2], (E, 16), dtype=jnp.float32)
    inp["W_enc"] = jax.random.normal(ks[3], (D, HID), dtype=jnp.float32) * 0.05
    inp["b_enc"] = jnp.zeros((HID,), dtype=jnp.float32)
    for l in range(L):
        outd = HID if l < L - 1 else OUT
        inp["W1_%d" % l] = jax.random.normal(ks[4 + 4 * l], (2 * HID, HID), dtype=jnp.float32) * 0.05
        inp["b1_%d" % l] = jnp.zeros((HID,), dtype=jnp.float32)
        inp["W2_%d" % l] = jax.random.normal(ks[5 + 4 * l], (HID, outd), dtype=jnp.float32) * 0.05
        inp["b2_%d" % l] = jnp.zeros((outd,), dtype=jnp.float32)
    inp["Wr1"] = jax.random.normal(ks[20], (OUT, OUT // 2), dtype=jnp.float32) * 0.05
    inp["br1"] = jnp.zeros((OUT // 2,), dtype=jnp.float32)
    inp["Wr2"] = jax.random.normal(ks[21], (OUT // 2, OUT // 4), dtype=jnp.float32) * 0.05
    inp["br2"] = jnp.zeros((OUT // 4,), dtype=jnp.float32)
    inp["Wr3"] = jax.random.normal(ks[22], (OUT // 4, NC), dtype=jnp.float32) * 0.05
    inp["br3"] = jnp.zeros((NC,), dtype=jnp.float32)
    return inp

def reference(h, edge_index, e, W_enc, b_enc, W1_0, b1_0, W2_0, b2_0, W1_1, b1_1, W2_1, b2_1, W1_2, b1_2, W2_2, b2_2, Wr1, br1, Wr2, br2, Wr3, br3):
    src = edge_index[0]
    dst = edge_index[1]
    n = h.shape[0]
    deg = jnp.zeros((n,), dtype=jnp.float32).at[dst].add(1.0)
    deg = jnp.clip(deg, 1.0, None)
    norm = (deg ** -0.5)[:, None]
    x = _lin(h, W_enc, b_enc)
    # in_feat_dropout: identity in eval mode
    layers = [(W1_0, b1_0, W2_0, b2_0), (W1_1, b1_1, W2_1, b2_1), (W1_2, b1_2, W2_2, b2_2)]
    for (W1, b1, W2, b2) in layers:
        x_in = x
        # mean aggregation of in-neighbor messages (gather + scatter-add)
        agg = jnp.zeros_like(x).at[dst].add(x[src]) / deg[:, None]
        agg = agg * norm
        z = jnp.concatenate([x, agg], axis=1)
        # MultiLinearLayer (2 layers): Linear -> BN (inference, unit running stats ~ identity) -> ReLU -> Linear (no activation)
        z = jax.nn.relu(_lin(z, W1, b1))
        z = _lin(z, W2, b2)
        x = x_in + z  # residual
    # graph_pool = 'mean' over single graph
    hg = jnp.mean(x, axis=0, keepdims=True)
    r = jax.nn.relu(_lin(hg, Wr1, br1))
    r = jax.nn.relu(_lin(r, Wr2, br2))
    return _lin(r, Wr3, br3)

if __name__ == "__main__":
    import jax
    _d = setup_inputs()
    print(jax.jit(kernel)(*tuple(_d.values())))

</pallas_src>

<mosaic_0001>
#map = affine_map<(d0, d1) -> (0, 0)>
#map1 = affine_map<(d0, d1) -> (0, 0, 0)>
module attributes {stable_mosaic.version = 14 : i64} {
  func.func @sc_edge_agg(%arg0: i32, %arg1: i32, %arg2: memref<10000x128xf32, #tpu.memory_space<hbm>>, %arg3: memref<32x160x64xi32, #tpu.memory_space<hbm>>, %arg4: memref<640x128xf32, #tpu.memory_space<hbm>>, %arg5: memref<2x10240x128xf32, #tpu.memory_space<hbm>>, %arg6: memref<160x64xi32, #tpu.memory_space<vmem>>, %arg7: memref<64xi32, #tpu.memory_space<vmem>>, %arg8: memref<64xi32, #tpu.memory_space<vmem>>, %arg9: memref<64xi32, #tpu.memory_space<vmem>>, %arg10: memref<64xi32, #tpu.memory_space<vmem>>, %arg11: memref<64xi32, #tpu.memory_space<vmem>>, %arg12: memref<64xi32, #tpu.memory_space<vmem>>, %arg13: memref<64x128xf32, #tpu.memory_space<vmem>>, %arg14: memref<64x128xf32, #tpu.memory_space<vmem>>, %arg15: memref<64x128xf32, #tpu.memory_space<vmem>>, %arg16: memref<64xf32, #tpu.memory_space<vmem>>, %arg17: memref<!tpu.dma_semaphore, #tpu.memory_space<semaphore_mem>>, %arg18: memref<!tpu.dma_semaphore, #tpu.memory_space<semaphore_mem>>, %arg19: memref<!tpu.dma_semaphore, #tpu.memory_space<semaphore_mem>>, %arg20: memref<10240x128xf32, #tpu.memory_space<vmem_shared>>) attributes {dimension_semantics = [#tpu.dimension_semantics<core_parallel>, #tpu.dimension_semantics<subcore_parallel>], iteration_bounds = array<i64: 2, 16>, scalar_prefetch = 0 : i64, scratch_operands = 15 : i64, tpu.core_type = #tpu.core_type<sc_vector_subcore>, window_params = [{transform_indices = #map}, {transform_indices = #map1}, {transform_indices = #map}, {transform_indices = #map1}]} {
    %mul3A = arith.constant 16 : i32
    %mul3A_0 = arith.muli %arg0, %mul3A : i32
    %add3A = arith.addi %mul3A_0, %arg1 : i32
    "tpu.region"() ({
      %run_scoped3A = tpu.sem_alloc : memref<!tpu.dma_semaphore, #tpu.memory_space<semaphore_mem>>
      %dma_start3A_341 = arith.constant 0 : i32
      %dma_start3A_342 = arith.constant 0 : i32
      %dma_start3A_343 = tpu.memref_slice %arg3[%add3A, %dma_start3A_341, %dma_start3A_342] : memref<32x160x64xi32, #tpu.memory_space<hbm>> -> memref<1x160x64xi32, #tpu.memory_space<hbm>>
      %dma_start3A_344 = tpu.memref_squeeze %dma_start3A_343 : memref<1x160x64xi32, #tpu.memory_space<hbm>> -> memref<160x64xi32, #tpu.memory_space<hbm>>
      %dma_start3A_345 = arith.constant 0 : i32
      %dma_start3A_346 = arith.constant 0 : i32
      %dma_start3A_347 = tpu.memref_slice %arg3[%add3A, %dma_start3A_345, %dma_start3A_346] : memref<32x160x64xi32, #tpu.memory_space<hbm>> -> memref<1x160x64xi32, #tpu.memory_space<hbm>>
      %dma_start3A_348 = tpu.memref_squeeze %dma_start3A_347 : memref<1x160x64xi32, #tpu.memory_space<hbm>> -> memref<160x64xi32, #tpu.memory_space<hbm>>
      tpu.enqueue_dma source(%dma_start3A_348 : memref<160x64xi32, #tpu.memory_space<hbm>>) target(%arg6 : memref<160x64xi32, #tpu.memory_space<vmem>>) target_semaphore(%run_scoped3A : memref<!tpu.dma_semaphore, #tpu.memory_space<semaphore_mem>>)
      %dma_wait3A_349 = arith.constant 0 : i32
      %dma_wait3A_350 = arith.constant 0 : i32
      %dma_wait3A_351 = tpu.memref_slice %arg3[%add3A, %dma_wait3A_349, %dma_wait3A_350] : memref<32x160x64xi32, #tpu.memory_space<hbm>> -> memref<1x160x64xi32, #tpu.memory_space<hbm>>
      %dma_wait3A_352 = tpu.memref_squeeze %dma_wait3A_351 : memref<1x160x64xi32, #tpu.memory_space<hbm>> -> memref<160x64xi32, #tpu.memory_space<hbm>>
      %dma_wait3A_353 = arith.constant 0 : i32
      %dma_wait3A_354 = arith.constant 0 : i32
      %dma_wait3A_355 = tpu.memref_slice %arg3[%add3A, %dma_wait3A_353, %dma_wait3A_354] : memref<32x160x64xi32, #tpu.memory_space<hbm>> -> memref<1x160x64xi32, #tpu.memory_space<hbm>>
      %dma_wait3A_356 = tpu.memref_squeeze %dma_wait3A_355 : memref<1x160x64xi32, #tpu.memory_space<hbm>> -> memref<160x64xi32, #tpu.memory_space<hbm>>
      tpu.wait_dma2 semaphore(%run_scoped3A : memref<!tpu.dma_semaphore, #tpu.memory_space<semaphore_mem>>) src(%dma_wait3A_356 : memref<160x64xi32, #tpu.memory_space<hbm>>) dst(%arg6 : memref<160x64xi32, #tpu.memory_space<vmem>>)
      tpu.yield
    }) : () -> ()
    %mul3A_1 = arith.constant 640 : i32
    %mul3A_2 = arith.muli %arg1, %mul3A_1 : i32
    "tpu.region"() ({
      %run_scoped3A = tpu.sem_alloc : memref<!tpu.dma_semaphore, #tpu.memory_space<semaphore_mem>>
      %dma_start3A_341 = arith.constant 0 : i32
      %dma_start3A_342 = tpu.memref_slice %arg20[%mul3A_2, %dma_start3A_341] : memref<10240x128xf32, #tpu.memory_space<vmem_shared>> -> memref<640x128xf32, #tpu.memory_space<vmem_shared>>
      tpu.enqueue_dma source(%arg4 : memref<640x128xf32, #tpu.memory_space<hbm>>) target(%dma_start3A_342 : memref<640x128xf32, #tpu.memory_space<vmem_shared>>) target_semaphore(%run_scoped3A : memref<!tpu.dma_semaphore, #tpu.memory_space<semaphore_mem>>)
      %dma_wait3A_343 = arith.constant 0 : i32
      %dma_wait3A_344 = tpu.memref_slice %arg20[%mul3A_2, %dma_wait3A_343] : memref<10240x128xf32, #tpu.memory_space<vmem_shared>> -> memref<640x128xf32, #tpu.memory_space<vmem_shared>>
      tpu.wait_dma2 semaphore(%run_scoped3A : memref<!tpu.dma_semaphore, #tpu.memory_space<semaphore_mem>>) src(%arg4 : memref<640x128xf32, #tpu.memory_space<hbm>>) dst(%dma_wait3A_344 : memref<640x128xf32, #tpu.memory_space<vmem_shared>>)
      tpu.yield
    }) : () -> ()
    %scan3A = arith.constant 0 : i32
    %scan3A_3 = arith.constant 0 : i32
    %scan3A_4 = arith.constant 4 : i32
    %scan3A_5 = arith.addi %scan3A_3, %scan3A_4 : i32
    %scan3A_6 = arith.constant 1 : i32
    scf.for %scan3A_341 = %scan3A_3 to %scan3A_5 step %scan3A_6  : i32 {
      %broadcast_in_dim3A = arith.constant 1.000000e+00 : f32
      %broadcast_in_dim3A_342 = vector.broadcast %broadcast_in_dim3A : f32 to vector<16xf32>
      %mul3A_343 = arith.constant 16 : i32
      %mul3A_344 = arith.muli %mul3A_343, %scan3A_341 : i32
      %swap3A_345 = arith.index_cast %mul3A_344 : i32 to index
      %swap3A_346 = tpu.vector_load %arg16[%swap3A_345] {strides = array<i32>} : memref<64xf32, #tpu.memory_space<vmem>>, vector<16xf32>,
      %swap3A_347 = vector.shape_cast %swap3A_346 : vector<16xf32> to vector<16xf32>
      %swap3A_348 = vector.shape_cast %broadcast_in_dim3A_342 : vector<16xf32> to vector<16xf32>
      tpu.vector_store %arg16[%swap3A_345], %swap3A_348 {strides = array<i32>} : memref<64xf32, #tpu.memory_space<vmem>>, vector<16xf32>,
    }
    %scan3A_7 = arith.constant 4 : i32
    %barrier3A = arith.constant 0 : index
    tpu.barrier barrier_id(%barrier3A)
    %get3A = arith.constant 0 : i32
    %get3A_8 = arith.index_cast %get3A : i32 to index
    %get3A_9 = arith.constant 0 : index
    %get3A_10 = tpu.vector_load %arg6[%get3A_8, %get3A_9] {strides = array<i32>} : memref<160x64xi32, #tpu.memory_space<vmem>>, vector<1x16xi32>,
    %get3A_11 = vector.shape_cast %get3A_10 : vector<1x16xi32> to vector<16xi32>
    %and3A = arith.constant 65535 : i32
    %and3A_12 = vector.broadcast %and3A : i32 to vector<16xi32>
    %and3A_13 = arith.andi %get3A_11, %and3A_12 : vector<16xi32>
    %swap3A = arith.constant 0 : index
    %swap3A_14 = tpu.vector_load %arg7[%swap3A] {strides = array<i32>} : memref<64xi32, #tpu.memory_space<vmem>>, vector<16xi32>,
    %swap3A_15 = vector.shape_cast %swap3A_14 : vector<16xi32> to vector<16xi32>
    %swap3A_16 = vector.shape_cast %and3A_13 : vector<16xi32> to vector<16xi32>
    tpu.vector_store %arg7[%swap3A], %swap3A_16 {strides = array<i32>} : memref<64xi32, #tpu.memory_space<vmem>>, vector<16xi32>,
    %shift_right_logical3A = arith.constant 16 : i32
    %shift_right_logical3A_17 = vector.broadcast %shift_right_logical3A : i32 to vector<16xi32>
    %shift_right_logical3A_18 = arith.shrui %get3A_11, %shift_right_logical3A_17 : vector<16xi32>
    %swap3A_19 = arith.constant 0 : index
    %swap3A_20 = tpu.vector_load %arg8[%swap3A_19] {strides = array<i32>} : memref<64xi32, #tpu.memory_space<vmem>>, vector<16xi32>,
    %swap3A_21 = vector.shape_cast %swap3A_20 : vector<16xi32> to vector<16xi32>
    %swap3A_22 = vector.shape_cast %shift_right_logical3A_18 : vector<16xi32> to vector<16xi32>
    tpu.vector_store %arg8[%swap3A_19], %swap3A_22 {strides = array<i32>} : memref<64xi32, #tpu.memory_space<vmem>>, vector<16xi32>,
    %get3A_23 = arith.constant 0 : i32
    %get3A_24 = arith.index_cast %get3A_23 : i32 to index
    %get3A_25 = arith.constant 16 : index
    %get3A_26 = tpu.vector_load %arg6[%get3A_24, %get3A_25] {strides = array<i32>} : memref<160x64xi32, #tpu.memory_space<vmem>>, vector<1x16xi32>,
    %get3A_27 = vector.shape_cast %get3A_26 : vector<1x16xi32> to vector<16xi32>
    %and3A_28 = arith.constant 65535 : i32
    %and3A_29 = vector.broadcast %and3A_28 : i32 to vector<16xi32>
    %and3A_30 = arith.andi %get3A_27, %and3A_29 : vector<16xi32>
    %swap3A_31 = arith.constant 16 : index
    %swap3A_32 = tpu.vector_load %arg7[%swap3A_31] {strides = array<i32>} : memref<64xi32, #tpu.memory_space<vmem>>, vector<16xi32>,
    %swap3A_33 = vector.shape_cast %swap3A_32 : vector<16xi32> to vector<16xi32>
    %swap3A_34 = vector.shape_cast %and3A_30 : vector<16xi32> to vector<16xi32>
    tpu.vector_store %arg7[%swap3A_31], %swap3A_34 {strides = array<i32>} : memref<64xi32, #tpu.memory_space<vmem>>, vector<16xi32>,
    %shift_right_logical3A_35 = arith.constant 16 : i32
    %shift_right_logical3A_36 = vector.broadcast %shift_right_logical3A_35 : i32 to vector<16xi32>
    %shift_right_logical3A_37 = arith.shrui %get3A_27, %shift_right_logical3A_36 : vector<16xi32>
    %swap3A_38 = arith.constant 16 : index
    %swap3A_39 = tpu.vector_load %arg8[%swap3A_38] {strides = array<i32>} : memref<64xi32, #tpu.memory_space<vmem>>, vector<16xi32>,
    %swap3A_40 = vector.shape_cast %swap3A_39 : vector<16xi32> to vector<16xi32>
    %swap3A_41 = vector.shape_cast %shift_right_logical3A_37 : vector<16xi32> to vector<16xi32>
    tpu.vector_store %arg8[%swap3A_38], %swap3A_41 {strides = array<i32>} : memref<64xi32, #tpu.memory_space<vmem>>, vector<16xi32>,
    %get3A_42 = arith.constant 0 : i32
    %get3A_43 = arith.index_cast %get3A_42 : i32 to index
    %get3A_44 = arith.constant 32 : index
    %get3A_45 = tpu.vector_load %arg6[%get3A_43, %get3A_44] {strides = array<i32>} : memref<160x64xi32, #tpu.memory_space<vmem>>, vector<1x16xi32>,
    %get3A_46 = vector.shape_cast %get3A_45 : vector<1x16xi32> to vector<16xi32>
    %and3A_47 = arith.constant 65535 : i32
    %and3A_48 = vector.broadcast %and3A_47 : i32 to vector<16xi32>
    %and3A_49 = arith.andi %get3A_46, %and3A_48 : vector<16xi32>
    %swap3A_50 = arith.constant 32 : index
    %swap3A_51 = tpu.vector_load %arg7[%swap3A_50] {strides = array<i32>} : memref<64xi32, #tpu.memory_space<vmem>>, vector<16xi32>,
    %swap3A_52 = vector.shape_cast %swap3A_51 : vector<16xi32> to vector<16xi32>
    %swap3A_53 = vector.shape_cast %and3A_49 : vector<16xi32> to vector<16xi32>
    tpu.vector_store %arg7[%swap3A_50], %swap3A_53 {strides = array<i32>} : memref<64xi32, #tpu.memory_space<vmem>>, vector<16xi32>,
    %shift_right_logical3A_54 = arith.constant 16 : i32
    %shift_right_logical3A_55 = vector.broadcast %shift_right_logical3A_54 : i32 to vector<16xi32>
    %shift_right_logical3A_56 = arith.shrui %get3A_46, %shift_right_logical3A_55 : vector<16xi32>
    %swap3A_57 = arith.constant 32 : index
    %swap3A_58 = tpu.vector_load %arg8[%swap3A_57] {strides = array<i32>} : memref<64xi32, #tpu.memory_space<vmem>>, vector<16xi32>,
    %swap3A_59 = vector.shape_cast %swap3A_58 : vector<16xi32> to vector<16xi32>
    %swap3A_60 = vector.shape_cast %shift_right_logical3A_56 : vector<16xi32> to vector<16xi32>
    tpu.vector_store %arg8[%swap3A_57], %swap3A_60 {strides = array<i32>} : memref<64xi32, #tpu.memory_space<vmem>>, vector<16xi32>,
    %get3A_61 = arith.constant 0 : i32
    %get3A_62 = arith.index_cast %get3A_61 : i32 to index
    %get3A_63 = arith.constant 48 : index
    %get3A_64 = tpu.vector_load %arg6[%get3A_62, %get3A_63] {strides = array<i32>} : memref<160x64xi32, #tpu.memory_space<vmem>>, vector<1x16xi32>,
    %get3A_65 = vector.shape_cast %get3A_64 : vector<1x16xi32> to vector<16xi32>
    %and3A_66 = arith.constant 65535 : i32
    %and3A_67 = vector.broadcast %and3A_66 : i32 to vector<16xi32>
    %and3A_68 = arith.andi %get3A_65, %and3A_67 : vector<16xi32>
    %swap3A_69 = arith.constant 48 : index
    %swap3A_70 = tpu.vector_load %arg7[%swap3A_69] {strides = array<i32>} : memref<64xi32, #tpu.memory_space<vmem>>, vector<16xi32>,
    %swap3A_71 = vector.shape_cast %swap3A_70 : vector<16xi32> to vector<16xi32>
    %swap3A_72 = vector.shape_cast %and3A_68 : vector<16xi32> to vector<16xi32>
    tpu.vector_store %arg7[%swap3A_69], %swap3A_72 {strides = array<i32>} : memref<64xi32, #tpu.memory_space<vmem>>, vector<16xi32>,
    %shift_right_logical3A_73 = arith.constant 16 : i32
    %shift_right_logical3A_74 = vector.broadcast %shift_right_logical3A_73 : i32 to vector<16xi32>
    %shift_right_logical3A_75 = arith.shrui %get3A_65, %shift_right_logical3A_74 : vector<16xi32>
    %swap3A_76 = arith.constant 48 : index
    %swap3A_77 = tpu.vector_load %arg8[%swap3A_76] {strides = array<i32>} : memref<64xi32, #tpu.memory_space<vmem>>, vector<16xi32>,
    %swap3A_78 = vector.shape_cast %swap3A_77 : vector<16xi32> to vector<16xi32>
    %swap3A_79 = vector.shape_cast %shift_right_logical3A_75 : vector<16xi32> to vector<16xi32>
    tpu.vector_store %arg8[%swap3A_76], %swap3A_79 {strides = array<i32>} : memref<64xi32, #tpu.memory_space<vmem>>, vector<16xi32>,
    %dma_start3A = arith.constant 0 : i32
    %dma_start3A_80 = arith.constant 0 : i32
    %dma_start3A_81 = tpu.memref_slice %arg2[%dma_start3A, %dma_start3A_80] : memref<10000x128xf32, #tpu.memory_space<hbm>> -> memref<10000x128xf32, #tpu.memory_space<hbm>>
    tpu.enqueue_indirect_dma source(%dma_start3A_81 : memref<10000x128xf32, #tpu.memory_space<hbm>>) target(%arg13 : memref<64x128xf32, #tpu.memory_space<vmem>>) offsets(%arg7 : memref<64xi32, #tpu.memory_space<vmem>>) semaphore(%arg17 : memref<!tpu.dma_semaphore, #tpu.memory_space<semaphore_mem>>)
    %get3A_82 = arith.constant 1 : i32
    %get3A_83 = arith.index_cast %get3A_82 : i32 to index
    %get3A_84 = arith.constant 0 : index
    %get3A_85 = tpu.vector_load %arg6[%get3A_83, %get3A_84] {strides = array<i32>} : memref<160x64xi32, #tpu.memory_space<vmem>>, vector<1x16xi32>,
    %get3A_86 = vector.shape_cast %get3A_85 : vector<1x16xi32> to vector<16xi32>
    %and3A_87 = arith.constant 65535 : i32
    %and3A_88 = vector.broadcast %and3A_87 : i32 to vector<16xi32>
    %and3A_89 = arith.andi %get3A_86, %and3A_88 : vector<16xi32>
    %swap3A_90 = arith.constant 0 : index
    %swap3A_91 = tpu.vector_load %arg9[%swap3A_90] {strides = array<i32>} : memref<64xi32, #tpu.memory_space<vmem>>, vector<16xi32>,
    %swap3A_92 = vector.shape_cast %swap3A_91 : vector<16xi32> to vector<16xi32>
    %swap3A_93 = vector.shape_cast %and3A_89 : vector<16xi32> to vector<16xi32>
    tpu.vector_store %arg9[%swap3A_90], %swap3A_93 {strides = array<i32>} : memref<64xi32, #tpu.memory_space<vmem>>, vector<16xi32>,
    %shift_right_logical3A_94 = arith.constant 16 : i32
    %shift_right_logical3A_95 = vector.broadcast %shift_right_logical3A_94 : i32 to vector<16xi32>
    %shift_right_logical3A_96 = arith.shrui %get3A_86, %shift_right_logical3A_95 : vector<16xi32>
    %swap3A_97 = arith.constant 0 : index
    %swap3A_98 = tpu.vector_load %arg10[%swap3A_97] {strides = array<i32>} : memref<64xi32, #tpu.memory_space<vmem>>, vector<16xi32>,
    %swap3A_99 = vector.shape_cast %swap3A_98 : vector<16xi32> to vector<16xi32>
    %swap3A_100 = vector.shape_cast %shift_right_logical3A_96 : vector<16xi32> to vector<16xi32>
    tpu.vector_store %arg10[%swap3A_97], %swap3A_100 {strides = array<i32>} : memref<64xi32, #tpu.memory_space<vmem>>, vector<16xi32>,
    %get3A_101 = arith.constant 1 : i32
    %get3A_102 = arith.index_cast %get3A_101 : i32 to index
    %get3A_103 = arith.constant 16 : index
    %get3A_104 = tpu.vector_load %arg6[%get3A_102, %get3A_103] {strides = array<i32>} : memref<160x64xi32, #tpu.memory_space<vmem>>, vector<1x16xi32>,
    %get3A_105 = vector.shape_cast %get3A_104 : vector<1x16xi32> to vector<16xi32>
    %and3A_106 = arith.constant 65535 : i32
    %and3A_107 = vector.broadcast %and3A_106 : i32 to vector<16xi32>
    %and3A_108 = arith.andi %get3A_105, %and3A_107 : vector<16xi32>
    %swap3A_109 = arith.constant 16 : index
    %swap3A_110 = tpu.vector_load %arg9[%swap3A_109] {strides = array<i32>} : memref<64xi32, #tpu.memory_space<vmem>>, vector<16xi32>,
    %swap3A_111 = vector.shape_cast %swap3A_110 : vector<16xi32> to vector<16xi32>
    %swap3A_112 = vector.shape_cast %and3A_108 : vector<16xi32> to vector<16xi32>
    tpu.vector_store %arg9[%swap3A_109], %swap3A_112 {strides = array<i32>} : memref<64xi32, #tpu.memory_space<vmem>>, vector<16xi32>,
    %shift_right_logical3A_113 = arith.constant 16 : i32
    %shift_right_logical3A_114 = vector.broadcast %shift_right_logical3A_113 : i32 to vector<16xi32>
    %shift_right_logical3A_115 = arith.shrui %get3A_105, %shift_right_logical3A_114 : vector<16xi32>
    %swap3A_116 = arith.constant 16 : index
    %swap3A_117 = tpu.vector_load %arg10[%swap3A_116] {strides = array<i32>} : memref<64xi32, #tpu.memory_space<vmem>>, vector<16xi32>,
    %swap3A_118 = vector.shape_cast %swap3A_117 : vector<16xi32> to vector<16xi32>
    %swap3A_119 = vector.shape_cast %shift_right_logical3A_115 : vector<16xi32> to vector<16xi32>
    tpu.vector_store %arg10[%swap3A_116], %swap3A_119 {strides = array<i32>} : memref<64xi32, #tpu.memory_space<vmem>>, vector<16xi32>,
    %get3A_120 = arith.constant 1 : i32
    %get3A_121 = arith.index_cast %get3A_120 : i32 to index
    %get3A_122 = arith.constant 32 : index
    %get3A_123 = tpu.vector_load %arg6[%get3A_121, %get3A_122] {strides = array<i32>} : memref<160x64xi32, #tpu.memory_space<vmem>>, vector<1x16xi32>,
    %get3A_124 = vector.shape_cast %get3A_123 : vector<1x16xi32> to vector<16xi32>
    %and3A_125 = arith.constant 65535 : i32
    %and3A_126 = vector.broadcast %and3A_125 : i32 to vector<16xi32>
    %and3A_127 = arith.andi %get3A_124, %and3A_126 : vector<16xi32>
    %swap3A_128 = arith.constant 32 : index
    %swap3A_129 = tpu.vector_load %arg9[%swap3A_128] {strides = array<i32>} : memref<64xi32, #tpu.memory_space<vmem>>, vector<16xi32>,
    %swap3A_130 = vector.shape_cast %swap3A_129 : vector<16xi32> to vector<16xi32>
    %swap3A_131 = vector.shape_cast %and3A_127 : vector<16xi32> to vector<16xi32>
    tpu.vector_store %arg9[%swap3A_128], %swap3A_131 {strides = array<i32>} : memref<64xi32, #tpu.memory_space<vmem>>, vector<16xi32>,
    %shift_right_logical3A_132 = arith.constant 16 : i32
    %shift_right_logical3A_133 = vector.broadcast %shift_right_logical3A_132 : i32 to vector<16xi32>
    %shift_right_logical3A_134 = arith.shrui %get3A_124, %shift_right_logical3A_133 : vector<16xi32>
    %swap3A_135 = arith.constant 32 : index
    %swap3A_136 = tpu.vector_load %arg10[%swap3A_135] {strides = array<i32>} : memref<64xi32, #tpu.memory_space<vmem>>, vector<16xi32>,
    %swap3A_137 = vector.shape_cast %swap3A_136 : vector<16xi32> to vector<16xi32>
    %swap3A_138 = vector.shape_cast %shift_right_logical3A_134 : vector<16xi32> to vector<16xi32>
    tpu.vector_store %arg10[%swap3A_135], %swap3A_138 {strides = array<i32>} : memref<64xi32, #tpu.memory_space<vmem>>, vector<16xi32>,
    %get3A_139 = arith.constant 1 : i32
    %get3A_140 = arith.index_cast %get3A_139 : i32 to index
    %get3A_141 = arith.constant 48 : index
    %get3A_142 = tpu.vector_load %arg6[%get3A_140, %get3A_141] {strides = array<i32>} : memref<160x64xi32, #tpu.memory_space<vmem>>, vector<1x16xi32>,
    %get3A_143 = vector.shape_cast %get3A_142 : vector<1x16xi32> to vector<16xi32>
    %and3A_144 = arith.constant 65535 : i32
    %and3A_145 = vector.broadcast %and3A_144 : i32 to vector<16xi32>
    %and3A_146 = arith.andi %get3A_143, %and3A_145 : vector<16xi32>
    %swap3A_147 = arith.constant 48 : index
    %swap3A_148 = tpu.vector_load %arg9[%swap3A_147] {strides = array<i32>} : memref<64xi32, #tpu.memory_space<vmem>>, vector<16xi32>,
    %swap3A_149 = vector.shape_cast %swap3A_148 : vector<16xi32> to vector<16xi32>
    %swap3A_150 = vector.shape_cast %and3A_146 : vector<16xi32> to vector<16xi32>
    tpu.vector_store %arg9[%swap3A_147], %swap3A_150 {strides = array<i32>} : memref<64xi32, #tpu.memory_space<vmem>>, vector<16xi32>,
    %shift_right_logical3A_151 = arith.constant 16 : i32
    %shift_right_logical3A_152 = vector.broadcast %shift_right_logical3A_151 : i32 to vector<16xi32>
    %shift_right_logical3A_153 = arith.shrui %get3A_143, %shift_right_logical3A_152 : vector<16xi32>
    %swap3A_154 = arith.constant 48 : index
    %swap3A_155 = tpu.vector_load %arg10[%swap3A_154] {strides = array<i32>} : memref<64xi32, #tpu.memory_space<vmem>>, vector<16xi32>,
    %swap3A_156 = vector.shape_cast %swap3A_155 : vector<16xi32> to vector<16xi32>
    %swap3A_157 = vector.shape_cast %shift_right_logical3A_153 : vector<16xi32> to vector<16xi32>
    tpu.vector_store %arg10[%swap3A_154], %swap3A_157 {strides = array<i32>} : memref<64xi32, #tpu.memory_space<vmem>>, vector<16xi32>,
    %dma_start3A_158 = arith.constant 0 : i32
    %dma_start3A_159 = arith.constant 0 : i32
    %dma_start3A_160 = tpu.memref_slice %arg2[%dma_start3A_158, %dma_start3A_159] : memref<10000x128xf32, #tpu.memory_space<hbm>> -> memref<10000x128xf32, #tpu.memory_space<hbm>>
    tpu.enqueue_indirect_dma source(%dma_start3A_160 : memref<10000x128xf32, #tpu.memory_space<hbm>>) target(%arg14 : memref<64x128xf32, #tpu.memory_space<vmem>>) offsets(%arg9 : memref<64xi32, #tpu.memory_space<vmem>>) semaphore(%arg18 : memref<!tpu.dma_semaphore, #tpu.memory_space<semaphore_mem>>)
    %get3A_161 = arith.constant 2 : i32
    %get3A_162 = arith.index_cast %get3A_161 : i32 to index
    %get3A_163 = arith.constant 0 : index
    %get3A_164 = tpu.vector_load %arg6[%get3A_162, %get3A_163] {strides = array<i32>} : memref<160x64xi32, #tpu.memory_space<vmem>>, vector<1x16xi32>,
    %get3A_165 = vector.shape_cast %get3A_164 : vector<1x16xi32> to vector<16xi32>
    %and3A_166 = arith.constant 65535 : i32
    %and3A_167 = vector.broadcast %and3A_166 : i32 to vector<16xi32>
    %and3A_168 = arith.andi %get3A_165, %and3A_167 : vector<16xi32>
    %swap3A_169 = arith.constant 0 : index
    %swap3A_170 = tpu.vector_load %arg11[%swap3A_169] {strides = array<i32>} : memref<64xi32, #tpu.memory_space<vmem>>, vector<16xi32>,
    %swap3A_171 = vector.shape_cast %swap3A_170 : vector<16xi32> to vector<16xi32>
    %swap3A_172 = vector.shape_cast %and3A_168 : vector<16xi32> to vector<16xi32>
    tpu.vector_store %arg11[%swap3A_169], %swap3A_172 {strides = array<i32>} : memref<64xi32, #tpu.memory_space<vmem>>, vector<16xi32>,
    %shift_right_logical3A_173 = arith.constant 16 : i32
    %shift_right_logical3A_174 = vector.broadcast %shift_right_logical3A_173 : i32 to vector<16xi32>
    %shift_right_logical3A_175 = arith.shrui %get3A_165, %shift_right_logical3A_174 : vector<16xi32>
    %swap3A_176 = arith.constant 0 : index
    %swap3A_177 = tpu.vector_load %arg12[%swap3A_176] {strides = array<i32>} : memref<64xi32, #tpu.memory_space<vmem>>, vector<16xi32>,
    %swap3A_178 = vector.shape_cast %swap3A_177 : vector<16xi32> to vector<16xi32>
    %swap3A_179 = vector.shape_cast %shift_right_logical3A_175 : vector<16xi32> to vector<16xi32>
    tpu.vector_store %arg12[%swap3A_176], %swap3A_179 {strides = array<i32>} : memref<64xi32, #tpu.memory_space<vmem>>, vector<16xi32>,
    %get3A_180 = arith.constant 2 : i32
    %get3A_181 = arith.index_cast %get3A_180 : i32 to index
    %get3A_182 = arith.constant 16 : index
    %get3A_183 = tpu.vector_load %arg6[%get3A_181, %get3A_182] {strides = array<i32>} : memref<160x64xi32, #tpu.memory_space<vmem>>, vector<1x16xi32>,
    %get3A_184 = vector.shape_cast %get3A_183 : vector<1x16xi32> to vector<16xi32>
    %and3A_185 = arith.constant 65535 : i32
    %and3A_186 = vector.broadcast %and3A_185 : i32 to vector<16xi32>
    %and3A_187 = arith.andi %get3A_184, %and3A_186 : vector<16xi32>
    %swap3A_188 = arith.constant 16 : index
    %swap3A_189 = tpu.vector_load %arg11[%swap3A_188] {strides = array<i32>} : memref<64xi32, #tpu.memory_space<vmem>>, vector<16xi32>,
    %swap3A_190 = vector.shape_cast %swap3A_189 : vector<16xi32> to vector<16xi32>
    %swap3A_191 = vector.shape_cast %and3A_187 : vector<16xi32> to vector<16xi32>
    tpu.vector_store %arg11[%swap3A_188], %swap3A_191 {strides = array<i32>} : memref<64xi32, #tpu.memory_space<vmem>>, vector<16xi32>,
    %shift_right_logical3A_192 = arith.constant 16 : i32
    %shift_right_logical3A_193 = vector.broadcast %shift_right_logical3A_192 : i32 to vector<16xi32>
    %shift_right_logical3A_194 = arith.shrui %get3A_184, %shift_right_logical3A_193 : vector<16xi32>
    %swap3A_195 = arith.constant 16 : index
    %swap3A_196 = tpu.vector_load %arg12[%swap3A_195] {strides = array<i32>} : memref<64xi32, #tpu.memory_space<vmem>>, vector<16xi32>,
    %swap3A_197 = vector.shape_cast %swap3A_196 : vector<16xi32> to vector<16xi32>
    %swap3A_198 = vector.shape_cast %shift_right_logical3A_194 : vector<16xi32> to vector<16xi32>
    tpu.vector_store %arg12[%swap3A_195], %swap3A_198 {strides = array<i32>} : memref<64xi32, #tpu.memory_space<vmem>>, vector<16xi32>,
    %get3A_199 = arith.constant 2 : i32
    %get3A_200 = arith.index_cast %get3A_199 : i32 to index
    %get3A_201 = arith.constant 32 : index
    %get3A_202 = tpu.vector_load %arg6[%get3A_200, %get3A_201] {strides = array<i32>} : memref<160x64xi32, #tpu.memory_space<vmem>>, vector<1x16xi32>,
    %get3A_203 = vector.shape_cast %get3A_202 : vector<1x16xi32> to vector<16xi32>
    %and3A_204 = arith.constant 65535 : i32
    %and3A_205 = vector.broadcast %and3A_204 : i32 to vector<16xi32>
    %and3A_206 = arith.andi %get3A_203, %and3A_205 : vector<16xi32>
    %swap3A_207 = arith.constant 32 : index
    %swap3A_208 = tpu.vector_load %arg11[%swap3A_207] {strides = array<i32>} : memref<64xi32, #tpu.memory_space<vmem>>, vector<16xi32>,
    %swap3A_209 = vector.shape_cast %swap3A_208 : vector<16xi32> to vector<16xi32>
    %swap3A_210 = vector.shape_cast %and3A_206 : vector<16xi32> to vector<16xi32>
    tpu.vector_store %arg11[%swap3A_207], %swap3A_210 {strides = array<i32>} : memref<64xi32, #tpu.memory_space<vmem>>, vector<16xi32>,
    %shift_right_logical3A_211 = arith.constant 16 : i32
    %shift_right_logical3A_212 = vector.broadcast %shift_right_logical3A_211 : i32 to vector<16xi32>
    %shift_right_logical3A_213 = arith.shrui %get3A_203, %shift_right_logical3A_212 : vector<16xi32>
    %swap3A_214 = arith.constant 32 : index
    %swap3A_215 = tpu.vector_load %arg12[%swap3A_214] {strides = array<i32>} : memref<64xi32, #tpu.memory_space<vmem>>, vector<16xi32>,
    %swap3A_216 = vector.shape_cast %swap3A_215 : vector<16xi32> to vector<16xi32>
    %swap3A_217 = vector.shape_cast %shift_right_logical3A_213 : vector<16xi32> to vector<16xi32>
    tpu.vector_store %arg12[%swap3A_214], %swap3A_217 {strides = array<i32>} : memref<64xi32, #tpu.memory_space<vmem>>, vector<16xi32>,
    %get3A_218 = arith.constant 2 : i32
    %get3A_219 = arith.index_cast %get3A_218 : i32 to index
    %get3A_220 = arith.constant 48 : index
    %get3A_221 = tpu.vector_load %arg6[%get3A_219, %get3A_220] {strides = array<i32>} : memref<160x64xi32, #tpu.memory_space<vmem>>, vector<1x16xi32>,
    %get3A_222 = vector.shape_cast %get3A_221 : vector<1x16xi32> to vector<16xi32>
    %and3A_223 = arith.constant 65535 : i32
    %and3A_224 = vector.broadcast %and3A_223 : i32 to vector<16xi32>
    %and3A_225 = arith.andi %get3A_222, %and3A_224 : vector<16xi32>
    %swap3A_226 = arith.constant 48 : index
    %swap3A_227 = tpu.vector_load %arg11[%swap3A_226] {strides = array<i32>} : memref<64xi32, #tpu.memory_space<vmem>>, vector<16xi32>,
    %swap3A_228 = vector.shape_cast %swap3A_227 : vector<16xi32> to vector<16xi32>
    %swap3A_229 = vector.shape_cast %and3A_225 : vector<16xi32> to vector<16xi32>
    tpu.vector_store %arg11[%swap3A_226], %swap3A_229 {strides = array<i32>} : memref<64xi32, #tpu.memory_space<vmem>>, vector<16xi32>,
    %shift_right_logical3A_230 = arith.constant 16 : i32
    %shift_right_logical3A_231 = vector.broadcast %shift_right_logical3A_230 : i32 to vector<16xi32>
    %shift_right_logical3A_232 = arith.shrui %get3A_222, %shift_right_logical3A_231 : vector<16xi32>
    %swap3A_233 = arith.constant 48 : index
    %swap3A_234 = tpu.vector_load %arg12[%swap3A_233] {strides = array<i32>} : memref<64xi32, #tpu.memory_space<vmem>>, vector<16xi32>,
    %swap3A_235 = vector.shape_cast %swap3A_234 : vector<16xi32> to vector<16xi32>
    %swap3A_236 = vector.shape_cast %shift_right_logical3A_232 : vector<16xi32> to vector<16xi32>
    tpu.vector_store %arg12[%swap3A_233], %swap3A_236 {strides = array<i32>} : memref<64xi32, #tpu.memory_space<vmem>>, vector<16xi32>,
    %dma_start3A_237 = arith.constant 0 : i32
    %dma_start3A_238 = arith.constant 0 : i32
    %dma_start3A_239 = tpu.memref_slice %arg2[%dma_start3A_237, %dma_start3A_238] : memref<10000x128xf32, #tpu.memory_space<hbm>> -> memref<10000x128xf32, #tpu.memory_space<hbm>>
    tpu.enqueue_indirect_dma source(%dma_start3A_239 : memref<10000x128xf32, #tpu.memory_space<hbm>>) target(%arg15 : memref<64x128xf32, #tpu.memory_space<vmem>>) offsets(%arg11 : memref<64xi32, #tpu.memory_space<vmem>>) semaphore(%arg19 : memref<!tpu.dma_semaphore, #tpu.memory_space<semaphore_mem>>)
    %scan3A_240 = arith.constant 0 : i32
    %scan3A_241 = arith.constant 0 : i32
    %scan3A_242 = arith.constant 52 : i32
    %scan3A_243 = arith.addi %scan3A_241, %scan3A_242 : i32
    %scan3A_244 = arith.constant 1 : i32
    scf.for %scan3A_341 = %scan3A_241 to %scan3A_243 step %scan3A_244  : i32 {
      %mul3A_342 = arith.constant 3 : i32
      %mul3A_343 = arith.muli %mul3A_342, %scan3A_341 : i32
      %dma_wait3A_344 = arith.constant 0 : i32
      %dma_wait3A_345 = arith.constant 0 : i32
      %dma_wait3A_346 = tpu.memref_slice %arg2[%dma_wait3A_344, %dma_wait3A_345] : memref<10000x128xf32, #tpu.memory_space<hbm>> -> memref<10000x128xf32, #tpu.memory_space<hbm>>
      tpu.wait_indirect_dma semaphore(%arg17 : memref<!tpu.dma_semaphore, #tpu.memory_space<semaphore_mem>>) src(%dma_wait3A_346 : memref<10000x128xf32, #tpu.memory_space<hbm>>) dst(%arg13 : memref<64x128xf32, #tpu.memory_space<vmem>>)
      "tpu.region"() ({
        %run_scoped3A = tpu.sem_alloc : memref<!tpu.dma_semaphore, #tpu.memory_space<semaphore_mem>>
        %dma_start3A_588 = arith.constant 0 : i32
        %dma_start3A_589 = arith.constant 0 : i32
        %dma_start3A_590 = tpu.memref_slice %arg20[%dma_start3A_588, %dma_start3A_589] : memref<10240x128xf32, #tpu.memory_space<vmem_shared>> -> memref<10240x128xf32, #tpu.memory_space<vmem_shared>>
        tpu.enqueue_indirect_dma source(%arg13 : memref<64x128xf32, #tpu.memory_space<vmem>>) target(%dma_start3A_590 : memref<10240x128xf32, #tpu.memory_space<vmem_shared>>) offsets(%arg8 : memref<64xi32, #tpu.memory_space<vmem>>) semaphore(%run_scoped3A : memref<!tpu.dma_semaphore, #tpu.memory_space<semaphore_mem>>) {add = true}
        %dma_wait3A_591 = arith.constant 0 : i32
        %dma_wait3A_592 = arith.constant 0 : i32
        %dma_wait3A_593 = tpu.memref_slice %arg20[%dma_wait3A_591, %dma_wait3A_592] : memref<10240x128xf32, #tpu.memory_space<vmem_shared>> -> memref<10240x128xf32, #tpu.memory_space<vmem_shared>>
        tpu.wait_indirect_dma semaphore(%run_scoped3A : memref<!tpu.dma_semaphore, #tpu.memory_space<semaphore_mem>>) src(%arg13 : memref<64x128xf32, #tpu.memory_space<vmem>>) dst(%dma_wait3A_593 : memref<10240x128xf32, #tpu.memory_space<vmem_shared>>)
        tpu.yield
      }) : () -> ()
      %add3A_347 = arith.constant 3 : i32
      %add3A_348 = arith.addi %mul3A_343, %add3A_347 : i32
      %get3A_349 = arith.index_cast %add3A_348 : i32 to index
      %get3A_350 = arith.constant 0 : index
      %get3A_351 = tpu.vector_load %arg6[%get3A_349, %get3A_350] {strides = array<i32>} : memref<160x64xi32, #tpu.memory_space<vmem>>, vector<1x16xi32>,
      %get3A_352 = vector.shape_cast %get3A_351 : vector<1x16xi32> to vector<16xi32>
      %and3A_353 = arith.constant 65535 : i32
      %and3A_354 = vector.broadcast %and3A_353 : i32 to vector<16xi32>
      %and3A_355 = arith.andi %get3A_352, %and3A_354 : vector<16xi32>
      %swap3A_356 = arith.constant 0 : index
      %swap3A_357 = tpu.vector_load %arg7[%swap3A_356] {strides = array<i32>} : memref<64xi32, #tpu.memory_space<vmem>>, vector<16xi32>,
      %swap3A_358 = vector.shape_cast %swap3A_357 : vector<16xi32> to vector<16xi32>
      %swap3A_359 = vector.shape_cast %and3A_355 : vector<16xi32> to vector<16xi32>
      tpu.vector_store %arg7[%swap3A_356], %swap3A_359 {strides = array<i32>} : memref<64xi32, #tpu.memory_space<vmem>>, vector<16xi32>,
      %shift_right_logical3A_360 = arith.constant 16 : i32
      %shift_right_logical3A_361 = vector.broadcast %shift_right_logical3A_360 : i32 to vector<16xi32>
      %shift_right_logical3A_362 = arith.shrui %get3A_352, %shift_right_logical3A_361 : vector<16xi32>
      %swap3A_363 = arith.constant 0 : index
      %swap3A_364 = tpu.vector_load %arg8[%swap3A_363] {strides = array<i32>} : memref<64xi32, #tpu.memory_space<vmem>>, vector<16xi32>,
      %swap3A_365 = vector.shape_cast %swap3A_364 : vector<16xi32> to vector<16xi32>
      %swap3A_366 = vector.shape_cast %shift_right_logical3A_362 : vector<16xi32> to vector<16xi32>
      tpu.vector_store %arg8[%swap3A_363], %swap3A_366 {strides = array<i32>} : memref<64xi32, #tpu.memory_space<vmem>>, vector<16xi32>,
      %get3A_367 = arith.index_cast %add3A_348 : i32 to index
      %get3A_368 = arith.constant 16 : index
      %get3A_369 = tpu.vector_load %arg6[%get3A_367, %get3A_368] {strides = array<i32>} : memref<160x64xi32, #tpu.memory_space<vmem>>, vector<1x16xi32>,
      %get3A_370 = vector.shape_cast %get3A_369 : vector<1x16xi32> to vector<16xi32>
      %and3A_371 = arith.constant 65535 : i32
      %and3A_372 = vector.broadcast %and3A_371 : i32 to vector<16xi32>
      %and3A_373 = arith.andi %get3A_370, %and3A_372 : vector<16xi32>
      %swap3A_374 = arith.constant 16 : index
      %swap3A_375 = tpu.vector_load %arg7[%swap3A_374] {strides = array<i32>} : memref<64xi32, #tpu.memory_space<vmem>>, vector<16xi32>,
      %swap3A_376 = vector.shape_cast %swap3A_375 : vector<16xi32> to vector<16xi32>
      %swap3A_377 = vector.shape_cast %and3A_373 : vector<16xi32> to vector<16xi32>
      tpu.vector_store %arg7[%swap3A_374], %swap3A_377 {strides = array<i32>} : memref<64xi32, #tpu.memory_space<vmem>>, vector<16xi32>,
      %shift_right_logical3A_378 = arith.constant 16 : i32
      %shift_right_logical3A_379 = vector.broadcast %shift_right_logical3A_378 : i32 to vector<16xi32>
      %shift_right_logical3A_380 = arith.shrui %get3A_370, %shift_right_logical3A_379 : vector<16xi32>
      %swap3A_381 = arith.constant 16 : index
      %swap3A_382 = tpu.vector_load %arg8[%swap3A_381] {strides = array<i32>} : memref<64xi32, #tpu.memory_space<vmem>>, vector<16xi32>,
      %swap3A_383 = vector.shape_cast %swap3A_382 : vector<16xi32> to vector<16xi32>
      %swap3A_384 = vector.shape_cast %shift_right_logical3A_380 : vector<16xi32> to vector<16xi32>
      tpu.vector_store %arg8[%swap3A_381], %swap3A_384 {strides = array<i32>} : memref<64xi32, #tpu.memory_space<vmem>>, vector<16xi32>,
      %get3A_385 = arith.index_cast %add3A_348 : i32 to index
      %get3A_386 = arith.constant 32 : index
      %get3A_387 = tpu.vector_load %arg6[%get3A_385, %get3A_386] {strides = array<i32>} : memref<160x64xi32, #tpu.memory_space<vmem>>, vector<1x16xi32>,
      %get3A_388 = vector.shape_cast %get3A_387 : vector<1x16xi32> to vector<16xi32>
      %and3A_389 = arith.constant 65535 : i32
      %and3A_390 = vector.broadcast %and3A_389 : i32 to vector<16xi32>
      %and3A_391 = arith.andi %get3A_388, %and3A_390 : vector<16xi32>
      %swap3A_392 = arith.constant 32 : index
      %swap3A_393 = tpu.vector_load %arg7[%swap3A_392] {strides = array<i32>} : memref<64xi32, #tpu.memory_space<vmem>>, vector<16xi32>,
      %swap3A_394 = vector.shape_cast %swap3A_393 : vector<16xi32> to vector<16xi32>
      %swap3A_395 = vector.shape_cast %and3A_391 : vector<16xi32> to vector<16xi32>
      tpu.vector_store %arg7[%swap3A_392], %swap3A_395 {strides = array<i32>} : memref<64xi32, #tpu.memory_space<vmem>>, vector<16xi32>,
      %shift_right_logical3A_396 = arith.constant 16 : i32
      %shift_right_logical3A_397 = vector.broadcast %shift_right_logical3A_396 : i32 to vector<16xi32>
      %shift_right_logical3A_398 = arith.shrui %get3A_388, %shift_right_logical3A_397 : vector<16xi32>
      %swap3A_399 = arith.constant 32 : index
      %swap3A_400 = tpu.vector_load %arg8[%swap3A_399] {strides = array<i32>} : memref<64xi32, #tpu.memory_space<vmem>>, vector<16xi32>,
      %swap3A_401 = vector.shape_cast %swap3A_400 : vector<16xi32> to vector<16xi32>
      %swap3A_402 = vector.shape_cast %shift_right_logical3A_398 : vector<16xi32> to vector<16xi32>
      tpu.vector_store %arg8[%swap3A_399], %swap3A_402 {strides = array<i32>} : memref<64xi32, #tpu.memory_space<vmem>>, vector<16xi32>,
      %get3A_403 = arith.index_cast %add3A_348 : i32 to index
      %get3A_404 = arith.constant 48 : index
      %get3A_405 = tpu.vector_load %arg6[%get3A_403, %get3A_404] {strides = array<i32>} : memref<160x64xi32, #tpu.memory_space<vmem>>, vector<1x16xi32>,
      %get3A_406 = vector.shape_cast %get3A_405 : vector<1x16xi32> to vector<16xi32>
      %and3A_407 = arith.constant 65535 : i32
      %and3A_408 = vector.broadcast %and3A_407 : i32 to vector<16xi32>
      %and3A_409 = arith.andi %get3A_406, %and3A_408 : vector<16xi32>
      %swap3A_410 = arith.constant 48 : index
      %swap3A_411 = tpu.vector_load %arg7[%swap3A_410] {strides = array<i32>} : memref<64xi32, #tpu.memory_space<vmem>>, vector<16xi32>,
      %swap3A_412 = vector.shape_cast %swap3A_411 : vector<16xi32> to vector<16xi32>
      %swap3A_413 = vector.shape_cast %and3A_409 : vector<16xi32> to vector<16xi32>
      tpu.vector_store %arg7[%swap3A_410], %swap3A_413 {strides = array<i32>} : memref<64xi32, #tpu.memory_space<vmem>>, vector<16xi32>,
      %shift_right_logical3A_414 = arith.constant 16 : i32
      %shift_right_logical3A_415 = vector.broadcast %shift_right_logical3A_414 : i32 to vector<16xi32>
      %shift_right_logical3A_416 = arith.shrui %get3A_406, %shift_right_logical3A_415 : vector<16xi32>
      %swap3A_417 = arith.constant 48 : index
      %swap3A_418 = tpu.vector_load %arg8[%swap3A_417] {strides = array<i32>} : memref<64xi32, #tpu.memory_space<vmem>>, vector<16xi32>,
      %swap3A_419 = vector.shape_cast %swap3A_418 : vector<16xi32> to vector<16xi32>
      %swap3A_420 = vector.shape_cast %shift_right_logical3A_416 : vector<16xi32> to vector<16xi32>
      tpu.vector_store %arg8[%swap3A_417], %swap3A_420 {strides = array<i32>} : memref<64xi32, #tpu.memory_space<vmem>>, vector<16xi32>,
      %dma_start3A_421 = arith.constant 0 : i32
      %dma_start3A_422 = arith.constant 0 : i32
      %dma_start3A_423 = tpu.memref_slice %arg2[%dma_start3A_421, %dma_start3A_422] : memref<10000x128xf32, #tpu.memory_space<hbm>> -> memref<10000x128xf32, #tpu.memory_space<hbm>>
      tpu.enqueue_indirect_dma source(%dma_start3A_423 : memref<10000x128xf32, #tpu.memory_space<hbm>>) target(%arg13 : memref<64x128xf32, #tpu.memory_space<vmem>>) offsets(%arg7 : memref<64xi32, #tpu.memory_space<vmem>>) semaphore(%arg17 : memref<!tpu.dma_semaphore, #tpu.memory_space<semaphore_mem>>)
      %add3A_424 = arith.constant 1 : i32
      %add3A_425 = arith.addi %mul3A_343, %add3A_424 : i32
      %dma_wait3A_426 = arith.constant 0 : i32
      %dma_wait3A_427 = arith.constant 0 : i32
      %dma_wait3A_428 = tpu.memref_slice %arg2[%dma_wait3A_426, %dma_wait3A_427] : memref<10000x128xf32, #tpu.memory_space<hbm>> -> memref<10000x128xf32, #tpu.memory_space<hbm>>
      tpu.wait_indirect_dma semaphore(%arg18 : memref<!tpu.dma_semaphore, #tpu.memory_space<semaphore_mem>>) src(%dma_wait3A_428 : memref<10000x128xf32, #tpu.memory_space<hbm>>) dst(%arg14 : memref<64x128xf32, #tpu.memory_space<vmem>>)
      "tpu.region"() ({
        %run_scoped3A = tpu.sem_alloc : memref<!tpu.dma_semaphore, #tpu.memory_space<semaphore_mem>>
        %dma_start3A_588 = arith.constant 0 : i32
        %dma_start3A_589 = arith.constant 0 : i32
        %dma_start3A_590 = tpu.memref_slice %arg20[%dma_start3A_588, %dma_start3A_589] : memref<10240x128xf32, #tpu.memory_space<vmem_shared>> -> memref<10240x128xf32, #tpu.memory_space<vmem_shared>>
        tpu.enqueue_indirect_dma source(%arg14 : memref<64x128xf32, #tpu.memory_space<vmem>>) target(%dma_start3A_590 : memref<10240x128xf32, #tpu.memory_space<vmem_shared>>) offsets(%arg10 : memref<64xi32, #tpu.memory_space<vmem>>) semaphore(%run_scoped3A : memref<!tpu.dma_semaphore, #tpu.memory_space<semaphore_mem>>) {add = true}
        %dma_wait3A_591 = arith.constant 0 : i32
        %dma_wait3A_592 = arith.constant 0 : i32
        %dma_wait3A_593 = tpu.memref_slice %arg20[%dma_wait3A_591, %dma_wait3A_592] : memref<10240x128xf32, #tpu.memory_space<vmem_shared>> -> memref<10240x128xf32, #tpu.memory_space<vmem_shared>>
        tpu.wait_indirect_dma semaphore(%run_scoped3A : memref<!tpu.dma_semaphore, #tpu.memory_space<semaphore_mem>>) src(%arg14 : memref<64x128xf32, #tpu.memory_space<vmem>>) dst(%dma_wait3A_593 : memref<10240x128xf32, #tpu.memory_space<vmem_shared>>)
        tpu.yield
      }) : () -> ()
      %add3A_429 = arith.constant 3 : i32
      %add3A_430 = arith.addi %add3A_425, %add3A_429 : i32
      %get3A_431 = arith.index_cast %add3A_430 : i32 to index
      %get3A_432 = arith.constant 0 : index
      %get3A_433 = tpu.vector_load %arg6[%get3A_431, %get3A_432] {strides = array<i32>} : memref<160x64xi32, #tpu.memory_space<vmem>>, vector<1x16xi32>,
      %get3A_434 = vector.shape_cast %get3A_433 : vector<1x16xi32> to vector<16xi32>
      %and3A_435 = arith.constant 65535 : i32
      %and3A_436 = vector.broadcast %and3A_435 : i32 to vector<16xi32>
      %and3A_437 = arith.andi %get3A_434, %and3A_436 : vector<16xi32>
      %swap3A_438 = arith.constant 0 : index
      %swap3A_439 = tpu.vector_load %arg9[%swap3A_438] {strides = array<i32>} : memref<64xi32, #tpu.memory_space<vmem>>, vector<16xi32>,
      %swap3A_440 = vector.shape_cast %swap3A_439 : vector<16xi32> to vector<16xi32>
      %swap3A_441 = vector.shape_cast %and3A_437 : vector<16xi32> to vector<16xi32>
      tpu.vector_store %arg9[%swap3A_438], %swap3A_441 {strides = array<i32>} : memref<64xi32, #tpu.memory_space<vmem>>, vector<16xi32>,
      %shift_right_logical3A_442 = arith.constant 16 : i32
      %shift_right_logical3A_443 = vector.broadcast %shift_right_logical3A_442 : i32 to vector<16xi32>
      %shift_right_logical3A_444 = arith.shrui %get3A_434, %shift_right_logical3A_443 : vector<16xi32>
      %swap3A_445 = arith.constant 0 : index
      %swap3A_446 = tpu.vector_load %arg10[%swap3A_445] {strides = array<i32>} : memref<64xi32, #tpu.memory_space<vmem>>, vector<16xi32>,
      %swap3A_447 = vector.shape_cast %swap3A_446 : vector<16xi32> to vector<16xi32>
      %swap3A_448 = vector.shape_cast %shift_right_logical3A_444 : vector<16xi32> to vector<16xi32>
      tpu.vector_store %arg10[%swap3A_445], %swap3A_448 {strides = array<i32>} : memref<64xi32, #tpu.memory_space<vmem>>, vector<16xi32>,
      %get3A_449 = arith.index_cast %add3A_430 : i32 to index
      %get3A_450 = arith.constant 16 : index
      %get3A_451 = tpu.vector_load %arg6[%get3A_449, %get3A_450] {strides = array<i32>} : memref<160x64xi32, #tpu.memory_space<vmem>>, vector<1x16xi32>,
      %get3A_452 = vector.shape_cast %get3A_451 : vector<1x16xi32> to vector<16xi32>
      %and3A_453 = arith.constant 65535 : i32
      %and3A_454 = vector.broadcast %and3A_453 : i32 to vector<16xi32>
      %and3A_455 = arith.andi %get3A_452, %and3A_454 : vector<16xi32>
      %swap3A_456 = arith.constant 16 : index
      %swap3A_457 = tpu.vector_load %arg9[%swap3A_456] {strides = array<i32>} : memref<64xi32, #tpu.memory_space<vmem>>, vector<16xi32>,
      %swap3A_458 = vector.shape_cast %swap3A_457 : vector<16xi32> to vector<16xi32>
      %swap3A_459 = vector.shape_cast %and3A_455 : vector<16xi32> to vector<16xi32>
      tpu.vector_store %arg9[%swap3A_456], %swap3A_459 {strides = array<i32>} : memref<64xi32, #tpu.memory_space<vmem>>, vector<16xi32>,
      %shift_right_logical3A_460 = arith.constant 16 : i32
      %shift_right_logical3A_461 = vector.broadcast %shift_right_logical3A_460 : i32 to vector<16xi32>
      %shift_right_logical3A_462 = arith.shrui %get3A_452, %shift_right_logical3A_461 : vector<16xi32>
      %swap3A_463 = arith.constant 16 : index
      %swap3A_464 = tpu.vector_load %arg10[%swap3A_463] {strides = array<i32>} : memref<64xi32, #tpu.memory_space<vmem>>, vector<16xi32>,
      %swap3A_465 = vector.shape_cast %swap3A_464 : vector<16xi32> to vector<16xi32>
      %swap3A_466 = vector.shape_cast %shift_right_logical3A_462 : vector<16xi32> to vector<16xi32>
      tpu.vector_store %arg10[%swap3A_463], %swap3A_466 {strides = array<i32>} : memref<64xi32, #tpu.memory_space<vmem>>, vector<16xi32>,
      %get3A_467 = arith.index_cast %add3A_430 : i32 to index
      %get3A_468 = arith.constant 32 : index
      %get3A_469 = tpu.vector_load %arg6[%get3A_467, %get3A_468] {strides = array<i32>} : memref<160x64xi32, #tpu.memory_space<vmem>>, vector<1x16xi32>,
      %get3A_470 = vector.shape_cast %get3A_469 : vector<1x16xi32> to vector<16xi32>
      %and3A_471 = arith.constant 65535 : i32
      %and3A_472 = vector.broadcast %and3A_471 : i32 to vector<16xi32>
      %and3A_473 = arith.andi %get3A_470, %and3A_472 : vector<16xi32>
      %swap3A_474 = arith.constant 32 : index
      %swap3A_475 = tpu.vector_load %arg9[%swap3A_474] {strides = array<i32>} : memref<64xi32, #tpu.memory_space<vmem>>, vector<16xi32>,
      %swap3A_476 = vector.shape_cast %swap3A_475 : vector<16xi32> to vector<16xi32>
      %swap3A_477 = vector.shape_cast %and3A_473 : vector<16xi32> to vector<16xi32>
      tpu.vector_store %arg9[%swap3A_474], %swap3A_477 {strides = array<i32>} : memref<64xi32, #tpu.memory_space<vmem>>, vector<16xi32>,
      %shift_right_logical3A_478 = arith.constant 16 : i32
      %shift_right_logical3A_479 = vector.broadcast %shift_right_logical3A_478 : i32 to vector<16xi32>
      %shift_right_logical3A_480 = arith.shrui %get3A_470, %shift_right_logical3A_479 : vector<16xi32>
      %swap3A_481 = arith.constant 32 : index
      %swap3A_482 = tpu.vector_load %arg10[%swap3A_481] {strides = array<i32>} : memref<64xi32, #tpu.memory_space<vmem>>, vector<16xi32>,
      %swap3A_483 = vector.shape_cast %swap3A_482 : vector<16xi32> to vector<16xi32>
      %swap3A_484 = vector.shape_cast %shift_right_logical3A_480 : vector<16xi32> to vector<16xi32>
      tpu.vector_store %arg10[%swap3A_481], %swap3A_484 {strides = array<i32>} : memref<64xi32, #tpu.memory_space<vmem>>, vector<16xi32>,
      %get3A_485 = arith.index_cast %add3A_430 : i32 to index
      %get3A_486 = arith.constant 48 : index
      %get3A_487 = tpu.vector_load %arg6[%get3A_485, %get3A_486] {strides = array<i32>} : memref<160x64xi32, #tpu.memory_space<vmem>>, vector<1x16xi32>,
      %get3A_488 = vector.shape_cast %get3A_487 : vector<1x16xi32> to vector<16xi32>
      %and3A_489 = arith.constant 65535 : i32
      %and3A_490 = vector.broadcast %and3A_489 : i32 to vector<16xi32>
      %and3A_491 = arith.andi %get3A_488, %and3A_490 : vector<16xi32>
      %swap3A_492 = arith.constant 48 : index
      %swap3A_493 = tpu.vector_load %arg9[%swap3A_492] {strides = array<i32>} : memref<64xi32, #tpu.memory_space<vmem>>, vector<16xi32>,
      %swap3A_494 = vector.shape_cast %swap3A_493 : vector<16xi32> to vector<16xi32>
      %swap3A_495 = vector.shape_cast %and3A_491 : vector<16xi32> to vector<16xi32>
      tpu.vector_store %arg9[%swap3A_492], %swap3A_495 {strides = array<i32>} : memref<64xi32, #tpu.memory_space<vmem>>, vector<16xi32>,
      %shift_right_logical3A_496 = arith.constant 16 : i32
      %shift_right_logical3A_497 = vector.broadcast %shift_right_logical3A_496 : i32 to vector<16xi32>
      %shift_right_logical3A_498 = arith.shrui %get3A_488, %shift_right_logical3A_497 : vector<16xi32>
      %swap3A_499 = arith.constant 48 : index
      %swap3A_500 = tpu.vector_load %arg10[%swap3A_499] {strides = array<i32>} : memref<64xi32, #tpu.memory_space<vmem>>, vector<16xi32>,
      %swap3A_501 = vector.shape_cast %swap3A_500 : vector<16xi32> to vector<16xi32>
      %swap3A_502 = vector.shape_cast %shift_right_logical3A_498 : vector<16xi32> to vector<16xi32>
      tpu.vector_store %arg10[%swap3A_499], %swap3A_502 {strides = array<i32>} : memref<64xi32, #tpu.memory_space<vmem>>, vector<16xi32>,
      %dma_start3A_503 = arith.constant 0 : i32
      %dma_start3A_504 = arith.constant 0 : i32
      %dma_start3A_505 = tpu.memref_slice %arg2[%dma_start3A_503, %dma_start3A_504] : memref<10000x128xf32, #tpu.memory_space<hbm>> -> memref<10000x128xf32, #tpu.memory_space<hbm>>
      tpu.enqueue_indirect_dma source(%dma_start3A_505 : memref<10000x128xf32, #tpu.memory_space<hbm>>) target(%arg14 : memref<64x128xf32, #tpu.memory_space<vmem>>) offsets(%arg9 : memref<64xi32, #tpu.memory_space<vmem>>) semaphore(%arg18 : memref<!tpu.dma_semaphore, #tpu.memory_space<semaphore_mem>>)
      %add3A_506 = arith.constant 2 : i32
      %add3A_507 = arith.addi %mul3A_343, %add3A_506 : i32
      %dma_wait3A_508 = arith.constant 0 : i32
      %dma_wait3A_509 = arith.constant 0 : i32
      %dma_wait3A_510 = tpu.memref_slice %arg2[%dma_wait3A_508, %dma_wait3A_509] : memref<10000x128xf32, #tpu.memory_space<hbm>> -> memref<10000x128xf32, #tpu.memory_space<hbm>>
      tpu.wait_indirect_dma semaphore(%arg19 : memref<!tpu.dma_semaphore, #tpu.memory_space<semaphore_mem>>) src(%dma_wait3A_510 : memref<10000x128xf32, #tpu.memory_space<hbm>>) dst(%arg15 : memref<64x128xf32, #tpu.memory_space<vmem>>)
      "tpu.region"() ({
        %run_scoped3A = tpu.sem_alloc : memref<!tpu.dma_semaphore, #tpu.memory_space<semaphore_mem>>
        %dma_start3A_588 = arith.constant 0 : i32
        %dma_start3A_589 = arith.constant 0 : i32
        %dma_start3A_590 = tpu.memref_slice %arg20[%dma_start3A_588, %dma_start3A_589] : memref<10240x128xf32, #tpu.memory_space<vmem_shared>> -> memref<10240x128xf32, #tpu.memory_space<vmem_shared>>
        tpu.enqueue_indirect_dma source(%arg15 : memref<64x128xf32, #tpu.memory_space<vmem>>) target(%dma_start3A_590 : memref<10240x128xf32, #tpu.memory_space<vmem_shared>>) offsets(%arg12 : memref<64xi32, #tpu.memory_space<vmem>>) semaphore(%run_scoped3A : memref<!tpu.dma_semaphore, #tpu.memory_space<semaphore_mem>>) {add = true}
        %dma_wait3A_591 = arith.constant 0 : i32
        %dma_wait3A_592 = arith.constant 0 : i32
        %dma_wait3A_593 = tpu.memref_slice %arg20[%dma_wait3A_591, %dma_wait3A_592] : memref<10240x128xf32, #tpu.memory_space<vmem_shared>> -> memref<10240x128xf32, #tpu.memory_space<vmem_shared>>
        tpu.wait_indirect_dma semaphore(%run_scoped3A : memref<!tpu.dma_semaphore, #tpu.memory_space<semaphore_mem>>) src(%arg15 : memref<64x128xf32, #tpu.memory_space<vmem>>) dst(%dma_wait3A_593 : memref<10240x128xf32, #tpu.memory_space<vmem_shared>>)
        tpu.yield
      }) : () -> ()
      %add3A_511 = arith.constant 3 : i32
      %add3A_512 = arith.addi %add3A_507, %add3A_511 : i32
      %get3A_513 = arith.index_cast %add3A_512 : i32 to index
      %get3A_514 = arith.constant 0 : index
      %get3A_515 = tpu.vector_load %arg6[%get3A_513, %get3A_514] {strides = array<i32>} : memref<160x64xi32, #tpu.memory_space<vmem>>, vector<1x16xi32>,
      %get3A_516 = vector.shape_cast %get3A_515 : vector<1x16xi32> to vector<16xi32>
      %and3A_517 = arith.constant 65535 : i32
      %and3A_518 = vector.broadcast %and3A_517 : i32 to vector<16xi32>
      %and3A_519 = arith.andi %get3A_516, %and3A_518 : vector<16xi32>
      %swap3A_520 = arith.constant 0 : index
      %swap3A_521 = tpu.vector_load %arg11[%swap3A_520] {strides = array<i32>} : memref<64xi32, #tpu.memory_space<vmem>>, vector<16xi32>,
      %swap3A_522 = vector.shape_cast %swap3A_521 : vector<16xi32> to vector<16xi32>
      %swap3A_523 = vector.shape_cast %and3A_519 : vector<16xi32> to vector<16xi32>
      tpu.vector_store %arg11[%swap3A_520], %swap3A_523 {strides = array<i32>} : memref<64xi32, #tpu.memory_space<vmem>>, vector<16xi32>,
      %shift_right_logical3A_524 = arith.constant 16 : i32
      %shift_right_logical3A_525 = vector.broadcast %shift_right_logical3A_524 : i32 to vector<16xi32>
      %shift_right_logical3A_526 = arith.shrui %get3A_516, %shift_right_logical3A_525 : vector<16xi32>
      %swap3A_527 = arith.constant 0 : index
      %swap3A_528 = tpu.vector_load %arg12[%swap3A_527] {strides = array<i32>} : memref<64xi32, #tpu.memory_space<vmem>>, vector<16xi32>,
      %swap3A_529 = vector.shape_cast %swap3A_528 : vector<16xi32> to vector<16xi32>
      %swap3A_530 = vector.shape_cast %shift_right_logical3A_526 : vector<16xi32> to vector<16xi32>
      tpu.vector_store %arg12[%swap3A_527], %swap3A_530 {strides = array<i32>} : memref<64xi32, #tpu.memory_space<vmem>>, vector<16xi32>,
      %get3A_531 = arith.index_cast %add3A_512 : i32 to index
      %get3A_532 = arith.constant 16 : index
      %get3A_533 = tpu.vector_load %arg6[%get3A_531, %get3A_532] {strides = array<i32>} : memref<160x64xi32, #tpu.memory_space<vmem>>, vector<1x16xi32>,
      %get3A_534 = vector.shape_cast %get3A_533 : vector<1x16xi32> to vector<16xi32>
      %and3A_535 = arith.constant 65535 : i32
      %and3A_536 = vector.broadcast %and3A_535 : i32 to vector<16xi32>
      %and3A_537 = arith.andi %get3A_534, %and3A_536 : vector<16xi32>
      %swap3A_538 = arith.constant 16 : index
      %swap3A_539 = tpu.vector_load %arg11[%swap3A_538] {strides = array<i32>} : memref<64xi32, #tpu.memory_space<vmem>>, vector<16xi32>,
      %swap3A_540 = vector.shape_cast %swap3A_539 : vector<16xi32> to vector<16xi32>
      %swap3A_541 = vector.shape_cast %and3A_537 : vector<16xi32> to vector<16xi32>
      tpu.vector_store %arg11[%swap3A_538], %swap3A_541 {strides = array<i32>} : memref<64xi32, #tpu.memory_space<vmem>>, vector<16xi32>,
      %shift_right_logical3A_542 = arith.constant 16 : i32
      %shift_right_logical3A_543 = vector.broadcast %shift_right_logical3A_542 : i32 to vector<16xi32>
      %shift_right_logical3A_544 = arith.shrui %get3A_534, %shift_right_logical3A_543 : vector<16xi32>
      %swap3A_545 = arith.constant 16 : index
      %swap3A_546 = tpu.vector_load %arg12[%swap3A_545] {strides = array<i32>} : memref<64xi32, #tpu.memory_space<vmem>>, vector<16xi32>,
      %swap3A_547 = vector.shape_cast %swap3A_546 : vector<16xi32> to vector<16xi32>
      %swap3A_548 = vector.shape_cast %shift_right_logical3A_544 : vector<16xi32> to vector<16xi32>
      tpu.vector_store %arg12[%swap3A_545], %swap3A_548 {strides = array<i32>} : memref<64xi32, #tpu.memory_space<vmem>>, vector<16xi32>,
      %get3A_549 = arith.index_cast %add3A_512 : i32 to index
      %get3A_550 = arith.constant 32 : index
      %get3A_551 = tpu.vector_load %arg6[%get3A_549, %get3A_550] {strides = array<i32>} : memref<160x64xi32, #tpu.memory_space<vmem>>, vector<1x16xi32>,
      %get3A_552 = vector.shape_cast %get3A_551 : vector<1x16xi32> to vector<16xi32>
      %and3A_553 = arith.constant 65535 : i32
      %and3A_554 = vector.broadcast %and3A_553 : i32 to vector<16xi32>
      %and3A_555 = arith.andi %get3A_552, %and3A_554 : vector<16xi32>
      %swap3A_556 = arith.constant 32 : index
      %swap3A_557 = tpu.vector_load %arg11[%swap3A_556] {strides = array<i32>} : memref<64xi32, #tpu.memory_space<vmem>>, vector<16xi32>,
      %swap3A_558 = vector.shape_cast %swap3A_557 : vector<16xi32> to vector<16xi32>
      %swap3A_559 = vector.shape_cast %and3A_555 : vector<16xi32> to vector<16xi32>
      tpu.vector_store %arg11[%swap3A_556], %swap3A_559 {strides = array<i32>} : memref<64xi32, #tpu.memory_space<vmem>>, vector<16xi32>,
      %shift_right_logical3A_560 = arith.constant 16 : i32
      %shift_right_logical3A_561 = vector.broadcast %shift_right_logical3A_560 : i32 to vector<16xi32>
      %shift_right_logical3A_562 = arith.shrui %get3A_552, %shift_right_logical3A_561 : vector<16xi32>
      %swap3A_563 = arith.constant 32 : index
      %swap3A_564 = tpu.vector_load %arg12[%swap3A_563] {strides = array<i32>} : memref<64xi32, #tpu.memory_space<vmem>>, vector<16xi32>,
      %swap3A_565 = vector.shape_cast %swap3A_564 : vector<16xi32> to vector<16xi32>
      %swap3A_566 = vector.shape_cast %shift_right_logical3A_562 : vector<16xi32> to vector<16xi32>
      tpu.vector_store %arg12[%swap3A_563], %swap3A_566 {strides = array<i32>} : memref<64xi32, #tpu.memory_space<vmem>>, vector<16xi32>,
      %get3A_567 = arith.index_cast %add3A_512 : i32 to index
      %get3A_568 = arith.constant 48 : index
      %get3A_569 = tpu.vector_load %arg6[%get3A_567, %get3A_568] {strides = array<i32>} : memref<160x64xi32, #tpu.memory_space<vmem>>, vector<1x16xi32>,
      %get3A_570 = vector.shape_cast %get3A_569 : vector<1x16xi32> to vector<16xi32>
      %and3A_571 = arith.constant 65535 : i32
      %and3A_572 = vector.broadcast %and3A_571 : i32 to vector<16xi32>
      %and3A_573 = arith.andi %get3A_570, %and3A_572 : vector<16xi32>
      %swap3A_574 = arith.constant 48 : index
      %swap3A_575 = tpu.vector_load %arg11[%swap3A_574] {strides = array<i32>} : memref<64xi32, #tpu.memory_space<vmem>>, vector<16xi32>,
      %swap3A_576 = vector.shape_cast %swap3A_575 : vector<16xi32> to vector<16xi32>
      %swap3A_577 = vector.shape_cast %and3A_573 : vector<16xi32> to vector<16xi32>
      tpu.vector_store %arg11[%swap3A_574], %swap3A_577 {strides = array<i32>} : memref<64xi32, #tpu.memory_space<vmem>>, vector<16xi32>,
      %shift_right_logical3A_578 = arith.constant 16 : i32
      %shift_right_logical3A_579 = vector.broadcast %shift_right_logical3A_578 : i32 to vector<16xi32>
      %shift_right_logical3A_580 = arith.shrui %get3A_570, %shift_right_logical3A_579 : vector<16xi32>
      %swap3A_581 = arith.constant 48 : index
      %swap3A_582 = tpu.vector_load %arg12[%swap3A_581] {strides = array<i32>} : memref<64xi32, #tpu.memory_space<vmem>>, vector<16xi32>,
      %swap3A_583 = vector.shape_cast %swap3A_582 : vector<16xi32> to vector<16xi32>
      %swap3A_584 = vector.shape_cast %shift_right_logical3A_580 : vector<16xi32> to vector<16xi32>
      tpu.vector_store %arg12[%swap3A_581], %swap3A_584 {strides = array<i32>} : memref<64xi32, #tpu.memory_space<vmem>>, vector<16xi32>,
      %dma_start3A_585 = arith.constant 0 : i32
      %dma_start3A_586 = arith.constant 0 : i32
      %dma_start3A_587 = tpu.memref_slice %arg2[%dma_start3A_585, %dma_start3A_586] : memref<10000x128xf32, #tpu.memory_space<hbm>> -> memref<10000x128xf32, #tpu.memory_space<hbm>>
      tpu.enqueue_indirect_dma source(%dma_start3A_587 : memref<10000x128xf32, #tpu.memory_space<hbm>>) target(%arg15 : memref<64x128xf32, #tpu.memory_space<vmem>>) offsets(%arg11 : memref<64xi32, #tpu.memory_space<vmem>>) semaphore(%arg19 : memref<!tpu.dma_semaphore, #tpu.memory_space<semaphore_mem>>)
    }
    %scan3A_245 = arith.constant 52 : i32
    %dma_wait3A = arith.constant 0 : i32
    %dma_wait3A_246 = arith.constant 0 : i32
    %dma_wait3A_247 = tpu.memref_slice %arg2[%dma_wait3A, %dma_wait3A_246] : memref<10000x128xf32, #tpu.memory_space<hbm>> -> memref<10000x128xf32, #tpu.memory_space<hbm>>
    tpu.wait_indirect_dma semaphore(%arg17 : memref<!tpu.dma_semaphore, #tpu.memory_space<semaphore_mem>>) src(%dma_wait3A_247 : memref<10000x128xf32, #tpu.memory_space<hbm>>) dst(%arg13 : memref<64x128xf32, #tpu.memory_space<vmem>>)
    "tpu.region"() ({
      %run_scoped3A = tpu.sem_alloc : memref<!tpu.dma_semaphore, #tpu.memory_space<semaphore_mem>>
      %dma_start3A_341 = arith.constant 0 : i32
      %dma_start3A_342 = arith.constant 0 : i32
      %dma_start3A_343 = tpu.memref_slice %arg20[%dma_start3A_341, %dma_start3A_342] : memref<10240x128xf32, #tpu.memory_space<vmem_shared>> -> memref<10240x128xf32, #tpu.memory_space<vmem_shared>>
      tpu.enqueue_indirect_dma source(%arg13 : memref<64x128xf32, #tpu.memory_space<vmem>>) target(%dma_start3A_343 : memref<10240x128xf32, #tpu.memory_space<vmem_shared>>) offsets(%arg8 : memref<64xi32, #tpu.memory_space<vmem>>) semaphore(%run_scoped3A : memref<!tpu.dma_semaphore, #tpu.memory_space<semaphore_mem>>) {add = true}
      %dma_wait3A_344 = arith.constant 0 : i32
      %dma_wait3A_345 = arith.constant 0 : i32
      %dma_wait3A_346 = tpu.memref_slice %arg20[%dma_wait3A_344, %dma_wait3A_345] : memref<10240x128xf32, #tpu.memory_space<vmem_shared>> -> memref<10240x128xf32, #tpu.memory_space<vmem_shared>>
      tpu.wait_indirect_dma semaphore(%run_scoped3A : memref<!tpu.dma_semaphore, #tpu.memory_space<semaphore_mem>>) src(%arg13 : memref<64x128xf32, #tpu.memory_space<vmem>>) dst(%dma_wait3A_346 : memref<10240x128xf32, #tpu.memory_space<vmem_shared>>)
      tpu.yield
    }) : () -> ()
    %get3A_248 = arith.constant 159 : i32
    %get3A_249 = arith.index_cast %get3A_248 : i32 to index
    %get3A_250 = arith.constant 0 : index
    %get3A_251 = tpu.vector_load %arg6[%get3A_249, %get3A_250] {strides = array<i32>} : memref<160x64xi32, #tpu.memory_space<vmem>>, vector<1x16xi32>,
    %get3A_252 = vector.shape_cast %get3A_251 : vector<1x16xi32> to vector<16xi32>
    %and3A_253 = arith.constant 65535 : i32
    %and3A_254 = vector.broadcast %and3A_253 : i32 to vector<16xi32>
    %and3A_255 = arith.andi %get3A_252, %and3A_254 : vector<16xi32>
    %swap3A_256 = arith.constant 0 : index
    %swap3A_257 = tpu.vector_load %arg7[%swap3A_256] {strides = array<i32>} : memref<64xi32, #tpu.memory_space<vmem>>, vector<16xi32>,
    %swap3A_258 = vector.shape_cast %swap3A_257 : vector<16xi32> to vector<16xi32>
    %swap3A_259 = vector.shape_cast %and3A_255 : vector<16xi32> to vector<16xi32>
    tpu.vector_store %arg7[%swap3A_256], %swap3A_259 {strides = array<i32>} : memref<64xi32, #tpu.memory_space<vmem>>, vector<16xi32>,
    %shift_right_logical3A_260 = arith.constant 16 : i32
    %shift_right_logical3A_261 = vector.broadcast %shift_right_logical3A_260 : i32 to vector<16xi32>
    %shift_right_logical3A_262 = arith.shrui %get3A_252, %shift_right_logical3A_261 : vector<16xi32>
    %swap3A_263 = arith.constant 0 : index
    %swap3A_264 = tpu.vector_load %arg8[%swap3A_263] {strides = array<i32>} : memref<64xi32, #tpu.memory_space<vmem>>, vector<16xi32>,
    %swap3A_265 = vector.shape_cast %swap3A_264 : vector<16xi32> to vector<16xi32>
    %swap3A_266 = vector.shape_cast %shift_right_logical3A_262 : vector<16xi32> to vector<16xi32>
    tpu.vector_store %arg8[%swap3A_263], %swap3A_266 {strides = array<i32>} : memref<64xi32, #tpu.memory_space<vmem>>, vector<16xi32>,
    %get3A_267 = arith.constant 159 : i32
    %get3A_268 = arith.index_cast %get3A_267 : i32 to index
    %get3A_269 = arith.constant 16 : index
    %get3A_270 = tpu.vector_load %arg6[%get3A_268, %get3A_269] {strides = array<i32>} : memref<160x64xi32, #tpu.memory_space<vmem>>, vector<1x16xi32>,
    %get3A_271 = vector.shape_cast %get3A_270 : vector<1x16xi32> to vector<16xi32>
    %and3A_272 = arith.constant 65535 : i32
    %and3A_273 = vector.broadcast %and3A_272 : i32 to vector<16xi32>
    %and3A_274 = arith.andi %get3A_271, %and3A_273 : vector<16xi32>
    %swap3A_275 = arith.constant 16 : index
    %swap3A_276 = tpu.vector_load %arg7[%swap3A_275] {strides = array<i32>} : memref<64xi32, #tpu.memory_space<vmem>>, vector<16xi32>,
    %swap3A_277 = vector.shape_cast %swap3A_276 : vector<16xi32> to vector<16xi32>
    %swap3A_278 = vector.shape_cast %and3A_274 : vector<16xi32> to vector<16xi32>
    tpu.vector_store %arg7[%swap3A_275], %swap3A_278 {strides = array<i32>} : memref<64xi32, #tpu.memory_space<vmem>>, vector<16xi32>,
    %shift_right_logical3A_279 = arith.constant 16 : i32
    %shift_right_logical3A_280 = vector.broadcast %shift_right_logical3A_279 : i32 to vector<16xi32>
    %shift_right_logical3A_281 = arith.shrui %get3A_271, %shift_right_logical3A_280 : vector<16xi32>
    %swap3A_282 = arith.constant 16 : index
    %swap3A_283 = tpu.vector_load %arg8[%swap3A_282] {strides = array<i32>} : memref<64xi32, #tpu.memory_space<vmem>>, vector<16xi32>,
    %swap3A_284 = vector.shape_cast %swap3A_283 : vector<16xi32> to vector<16xi32>
    %swap3A_285 = vector.shape_cast %shift_right_logical3A_281 : vector<16xi32> to vector<16xi32>
    tpu.vector_store %arg8[%swap3A_282], %swap3A_285 {strides = array<i32>} : memref<64xi32, #tpu.memory_space<vmem>>, vector<16xi32>,
    %get3A_286 = arith.constant 159 : i32
    %get3A_287 = arith.index_cast %get3A_286 : i32 to index
    %get3A_288 = arith.constant 32 : index
    %get3A_289 = tpu.vector_load %arg6[%get3A_287, %get3A_288] {strides = array<i32>} : memref<160x64xi32, #tpu.memory_space<vmem>>, vector<1x16xi32>,
    %get3A_290 = vector.shape_cast %get3A_289 : vector<1x16xi32> to vector<16xi32>
    %and3A_291 = arith.constant 65535 : i32
    %and3A_292 = vector.broadcast %and3A_291 : i32 to vector<16xi32>
    %and3A_293 = arith.andi %get3A_290, %and3A_292 : vector<16xi32>
    %swap3A_294 = arith.constant 32 : index
    %swap3A_295 = tpu.vector_load %arg7[%swap3A_294] {strides = array<i32>} : memref<64xi32, #tpu.memory_space<vmem>>, vector<16xi32>,
    %swap3A_296 = vector.shape_cast %swap3A_295 : vector<16xi32> to vector<16xi32>
    %swap3A_297 = vector.shape_cast %and3A_293 : vector<16xi32> to vector<16xi32>
    tpu.vector_store %arg7[%swap3A_294], %swap3A_297 {strides = array<i32>} : memref<64xi32, #tpu.memory_space<vmem>>, vector<16xi32>,
    %shift_right_logical3A_298 = arith.constant 16 : i32
    %shift_right_logical3A_299 = vector.broadcast %shift_right_logical3A_298 : i32 to vector<16xi32>
    %shift_right_logical3A_300 = arith.shrui %get3A_290, %shift_right_logical3A_299 : vector<16xi32>
    %swap3A_301 = arith.constant 32 : index
    %swap3A_302 = tpu.vector_load %arg8[%swap3A_301] {strides = array<i32>} : memref<64xi32, #tpu.memory_space<vmem>>, vector<16xi32>,
    %swap3A_303 = vector.shape_cast %swap3A_302 : vector<16xi32> to vector<16xi32>
    %swap3A_304 = vector.shape_cast %shift_right_logical3A_300 : vector<16xi32> to vector<16xi32>
    tpu.vector_store %arg8[%swap3A_301], %swap3A_304 {strides = array<i32>} : memref<64xi32, #tpu.memory_space<vmem>>, vector<16xi32>,
    %get3A_305 = arith.constant 159 : i32
    %get3A_306 = arith.index_cast %get3A_305 : i32 to index
    %get3A_307 = arith.constant 48 : index
    %get3A_308 = tpu.vector_load %arg6[%get3A_306, %get3A_307] {strides = array<i32>} : memref<160x64xi32, #tpu.memory_space<vmem>>, vector<1x16xi32>,
    %get3A_309 = vector.shape_cast %get3A_308 : vector<1x16xi32> to vector<16xi32>
    %and3A_310 = arith.constant 65535 : i32
    %and3A_311 = vector.broadcast %and3A_310 : i32 to vector<16xi32>
    %and3A_312 = arith.andi %get3A_309, %and3A_311 : vector<16xi32>
    %swap3A_313 = arith.constant 48 : index
    %swap3A_314 = tpu.vector_load %arg7[%swap3A_313] {strides = array<i32>} : memref<64xi32, #tpu.memory_space<vmem>>, vector<16xi32>,
    %swap3A_315 = vector.shape_cast %swap3A_314 : vector<16xi32> to vector<16xi32>
    %swap3A_316 = vector.shape_cast %and3A_312 : vector<16xi32> to vector<16xi32>
    tpu.vector_store %arg7[%swap3A_313], %swap3A_316 {strides = array<i32>} : memref<64xi32, #tpu.memory_space<vmem>>, vector<16xi32>,
    %shift_right_logical3A_317 = arith.constant 16 : i32
    %shift_right_logical3A_318 = vector.broadcast %shift_right_logical3A_317 : i32 to vector<16xi32>
    %shift_right_logical3A_319 = arith.shrui %get3A_309, %shift_right_logical3A_318 : vector<16xi32>
    %swap3A_320 = arith.constant 48 : index
    %swap3A_321 = tpu.vector_load %arg8[%swap3A_320] {strides = array<i32>} : memref<64xi32, #tpu.memory_space<vmem>>, vector<16xi32>,
    %swap3A_322 = vector.shape_cast %swap3A_321 : vector<16xi32> to vector<16xi32>
    %swap3A_323 = vector.shape_cast %shift_right_logical3A_319 : vector<16xi32> to vector<16xi32>
    tpu.vector_store %arg8[%swap3A_320], %swap3A_323 {strides = array<i32>} : memref<64xi32, #tpu.memory_space<vmem>>, vector<16xi32>,
    %dma_start3A_324 = arith.constant 0 : i32
    %dma_start3A_325 = arith.constant 0 : i32
    %dma_start3A_326 = tpu.memref_slice %arg2[%dma_start3A_324, %dma_start3A_325] : memref<10000x128xf32, #tpu.memory_space<hbm>> -> memref<10000x128xf32, #tpu.memory_space<hbm>>
    tpu.enqueue_indirect_dma source(%dma_start3A_326 : memref<10000x128xf32, #tpu.memory_space<hbm>>) target(%arg13 : memref<64x128xf32, #tpu.memory_space<vmem>>) offsets(%arg7 : memref<64xi32, #tpu.memory_space<vmem>>) semaphore(%arg17 : memref<!tpu.dma_semaphore, #tpu.memory_space<semaphore_mem>>)
    %dma_wait3A_327 = arith.constant 0 : i32
    %dma_wait3A_328 = arith.constant 0 : i32
    %dma_wait3A_329 = tpu.memref_slice %arg2[%dma_wait3A_327, %dma_wait3A_328] : memref<10000x128xf32, #tpu.memory_space<hbm>> -> memref<10000x128xf32, #tpu.memory_space<hbm>>
    tpu.wait_indirect_dma semaphore(%arg18 : memref<!tpu.dma_semaphore, #tpu.memory_space<semaphore_mem>>) src(%dma_wait3A_329 : memref<10000x128xf32, #tpu.memory_space<hbm>>) dst(%arg14 : memref<64x128xf32, #tpu.memory_space<vmem>>)
    "tpu.region"() ({
      %run_scoped3A = tpu.sem_alloc : memref<!tpu.dma_semaphore, #tpu.memory_space<semaphore_mem>>
      %dma_start3A_341 = arith.constant 0 : i32
      %dma_start3A_342 = arith.constant 0 : i32
      %dma_start3A_343 = tpu.memref_slice %arg20[%dma_start3A_341, %dma_start3A_342] : memref<10240x128xf32, #tpu.memory_space<vmem_shared>> -> memref<10240x128xf32, #tpu.memory_space<vmem_shared>>
      tpu.enqueue_indirect_dma source(%arg14 : memref<64x128xf32, #tpu.memory_space<vmem>>) target(%dma_start3A_343 : memref<10240x128xf32, #tpu.memory_space<vmem_shared>>) offsets(%arg10 : memref<64xi32, #tpu.memory_space<vmem>>) semaphore(%run_scoped3A : memref<!tpu.dma_semaphore, #tpu.memory_space<semaphore_mem>>) {add = true}
      %dma_wait3A_344 = arith.constant 0 : i32
      %dma_wait3A_345 = arith.constant 0 : i32
      %dma_wait3A_346 = tpu.memref_slice %arg20[%dma_wait3A_344, %dma_wait3A_345] : memref<10240x128xf32, #tpu.memory_space<vmem_shared>> -> memref<10240x128xf32, #tpu.memory_space<vmem_shared>>
      tpu.wait_indirect_dma semaphore(%run_scoped3A : memref<!tpu.dma_semaphore, #tpu.memory_space<semaphore_mem>>) src(%arg14 : memref<64x128xf32, #tpu.memory_space<vmem>>) dst(%dma_wait3A_346 : memref<10240x128xf32, #tpu.memory_space<vmem_shared>>)
      tpu.yield
    }) : () -> ()
    %dma_wait3A_330 = arith.constant 0 : i32
    %dma_wait3A_331 = arith.constant 0 : i32
    %dma_wait3A_332 = tpu.memref_slice %arg2[%dma_wait3A_330, %dma_wait3A_331] : memref<10000x128xf32, #tpu.memory_space<hbm>> -> memref<10000x128xf32, #tpu.memory_space<hbm>>
    tpu.wait_indirect_dma semaphore(%arg19 : memref<!tpu.dma_semaphore, #tpu.memory_space<semaphore_mem>>) src(%dma_wait3A_332 : memref<10000x128xf32, #tpu.memory_space<hbm>>) dst(%arg15 : memref<64x128xf32, #tpu.memory_space<vmem>>)
    "tpu.region"() ({
      %run_scoped3A = tpu.sem_alloc : memref<!tpu.dma_semaphore, #tpu.memory_space<semaphore_mem>>
      %dma_start3A_341 = arith.constant 0 : i32
      %dma_start3A_342 = arith.constant 0 : i32
      %dma_start3A_343 = tpu.memref_slice %arg20[%dma_start3A_341, %dma_start3A_342] : memref<10240x128xf32, #tpu.memory_space<vmem_shared>> -> memref<10240x128xf32, #tpu.memory_space<vmem_shared>>
      tpu.enqueue_indirect_dma source(%arg15 : memref<64x128xf32, #tpu.memory_space<vmem>>) target(%dma_start3A_343 : memref<10240x128xf32, #tpu.memory_space<vmem_shared>>) offsets(%arg12 : memref<64xi32, #tpu.memory_space<vmem>>) semaphore(%run_scoped3A : memref<!tpu.dma_semaphore, #tpu.memory_space<semaphore_mem>>) {add = true}
      %dma_wait3A_344 = arith.constant 0 : i32
      %dma_wait3A_345 = arith.constant 0 : i32
      %dma_wait3A_346 = tpu.memref_slice %arg20[%dma_wait3A_344, %dma_wait3A_345] : memref<10240x128xf32, #tpu.memory_space<vmem_shared>> -> memref<10240x128xf32, #tpu.memory_space<vmem_shared>>
      tpu.wait_indirect_dma semaphore(%run_scoped3A : memref<!tpu.dma_semaphore, #tpu.memory_space<semaphore_mem>>) src(%arg15 : memref<64x128xf32, #tpu.memory_space<vmem>>) dst(%dma_wait3A_346 : memref<10240x128xf32, #tpu.memory_space<vmem_shared>>)
      tpu.yield
    }) : () -> ()
    %dma_wait3A_333 = arith.constant 0 : i32
    %dma_wait3A_334 = arith.constant 0 : i32
    %dma_wait3A_335 = tpu.memref_slice %arg2[%dma_wait3A_333, %dma_wait3A_334] : memref<10000x128xf32, #tpu.memory_space<hbm>> -> memref<10000x128xf32, #tpu.memory_space<hbm>>
    tpu.wait_indirect_dma semaphore(%arg17 : memref<!tpu.dma_semaphore, #tpu.memory_space<semaphore_mem>>) src(%dma_wait3A_335 : memref<10000x128xf32, #tpu.memory_space<hbm>>) dst(%arg13 : memref<64x128xf32, #tpu.memory_space<vmem>>)
    "tpu.region"() ({
      %run_scoped3A = tpu.sem_alloc : memref<!tpu.dma_semaphore, #tpu.memory_space<semaphore_mem>>
      %dma_start3A_341 = arith.constant 0 : i32
      %dma_start3A_342 = arith.constant 0 : i32
      %dma_start3A_343 = tpu.memref_slice %arg20[%dma_start3A_341, %dma_start3A_342] : memref<10240x128xf32, #tpu.memory_space<vmem_shared>> -> memref<10240x128xf32, #tpu.memory_space<vmem_shared>>
      tpu.enqueue_indirect_dma source(%arg13 : memref<64x128xf32, #tpu.memory_space<vmem>>) target(%dma_start3A_343 : memref<10240x128xf32, #tpu.memory_space<vmem_shared>>) offsets(%arg8 : memref<64xi32, #tpu.memory_space<vmem>>) semaphore(%run_scoped3A : memref<!tpu.dma_semaphore, #tpu.memory_space<semaphore_mem>>) {add = true}
      %dma_wait3A_344 = arith.constant 0 : i32
      %dma_wait3A_345 = arith.constant 0 : i32
      %dma_wait3A_346 = tpu.memref_slice %arg20[%dma_wait3A_344, %dma_wait3A_345] : memref<10240x128xf32, #tpu.memory_space<vmem_shared>> -> memref<10240x128xf32, #tpu.memory_space<vmem_shared>>
      tpu.wait_indirect_dma semaphore(%run_scoped3A : memref<!tpu.dma_semaphore, #tpu.memory_space<semaphore_mem>>) src(%arg13 : memref<64x128xf32, #tpu.memory_space<vmem>>) dst(%dma_wait3A_346 : memref<10240x128xf32, #tpu.memory_space<vmem_shared>>)
      tpu.yield
    }) : () -> ()
    %barrier3A_336 = arith.constant 0 : index
    tpu.barrier barrier_id(%barrier3A_336)
    %mul3A_337 = arith.constant 640 : i32
    %mul3A_338 = arith.muli %arg1, %mul3A_337 : i32
    %mul3A_339 = arith.constant 640 : i32
    %mul3A_340 = arith.muli %arg1, %mul3A_339 : i32
    "tpu.region"() ({
      %run_scoped3A = tpu.sem_alloc : memref<!tpu.dma_semaphore, #tpu.memory_space<semaphore_mem>>
      %dma_start3A_341 = arith.constant 0 : i32
      %dma_start3A_342 = tpu.memref_slice %arg5[%arg0, %mul3A_340, %dma_start3A_341] : memref<2x10240x128xf32, #tpu.memory_space<hbm>> -> memref<1x640x128xf32, #tpu.memory_space<hbm>>
      %dma_start3A_343 = tpu.memref_squeeze %dma_start3A_342 : memref<1x640x128xf32, #tpu.memory_space<hbm>> -> memref<640x128xf32, #tpu.memory_space<hbm>>
      %dma_start3A_344 = arith.constant 0 : i32
      %dma_start3A_345 = tpu.memref_slice %arg20[%mul3A_338, %dma_start3A_344] : memref<10240x128xf32, #tpu.memory_space<vmem_shared>> -> memref<640x128xf32, #tpu.memory_space<vmem_shared>>
      tpu.enqueue_dma source(%dma_start3A_345 : memref<640x128xf32, #tpu.memory_space<vmem_shared>>) target(%dma_start3A_343 : memref<640x128xf32, #tpu.memory_space<hbm>>) target_semaphore(%run_scoped3A : memref<!tpu.dma_semaphore, #tpu.memory_space<semaphore_mem>>)
      %dma_wait3A_346 = arith.constant 0 : i32
      %dma_wait3A_347 = tpu.memref_slice %arg5[%arg0, %mul3A_340, %dma_wait3A_346] : memref<2x10240x128xf32, #tpu.memory_space<hbm>> -> memref<1x640x128xf32, #tpu.memory_space<hbm>>
      %dma_wait3A_348 = tpu.memref_squeeze %dma_wait3A_347 : memref<1x640x128xf32, #tpu.memory_space<hbm>> -> memref<640x128xf32, #tpu.memory_space<hbm>>
      %dma_wait3A_349 = arith.constant 0 : i32
      %dma_wait3A_350 = tpu.memref_slice %arg20[%mul3A_338, %dma_wait3A_349] : memref<10240x128xf32, #tpu.memory_space<vmem_shared>> -> memref<640x128xf32, #tpu.memory_space<vmem_shared>>
      tpu.wait_dma2 semaphore(%run_scoped3A : memref<!tpu.dma_semaphore, #tpu.memory_space<semaphore_mem>>) src(%dma_wait3A_350 : memref<640x128xf32, #tpu.memory_space<vmem_shared>>) dst(%dma_wait3A_348 : memref<640x128xf32, #tpu.memory_space<hbm>>)
      tpu.yield
    }) : () -> ()
    return
  }
}

#map = affine_map<(d0, d1) -> (0, 0)>
#map1 = affine_map<(d0, d1) -> (0, 0, 0)>
#map2 = affine_map<(d0, d1) -> (0)>
module attributes {stable_mosaic.version = 14 : i64} {
  func.func @sc_edge_agg_deg(%arg0: i32, %arg1: i32, %arg2: memref<10000x128xf32, #tpu.memory_space<hbm>>, %arg3: memref<32x160x64xi32, #tpu.memory_space<hbm>>, %arg4: memref<640x128xf32, #tpu.memory_space<hbm>>, %arg5: memref<10240xf32, #tpu.memory_space<hbm>>, %arg6: memref<2x10240x128xf32, #tpu.memory_space<hbm>>, %arg7: memref<20480xf32, #tpu.memory_space<hbm>>, %arg8: memref<160x64xi32, #tpu.memory_space<vmem>>, %arg9: memref<64xi32, #tpu.memory_space<vmem>>, %arg10: memref<64xi32, #tpu.memory_space<vmem>>, %arg11: memref<64xi32, #tpu.memory_space<vmem>>, %arg12: memref<64xi32, #tpu.memory_space<vmem>>, %arg13: memref<64xi32, #tpu.memory_space<vmem>>, %arg14: memref<64xi32, #tpu.memory_space<vmem>>, %arg15: memref<64x128xf32, #tpu.memory_space<vmem>>, %arg16: memref<64x128xf32, #tpu.memory_space<vmem>>, %arg17: memref<64x128xf32, #tpu.memory_space<vmem>>, %arg18: memref<64xf32, #tpu.memory_space<vmem>>, %arg19: memref<!tpu.dma_semaphore, #tpu.memory_space<semaphore_mem>>, %arg20: memref<!tpu.dma_semaphore, #tpu.memory_space<semaphore_mem>>, %arg21: memref<!tpu.dma_semaphore, #tpu.memory_space<semaphore_mem>>, %arg22: memref<10240x128xf32, #tpu.memory_space<vmem_shared>>, %arg23: memref<10240xf32, #tpu.memory_space<vmem_shared>>) attributes {dimension_semantics = [#tpu.dimension_semantics<core_parallel>, #tpu.dimension_semantics<subcore_parallel>], iteration_bounds = array<i64: 2, 16>, scalar_prefetch = 0 : i64, scratch_operands = 16 : i64, tpu.core_type = #tpu.core_type<sc_vector_subcore>, window_params = [{transform_indices = #map}, {transform_indices = #map1}, {transform_indices = #map}, {transform_indices = #map2}, {transform_indices = #map1}, {transform_indices = #map2}]} {
    %mul3A = arith.constant 16 : i32
    %mul3A_0 = arith.muli %arg0, %mul3A : i32
    %add3A = arith.addi %mul3A_0, %arg1 : i32
    "tpu.region"() ({
      %run_scoped3A = tpu.sem_alloc : memref<!tpu.dma_semaphore, #tpu.memory_space<semaphore_mem>>
      %dma_start3A_352 = arith.constant 0 : i32
      %dma_start3A_353 = arith.constant 0 : i32
      %dma_start3A_354 = tpu.memref_slice %arg3[%add3A, %dma_start3A_352, %dma_start3A_353] : memref<32x160x64xi32, #tpu.memory_space<hbm>> -> memref<1x160x64xi32, #tpu.memory_space<hbm>>
      %dma_start3A_355 = tpu.memref_squeeze %dma_start3A_354 : memref<1x160x64xi32, #tpu.memory_space<hbm>> -> memref<160x64xi32, #tpu.memory_space<hbm>>
      %dma_start3A_356 = arith.constant 0 : i32
      %dma_start3A_357 = arith.constant 0 : i32
      %dma_start3A_358 = tpu.memref_slice %arg3[%add3A, %dma_start3A_356, %dma_start3A_357] : memref<32x160x64xi32, #tpu.memory_space<hbm>> -> memref<1x160x64xi32, #tpu.memory_space<hbm>>
      %dma_start3A_359 = tpu.memref_squeeze %dma_start3A_358 : memref<1x160x64xi32, #tpu.memory_space<hbm>> -> memref<160x64xi32, #tpu.memory_space<hbm>>
      tpu.enqueue_dma source(%dma_start3A_359 : memref<160x64xi32, #tpu.memory_space<hbm>>) target(%arg8 : memref<160x64xi32, #tpu.memory_space<vmem>>) target_semaphore(%run_scoped3A : memref<!tpu.dma_semaphore, #tpu.memory_space<semaphore_mem>>)
      %dma_wait3A_360 = arith.constant 0 : i32
      %dma_wait3A_361 = arith.constant 0 : i32
      %dma_wait3A_362 = tpu.memref_slice %arg3[%add3A, %dma_wait3A_360, %dma_wait3A_361] : memref<32x160x64xi32, #tpu.memory_space<hbm>> -> memref<1x160x64xi32, #tpu.memory_space<hbm>>
      %dma_wait3A_363 = tpu.memref_squeeze %dma_wait3A_362 : memref<1x160x64xi32, #tpu.memory_space<hbm>> -> memref<160x64xi32, #tpu.memory_space<hbm>>
      %dma_wait3A_364 = arith.constant 0 : i32
      %dma_wait3A_365 = arith.constant 0 : i32
      %dma_wait3A_366 = tpu.memref_slice %arg3[%add3A, %dma_wait3A_364, %dma_wait3A_365] : memref<32x160x64xi32, #tpu.memory_space<hbm>> -> memref<1x160x64xi32, #tpu.memory_space<hbm>>
      %dma_wait3A_367 = tpu.memref_squeeze %dma_wait3A_366 : memref<1x160x64xi32, #tpu.memory_space<hbm>> -> memref<160x64xi32, #tpu.memory_space<hbm>>
      tpu.wait_dma2 semaphore(%run_scoped3A : memref<!tpu.dma_semaphore, #tpu.memory_space<semaphore_mem>>) src(%dma_wait3A_367 : memref<160x64xi32, #tpu.memory_space<hbm>>) dst(%arg8 : memref<160x64xi32, #tpu.memory_space<vmem>>)
      tpu.yield
    }) : () -> ()
    %mul3A_1 = arith.constant 640 : i32
    %mul3A_2 = arith.muli %arg1, %mul3A_1 : i32
    "tpu.region"() ({
      %run_scoped3A = tpu.sem_alloc : memref<!tpu.dma_semaphore, #tpu.memory_space<semaphore_mem>>
      %dma_start3A_352 = arith.constant 0 : i32
      %dma_start3A_353 = tpu.memref_slice %arg22[%mul3A_2, %dma_start3A_352] : memref<10240x128xf32, #tpu.memory_space<vmem_shared>> -> memref<640x128xf32, #tpu.memory_space<vmem_shared>>
      tpu.enqueue_dma source(%arg4 : memref<640x128xf32, #tpu.memory_space<hbm>>) target(%dma_start3A_353 : memref<640x128xf32, #tpu.memory_space<vmem_shared>>) target_semaphore(%run_scoped3A : memref<!tpu.dma_semaphore, #tpu.memory_space<semaphore_mem>>)
      %dma_wait3A_354 = arith.constant 0 : i32
      %dma_wait3A_355 = tpu.memref_slice %arg22[%mul3A_2, %dma_wait3A_354] : memref<10240x128xf32, #tpu.memory_space<vmem_shared>> -> memref<640x128xf32, #tpu.memory_space<vmem_shared>>
      tpu.wait_dma2 semaphore(%run_scoped3A : memref<!tpu.dma_semaphore, #tpu.memory_space<semaphore_mem>>) src(%arg4 : memref<640x128xf32, #tpu.memory_space<hbm>>) dst(%dma_wait3A_355 : memref<640x128xf32, #tpu.memory_space<vmem_shared>>)
      tpu.yield
    }) : () -> ()
    %mul3A_3 = arith.constant 640 : i32
    %mul3A_4 = arith.muli %arg1, %mul3A_3 : i32
    %mul3A_5 = arith.constant 640 : i32
    %mul3A_6 = arith.muli %arg1, %mul3A_5 : i32
    "tpu.region"() ({
      %run_scoped3A = tpu.sem_alloc : memref<!tpu.dma_semaphore, #tpu.memory_space<semaphore_mem>>
      %dma_start3A_352 = tpu.memref_slice %arg23[%mul3A_6] : memref<10240xf32, #tpu.memory_space<vmem_shared>> -> memref<640xf32, #tpu.memory_space<vmem_shared>>
      %dma_start3A_353 = tpu.memref_slice %arg5[%mul3A_4] : memref<10240xf32, #tpu.memory_space<hbm>> -> memref<640xf32, #tpu.memory_space<hbm>>
      tpu.enqueue_dma source(%dma_start3A_353 : memref<640xf32, #tpu.memory_space<hbm>>) target(%dma_start3A_352 : memref<640xf32, #tpu.memory_space<vmem_shared>>) target_semaphore(%run_scoped3A : memref<!tpu.dma_semaphore, #tpu.memory_space<semaphore_mem>>)
      %dma_wait3A_354 = tpu.memref_slice %arg23[%mul3A_6] : memref<10240xf32, #tpu.memory_space<vmem_shared>> -> memref<640xf32, #tpu.memory_space<vmem_shared>>
      %dma_wait3A_355 = tpu.memref_slice %arg5[%mul3A_4] : memref<10240xf32, #tpu.memory_space<hbm>> -> memref<640xf32, #tpu.memory_space<hbm>>
      tpu.wait_dma2 semaphore(%run_scoped3A : memref<!tpu.dma_semaphore, #tpu.memory_space<semaphore_mem>>) src(%dma_wait3A_355 : memref<640xf32, #tpu.memory_space<hbm>>) dst(%dma_wait3A_354 : memref<640xf32, #tpu.memory_space<vmem_shared>>)
      tpu.yield
    }) : () -> ()
    %scan3A = arith.constant 0 : i32
    %scan3A_7 = arith.constant 0 : i32
    %scan3A_8 = arith.constant 4 : i32
    %scan3A_9 = arith.addi %scan3A_7, %scan3A_8 : i32
    %scan3A_10 = arith.constant 1 : i32
    scf.for %scan3A_352 = %scan3A_7 to %scan3A_9 step %scan3A_10  : i32 {
      %broadcast_in_dim3A = arith.constant 1.000000e+00 : f32
      %broadcast_in_dim3A_353 = vector.broadcast %broadcast_in_dim3A : f32 to vector<16xf32>
      %mul3A_354 = arith.constant 16 : i32
      %mul3A_355 = arith.muli %mul3A_354, %scan3A_352 : i32
      %swap3A_356 = arith.index_cast %mul3A_355 : i32 to index
      %swap3A_357 = tpu.vector_load %arg18[%swap3A_356] {strides = array<i32>} : memref<64xf32, #tpu.memory_space<vmem>>, vector<16xf32>,
      %swap3A_358 = vector.shape_cast %swap3A_357 : vector<16xf32> to vector<16xf32>
      %swap3A_359 = vector.shape_cast %broadcast_in_dim3A_353 : vector<16xf32> to vector<16xf32>
      tpu.vector_store %arg18[%swap3A_356], %swap3A_359 {strides = array<i32>} : memref<64xf32, #tpu.memory_space<vmem>>, vector<16xf32>,
    }
    %scan3A_11 = arith.constant 4 : i32
    %barrier3A = arith.constant 0 : index
    tpu.barrier barrier_id(%barrier3A)
    %get3A = arith.constant 0 : i32
    %get3A_12 = arith.index_cast %get3A : i32 to index
    %get3A_13 = arith.constant 0 : index
    %get3A_14 = tpu.vector_load %arg8[%get3A_12, %get3A_13] {strides = array<i32>} : memref<160x64xi32, #tpu.memory_space<vmem>>, vector<1x16xi32>,
    %get3A_15 = vector.shape_cast %get3A_14 : vector<1x16xi32> to vector<16xi32>
    %and3A = arith.constant 65535 : i32
    %and3A_16 = vector.broadcast %and3A : i32 to vector<16xi32>
    %and3A_17 = arith.andi %get3A_15, %and3A_16 : vector<16xi32>
    %swap3A = arith.constant 0 : index
    %swap3A_18 = tpu.vector_load %arg9[%swap3A] {strides = array<i32>} : memref<64xi32, #tpu.memory_space<vmem>>, vector<16xi32>,
    %swap3A_19 = vector.shape_cast %swap3A_18 : vector<16xi32> to vector<16xi32>
    %swap3A_20 = vector.shape_cast %and3A_17 : vector<16xi32> to vector<16xi32>
    tpu.vector_store %arg9[%swap3A], %swap3A_20 {strides = array<i32>} : memref<64xi32, #tpu.memory_space<vmem>>, vector<16xi32>,
    %shift_right_logical3A = arith.constant 16 : i32
    %shift_right_logical3A_21 = vector.broadcast %shift_right_logical3A : i32 to vector<16xi32>
    %shift_right_logical3A_22 = arith.shrui %get3A_15, %shift_right_logical3A_21 : vector<16xi32>
    %swap3A_23 = arith.constant 0 : index
    %swap3A_24 = tpu.vector_load %arg10[%swap3A_23] {strides = array<i32>} : memref<64xi32, #tpu.memory_space<vmem>>, vector<16xi32>,
    %swap3A_25 = vector.shape_cast %swap3A_24 : vector<16xi32> to vector<16xi32>
    %swap3A_26 = vector.shape_cast %shift_right_logical3A_22 : vector<16xi32> to vector<16xi32>
    tpu.vector_store %arg10[%swap3A_23], %swap3A_26 {strides = array<i32>} : memref<64xi32, #tpu.memory_space<vmem>>, vector<16xi32>,
    %get3A_27 = arith.constant 0 : i32
    %get3A_28 = arith.index_cast %get3A_27 : i32 to index
    %get3A_29 = arith.constant 16 : index
    %get3A_30 = tpu.vector_load %arg8[%get3A_28, %get3A_29] {strides = array<i32>} : memref<160x64xi32, #tpu.memory_space<vmem>>, vector<1x16xi32>,
    %get3A_31 = vector.shape_cast %get3A_30 : vector<1x16xi32> to vector<16xi32>
    %and3A_32 = arith.constant 65535 : i32
    %and3A_33 = vector.broadcast %and3A_32 : i32 to vector<16xi32>
    %and3A_34 = arith.andi %get3A_31, %and3A_33 : vector<16xi32>
    %swap3A_35 = arith.constant 16 : index
    %swap3A_36 = tpu.vector_load %arg9[%swap3A_35] {strides = array<i32>} : memref<64xi32, #tpu.memory_space<vmem>>, vector<16xi32>,
    %swap3A_37 = vector.shape_cast %swap3A_36 : vector<16xi32> to vector<16xi32>
    %swap3A_38 = vector.shape_cast %and3A_34 : vector<16xi32> to vector<16xi32>
    tpu.vector_store %arg9[%swap3A_35], %swap3A_38 {strides = array<i32>} : memref<64xi32, #tpu.memory_space<vmem>>, vector<16xi32>,
    %shift_right_logical3A_39 = arith.constant 16 : i32
    %shift_right_logical3A_40 = vector.broadcast %shift_right_logical3A_39 : i32 to vector<16xi32>
    %shift_right_logical3A_41 = arith.shrui %get3A_31, %shift_right_logical3A_40 : vector<16xi32>
    %swap3A_42 = arith.constant 16 : index
    %swap3A_43 = tpu.vector_load %arg10[%swap3A_42] {strides = array<i32>} : memref<64xi32, #tpu.memory_space<vmem>>, vector<16xi32>,
    %swap3A_44 = vector.shape_cast %swap3A_43 : vector<16xi32> to vector<16xi32>
    %swap3A_45 = vector.shape_cast %shift_right_logical3A_41 : vector<16xi32> to vector<16xi32>
    tpu.vector_store %arg10[%swap3A_42], %swap3A_45 {strides = array<i32>} : memref<64xi32, #tpu.memory_space<vmem>>, vector<16xi32>,
    %get3A_46 = arith.constant 0 : i32
    %get3A_47 = arith.index_cast %get3A_46 : i32 to index
    %get3A_48 = arith.constant 32 : index
    %get3A_49 = tpu.vector_load %arg8[%get3A_47, %get3A_48] {strides = array<i32>} : memref<160x64xi32, #tpu.memory_space<vmem>>, vector<1x16xi32>,
    %get3A_50 = vector.shape_cast %get3A_49 : vector<1x16xi32> to vector<16xi32>
    %and3A_51 = arith.constant 65535 : i32
    %and3A_52 = vector.broadcast %and3A_51 : i32 to vector<16xi32>
    %and3A_53 = arith.andi %get3A_50, %and3A_52 : vector<16xi32>
    %swap3A_54 = arith.constant 32 : index
    %swap3A_55 = tpu.vector_load %arg9[%swap3A_54] {strides = array<i32>} : memref<64xi32, #tpu.memory_space<vmem>>, vector<16xi32>,
    %swap3A_56 = vector.shape_cast %swap3A_55 : vector<16xi32> to vector<16xi32>
    %swap3A_57 = vector.shape_cast %and3A_53 : vector<16xi32> to vector<16xi32>
    tpu.vector_store %arg9[%swap3A_54], %swap3A_57 {strides = array<i32>} : memref<64xi32, #tpu.memory_space<vmem>>, vector<16xi32>,
    %shift_right_logical3A_58 = arith.constant 16 : i32
    %shift_right_logical3A_59 = vector.broadcast %shift_right_logical3A_58 : i32 to vector<16xi32>
    %shift_right_logical3A_60 = arith.shrui %get3A_50, %shift_right_logical3A_59 : vector<16xi32>
    %swap3A_61 = arith.constant 32 : index
    %swap3A_62 = tpu.vector_load %arg10[%swap3A_61] {strides = array<i32>} : memref<64xi32, #tpu.memory_space<vmem>>, vector<16xi32>,
    %swap3A_63 = vector.shape_cast %swap3A_62 : vector<16xi32> to vector<16xi32>
    %swap3A_64 = vector.shape_cast %shift_right_logical3A_60 : vector<16xi32> to vector<16xi32>
    tpu.vector_store %arg10[%swap3A_61], %swap3A_64 {strides = array<i32>} : memref<64xi32, #tpu.memory_space<vmem>>, vector<16xi32>,
    %get3A_65 = arith.constant 0 : i32
    %get3A_66 = arith.index_cast %get3A_65 : i32 to index
    %get3A_67 = arith.constant 48 : index
    %get3A_68 = tpu.vector_load %arg8[%get3A_66, %get3A_67] {strides = array<i32>} : memref<160x64xi32, #tpu.memory_space<vmem>>, vector<1x16xi32>,
    %get3A_69 = vector.shape_cast %get3A_68 : vector<1x16xi32> to vector<16xi32>
    %and3A_70 = arith.constant 65535 : i32
    %and3A_71 = vector.broadcast %and3A_70 : i32 to vector<16xi32>
    %and3A_72 = arith.andi %get3A_69, %and3A_71 : vector<16xi32>
    %swap3A_73 = arith.constant 48 : index
    %swap3A_74 = tpu.vector_load %arg9[%swap3A_73] {strides = array<i32>} : memref<64xi32, #tpu.memory_space<vmem>>, vector<16xi32>,
    %swap3A_75 = vector.shape_cast %swap3A_74 : vector<16xi32> to vector<16xi32>
    %swap3A_76 = vector.shape_cast %and3A_72 : vector<16xi32> to vector<16xi32>
    tpu.vector_store %arg9[%swap3A_73], %swap3A_76 {strides = array<i32>} : memref<64xi32, #tpu.memory_space<vmem>>, vector<16xi32>,
    %shift_right_logical3A_77 = arith.constant 16 : i32
    %shift_right_logical3A_78 = vector.broadcast %shift_right_logical3A_77 : i32 to vector<16xi32>
    %shift_right_logical3A_79 = arith.shrui %get3A_69, %shift_right_logical3A_78 : vector<16xi32>
    %swap3A_80 = arith.constant 48 : index
    %swap3A_81 = tpu.vector_load %arg10[%swap3A_80] {strides = array<i32>} : memref<64xi32, #tpu.memory_space<vmem>>, vector<16xi32>,
    %swap3A_82 = vector.shape_cast %swap3A_81 : vector<16xi32> to vector<16xi32>
    %swap3A_83 = vector.shape_cast %shift_right_logical3A_79 : vector<16xi32> to vector<16xi32>
    tpu.vector_store %arg10[%swap3A_80], %swap3A_83 {strides = array<i32>} : memref<64xi32, #tpu.memory_space<vmem>>, vector<16xi32>,
    %dma_start3A = arith.constant 0 : i32
    %dma_start3A_84 = arith.constant 0 : i32
    %dma_start3A_85 = tpu.memref_slice %arg2[%dma_start3A, %dma_start3A_84] : memref<10000x128xf32, #tpu.memory_space<hbm>> -> memref<10000x128xf32, #tpu.memory_space<hbm>>
    tpu.enqueue_indirect_dma source(%dma_start3A_85 : memref<10000x128xf32, #tpu.memory_space<hbm>>) target(%arg15 : memref<64x128xf32, #tpu.memory_space<vmem>>) offsets(%arg9 : memref<64xi32, #tpu.memory_space<vmem>>) semaphore(%arg19 : memref<!tpu.dma_semaphore, #tpu.memory_space<semaphore_mem>>)
    %get3A_86 = arith.constant 1 : i32
    %get3A_87 = arith.index_cast %get3A_86 : i32 to index
    %get3A_88 = arith.constant 0 : index
    %get3A_89 = tpu.vector_load %arg8[%get3A_87, %get3A_88] {strides = array<i32>} : memref<160x64xi32, #tpu.memory_space<vmem>>, vector<1x16xi32>,
    %get3A_90 = vector.shape_cast %get3A_89 : vector<1x16xi32> to vector<16xi32>
    %and3A_91 = arith.constant 65535 : i32
    %and3A_92 = vector.broadcast %and3A_91 : i32 to vector<16xi32>
    %and3A_93 = arith.andi %get3A_90, %and3A_92 : vector<16xi32>
    %swap3A_94 = arith.constant 0 : index
    %swap3A_95 = tpu.vector_load %arg11[%swap3A_94] {strides = array<i32>} : memref<64xi32, #tpu.memory_space<vmem>>, vector<16xi32>,
    %swap3A_96 = vector.shape_cast %swap3A_95 : vector<16xi32> to vector<16xi32>
    %swap3A_97 = vector.shape_cast %and3A_93 : vector<16xi32> to vector<16xi32>
    tpu.vector_store %arg11[%swap3A_94], %swap3A_97 {strides = array<i32>} : memref<64xi32, #tpu.memory_space<vmem>>, vector<16xi32>,
    %shift_right_logical3A_98 = arith.constant 16 : i32
    %shift_right_logical3A_99 = vector.broadcast %shift_right_logical3A_98 : i32 to vector<16xi32>
    %shift_right_logical3A_100 = arith.shrui %get3A_90, %shift_right_logical3A_99 : vector<16xi32>
    %swap3A_101 = arith.constant 0 : index
    %swap3A_102 = tpu.vector_load %arg12[%swap3A_101] {strides = array<i32>} : memref<64xi32, #tpu.memory_space<vmem>>, vector<16xi32>,
    %swap3A_103 = vector.shape_cast %swap3A_102 : vector<16xi32> to vector<16xi32>
    %swap3A_104 = vector.shape_cast %shift_right_logical3A_100 : vector<16xi32> to vector<16xi32>
    tpu.vector_store %arg12[%swap3A_101], %swap3A_104 {strides = array<i32>} : memref<64xi32, #tpu.memory_space<vmem>>, vector<16xi32>,
    %get3A_105 = arith.constant 1 : i32
    %get3A_106 = arith.index_cast %get3A_105 : i32 to index
    %get3A_107 = arith.constant 16 : index
    %get3A_108 = tpu.vector_load %arg8[%get3A_106, %get3A_107] {strides = array<i32>} : memref<160x64xi32, #tpu.memory_space<vmem>>, vector<1x16xi32>,
    %get3A_109 = vector.shape_cast %get3A_108 : vector<1x16xi32> to vector<16xi32>
    %and3A_110 = arith.constant 65535 : i32
    %and3A_111 = vector.broadcast %and3A_110 : i32 to vector<16xi32>
    %and3A_112 = arith.andi %get3A_109, %and3A_111 : vector<16xi32>
    %swap3A_113 = arith.constant 16 : index
    %swap3A_114 = tpu.vector_load %arg11[%swap3A_113] {strides = array<i32>} : memref<64xi32, #tpu.memory_space<vmem>>, vector<16xi32>,
    %swap3A_115 = vector.shape_cast %swap3A_114 : vector<16xi32> to vector<16xi32>
    %swap3A_116 = vector.shape_cast %and3A_112 : vector<16xi32> to vector<16xi32>
    tpu.vector_store %arg11[%swap3A_113], %swap3A_116 {strides = array<i32>} : memref<64xi32, #tpu.memory_space<vmem>>, vector<16xi32>,
    %shift_right_logical3A_117 = arith.constant 16 : i32
    %shift_right_logical3A_118 = vector.broadcast %shift_right_logical3A_117 : i32 to vector<16xi32>
    %shift_right_logical3A_119 = arith.shrui %get3A_109, %shift_right_logical3A_118 : vector<16xi32>
    %swap3A_120 = arith.constant 16 : index
    %swap3A_121 = tpu.vector_load %arg12[%swap3A_120] {strides = array<i32>} : memref<64xi32, #tpu.memory_space<vmem>>, vector<16xi32>,
    %swap3A_122 = vector.shape_cast %swap3A_121 : vector<16xi32> to vector<16xi32>
    %swap3A_123 = vector.shape_cast %shift_right_logical3A_119 : vector<16xi32> to vector<16xi32>
    tpu.vector_store %arg12[%swap3A_120], %swap3A_123 {strides = array<i32>} : memref<64xi32, #tpu.memory_space<vmem>>, vector<16xi32>,
    %get3A_124 = arith.constant 1 : i32
    %get3A_125 = arith.index_cast %get3A_124 : i32 to index
    %get3A_126 = arith.constant 32 : index
    %get3A_127 = tpu.vector_load %arg8[%get3A_125, %get3A_126] {strides = array<i32>} : memref<160x64xi32, #tpu.memory_space<vmem>>, vector<1x16xi32>,
    %get3A_128 = vector.shape_cast %get3A_127 : vector<1x16xi32> to vector<16xi32>
    %and3A_129 = arith.constant 65535 : i32
    %and3A_130 = vector.broadcast %and3A_129 : i32 to vector<16xi32>
    %and3A_131 = arith.andi %get3A_128, %and3A_130 : vector<16xi32>
    %swap3A_132 = arith.constant 32 : index
    %swap3A_133 = tpu.vector_load %arg11[%swap3A_132] {strides = array<i32>} : memref<64xi32, #tpu.memory_space<vmem>>, vector<16xi32>,
    %swap3A_134 = vector.shape_cast %swap3A_133 : vector<16xi32> to vector<16xi32>
    %swap3A_135 = vector.shape_cast %and3A_131 : vector<16xi32> to vector<16xi32>
    tpu.vector_store %arg11[%swap3A_132], %swap3A_135 {strides = array<i32>} : memref<64xi32, #tpu.memory_space<vmem>>, vector<16xi32>,
    %shift_right_logical3A_136 = arith.constant 16 : i32
    %shift_right_logical3A_137 = vector.broadcast %shift_right_logical3A_136 : i32 to vector<16xi32>
    %shift_right_logical3A_138 = arith.shrui %get3A_128, %shift_right_logical3A_137 : vector<16xi32>
    %swap3A_139 = arith.constant 32 : index
    %swap3A_140 = tpu.vector_load %arg12[%swap3A_139] {strides = array<i32>} : memref<64xi32, #tpu.memory_space<vmem>>, vector<16xi32>,
    %swap3A_141 = vector.shape_cast %swap3A_140 : vector<16xi32> to vector<16xi32>
    %swap3A_142 = vector.shape_cast %shift_right_logical3A_138 : vector<16xi32> to vector<16xi32>
    tpu.vector_store %arg12[%swap3A_139], %swap3A_142 {strides = array<i32>} : memref<64xi32, #tpu.memory_space<vmem>>, vector<16xi32>,
    %get3A_143 = arith.constant 1 : i32
    %get3A_144 = arith.index_cast %get3A_143 : i32 to index
    %get3A_145 = arith.constant 48 : index
    %get3A_146 = tpu.vector_load %arg8[%get3A_144, %get3A_145] {strides = array<i32>} : memref<160x64xi32, #tpu.memory_space<vmem>>, vector<1x16xi32>,
    %get3A_147 = vector.shape_cast %get3A_146 : vector<1x16xi32> to vector<16xi32>
    %and3A_148 = arith.constant 65535 : i32
    %and3A_149 = vector.broadcast %and3A_148 : i32 to vector<16xi32>
    %and3A_150 = arith.andi %get3A_147, %and3A_149 : vector<16xi32>
    %swap3A_151 = arith.constant 48 : index
    %swap3A_152 = tpu.vector_load %arg11[%swap3A_151] {strides = array<i32>} : memref<64xi32, #tpu.memory_space<vmem>>, vector<16xi32>,
    %swap3A_153 = vector.shape_cast %swap3A_152 : vector<16xi32> to vector<16xi32>
    %swap3A_154 = vector.shape_cast %and3A_150 : vector<16xi32> to vector<16xi32>
    tpu.vector_store %arg11[%swap3A_151], %swap3A_154 {strides = array<i32>} : memref<64xi32, #tpu.memory_space<vmem>>, vector<16xi32>,
    %shift_right_logical3A_155 = arith.constant 16 : i32
    %shift_right_logical3A_156 = vector.broadcast %shift_right_logical3A_155 : i32 to vector<16xi32>
    %shift_right_logical3A_157 = arith.shrui %get3A_147, %shift_right_logical3A_156 : vector<16xi32>
    %swap3A_158 = arith.constant 48 : index
    %swap3A_159 = tpu.vector_load %arg12[%swap3A_158] {strides = array<i32>} : memref<64xi32, #tpu.memory_space<vmem>>, vector<16xi32>,
    %swap3A_160 = vector.shape_cast %swap3A_159 : vector<16xi32> to vector<16xi32>
    %swap3A_161 = vector.shape_cast %shift_right_logical3A_157 : vector<16xi32> to vector<16xi32>
    tpu.vector_store %arg12[%swap3A_158], %swap3A_161 {strides = array<i32>} : memref<64xi32, #tpu.memory_space<vmem>>, vector<16xi32>,
    %dma_start3A_162 = arith.constant 0 : i32
    %dma_start3A_163 = arith.constant 0 : i32
    %dma_start3A_164 = tpu.memref_slice %arg2[%dma_start3A_162, %dma_start3A_163] : memref<10000x128xf32, #tpu.memory_space<hbm>> -> memref<10000x128xf32, #tpu.memory_space<hbm>>
    tpu.enqueue_indirect_dma source(%dma_start3A_164 : memref<10000x128xf32, #tpu.memory_space<hbm>>) target(%arg16 : memref<64x128xf32, #tpu.memory_space<vmem>>) offsets(%arg11 : memref<64xi32, #tpu.memory_space<vmem>>) semaphore(%arg20 : memref<!tpu.dma_semaphore, #tpu.memory_space<semaphore_mem>>)
    %get3A_165 = arith.constant 2 : i32
    %get3A_166 = arith.index_cast %get3A_165 : i32 to index
    %get3A_167 = arith.constant 0 : index
    %get3A_168 = tpu.vector_load %arg8[%get3A_166, %get3A_167] {strides = array<i32>} : memref<160x64xi32, #tpu.memory_space<vmem>>, vector<1x16xi32>,
    %get3A_169 = vector.shape_cast %get3A_168 : vector<1x16xi32> to vector<16xi32>
    %and3A_170 = arith.constant 65535 : i32
    %and3A_171 = vector.broadcast %and3A_170 : i32 to vector<16xi32>
    %and3A_172 = arith.andi %get3A_169, %and3A_171 : vector<16xi32>
    %swap3A_173 = arith.constant 0 : index
    %swap3A_174 = tpu.vector_load %arg13[%swap3A_173] {strides = array<i32>} : memref<64xi32, #tpu.memory_space<vmem>>, vector<16xi32>,
    %swap3A_175 = vector.shape_cast %swap3A_174 : vector<16xi32> to vector<16xi32>
    %swap3A_176 = vector.shape_cast %and3A_172 : vector<16xi32> to vector<16xi32>
    tpu.vector_store %arg13[%swap3A_173], %swap3A_176 {strides = array<i32>} : memref<64xi32, #tpu.memory_space<vmem>>, vector<16xi32>,
    %shift_right_logical3A_177 = arith.constant 16 : i32
    %shift_right_logical3A_178 = vector.broadcast %shift_right_logical3A_177 : i32 to vector<16xi32>
    %shift_right_logical3A_179 = arith.shrui %get3A_169, %shift_right_logical3A_178 : vector<16xi32>
    %swap3A_180 = arith.constant 0 : index
    %swap3A_181 = tpu.vector_load %arg14[%swap3A_180] {strides = array<i32>} : memref<64xi32, #tpu.memory_space<vmem>>, vector<16xi32>,
    %swap3A_182 = vector.shape_cast %swap3A_181 : vector<16xi32> to vector<16xi32>
    %swap3A_183 = vector.shape_cast %shift_right_logical3A_179 : vector<16xi32> to vector<16xi32>
    tpu.vector_store %arg14[%swap3A_180], %swap3A_183 {strides = array<i32>} : memref<64xi32, #tpu.memory_space<vmem>>, vector<16xi32>,
    %get3A_184 = arith.constant 2 : i32
    %get3A_185 = arith.index_cast %get3A_184 : i32 to index
    %get3A_186 = arith.constant 16 : index
    %get3A_187 = tpu.vector_load %arg8[%get3A_185, %get3A_186] {strides = array<i32>} : memref<160x64xi32, #tpu.memory_space<vmem>>, vector<1x16xi32>,
    %get3A_188 = vector.shape_cast %get3A_187 : vector<1x16xi32> to vector<16xi32>
    %and3A_189 = arith.constant 65535 : i32
    %and3A_190 = vector.broadcast %and3A_189 : i32 to vector<16xi32>
    %and3A_191 = arith.andi %get3A_188, %and3A_190 : vector<16xi32>
    %swap3A_192 = arith.constant 16 : index
    %swap3A_193 = tpu.vector_load %arg13[%swap3A_192] {strides = array<i32>} : memref<64xi32, #tpu.memory_space<vmem>>, vector<16xi32>,
    %swap3A_194 = vector.shape_cast %swap3A_193 : vector<16xi32> to vector<16xi32>
    %swap3A_195 = vector.shape_cast %and3A_191 : vector<16xi32> to vector<16xi32>
    tpu.vector_store %arg13[%swap3A_192], %swap3A_195 {strides = array<i32>} : memref<64xi32, #tpu.memory_space<vmem>>, vector<16xi32>,
    %shift_right_logical3A_196 = arith.constant 16 : i32
    %shift_right_logical3A_197 = vector.broadcast %shift_right_logical3A_196 : i32 to vector<16xi32>
    %shift_right_logical3A_198 = arith.shrui %get3A_188, %shift_right_logical3A_197 : vector<16xi32>
    %swap3A_199 = arith.constant 16 : index
    %swap3A_200 = tpu.vector_load %arg14[%swap3A_199] {strides = array<i32>} : memref<64xi32, #tpu.memory_space<vmem>>, vector<16xi32>,
    %swap3A_201 = vector.shape_cast %swap3A_200 : vector<16xi32> to vector<16xi32>
    %swap3A_202 = vector.shape_cast %shift_right_logical3A_198 : vector<16xi32> to vector<16xi32>
    tpu.vector_store %arg14[%swap3A_199], %swap3A_202 {strides = array<i32>} : memref<64xi32, #tpu.memory_space<vmem>>, vector<16xi32>,
    %get3A_203 = arith.constant 2 : i32
    %get3A_204 = arith.index_cast %get3A_203 : i32 to index
    %get3A_205 = arith.constant 32 : index
    %get3A_206 = tpu.vector_load %arg8[%get3A_204, %get3A_205] {strides = array<i32>} : memref<160x64xi32, #tpu.memory_space<vmem>>, vector<1x16xi32>,
    %get3A_207 = vector.shape_cast %get3A_206 : vector<1x16xi32> to vector<16xi32>
    %and3A_208 = arith.constant 65535 : i32
    %and3A_209 = vector.broadcast %and3A_208 : i32 to vector<16xi32>
    %and3A_210 = arith.andi %get3A_207, %and3A_209 : vector<16xi32>
    %swap3A_211 = arith.constant 32 : index
    %swap3A_212 = tpu.vector_load %arg13[%swap3A_211] {strides = array<i32>} : memref<64xi32, #tpu.memory_space<vmem>>, vector<16xi32>,
    %swap3A_213 = vector.shape_cast %swap3A_212 : vector<16xi32> to vector<16xi32>
    %swap3A_214 = vector.shape_cast %and3A_210 : vector<16xi32> to vector<16xi32>
    tpu.vector_store %arg13[%swap3A_211], %swap3A_214 {strides = array<i32>} : memref<64xi32, #tpu.memory_space<vmem>>, vector<16xi32>,
    %shift_right_logical3A_215 = arith.constant 16 : i32
    %shift_right_logical3A_216 = vector.broadcast %shift_right_logical3A_215 : i32 to vector<16xi32>
    %shift_right_logical3A_217 = arith.shrui %get3A_207, %shift_right_logical3A_216 : vector<16xi32>
    %swap3A_218 = arith.constant 32 : index
    %swap3A_219 = tpu.vector_load %arg14[%swap3A_218] {strides = array<i32>} : memref<64xi32, #tpu.memory_space<vmem>>, vector<16xi32>,
    %swap3A_220 = vector.shape_cast %swap3A_219 : vector<16xi32> to vector<16xi32>
    %swap3A_221 = vector.shape_cast %shift_right_logical3A_217 : vector<16xi32> to vector<16xi32>
    tpu.vector_store %arg14[%swap3A_218], %swap3A_221 {strides = array<i32>} : memref<64xi32, #tpu.memory_space<vmem>>, vector<16xi32>,
    %get3A_222 = arith.constant 2 : i32
    %get3A_223 = arith.index_cast %get3A_222 : i32 to index
    %get3A_224 = arith.constant 48 : index
    %get3A_225 = tpu.vector_load %arg8[%get3A_223, %get3A_224] {strides = array<i32>} : memref<160x64xi32, #tpu.memory_space<vmem>>, vector<1x16xi32>,
    %get3A_226 = vector.shape_cast %get3A_225 : vector<1x16xi32> to vector<16xi32>
    %and3A_227 = arith.constant 65535 : i32
    %and3A_228 = vector.broadcast %and3A_227 : i32 to vector<16xi32>
    %and3A_229 = arith.andi %get3A_226, %and3A_228 : vector<16xi32>
    %swap3A_230 = arith.constant 48 : index
    %swap3A_231 = tpu.vector_load %arg13[%swap3A_230] {strides = array<i32>} : memref<64xi32, #tpu.memory_space<vmem>>, vector<16xi32>,
    %swap3A_232 = vector.shape_cast %swap3A_231 : vector<16xi32> to vector<16xi32>
    %swap3A_233 = vector.shape_cast %and3A_229 : vector<16xi32> to vector<16xi32>
    tpu.vector_store %arg13[%swap3A_230], %swap3A_233 {strides = array<i32>} : memref<64xi32, #tpu.memory_space<vmem>>, vector<16xi32>,
    %shift_right_logical3A_234 = arith.constant 16 : i32
    %shift_right_logical3A_235 = vector.broadcast %shift_right_logical3A_234 : i32 to vector<16xi32>
    %shift_right_logical3A_236 = arith.shrui %get3A_226, %shift_right_logical3A_235 : vector<16xi32>
    %swap3A_237 = arith.constant 48 : index
    %swap3A_238 = tpu.vector_load %arg14[%swap3A_237] {strides = array<i32>} : memref<64xi32, #tpu.memory_space<vmem>>, vector<16xi32>,
    %swap3A_239 = vector.shape_cast %swap3A_238 : vector<16xi32> to vector<16xi32>
    %swap3A_240 = vector.shape_cast %shift_right_logical3A_236 : vector<16xi32> to vector<16xi32>
    tpu.vector_store %arg14[%swap3A_237], %swap3A_240 {strides = array<i32>} : memref<64xi32, #tpu.memory_space<vmem>>, vector<16xi32>,
    %dma_start3A_241 = arith.constant 0 : i32
    %dma_start3A_242 = arith.constant 0 : i32
    %dma_start3A_243 = tpu.memref_slice %arg2[%dma_start3A_241, %dma_start3A_242] : memref<10000x128xf32, #tpu.memory_space<hbm>> -> memref<10000x128xf32, #tpu.memory_space<hbm>>
    tpu.enqueue_indirect_dma source(%dma_start3A_243 : memref<10000x128xf32, #tpu.memory_space<hbm>>) target(%arg17 : memref<64x128xf32, #tpu.memory_space<vmem>>) offsets(%arg13 : memref<64xi32, #tpu.memory_space<vmem>>) semaphore(%arg21 : memref<!tpu.dma_semaphore, #tpu.memory_space<semaphore_mem>>)
    %scan3A_244 = arith.constant 0 : i32
    %scan3A_245 = arith.constant 0 : i32
    %scan3A_246 = arith.constant 52 : i32
    %scan3A_247 = arith.addi %scan3A_245, %scan3A_246 : i32
    %scan3A_248 = arith.constant 1 : i32
    scf.for %scan3A_352 = %scan3A_245 to %scan3A_247 step %scan3A_248  : i32 {
      %mul3A_353 = arith.constant 3 : i32
      %mul3A_354 = arith.muli %mul3A_353, %scan3A_352 : i32
      %dma_wait3A_355 = arith.constant 0 : i32
      %dma_wait3A_356 = arith.constant 0 : i32
      %dma_wait3A_357 = tpu.memref_slice %arg2[%dma_wait3A_355, %dma_wait3A_356] : memref<10000x128xf32, #tpu.memory_space<hbm>> -> memref<10000x128xf32, #tpu.memory_space<hbm>>
      tpu.wait_indirect_dma semaphore(%arg19 : memref<!tpu.dma_semaphore, #tpu.memory_space<semaphore_mem>>) src(%dma_wait3A_357 : memref<10000x128xf32, #tpu.memory_space<hbm>>) dst(%arg15 : memref<64x128xf32, #tpu.memory_space<vmem>>)
      "tpu.region"() ({
        %run_scoped3A = tpu.sem_alloc : memref<!tpu.dma_semaphore, #tpu.memory_space<semaphore_mem>>
        %dma_start3A_599 = arith.constant 0 : i32
        %dma_start3A_600 = arith.constant 0 : i32
        %dma_start3A_601 = tpu.memref_slice %arg22[%dma_start3A_599, %dma_start3A_600] : memref<10240x128xf32, #tpu.memory_space<vmem_shared>> -> memref<10240x128xf32, #tpu.memory_space<vmem_shared>>
        tpu.enqueue_indirect_dma source(%arg15 : memref<64x128xf32, #tpu.memory_space<vmem>>) target(%dma_start3A_601 : memref<10240x128xf32, #tpu.memory_space<vmem_shared>>) offsets(%arg10 : memref<64xi32, #tpu.memory_space<vmem>>) semaphore(%run_scoped3A : memref<!tpu.dma_semaphore, #tpu.memory_space<semaphore_mem>>) {add = true}
        %dma_wait3A_602 = arith.constant 0 : i32
        %dma_wait3A_603 = arith.constant 0 : i32
        %dma_wait3A_604 = tpu.memref_slice %arg22[%dma_wait3A_602, %dma_wait3A_603] : memref<10240x128xf32, #tpu.memory_space<vmem_shared>> -> memref<10240x128xf32, #tpu.memory_space<vmem_shared>>
        tpu.wait_indirect_dma semaphore(%run_scoped3A : memref<!tpu.dma_semaphore, #tpu.memory_space<semaphore_mem>>) src(%arg15 : memref<64x128xf32, #tpu.memory_space<vmem>>) dst(%dma_wait3A_604 : memref<10240x128xf32, #tpu.memory_space<vmem_shared>>)
        tpu.yield
      }) : () -> ()
      "tpu.region"() ({
        %run_scoped3A = tpu.sem_alloc : memref<!tpu.dma_semaphore, #tpu.memory_space<semaphore_mem>>
        %dma_start3A_599 = arith.constant 0 : i32
        %dma_start3A_600 = tpu.memref_slice %arg23[%dma_start3A_599] : memref<10240xf32, #tpu.memory_space<vmem_shared>> -> memref<10240xf32, #tpu.memory_space<vmem_shared>>
        tpu.enqueue_indirect_dma source(%arg18 : memref<64xf32, #tpu.memory_space<vmem>>) target(%dma_start3A_600 : memref<10240xf32, #tpu.memory_space<vmem_shared>>) offsets(%arg10 : memref<64xi32, #tpu.memory_space<vmem>>) semaphore(%run_scoped3A : memref<!tpu.dma_semaphore, #tpu.memory_space<semaphore_mem>>) {add = true}
        %dma_wait3A_601 = arith.constant 0 : i32
        %dma_wait3A_602 = tpu.memref_slice %arg23[%dma_wait3A_601] : memref<10240xf32, #tpu.memory_space<vmem_shared>> -> memref<10240xf32, #tpu.memory_space<vmem_shared>>
        tpu.wait_indirect_dma semaphore(%run_scoped3A : memref<!tpu.dma_semaphore, #tpu.memory_space<semaphore_mem>>) src(%arg18 : memref<64xf32, #tpu.memory_space<vmem>>) dst(%dma_wait3A_602 : memref<10240xf32, #tpu.memory_space<vmem_shared>>)
        tpu.yield
      }) : () -> ()
      %add3A_358 = arith.constant 3 : i32
      %add3A_359 = arith.addi %mul3A_354, %add3A_358 : i32
      %get3A_360 = arith.index_cast %add3A_359 : i32 to index
      %get3A_361 = arith.constant 0 : index
      %get3A_362 = tpu.vector_load %arg8[%get3A_360, %get3A_361] {strides = array<i32>} : memref<160x64xi32, #tpu.memory_space<vmem>>, vector<1x16xi32>,
      %get3A_363 = vector.shape_cast %get3A_362 : vector<1x16xi32> to vector<16xi32>
      %and3A_364 = arith.constant 65535 : i32
      %and3A_365 = vector.broadcast %and3A_364 : i32 to vector<16xi32>
      %and3A_366 = arith.andi %get3A_363, %and3A_365 : vector<16xi32>
      %swap3A_367 = arith.constant 0 : index
      %swap3A_368 = tpu.vector_load %arg9[%swap3A_367] {strides = array<i32>} : memref<64xi32, #tpu.memory_space<vmem>>, vector<16xi32>,
      %swap3A_369 = vector.shape_cast %swap3A_368 : vector<16xi32> to vector<16xi32>
      %swap3A_370 = vector.shape_cast %and3A_366 : vector<16xi32> to vector<16xi32>
      tpu.vector_store %arg9[%swap3A_367], %swap3A_370 {strides = array<i32>} : memref<64xi32, #tpu.memory_space<vmem>>, vector<16xi32>,
      %shift_right_logical3A_371 = arith.constant 16 : i32
      %shift_right_logical3A_372 = vector.broadcast %shift_right_logical3A_371 : i32 to vector<16xi32>
      %shift_right_logical3A_373 = arith.shrui %get3A_363, %shift_right_logical3A_372 : vector<16xi32>
      %swap3A_374 = arith.constant 0 : index
      %swap3A_375 = tpu.vector_load %arg10[%swap3A_374] {strides = array<i32>} : memref<64xi32, #tpu.memory_space<vmem>>, vector<16xi32>,
      %swap3A_376 = vector.shape_cast %swap3A_375 : vector<16xi32> to vector<16xi32>
      %swap3A_377 = vector.shape_cast %shift_right_logical3A_373 : vector<16xi32> to vector<16xi32>
      tpu.vector_store %arg10[%swap3A_374], %swap3A_377 {strides = array<i32>} : memref<64xi32, #tpu.memory_space<vmem>>, vector<16xi32>,
      %get3A_378 = arith.index_cast %add3A_359 : i32 to index
      %get3A_379 = arith.constant 16 : index
      %get3A_380 = tpu.vector_load %arg8[%get3A_378, %get3A_379] {strides = array<i32>} : memref<160x64xi32, #tpu.memory_space<vmem>>, vector<1x16xi32>,
      %get3A_381 = vector.shape_cast %get3A_380 : vector<1x16xi32> to vector<16xi32>
      %and3A_382 = arith.constant 65535 : i32
      %and3A_383 = vector.broadcast %and3A_382 : i32 to vector<16xi32>
      %and3A_384 = arith.andi %get3A_381, %and3A_383 : vector<16xi32>
      %swap3A_385 = arith.constant 16 : index
      %swap3A_386 = tpu.vector_load %arg9[%swap3A_385] {strides = array<i32>} : memref<64xi32, #tpu.memory_space<vmem>>, vector<16xi32>,
      %swap3A_387 = vector.shape_cast %swap3A_386 : vector<16xi32> to vector<16xi32>
      %swap3A_388 = vector.shape_cast %and3A_384 : vector<16xi32> to vector<16xi32>
      tpu.vector_store %arg9[%swap3A_385], %swap3A_388 {strides = array<i32>} : memref<64xi32, #tpu.memory_space<vmem>>, vector<16xi32>,
      %shift_right_logical3A_389 = arith.constant 16 : i32
      %shift_right_logical3A_390 = vector.broadcast %shift_right_logical3A_389 : i32 to vector<16xi32>
      %shift_right_logical3A_391 = arith.shrui %get3A_381, %shift_right_logical3A_390 : vector<16xi32>
      %swap3A_392 = arith.constant 16 : index
      %swap3A_393 = tpu.vector_load %arg10[%swap3A_392] {strides = array<i32>} : memref<64xi32, #tpu.memory_space<vmem>>, vector<16xi32>,
      %swap3A_394 = vector.shape_cast %swap3A_393 : vector<16xi32> to vector<16xi32>
      %swap3A_395 = vector.shape_cast %shift_right_logical3A_391 : vector<16xi32> to vector<16xi32>
      tpu.vector_store %arg10[%swap3A_392], %swap3A_395 {strides = array<i32>} : memref<64xi32, #tpu.memory_space<vmem>>, vector<16xi32>,
      %get3A_396 = arith.index_cast %add3A_359 : i32 to index
      %get3A_397 = arith.constant 32 : index
      %get3A_398 = tpu.vector_load %arg8[%get3A_396, %get3A_397] {strides = array<i32>} : memref<160x64xi32, #tpu.memory_space<vmem>>, vector<1x16xi32>,
      %get3A_399 = vector.shape_cast %get3A_398 : vector<1x16xi32> to vector<16xi32>
      %and3A_400 = arith.constant 65535 : i32
      %and3A_401 = vector.broadcast %and3A_400 : i32 to vector<16xi32>
      %and3A_402 = arith.andi %get3A_399, %and3A_401 : vector<16xi32>
      %swap3A_403 = arith.constant 32 : index
      %swap3A_404 = tpu.vector_load %arg9[%swap3A_403] {strides = array<i32>} : memref<64xi32, #tpu.memory_space<vmem>>, vector<16xi32>,
      %swap3A_405 = vector.shape_cast %swap3A_404 : vector<16xi32> to vector<16xi32>
      %swap3A_406 = vector.shape_cast %and3A_402 : vector<16xi32> to vector<16xi32>
      tpu.vector_store %arg9[%swap3A_403], %swap3A_406 {strides = array<i32>} : memref<64xi32, #tpu.memory_space<vmem>>, vector<16xi32>,
      %shift_right_logical3A_407 = arith.constant 16 : i32
      %shift_right_logical3A_408 = vector.broadcast %shift_right_logical3A_407 : i32 to vector<16xi32>
      %shift_right_logical3A_409 = arith.shrui %get3A_399, %shift_right_logical3A_408 : vector<16xi32>
      %swap3A_410 = arith.constant 32 : index
      %swap3A_411 = tpu.vector_load %arg10[%swap3A_410] {strides = array<i32>} : memref<64xi32, #tpu.memory_space<vmem>>, vector<16xi32>,
      %swap3A_412 = vector.shape_cast %swap3A_411 : vector<16xi32> to vector<16xi32>
      %swap3A_413 = vector.shape_cast %shift_right_logical3A_409 : vector<16xi32> to vector<16xi32>
      tpu.vector_store %arg10[%swap3A_410], %swap3A_413 {strides = array<i32>} : memref<64xi32, #tpu.memory_space<vmem>>, vector<16xi32>,
      %get3A_414 = arith.index_cast %add3A_359 : i32 to index
      %get3A_415 = arith.constant 48 : index
      %get3A_416 = tpu.vector_load %arg8[%get3A_414, %get3A_415] {strides = array<i32>} : memref<160x64xi32, #tpu.memory_space<vmem>>, vector<1x16xi32>,
      %get3A_417 = vector.shape_cast %get3A_416 : vector<1x16xi32> to vector<16xi32>
      %and3A_418 = arith.constant 65535 : i32
      %and3A_419 = vector.broadcast %and3A_418 : i32 to vector<16xi32>
      %and3A_420 = arith.andi %get3A_417, %and3A_419 : vector<16xi32>
      %swap3A_421 = arith.constant 48 : index
      %swap3A_422 = tpu.vector_load %arg9[%swap3A_421] {strides = array<i32>} : memref<64xi32, #tpu.memory_space<vmem>>, vector<16xi32>,
      %swap3A_423 = vector.shape_cast %swap3A_422 : vector<16xi32> to vector<16xi32>
      %swap3A_424 = vector.shape_cast %and3A_420 : vector<16xi32> to vector<16xi32>
      tpu.vector_store %arg9[%swap3A_421], %swap3A_424 {strides = array<i32>} : memref<64xi32, #tpu.memory_space<vmem>>, vector<16xi32>,
      %shift_right_logical3A_425 = arith.constant 16 : i32
      %shift_right_logical3A_426 = vector.broadcast %shift_right_logical3A_425 : i32 to vector<16xi32>
      %shift_right_logical3A_427 = arith.shrui %get3A_417, %shift_right_logical3A_426 : vector<16xi32>
      %swap3A_428 = arith.constant 48 : index
      %swap3A_429 = tpu.vector_load %arg10[%swap3A_428] {strides = array<i32>} : memref<64xi32, #tpu.memory_space<vmem>>, vector<16xi32>,
      %swap3A_430 = vector.shape_cast %swap3A_429 : vector<16xi32> to vector<16xi32>
      %swap3A_431 = vector.shape_cast %shift_right_logical3A_427 : vector<16xi32> to vector<16xi32>
      tpu.vector_store %arg10[%swap3A_428], %swap3A_431 {strides = array<i32>} : memref<64xi32, #tpu.memory_space<vmem>>, vector<16xi32>,
      %dma_start3A_432 = arith.constant 0 : i32
      %dma_start3A_433 = arith.constant 0 : i32
      %dma_start3A_434 = tpu.memref_slice %arg2[%dma_start3A_432, %dma_start3A_433] : memref<10000x128xf32, #tpu.memory_space<hbm>> -> memref<10000x128xf32, #tpu.memory_space<hbm>>
      tpu.enqueue_indirect_dma source(%dma_start3A_434 : memref<10000x128xf32, #tpu.memory_space<hbm>>) target(%arg15 : memref<64x128xf32, #tpu.memory_space<vmem>>) offsets(%arg9 : memref<64xi32, #tpu.memory_space<vmem>>) semaphore(%arg19 : memref<!tpu.dma_semaphore, #tpu.memory_space<semaphore_mem>>)
      %add3A_435 = arith.constant 1 : i32
      %add3A_436 = arith.addi %mul3A_354, %add3A_435 : i32
      %dma_wait3A_437 = arith.constant 0 : i32
      %dma_wait3A_438 = arith.constant 0 : i32
      %dma_wait3A_439 = tpu.memref_slice %arg2[%dma_wait3A_437, %dma_wait3A_438] : memref<10000x128xf32, #tpu.memory_space<hbm>> -> memref<10000x128xf32, #tpu.memory_space<hbm>>
      tpu.wait_indirect_dma semaphore(%arg20 : memref<!tpu.dma_semaphore, #tpu.memory_space<semaphore_mem>>) src(%dma_wait3A_439 : memref<10000x128xf32, #tpu.memory_space<hbm>>) dst(%arg16 : memref<64x128xf32, #tpu.memory_space<vmem>>)
      "tpu.region"() ({
        %run_scoped3A = tpu.sem_alloc : memref<!tpu.dma_semaphore, #tpu.memory_space<semaphore_mem>>
        %dma_start3A_599 = arith.constant 0 : i32
        %dma_start3A_600 = arith.constant 0 : i32
        %dma_start3A_601 = tpu.memref_slice %arg22[%dma_start3A_599, %dma_start3A_600] : memref<10240x128xf32, #tpu.memory_space<vmem_shared>> -> memref<10240x128xf32, #tpu.memory_space<vmem_shared>>
        tpu.enqueue_indirect_dma source(%arg16 : memref<64x128xf32, #tpu.memory_space<vmem>>) target(%dma_start3A_601 : memref<10240x128xf32, #tpu.memory_space<vmem_shared>>) offsets(%arg12 : memref<64xi32, #tpu.memory_space<vmem>>) semaphore(%run_scoped3A : memref<!tpu.dma_semaphore, #tpu.memory_space<semaphore_mem>>) {add = true}
        %dma_wait3A_602 = arith.constant 0 : i32
        %dma_wait3A_603 = arith.constant 0 : i32
        %dma_wait3A_604 = tpu.memref_slice %arg22[%dma_wait3A_602, %dma_wait3A_603] : memref<10240x128xf32, #tpu.memory_space<vmem_shared>> -> memref<10240x128xf32, #tpu.memory_space<vmem_shared>>
        tpu.wait_indirect_dma semaphore(%run_scoped3A : memref<!tpu.dma_semaphore, #tpu.memory_space<semaphore_mem>>) src(%arg16 : memref<64x128xf32, #tpu.memory_space<vmem>>) dst(%dma_wait3A_604 : memref<10240x128xf32, #tpu.memory_space<vmem_shared>>)
        tpu.yield
      }) : () -> ()
      "tpu.region"() ({
        %run_scoped3A = tpu.sem_alloc : memref<!tpu.dma_semaphore, #tpu.memory_space<semaphore_mem>>
        %dma_start3A_599 = arith.constant 0 : i32
        %dma_start3A_600 = tpu.memref_slice %arg23[%dma_start3A_599] : memref<10240xf32, #tpu.memory_space<vmem_shared>> -> memref<10240xf32, #tpu.memory_space<vmem_shared>>
        tpu.enqueue_indirect_dma source(%arg18 : memref<64xf32, #tpu.memory_space<vmem>>) target(%dma_start3A_600 : memref<10240xf32, #tpu.memory_space<vmem_shared>>) offsets(%arg12 : memref<64xi32, #tpu.memory_space<vmem>>) semaphore(%run_scoped3A : memref<!tpu.dma_semaphore, #tpu.memory_space<semaphore_mem>>) {add = true}
        %dma_wait3A_601 = arith.constant 0 : i32
        %dma_wait3A_602 = tpu.memref_slice %arg23[%dma_wait3A_601] : memref<10240xf32, #tpu.memory_space<vmem_shared>> -> memref<10240xf32, #tpu.memory_space<vmem_shared>>
        tpu.wait_indirect_dma semaphore(%run_scoped3A : memref<!tpu.dma_semaphore, #tpu.memory_space<semaphore_mem>>) src(%arg18 : memref<64xf32, #tpu.memory_space<vmem>>) dst(%dma_wait3A_602 : memref<10240xf32, #tpu.memory_space<vmem_shared>>)
        tpu.yield
      }) : () -> ()
      %add3A_440 = arith.constant 3 : i32
      %add3A_441 = arith.addi %add3A_436, %add3A_440 : i32
      %get3A_442 = arith.index_cast %add3A_441 : i32 to index
      %get3A_443 = arith.constant 0 : index
      %get3A_444 = tpu.vector_load %arg8[%get3A_442, %get3A_443] {strides = array<i32>} : memref<160x64xi32, #tpu.memory_space<vmem>>, vector<1x16xi32>,
      %get3A_445 = vector.shape_cast %get3A_444 : vector<1x16xi32> to vector<16xi32>
      %and3A_446 = arith.constant 65535 : i32
      %and3A_447 = vector.broadcast %and3A_446 : i32 to vector<16xi32>
      %and3A_448 = arith.andi %get3A_445, %and3A_447 : vector<16xi32>
      %swap3A_449 = arith.constant 0 : index
      %swap3A_450 = tpu.vector_load %arg11[%swap3A_449] {strides = array<i32>} : memref<64xi32, #tpu.memory_space<vmem>>, vector<16xi32>,
      %swap3A_451 = vector.shape_cast %swap3A_450 : vector<16xi32> to vector<16xi32>
      %swap3A_452 = vector.shape_cast %and3A_448 : vector<16xi32> to vector<16xi32>
      tpu.vector_store %arg11[%swap3A_449], %swap3A_452 {strides = array<i32>} : memref<64xi32, #tpu.memory_space<vmem>>, vector<16xi32>,
      %shift_right_logical3A_453 = arith.constant 16 : i32
      %shift_right_logical3A_454 = vector.broadcast %shift_right_logical3A_453 : i32 to vector<16xi32>
      %shift_right_logical3A_455 = arith.shrui %get3A_445, %shift_right_logical3A_454 : vector<16xi32>
      %swap3A_456 = arith.constant 0 : index
      %swap3A_457 = tpu.vector_load %arg12[%swap3A_456] {strides = array<i32>} : memref<64xi32, #tpu.memory_space<vmem>>, vector<16xi32>,
      %swap3A_458 = vector.shape_cast %swap3A_457 : vector<16xi32> to vector<16xi32>
      %swap3A_459 = vector.shape_cast %shift_right_logical3A_455 : vector<16xi32> to vector<16xi32>
      tpu.vector_store %arg12[%swap3A_456], %swap3A_459 {strides = array<i32>} : memref<64xi32, #tpu.memory_space<vmem>>, vector<16xi32>,
      %get3A_460 = arith.index_cast %add3A_441 : i32 to index
      %get3A_461 = arith.constant 16 : index
      %get3A_462 = tpu.vector_load %arg8[%get3A_460, %get3A_461] {strides = array<i32>} : memref<160x64xi32, #tpu.memory_space<vmem>>, vector<1x16xi32>,
      %get3A_463 = vector.shape_cast %get3A_462 : vector<1x16xi32> to vector<16xi32>
      %and3A_464 = arith.constant 65535 : i32
      %and3A_465 = vector.broadcast %and3A_464 : i32 to vector<16xi32>
      %and3A_466 = arith.andi %get3A_463, %and3A_465 : vector<16xi32>
      %swap3A_467 = arith.constant 16 : index
      %swap3A_468 = tpu.vector_load %arg11[%swap3A_467] {strides = array<i32>} : memref<64xi32, #tpu.memory_space<vmem>>, vector<16xi32>,
      %swap3A_469 = vector.shape_cast %swap3A_468 : vector<16xi32> to vector<16xi32>
      %swap3A_470 = vector.shape_cast %and3A_466 : vector<16xi32> to vector<16xi32>
      tpu.vector_store %arg11[%swap3A_467], %swap3A_470 {strides = array<i32>} : memref<64xi32, #tpu.memory_space<vmem>>, vector<16xi32>,
      %shift_right_logical3A_471 = arith.constant 16 : i32
      %shift_right_logical3A_472 = vector.broadcast %shift_right_logical3A_471 : i32 to vector<16xi32>
      %shift_right_logical3A_473 = arith.shrui %get3A_463, %shift_right_logical3A_472 : vector<16xi32>
      %swap3A_474 = arith.constant 16 : index
      %swap3A_475 = tpu.vector_load %arg12[%swap3A_474] {strides = array<i32>} : memref<64xi32, #tpu.memory_space<vmem>>, vector<16xi32>,
      %swap3A_476 = vector.shape_cast %swap3A_475 : vector<16xi32> to vector<16xi32>
      %swap3A_477 = vector.shape_cast %shift_right_logical3A_473 : vector<16xi32> to vector<16xi32>
      tpu.vector_store %arg12[%swap3A_474], %swap3A_477 {strides = array<i32>} : memref<64xi32, #tpu.memory_space<vmem>>, vector<16xi32>,
      %get3A_478 = arith.index_cast %add3A_441 : i32 to index
      %get3A_479 = arith.constant 32 : index
      %get3A_480 = tpu.vector_load %arg8[%get3A_478, %get3A_479] {strides = array<i32>} : memref<160x64xi32, #tpu.memory_space<vmem>>, vector<1x16xi32>,
      %get3A_481 = vector.shape_cast %get3A_480 : vector<1x16xi32> to vector<16xi32>
      %and3A_482 = arith.constant 65535 : i32
      %and3A_483 = vector.broadcast %and3A_482 : i32 to vector<16xi32>
      %and3A_484 = arith.andi %get3A_481, %and3A_483 : vector<16xi32>
      %swap3A_485 = arith.constant 32 : index
      %swap3A_486 = tpu.vector_load %arg11[%swap3A_485] {strides = array<i32>} : memref<64xi32, #tpu.memory_space<vmem>>, vector<16xi32>,
      %swap3A_487 = vector.shape_cast %swap3A_486 : vector<16xi32> to vector<16xi32>
      %swap3A_488 = vector.shape_cast %and3A_484 : vector<16xi32> to vector<16xi32>
      tpu.vector_store %arg11[%swap3A_485], %swap3A_488 {strides = array<i32>} : memref<64xi32, #tpu.memory_space<vmem>>, vector<16xi32>,
      %shift_right_logical3A_489 = arith.constant 16 : i32
      %shift_right_logical3A_490 = vector.broadcast %shift_right_logical3A_489 : i32 to vector<16xi32>
      %shift_right_logical3A_491 = arith.shrui %get3A_481, %shift_right_logical3A_490 : vector<16xi32>
      %swap3A_492 = arith.constant 32 : index
      %swap3A_493 = tpu.vector_load %arg12[%swap3A_492] {strides = array<i32>} : memref<64xi32, #tpu.memory_space<vmem>>, vector<16xi32>,
      %swap3A_494 = vector.shape_cast %swap3A_493 : vector<16xi32> to vector<16xi32>
      %swap3A_495 = vector.shape_cast %shift_right_logical3A_491 : vector<16xi32> to vector<16xi32>
      tpu.vector_store %arg12[%swap3A_492], %swap3A_495 {strides = array<i32>} : memref<64xi32, #tpu.memory_space<vmem>>, vector<16xi32>,
      %get3A_496 = arith.index_cast %add3A_441 : i32 to index
      %get3A_497 = arith.constant 48 : index
      %get3A_498 = tpu.vector_load %arg8[%get3A_496, %get3A_497] {strides = array<i32>} : memref<160x64xi32, #tpu.memory_space<vmem>>, vector<1x16xi32>,
      %get3A_499 = vector.shape_cast %get3A_498 : vector<1x16xi32> to vector<16xi32>
      %and3A_500 = arith.constant 65535 : i32
      %and3A_501 = vector.broadcast %and3A_500 : i32 to vector<16xi32>
      %and3A_502 = arith.andi %get3A_499, %and3A_501 : vector<16xi32>
      %swap3A_503 = arith.constant 48 : index
      %swap3A_504 = tpu.vector_load %arg11[%swap3A_503] {strides = array<i32>} : memref<64xi32, #tpu.memory_space<vmem>>, vector<16xi32>,
      %swap3A_505 = vector.shape_cast %swap3A_504 : vector<16xi32> to vector<16xi32>
      %swap3A_506 = vector.shape_cast %and3A_502 : vector<16xi32> to vector<16xi32>
      tpu.vector_store %arg11[%swap3A_503], %swap3A_506 {strides = array<i32>} : memref<64xi32, #tpu.memory_space<vmem>>, vector<16xi32>,
      %shift_right_logical3A_507 = arith.constant 16 : i32
      %shift_right_logical3A_508 = vector.broadcast %shift_right_logical3A_507 : i32 to vector<16xi32>
      %shift_right_logical3A_509 = arith.shrui %get3A_499, %shift_right_logical3A_508 : vector<16xi32>
      %swap3A_510 = arith.constant 48 : index
      %swap3A_511 = tpu.vector_load %arg12[%swap3A_510] {strides = array<i32>} : memref<64xi32, #tpu.memory_space<vmem>>, vector<16xi32>,
      %swap3A_512 = vector.shape_cast %swap3A_511 : vector<16xi32> to vector<16xi32>
      %swap3A_513 = vector.shape_cast %shift_right_logical3A_509 : vector<16xi32> to vector<16xi32>
      tpu.vector_store %arg12[%swap3A_510], %swap3A_513 {strides = array<i32>} : memref<64xi32, #tpu.memory_space<vmem>>, vector<16xi32>,
      %dma_start3A_514 = arith.constant 0 : i32
      %dma_start3A_515 = arith.constant 0 : i32
      %dma_start3A_516 = tpu.memref_slice %arg2[%dma_start3A_514, %dma_start3A_515] : memref<10000x128xf32, #tpu.memory_space<hbm>> -> memref<10000x128xf32, #tpu.memory_space<hbm>>
      tpu.enqueue_indirect_dma source(%dma_start3A_516 : memref<10000x128xf32, #tpu.memory_space<hbm>>) target(%arg16 : memref<64x128xf32, #tpu.memory_space<vmem>>) offsets(%arg11 : memref<64xi32, #tpu.memory_space<vmem>>) semaphore(%arg20 : memref<!tpu.dma_semaphore, #tpu.memory_space<semaphore_mem>>)
      %add3A_517 = arith.constant 2 : i32
      %add3A_518 = arith.addi %mul3A_354, %add3A_517 : i32
      %dma_wait3A_519 = arith.constant 0 : i32
      %dma_wait3A_520 = arith.constant 0 : i32
      %dma_wait3A_521 = tpu.memref_slice %arg2[%dma_wait3A_519, %dma_wait3A_520] : memref<10000x128xf32, #tpu.memory_space<hbm>> -> memref<10000x128xf32, #tpu.memory_space<hbm>>
      tpu.wait_indirect_dma semaphore(%arg21 : memref<!tpu.dma_semaphore, #tpu.memory_space<semaphore_mem>>) src(%dma_wait3A_521 : memref<10000x128xf32, #tpu.memory_space<hbm>>) dst(%arg17 : memref<64x128xf32, #tpu.memory_space<vmem>>)
      "tpu.region"() ({
        %run_scoped3A = tpu.sem_alloc : memref<!tpu.dma_semaphore, #tpu.memory_space<semaphore_mem>>
        %dma_start3A_599 = arith.constant 0 : i32
        %dma_start3A_600 = arith.constant 0 : i32
        %dma_start3A_601 = tpu.memref_slice %arg22[%dma_start3A_599, %dma_start3A_600] : memref<10240x128xf32, #tpu.memory_space<vmem_shared>> -> memref<10240x128xf32, #tpu.memory_space<vmem_shared>>
        tpu.enqueue_indirect_dma source(%arg17 : memref<64x128xf32, #tpu.memory_space<vmem>>) target(%dma_start3A_601 : memref<10240x128xf32, #tpu.memory_space<vmem_shared>>) offsets(%arg14 : memref<64xi32, #tpu.memory_space<vmem>>) semaphore(%run_scoped3A : memref<!tpu.dma_semaphore, #tpu.memory_space<semaphore_mem>>) {add = true}
        %dma_wait3A_602 = arith.constant 0 : i32
        %dma_wait3A_603 = arith.constant 0 : i32
        %dma_wait3A_604 = tpu.memref_slice %arg22[%dma_wait3A_602, %dma_wait3A_603] : memref<10240x128xf32, #tpu.memory_space<vmem_shared>> -> memref<10240x128xf32, #tpu.memory_space<vmem_shared>>
        tpu.wait_indirect_dma semaphore(%run_scoped3A : memref<!tpu.dma_semaphore, #tpu.memory_space<semaphore_mem>>) src(%arg17 : memref<64x128xf32, #tpu.memory_space<vmem>>) dst(%dma_wait3A_604 : memref<10240x128xf32, #tpu.memory_space<vmem_shared>>)
        tpu.yield
      }) : () -> ()
      "tpu.region"() ({
        %run_scoped3A = tpu.sem_alloc : memref<!tpu.dma_semaphore, #tpu.memory_space<semaphore_mem>>
        %dma_start3A_599 = arith.constant 0 : i32
        %dma_start3A_600 = tpu.memref_slice %arg23[%dma_start3A_599] : memref<10240xf32, #tpu.memory_space<vmem_shared>> -> memref<10240xf32, #tpu.memory_space<vmem_shared>>
        tpu.enqueue_indirect_dma source(%arg18 : memref<64xf32, #tpu.memory_space<vmem>>) target(%dma_start3A_600 : memref<10240xf32, #tpu.memory_space<vmem_shared>>) offsets(%arg14 : memref<64xi32, #tpu.memory_space<vmem>>) semaphore(%run_scoped3A : memref<!tpu.dma_semaphore, #tpu.memory_space<semaphore_mem>>) {add = true}
        %dma_wait3A_601 = arith.constant 0 : i32
        %dma_wait3A_602 = tpu.memref_slice %arg23[%dma_wait3A_601] : memref<10240xf32, #tpu.memory_space<vmem_shared>> -> memref<10240xf32, #tpu.memory_space<vmem_shared>>
        tpu.wait_indirect_dma semaphore(%run_scoped3A : memref<!tpu.dma_semaphore, #tpu.memory_space<semaphore_mem>>) src(%arg18 : memref<64xf32, #tpu.memory_space<vmem>>) dst(%dma_wait3A_602 : memref<10240xf32, #tpu.memory_space<vmem_shared>>)
        tpu.yield
      }) : () -> ()
      %add3A_522 = arith.constant 3 : i32
      %add3A_523 = arith.addi %add3A_518, %add3A_522 : i32
      %get3A_524 = arith.index_cast %add3A_523 : i32 to index
      %get3A_525 = arith.constant 0 : index
      %get3A_526 = tpu.vector_load %arg8[%get3A_524, %get3A_525] {strides = array<i32>} : memref<160x64xi32, #tpu.memory_space<vmem>>, vector<1x16xi32>,
      %get3A_527 = vector.shape_cast %get3A_526 : vector<1x16xi32> to vector<16xi32>
      %and3A_528 = arith.constant 65535 : i32
      %and3A_529 = vector.broadcast %and3A_528 : i32 to vector<16xi32>
      %and3A_530 = arith.andi %get3A_527, %and3A_529 : vector<16xi32>
      %swap3A_531 = arith.constant 0 : index
      %swap3A_532 = tpu.vector_load %arg13[%swap3A_531] {strides = array<i32>} : memref<64xi32, #tpu.memory_space<vmem>>, vector<16xi32>,
      %swap3A_533 = vector.shape_cast %swap3A_532 : vector<16xi32> to vector<16xi32>
      %swap3A_534 = vector.shape_cast %and3A_530 : vector<16xi32> to vector<16xi32>
      tpu.vector_store %arg13[%swap3A_531], %swap3A_534 {strides = array<i32>} : memref<64xi32, #tpu.memory_space<vmem>>, vector<16xi32>,
      %shift_right_logical3A_535 = arith.constant 16 : i32
      %shift_right_logical3A_536 = vector.broadcast %shift_right_logical3A_535 : i32 to vector<16xi32>
      %shift_right_logical3A_537 = arith.shrui %get3A_527, %shift_right_logical3A_536 : vector<16xi32>
      %swap3A_538 = arith.constant 0 : index
      %swap3A_539 = tpu.vector_load %arg14[%swap3A_538] {strides = array<i32>} : memref<64xi32, #tpu.memory_space<vmem>>, vector<16xi32>,
      %swap3A_540 = vector.shape_cast %swap3A_539 : vector<16xi32> to vector<16xi32>
      %swap3A_541 = vector.shape_cast %shift_right_logical3A_537 : vector<16xi32> to vector<16xi32>
      tpu.vector_store %arg14[%swap3A_538], %swap3A_541 {strides = array<i32>} : memref<64xi32, #tpu.memory_space<vmem>>, vector<16xi32>,
      %get3A_542 = arith.index_cast %add3A_523 : i32 to index
      %get3A_543 = arith.constant 16 : index
      %get3A_544 = tpu.vector_load %arg8[%get3A_542, %get3A_543] {strides = array<i32>} : memref<160x64xi32, #tpu.memory_space<vmem>>, vector<1x16xi32>,
      %get3A_545 = vector.shape_cast %get3A_544 : vector<1x16xi32> to vector<16xi32>
      %and3A_546 = arith.constant 65535 : i32
      %and3A_547 = vector.broadcast %and3A_546 : i32 to vector<16xi32>
      %and3A_548 = arith.andi %get3A_545, %and3A_547 : vector<16xi32>
      %swap3A_549 = arith.constant 16 : index
      %swap3A_550 = tpu.vector_load %arg13[%swap3A_549] {strides = array<i32>} : memref<64xi32, #tpu.memory_space<vmem>>, vector<16xi32>,
      %swap3A_551 = vector.shape_cast %swap3A_550 : vector<16xi32> to vector<16xi32>
      %swap3A_552 = vector.shape_cast %and3A_548 : vector<16xi32> to vector<16xi32>
      tpu.vector_store %arg13[%swap3A_549], %swap3A_552 {strides = array<i32>} : memref<64xi32, #tpu.memory_space<vmem>>, vector<16xi32>,
      %shift_right_logical3A_553 = arith.constant 16 : i32
      %shift_right_logical3A_554 = vector.broadcast %shift_right_logical3A_553 : i32 to vector<16xi32>
      %shift_right_logical3A_555 = arith.shrui %get3A_545, %shift_right_logical3A_554 : vector<16xi32>
      %swap3A_556 = arith.constant 16 : index
      %swap3A_557 = tpu.vector_load %arg14[%swap3A_556] {strides = array<i32>} : memref<64xi32, #tpu.memory_space<vmem>>, vector<16xi32>,
      %swap3A_558 = vector.shape_cast %swap3A_557 : vector<16xi32> to vector<16xi32>
      %swap3A_559 = vector.shape_cast %shift_right_logical3A_555 : vector<16xi32> to vector<16xi32>
      tpu.vector_store %arg14[%swap3A_556], %swap3A_559 {strides = array<i32>} : memref<64xi32, #tpu.memory_space<vmem>>, vector<16xi32>,
      %get3A_560 = arith.index_cast %add3A_523 : i32 to index
      %get3A_561 = arith.constant 32 : index
      %get3A_562 = tpu.vector_load %arg8[%get3A_560, %get3A_561] {strides = array<i32>} : memref<160x64xi32, #tpu.memory_space<vmem>>, vector<1x16xi32>,
      %get3A_563 = vector.shape_cast %get3A_562 : vector<1x16xi32> to vector<16xi32>
      %and3A_564 = arith.constant 65535 : i32
      %and3A_565 = vector.broadcast %and3A_564 : i32 to vector<16xi32>
      %and3A_566 = arith.andi %get3A_563, %and3A_565 : vector<16xi32>
      %swap3A_567 = arith.constant 32 : index
      %swap3A_568 = tpu.vector_load %arg13[%swap3A_567] {strides = array<i32>} : memref<64xi32, #tpu.memory_space<vmem>>, vector<16xi32>,
      %swap3A_569 = vector.shape_cast %swap3A_568 : vector<16xi32> to vector<16xi32>
      %swap3A_570 = vector.shape_cast %and3A_566 : vector<16xi32> to vector<16xi32>
      tpu.vector_store %arg13[%swap3A_567], %swap3A_570 {strides = array<i32>} : memref<64xi32, #tpu.memory_space<vmem>>, vector<16xi32>,
      %shift_right_logical3A_571 = arith.constant 16 : i32
      %shift_right_logical3A_572 = vector.broadcast %shift_right_logical3A_571 : i32 to vector<16xi32>
      %shift_right_logical3A_573 = arith.shrui %get3A_563, %shift_right_logical3A_572 : vector<16xi32>
      %swap3A_574 = arith.constant 32 : index
      %swap3A_575 = tpu.vector_load %arg14[%swap3A_574] {strides = array<i32>} : memref<64xi32, #tpu.memory_space<vmem>>, vector<16xi32>,
      %swap3A_576 = vector.shape_cast %swap3A_575 : vector<16xi32> to vector<16xi32>
      %swap3A_577 = vector.shape_cast %shift_right_logical3A_573 : vector<16xi32> to vector<16xi32>
      tpu.vector_store %arg14[%swap3A_574], %swap3A_577 {strides = array<i32>} : memref<64xi32, #tpu.memory_space<vmem>>, vector<16xi32>,
      %get3A_578 = arith.index_cast %add3A_523 : i32 to index
      %get3A_579 = arith.constant 48 : index
      %get3A_580 = tpu.vector_load %arg8[%get3A_578, %get3A_579] {strides = array<i32>} : memref<160x64xi32, #tpu.memory_space<vmem>>, vector<1x16xi32>,
      %get3A_581 = vector.shape_cast %get3A_580 : vector<1x16xi32> to vector<16xi32>
      %and3A_582 = arith.constant 65535 : i32
      %and3A_583 = vector.broadcast %and3A_582 : i32 to vector<16xi32>
      %and3A_584 = arith.andi %get3A_581, %and3A_583 : vector<16xi32>
      %swap3A_585 = arith.constant 48 : index
      %swap3A_586 = tpu.vector_load %arg13[%swap3A_585] {strides = array<i32>} : memref<64xi32, #tpu.memory_space<vmem>>, vector<16xi32>,
      %swap3A_587 = vector.shape_cast %swap3A_586 : vector<16xi32> to vector<16xi32>
      %swap3A_588 = vector.shape_cast %and3A_584 : vector<16xi32> to vector<16xi32>
      tpu.vector_store %arg13[%swap3A_585], %swap3A_588 {strides = array<i32>} : memref<64xi32, #tpu.memory_space<vmem>>, vector<16xi32>,
      %shift_right_logical3A_589 = arith.constant 16 : i32
      %shift_right_logical3A_590 = vector.broadcast %shift_right_logical3A_589 : i32 to vector<16xi32>
      %shift_right_logical3A_591 = arith.shrui %get3A_581, %shift_right_logical3A_590 : vector<16xi32>
      %swap3A_592 = arith.constant 48 : index
      %swap3A_593 = tpu.vector_load %arg14[%swap3A_592] {strides = array<i32>} : memref<64xi32, #tpu.memory_space<vmem>>, vector<16xi32>,
      %swap3A_594 = vector.shape_cast %swap3A_593 : vector<16xi32> to vector<16xi32>
      %swap3A_595 = vector.shape_cast %shift_right_logical3A_591 : vector<16xi32> to vector<16xi32>
      tpu.vector_store %arg14[%swap3A_592], %swap3A_595 {strides = array<i32>} : memref<64xi32, #tpu.memory_space<vmem>>, vector<16xi32>,
      %dma_start3A_596 = arith.constant 0 : i32
      %dma_start3A_597 = arith.constant 0 : i32
      %dma_start3A_598 = tpu.memref_slice %arg2[%dma_start3A_596, %dma_start3A_597] : memref<10000x128xf32, #tpu.memory_space<hbm>> -> memref<10000x128xf32, #tpu.memory_space<hbm>>
      tpu.enqueue_indirect_dma source(%dma_start3A_598 : memref<10000x128xf32, #tpu.memory_space<hbm>>) target(%arg17 : memref<64x128xf32, #tpu.memory_space<vmem>>) offsets(%arg13 : memref<64xi32, #tpu.memory_space<vmem>>) semaphore(%arg21 : memref<!tpu.dma_semaphore, #tpu.memory_space<semaphore_mem>>)
    }
    %scan3A_249 = arith.constant 52 : i32
    %dma_wait3A = arith.constant 0 : i32
    %dma_wait3A_250 = arith.constant 0 : i32
    %dma_wait3A_251 = tpu.memref_slice %arg2[%dma_wait3A, %dma_wait3A_250] : memref<10000x128xf32, #tpu.memory_space<hbm>> -> memref<10000x128xf32, #tpu.memory_space<hbm>>
    tpu.wait_indirect_dma semaphore(%arg19 : memref<!tpu.dma_semaphore, #tpu.memory_space<semaphore_mem>>) src(%dma_wait3A_251 : memref<10000x128xf32, #tpu.memory_space<hbm>>) dst(%arg15 : memref<64x128xf32, #tpu.memory_space<vmem>>)
    "tpu.region"() ({
      %run_scoped3A = tpu.sem_alloc : memref<!tpu.dma_semaphore, #tpu.memory_space<semaphore_mem>>
      %dma_start3A_352 = arith.constant 0 : i32
      %dma_start3A_353 = arith.constant 0 : i32
      %dma_start3A_354 = tpu.memref_slice %arg22[%dma_start3A_352, %dma_start3A_353] : memref<10240x128xf32, #tpu.memory_space<vmem_shared>> -> memref<10240x128xf32, #tpu.memory_space<vmem_shared>>
      tpu.enqueue_indirect_dma source(%arg15 : memref<64x128xf32, #tpu.memory_space<vmem>>) target(%dma_start3A_354 : memref<10240x128xf32, #tpu.memory_space<vmem_shared>>) offsets(%arg10 : memref<64xi32, #tpu.memory_space<vmem>>) semaphore(%run_scoped3A : memref<!tpu.dma_semaphore, #tpu.memory_space<semaphore_mem>>) {add = true}
      %dma_wait3A_355 = arith.constant 0 : i32
      %dma_wait3A_356 = arith.constant 0 : i32
      %dma_wait3A_357 = tpu.memref_slice %arg22[%dma_wait3A_355, %dma_wait3A_356] : memref<10240x128xf32, #tpu.memory_space<vmem_shared>> -> memref<10240x128xf32, #tpu.memory_space<vmem_shared>>
      tpu.wait_indirect_dma semaphore(%run_scoped3A : memref<!tpu.dma_semaphore, #tpu.memory_space<semaphore_mem>>) src(%arg15 : memref<64x128xf32, #tpu.memory_space<vmem>>) dst(%dma_wait3A_357 : memref<10240x128xf32, #tpu.memory_space<vmem_shared>>)
      tpu.yield
    }) : () -> ()
    "tpu.region"() ({
      %run_scoped3A = tpu.sem_alloc : memref<!tpu.dma_semaphore, #tpu.memory_space<semaphore_mem>>
      %dma_start3A_352 = arith.constant 0 : i32
      %dma_start3A_353 = tpu.memref_slice %arg23[%dma_start3A_352] : memref<10240xf32, #tpu.memory_space<vmem_shared>> -> memref<10240xf32, #tpu.memory_space<vmem_shared>>
      tpu.enqueue_indirect_dma source(%arg18 : memref<64xf32, #tpu.memory_space<vmem>>) target(%dma_start3A_353 : memref<10240xf32, #tpu.memory_space<vmem_shared>>) offsets(%arg10 : memref<64xi32, #tpu.memory_space<vmem>>) semaphore(%run_scoped3A : memref<!tpu.dma_semaphore, #tpu.memory_space<semaphore_mem>>) {add = true}
      %dma_wait3A_354 = arith.constant 0 : i32
      %dma_wait3A_355 = tpu.memref_slice %arg23[%dma_wait3A_354] : memref<10240xf32, #tpu.memory_space<vmem_shared>> -> memref<10240xf32, #tpu.memory_space<vmem_shared>>
      tpu.wait_indirect_dma semaphore(%run_scoped3A : memref<!tpu.dma_semaphore, #tpu.memory_space<semaphore_mem>>) src(%arg18 : memref<64xf32, #tpu.memory_space<vmem>>) dst(%dma_wait3A_355 : memref<10240xf32, #tpu.memory_space<vmem_shared>>)
      tpu.yield
    }) : () -> ()
    %get3A_252 = arith.constant 159 : i32
    %get3A_253 = arith.index_cast %get3A_252 : i32 to index
    %get3A_254 = arith.constant 0 : index
    %get3A_255 = tpu.vector_load %arg8[%get3A_253, %get3A_254] {strides = array<i32>} : memref<160x64xi32, #tpu.memory_space<vmem>>, vector<1x16xi32>,
    %get3A_256 = vector.shape_cast %get3A_255 : vector<1x16xi32> to vector<16xi32>
    %and3A_257 = arith.constant 65535 : i32
    %and3A_258 = vector.broadcast %and3A_257 : i32 to vector<16xi32>
    %and3A_259 = arith.andi %get3A_256, %and3A_258 : vector<16xi32>
    %swap3A_260 = arith.constant 0 : index
    %swap3A_261 = tpu.vector_load %arg9[%swap3A_260] {strides = array<i32>} : memref<64xi32, #tpu.memory_space<vmem>>, vector<16xi32>,
    %swap3A_262 = vector.shape_cast %swap3A_261 : vector<16xi32> to vector<16xi32>
    %swap3A_263 = vector.shape_cast %and3A_259 : vector<16xi32> to vector<16xi32>
    tpu.vector_store %arg9[%swap3A_260], %swap3A_263 {strides = array<i32>} : memref<64xi32, #tpu.memory_space<vmem>>, vector<16xi32>,
    %shift_right_logical3A_264 = arith.constant 16 : i32
    %shift_right_logical3A_265 = vector.broadcast %shift_right_logical3A_264 : i32 to vector<16xi32>
    %shift_right_logical3A_266 = arith.shrui %get3A_256, %shift_right_logical3A_265 : vector<16xi32>
    %swap3A_267 = arith.constant 0 : index
    %swap3A_268 = tpu.vector_load %arg10[%swap3A_267] {strides = array<i32>} : memref<64xi32, #tpu.memory_space<vmem>>, vector<16xi32>,
    %swap3A_269 = vector.shape_cast %swap3A_268 : vector<16xi32> to vector<16xi32>
    %swap3A_270 = vector.shape_cast %shift_right_logical3A_266 : vector<16xi32> to vector<16xi32>
    tpu.vector_store %arg10[%swap3A_267], %swap3A_270 {strides = array<i32>} : memref<64xi32, #tpu.memory_space<vmem>>, vector<16xi32>,
    %get3A_271 = arith.constant 159 : i32
    %get3A_272 = arith.index_cast %get3A_271 : i32 to index
    %get3A_273 = arith.constant 16 : index
    %get3A_274 = tpu.vector_load %arg8[%get3A_272, %get3A_273] {strides = array<i32>} : memref<160x64xi32, #tpu.memory_space<vmem>>, vector<1x16xi32>,
    %get3A_275 = vector.shape_cast %get3A_274 : vector<1x16xi32> to vector<16xi32>
    %and3A_276 = arith.constant 65535 : i32
    %and3A_277 = vector.broadcast %and3A_276 : i32 to vector<16xi32>
    %and3A_278 = arith.andi %get3A_275, %and3A_277 : vector<16xi32>
    %swap3A_279 = arith.constant 16 : index
    %swap3A_280 = tpu.vector_load %arg9[%swap3A_279] {strides = array<i32>} : memref<64xi32, #tpu.memory_space<vmem>>, vector<16xi32>,
    %swap3A_281 = vector.shape_cast %swap3A_280 : vector<16xi32> to vector<16xi32>
    %swap3A_282 = vector.shape_cast %and3A_278 : vector<16xi32> to vector<16xi32>
    tpu.vector_store %arg9[%swap3A_279], %swap3A_282 {strides = array<i32>} : memref<64xi32, #tpu.memory_space<vmem>>, vector<16xi32>,
    %shift_right_logical3A_283 = arith.constant 16 : i32
    %shift_right_logical3A_284 = vector.broadcast %shift_right_logical3A_283 : i32 to vector<16xi32>
    %shift_right_logical3A_285 = arith.shrui %get3A_275, %shift_right_logical3A_284 : vector<16xi32>
    %swap3A_286 = arith.constant 16 : index
    %swap3A_287 = tpu.vector_load %arg10[%swap3A_286] {strides = array<i32>} : memref<64xi32, #tpu.memory_space<vmem>>, vector<16xi32>,
    %swap3A_288 = vector.shape_cast %swap3A_287 : vector<16xi32> to vector<16xi32>
    %swap3A_289 = vector.shape_cast %shift_right_logical3A_285 : vector<16xi32> to vector<16xi32>
    tpu.vector_store %arg10[%swap3A_286], %swap3A_289 {strides = array<i32>} : memref<64xi32, #tpu.memory_space<vmem>>, vector<16xi32>,
    %get3A_290 = arith.constant 159 : i32
    %get3A_291 = arith.index_cast %get3A_290 : i32 to index
    %get3A_292 = arith.constant 32 : index
    %get3A_293 = tpu.vector_load %arg8[%get3A_291, %get3A_292] {strides = array<i32>} : memref<160x64xi32, #tpu.memory_space<vmem>>, vector<1x16xi32>,
    %get3A_294 = vector.shape_cast %get3A_293 : vector<1x16xi32> to vector<16xi32>
    %and3A_295 = arith.constant 65535 : i32
    %and3A_296 = vector.broadcast %and3A_295 : i32 to vector<16xi32>
    %and3A_297 = arith.andi %get3A_294, %and3A_296 : vector<16xi32>
    %swap3A_298 = arith.constant 32 : index
    %swap3A_299 = tpu.vector_load %arg9[%swap3A_298] {strides = array<i32>} : memref<64xi32, #tpu.memory_space<vmem>>, vector<16xi32>,
    %swap3A_300 = vector.shape_cast %swap3A_299 : vector<16xi32> to vector<16xi32>
    %swap3A_301 = vector.shape_cast %and3A_297 : vector<16xi32> to vector<16xi32>
    tpu.vector_store %arg9[%swap3A_298], %swap3A_301 {strides = array<i32>} : memref<64xi32, #tpu.memory_space<vmem>>, vector<16xi32>,
    %shift_right_logical3A_302 = arith.constant 16 : i32
    %shift_right_logical3A_303 = vector.broadcast %shift_right_logical3A_302 : i32 to vector<16xi32>
    %shift_right_logical3A_304 = arith.shrui %get3A_294, %shift_right_logical3A_303 : vector<16xi32>
    %swap3A_305 = arith.constant 32 : index
    %swap3A_306 = tpu.vector_load %arg10[%swap3A_305] {strides = array<i32>} : memref<64xi32, #tpu.memory_space<vmem>>, vector<16xi32>,
    %swap3A_307 = vector.shape_cast %swap3A_306 : vector<16xi32> to vector<16xi32>
    %swap3A_308 = vector.shape_cast %shift_right_logical3A_304 : vector<16xi32> to vector<16xi32>
    tpu.vector_store %arg10[%swap3A_305], %swap3A_308 {strides = array<i32>} : memref<64xi32, #tpu.memory_space<vmem>>, vector<16xi32>,
    %get3A_309 = arith.constant 159 : i32
    %get3A_310 = arith.index_cast %get3A_309 : i32 to index
    %get3A_311 = arith.constant 48 : index
    %get3A_312 = tpu.vector_load %arg8[%get3A_310, %get3A_311] {strides = array<i32>} : memref<160x64xi32, #tpu.memory_space<vmem>>, vector<1x16xi32>,
    %get3A_313 = vector.shape_cast %get3A_312 : vector<1x16xi32> to vector<16xi32>
    %and3A_314 = arith.constant 65535 : i32
    %and3A_315 = vector.broadcast %and3A_314 : i32 to vector<16xi32>
    %and3A_316 = arith.andi %get3A_313, %and3A_315 : vector<16xi32>
    %swap3A_317 = arith.constant 48 : index
    %swap3A_318 = tpu.vector_load %arg9[%swap3A_317] {strides = array<i32>} : memref<64xi32, #tpu.memory_space<vmem>>, vector<16xi32>,
    %swap3A_319 = vector.shape_cast %swap3A_318 : vector<16xi32> to vector<16xi32>
    %swap3A_320 = vector.shape_cast %and3A_316 : vector<16xi32> to vector<16xi32>
    tpu.vector_store %arg9[%swap3A_317], %swap3A_320 {strides = array<i32>} : memref<64xi32, #tpu.memory_space<vmem>>, vector<16xi32>,
    %shift_right_logical3A_321 = arith.constant 16 : i32
    %shift_right_logical3A_322 = vector.broadcast %shift_right_logical3A_321 : i32 to vector<16xi32>
    %shift_right_logical3A_323 = arith.shrui %get3A_313, %shift_right_logical3A_322 : vector<16xi32>
    %swap3A_324 = arith.constant 48 : index
    %swap3A_325 = tpu.vector_load %arg10[%swap3A_324] {strides = array<i32>} : memref<64xi32, #tpu.memory_space<vmem>>, vector<16xi32>,
    %swap3A_326 = vector.shape_cast %swap3A_325 : vector<16xi32> to vector<16xi32>
    %swap3A_327 = vector.shape_cast %shift_right_logical3A_323 : vector<16xi32> to vector<16xi32>
    tpu.vector_store %arg10[%swap3A_324], %swap3A_327 {strides = array<i32>} : memref<64xi32, #tpu.memory_space<vmem>>, vector<16xi32>,
    %dma_start3A_328 = arith.constant 0 : i32
    %dma_start3A_329 = arith.constant 0 : i32
    %dma_start3A_330 = tpu.memref_slice %arg2[%dma_start3A_328, %dma_start3A_329] : memref<10000x128xf32, #tpu.memory_space<hbm>> -> memref<10000x128xf32, #tpu.memory_space<hbm>>
    tpu.enqueue_indirect_dma source(%dma_start3A_330 : memref<10000x128xf32, #tpu.memory_space<hbm>>) target(%arg15 : memref<64x128xf32, #tpu.memory_space<vmem>>) offsets(%arg9 : memref<64xi32, #tpu.memory_space<vmem>>) semaphore(%arg19 : memref<!tpu.dma_semaphore, #tpu.memory_space<semaphore_mem>>)
    %dma_wait3A_331 = arith.constant 0 : i32
    %dma_wait3A_332 = arith.constant 0 : i32
    %dma_wait3A_333 = tpu.memref_slice %arg2[%dma_wait3A_331, %dma_wait3A_332] : memref<10000x128xf32, #tpu.memory_space<hbm>> -> memref<10000x128xf32, #tpu.memory_space<hbm>>
    tpu.wait_indirect_dma semaphore(%arg20 : memref<!tpu.dma_semaphore, #tpu.memory_space<semaphore_mem>>) src(%dma_wait3A_333 : memref<10000x128xf32, #tpu.memory_space<hbm>>) dst(%arg16 : memref<64x128xf32, #tpu.memory_space<vmem>>)
    "tpu.region"() ({
      %run_scoped3A = tpu.sem_alloc : memref<!tpu.dma_semaphore, #tpu.memory_space<semaphore_mem>>
      %dma_start3A_352 = arith.constant 0 : i32
      %dma_start3A_353 = arith.constant 0 : i32
      %dma_start3A_354 = tpu.memref_slice %arg22[%dma_start3A_352, %dma_start3A_353] : memref<10240x128xf32, #tpu.memory_space<vmem_shared>> -> memref<10240x128xf32, #tpu.memory_space<vmem_shared>>
      tpu.enqueue_indirect_dma source(%arg16 : memref<64x128xf32, #tpu.memory_space<vmem>>) target(%dma_start3A_354 : memref<10240x128xf32, #tpu.memory_space<vmem_shared>>) offsets(%arg12 : memref<64xi32, #tpu.memory_space<vmem>>) semaphore(%run_scoped3A : memref<!tpu.dma_semaphore, #tpu.memory_space<semaphore_mem>>) {add = true}
      %dma_wait3A_355 = arith.constant 0 : i32
      %dma_wait3A_356 = arith.constant 0 : i32
      %dma_wait3A_357 = tpu.memref_slice %arg22[%dma_wait3A_355, %dma_wait3A_356] : memref<10240x128xf32, #tpu.memory_space<vmem_shared>> -> memref<10240x128xf32, #tpu.memory_space<vmem_shared>>
      tpu.wait_indirect_dma semaphore(%run_scoped3A : memref<!tpu.dma_semaphore, #tpu.memory_space<semaphore_mem>>) src(%arg16 : memref<64x128xf32, #tpu.memory_space<vmem>>) dst(%dma_wait3A_357 : memref<10240x128xf32, #tpu.memory_space<vmem_shared>>)
      tpu.yield
    }) : () -> ()
    "tpu.region"() ({
      %run_scoped3A = tpu.sem_alloc : memref<!tpu.dma_semaphore, #tpu.memory_space<semaphore_mem>>
      %dma_start3A_352 = arith.constant 0 : i32
      %dma_start3A_353 = tpu.memref_slice %arg23[%dma_start3A_352] : memref<10240xf32, #tpu.memory_space<vmem_shared>> -> memref<10240xf32, #tpu.memory_space<vmem_shared>>
      tpu.enqueue_indirect_dma source(%arg18 : memref<64xf32, #tpu.memory_space<vmem>>) target(%dma_start3A_353 : memref<10240xf32, #tpu.memory_space<vmem_shared>>) offsets(%arg12 : memref<64xi32, #tpu.memory_space<vmem>>) semaphore(%run_scoped3A : memref<!tpu.dma_semaphore, #tpu.memory_space<semaphore_mem>>) {add = true}
      %dma_wait3A_354 = arith.constant 0 : i32
      %dma_wait3A_355 = tpu.memref_slice %arg23[%dma_wait3A_354] : memref<10240xf32, #tpu.memory_space<vmem_shared>> -> memref<10240xf32, #tpu.memory_space<vmem_shared>>
      tpu.wait_indirect_dma semaphore(%run_scoped3A : memref<!tpu.dma_semaphore, #tpu.memory_space<semaphore_mem>>) src(%arg18 : memref<64xf32, #tpu.memory_space<vmem>>) dst(%dma_wait3A_355 : memref<10240xf32, #tpu.memory_space<vmem_shared>>)
      tpu.yield
    }) : () -> ()
    %dma_wait3A_334 = arith.constant 0 : i32
    %dma_wait3A_335 = arith.constant 0 : i32
    %dma_wait3A_336 = tpu.memref_slice %arg2[%dma_wait3A_334, %dma_wait3A_335] : memref<10000x128xf32, #tpu.memory_space<hbm>> -> memref<10000x128xf32, #tpu.memory_space<hbm>>
    tpu.wait_indirect_dma semaphore(%arg21 : memref<!tpu.dma_semaphore, #tpu.memory_space<semaphore_mem>>) src(%dma_wait3A_336 : memref<10000x128xf32, #tpu.memory_space<hbm>>) dst(%arg17 : memref<64x128xf32, #tpu.memory_space<vmem>>)
    "tpu.region"() ({
      %run_scoped3A = tpu.sem_alloc : memref<!tpu.dma_semaphore, #tpu.memory_space<semaphore_mem>>
      %dma_start3A_352 = arith.constant 0 : i32
      %dma_start3A_353 = arith.constant 0 : i32
      %dma_start3A_354 = tpu.memref_slice %arg22[%dma_start3A_352, %dma_start3A_353] : memref<10240x128xf32, #tpu.memory_space<vmem_shared>> -> memref<10240x128xf32, #tpu.memory_space<vmem_shared>>
      tpu.enqueue_indirect_dma source(%arg17 : memref<64x128xf32, #tpu.memory_space<vmem>>) target(%dma_start3A_354 : memref<10240x128xf32, #tpu.memory_space<vmem_shared>>) offsets(%arg14 : memref<64xi32, #tpu.memory_space<vmem>>) semaphore(%run_scoped3A : memref<!tpu.dma_semaphore, #tpu.memory_space<semaphore_mem>>) {add = true}
      %dma_wait3A_355 = arith.constant 0 : i32
      %dma_wait3A_356 = arith.constant 0 : i32
      %dma_wait3A_357 = tpu.memref_slice %arg22[%dma_wait3A_355, %dma_wait3A_356] : memref<10240x128xf32, #tpu.memory_space<vmem_shared>> -> memref<10240x128xf32, #tpu.memory_space<vmem_shared>>
      tpu.wait_indirect_dma semaphore(%run_scoped3A : memref<!tpu.dma_semaphore, #tpu.memory_space<semaphore_mem>>) src(%arg17 : memref<64x128xf32, #tpu.memory_space<vmem>>) dst(%dma_wait3A_357 : memref<10240x128xf32, #tpu.memory_space<vmem_shared>>)
      tpu.yield
    }) : () -> ()
    "tpu.region"() ({
      %run_scoped3A = tpu.sem_alloc : memref<!tpu.dma_semaphore, #tpu.memory_space<semaphore_mem>>
      %dma_start3A_352 = arith.constant 0 : i32
      %dma_start3A_353 = tpu.memref_slice %arg23[%dma_start3A_352] : memref<10240xf32, #tpu.memory_space<vmem_shared>> -> memref<10240xf32, #tpu.memory_space<vmem_shared>>
      tpu.enqueue_indirect_dma source(%arg18 : memref<64xf32, #tpu.memory_space<vmem>>) target(%dma_start3A_353 : memref<10240xf32, #tpu.memory_space<vmem_shared>>) offsets(%arg14 : memref<64xi32, #tpu.memory_space<vmem>>) semaphore(%run_scoped3A : memref<!tpu.dma_semaphore, #tpu.memory_space<semaphore_mem>>) {add = true}
      %dma_wait3A_354 = arith.constant 0 : i32
      %dma_wait3A_355 = tpu.memref_slice %arg23[%dma_wait3A_354] : memref<10240xf32, #tpu.memory_space<vmem_shared>> -> memref<10240xf32, #tpu.memory_space<vmem_shared>>
      tpu.wait_indirect_dma semaphore(%run_scoped3A : memref<!tpu.dma_semaphore, #tpu.memory_space<semaphore_mem>>) src(%arg18 : memref<64xf32, #tpu.memory_space<vmem>>) dst(%dma_wait3A_355 : memref<10240xf32, #tpu.memory_space<vmem_shared>>)
      tpu.yield
    }) : () -> ()
    %dma_wait3A_337 = arith.constant 0 : i32
    %dma_wait3A_338 = arith.constant 0 : i32
    %dma_wait3A_339 = tpu.memref_slice %arg2[%dma_wait3A_337, %dma_wait3A_338] : memref<10000x128xf32, #tpu.memory_space<hbm>> -> memref<10000x128xf32, #tpu.memory_space<hbm>>
    tpu.wait_indirect_dma semaphore(%arg19 : memref<!tpu.dma_semaphore, #tpu.memory_space<semaphore_mem>>) src(%dma_wait3A_339 : memref<10000x128xf32, #tpu.memory_space<hbm>>) dst(%arg15 : memref<64x128xf32, #tpu.memory_space<vmem>>)
    "tpu.region"() ({
      %run_scoped3A = tpu.sem_alloc : memref<!tpu.dma_semaphore, #tpu.memory_space<semaphore_mem>>
      %dma_start3A_352 = arith.constant 0 : i32
      %dma_start3A_353 = arith.constant 0 : i32
      %dma_start3A_354 = tpu.memref_slice %arg22[%dma_start3A_352, %dma_start3A_353] : memref<10240x128xf32, #tpu.memory_space<vmem_shared>> -> memref<10240x128xf32, #tpu.memory_space<vmem_shared>>
      tpu.enqueue_indirect_dma source(%arg15 : memref<64x128xf32, #tpu.memory_space<vmem>>) target(%dma_start3A_354 : memref<10240x128xf32, #tpu.memory_space<vmem_shared>>) offsets(%arg10 : memref<64xi32, #tpu.memory_space<vmem>>) semaphore(%run_scoped3A : memref<!tpu.dma_semaphore, #tpu.memory_space<semaphore_mem>>) {add = true}
      %dma_wait3A_355 = arith.constant 0 : i32
      %dma_wait3A_356 = arith.constant 0 : i32
      %dma_wait3A_357 = tpu.memref_slice %arg22[%dma_wait3A_355, %dma_wait3A_356] : memref<10240x128xf32, #tpu.memory_space<vmem_shared>> -> memref<10240x128xf32, #tpu.memory_space<vmem_shared>>
      tpu.wait_indirect_dma semaphore(%run_scoped3A : memref<!tpu.dma_semaphore, #tpu.memory_space<semaphore_mem>>) src(%arg15 : memref<64x128xf32, #tpu.memory_space<vmem>>) dst(%dma_wait3A_357 : memref<10240x128xf32, #tpu.memory_space<vmem_shared>>)
      tpu.yield
    }) : () -> ()
    "tpu.region"() ({
      %run_scoped3A = tpu.sem_alloc : memref<!tpu.dma_semaphore, #tpu.memory_space<semaphore_mem>>
      %dma_start3A_352 = arith.constant 0 : i32
      %dma_start3A_353 = tpu.memref_slice %arg23[%dma_start3A_352] : memref<10240xf32, #tpu.memory_space<vmem_shared>> -> memref<10240xf32, #tpu.memory_space<vmem_shared>>
      tpu.enqueue_indirect_dma source(%arg18 : memref<64xf32, #tpu.memory_space<vmem>>) target(%dma_start3A_353 : memref<10240xf32, #tpu.memory_space<vmem_shared>>) offsets(%arg10 : memref<64xi32, #tpu.memory_space<vmem>>) semaphore(%run_scoped3A : memref<!tpu.dma_semaphore, #tpu.memory_space<semaphore_mem>>) {add = true}
      %dma_wait3A_354 = arith.constant 0 : i32
      %dma_wait3A_355 = tpu.memref_slice %arg23[%dma_wait3A_354] : memref<10240xf32, #tpu.memory_space<vmem_shared>> -> memref<10240xf32, #tpu.memory_space<vmem_shared>>
      tpu.wait_indirect_dma semaphore(%run_scoped3A : memref<!tpu.dma_semaphore, #tpu.memory_space<semaphore_mem>>) src(%arg18 : memref<64xf32, #tpu.memory_space<vmem>>) dst(%dma_wait3A_355 : memref<10240xf32, #tpu.memory_space<vmem_shared>>)
      tpu.yield
    }) : () -> ()
    %barrier3A_340 = arith.constant 0 : index
    tpu.barrier barrier_id(%barrier3A_340)
    %mul3A_341 = arith.constant 640 : i32
    %mul3A_342 = arith.muli %arg1, %mul3A_341 : i32
    %mul3A_343 = arith.constant 640 : i32
    %mul3A_344 = arith.muli %arg1, %mul3A_343 : i32
    "tpu.region"() ({
      %run_scoped3A = tpu.sem_alloc : memref<!tpu.dma_semaphore, #tpu.memory_space<semaphore_mem>>
      %dma_start3A_352 = arith.constant 0 : i32
      %dma_start3A_353 = tpu.memref_slice %arg6[%arg0, %mul3A_344, %dma_start3A_352] : memref<2x10240x128xf32, #tpu.memory_space<hbm>> -> memref<1x640x128xf32, #tpu.memory_space<hbm>>
      %dma_start3A_354 = tpu.memref_squeeze %dma_start3A_353 : memref<1x640x128xf32, #tpu.memory_space<hbm>> -> memref<640x128xf32, #tpu.memory_space<hbm>>
      %dma_start3A_355 = arith.constant 0 : i32
      %dma_start3A_356 = tpu.memref_slice %arg22[%mul3A_342, %dma_start3A_355] : memref<10240x128xf32, #tpu.memory_space<vmem_shared>> -> memref<640x128xf32, #tpu.memory_space<vmem_shared>>
      tpu.enqueue_dma source(%dma_start3A_356 : memref<640x128xf32, #tpu.memory_space<vmem_shared>>) target(%dma_start3A_354 : memref<640x128xf32, #tpu.memory_space<hbm>>) target_semaphore(%run_scoped3A : memref<!tpu.dma_semaphore, #tpu.memory_space<semaphore_mem>>)
      %dma_wait3A_357 = arith.constant 0 : i32
      %dma_wait3A_358 = tpu.memref_slice %arg6[%arg0, %mul3A_344, %dma_wait3A_357] : memref<2x10240x128xf32, #tpu.memory_space<hbm>> -> memref<1x640x128xf32, #tpu.memory_space<hbm>>
      %dma_wait3A_359 = tpu.memref_squeeze %dma_wait3A_358 : memref<1x640x128xf32, #tpu.memory_space<hbm>> -> memref<640x128xf32, #tpu.memory_space<hbm>>
      %dma_wait3A_360 = arith.constant 0 : i32
      %dma_wait3A_361 = tpu.memref_slice %arg22[%mul3A_342, %dma_wait3A_360] : memref<10240x128xf32, #tpu.memory_space<vmem_shared>> -> memref<640x128xf32, #tpu.memory_space<vmem_shared>>
      tpu.wait_dma2 semaphore(%run_scoped3A : memref<!tpu.dma_semaphore, #tpu.memory_space<semaphore_mem>>) src(%dma_wait3A_361 : memref<640x128xf32, #tpu.memory_space<vmem_shared>>) dst(%dma_wait3A_359 : memref<640x128xf32, #tpu.memory_space<hbm>>)
      tpu.yield
    }) : () -> ()
    %mul3A_345 = arith.constant 640 : i32
    %mul3A_346 = arith.muli %arg1, %mul3A_345 : i32
    %mul3A_347 = arith.constant 10240 : i32
    %mul3A_348 = arith.muli %arg0, %mul3A_347 : i32
    %mul3A_349 = arith.constant 640 : i32
    %mul3A_350 = arith.muli %arg1, %mul3A_349 : i32
    %add3A_351 = arith.addi %mul3A_348, %mul3A_350 : i32
    "tpu.region"() ({
      %run_scoped3A = tpu.sem_alloc : memref<!tpu.dma_semaphore, #tpu.memory_space<semaphore_mem>>
      %dma_start3A_352 = tpu.memref_slice %arg7[%add3A_351] : memref<20480xf32, #tpu.memory_space<hbm>> -> memref<640xf32, #tpu.memory_space<hbm>>
      %dma_start3A_353 = tpu.memref_slice %arg23[%mul3A_346] : memref<10240xf32, #tpu.memory_space<vmem_shared>> -> memref<640xf32, #tpu.memory_space<vmem_shared>>
      tpu.enqueue_dma source(%dma_start3A_353 : memref<640xf32, #tpu.memory_space<vmem_shared>>) target(%dma_start3A_352 : memref<640xf32, #tpu.memory_space<hbm>>) target_semaphore(%run_scoped3A : memref<!tpu.dma_semaphore, #tpu.memory_space<semaphore_mem>>)
      %dma_wait3A_354 = tpu.memref_slice %arg7[%add3A_351] : memref<20480xf32, #tpu.memory_space<hbm>> -> memref<640xf32, #tpu.memory_space<hbm>>
      %dma_wait3A_355 = tpu.memref_slice %arg23[%mul3A_346] : memref<10240xf32, #tpu.memory_space<vmem_shared>> -> memref<640xf32, #tpu.memory_space<vmem_shared>>
      tpu.wait_dma2 semaphore(%run_scoped3A : memref<!tpu.dma_semaphore, #tpu.memory_space<semaphore_mem>>) src(%dma_wait3A_355 : memref<640xf32, #tpu.memory_space<vmem_shared>>) dst(%dma_wait3A_354 : memref<640xf32, #tpu.memory_space<hbm>>)
      tpu.yield
    }) : () -> ()
    return
  }
}

#map = affine_map<(d0, d1) -> (0, 0)>
#map1 = affine_map<(d0, d1) -> (0, 0, 0)>
module attributes {stable_mosaic.version = 14 : i64} {
  func.func @sc_edge_agg(%arg0: i32, %arg1: i32, %arg2: memref<10000x128xf32, #tpu.memory_space<hbm>>, %arg3: memref<32x160x64xi32, #tpu.memory_space<hbm>>, %arg4: memref<640x128xf32, #tpu.memory_space<hbm>>, %arg5: memref<2x10240x128xf32, #tpu.memory_space<hbm>>, %arg6: memref<160x64xi32, #tpu.memory_space<vmem>>, %arg7: memref<64xi32, #tpu.memory_space<vmem>>, %arg8: memref<64xi32, #tpu.memory_space<vmem>>, %arg9: memref<64xi32, #tpu.memory_space<vmem>>, %arg10: memref<64xi32, #tpu.memory_space<vmem>>, %arg11: memref<64xi32, #tpu.memory_space<vmem>>, %arg12: memref<64xi32, #tpu.memory_space<vmem>>, %arg13: memref<64x128xf32, #tpu.memory_space<vmem>>, %arg14: memref<64x128xf32, #tpu.memory_space<vmem>>, %arg15: memref<64x128xf32, #tpu.memory_space<vmem>>, %arg16: memref<64xf32, #tpu.memory_space<vmem>>, %arg17: memref<!tpu.dma_semaphore, #tpu.memory_space<semaphore_mem>>, %arg18: memref<!tpu.dma_semaphore, #tpu.memory_space<semaphore_mem>>, %arg19: memref<!tpu.dma_semaphore, #tpu.memory_space<semaphore_mem>>, %arg20: memref<10240x128xf32, #tpu.memory_space<vmem_shared>>) attributes {dimension_semantics = [#tpu.dimension_semantics<core_parallel>, #tpu.dimension_semantics<subcore_parallel>], iteration_bounds = array<i64: 2, 16>, scalar_prefetch = 0 : i64, scratch_operands = 15 : i64, tpu.core_type = #tpu.core_type<sc_vector_subcore>, window_params = [{transform_indices = #map}, {transform_indices = #map1}, {transform_indices = #map}, {transform_indices = #map1}]} {
    %mul3A = arith.constant 16 : i32
    %mul3A_0 = arith.muli %arg0, %mul3A : i32
    %add3A = arith.addi %mul3A_0, %arg1 : i32
    "tpu.region"() ({
      %run_scoped3A = tpu.sem_alloc : memref<!tpu.dma_semaphore, #tpu.memory_space<semaphore_mem>>
      %dma_start3A_341 = arith.constant 0 : i32
      %dma_start3A_342 = arith.constant 0 : i32
      %dma_start3A_343 = tpu.memref_slice %arg3[%add3A, %dma_start3A_341, %dma_start3A_342] : memref<32x160x64xi32, #tpu.memory_space<hbm>> -> memref<1x160x64xi32, #tpu.memory_space<hbm>>
      %dma_start3A_344 = tpu.memref_squeeze %dma_start3A_343 : memref<1x160x64xi32, #tpu.memory_space<hbm>> -> memref<160x64xi32, #tpu.memory_space<hbm>>
      %dma_start3A_345 = arith.constant 0 : i32
      %dma_start3A_346 = arith.constant 0 : i32
      %dma_start3A_347 = tpu.memref_slice %arg3[%add3A, %dma_start3A_345, %dma_start3A_346] : memref<32x160x64xi32, #tpu.memory_space<hbm>> -> memref<1x160x64xi32, #tpu.memory_space<hbm>>
      %dma_start3A_348 = tpu.memref_squeeze %dma_start3A_347 : memref<1x160x64xi32, #tpu.memory_space<hbm>> -> memref<160x64xi32, #tpu.memory_space<hbm>>
      tpu.enqueue_dma source(%dma_start3A_348 : memref<160x64xi32, #tpu.memory_space<hbm>>) target(%arg6 : memref<160x64xi32, #tpu.memory_space<vmem>>) target_semaphore(%run_scoped3A : memref<!tpu.dma_semaphore, #tpu.memory_space<semaphore_mem>>)
      %dma_wait3A_349 = arith.constant 0 : i32
      %dma_wait3A_350 = arith.constant 0 : i32
      %dma_wait3A_351 = tpu.memref_slice %arg3[%add3A, %dma_wait3A_349, %dma_wait3A_350] : memref<32x160x64xi32, #tpu.memory_space<hbm>> -> memref<1x160x64xi32, #tpu.memory_space<hbm>>
      %dma_wait3A_352 = tpu.memref_squeeze %dma_wait3A_351 : memref<1x160x64xi32, #tpu.memory_space<hbm>> -> memref<160x64xi32, #tpu.memory_space<hbm>>
      %dma_wait3A_353 = arith.constant 0 : i32
      %dma_wait3A_354 = arith.constant 0 : i32
      %dma_wait3A_355 = tpu.memref_slice %arg3[%add3A, %dma_wait3A_353, %dma_wait3A_354] : memref<32x160x64xi32, #tpu.memory_space<hbm>> -> memref<1x160x64xi32, #tpu.memory_space<hbm>>
      %dma_wait3A_356 = tpu.memref_squeeze %dma_wait3A_355 : memref<1x160x64xi32, #tpu.memory_space<hbm>> -> memref<160x64xi32, #tpu.memory_space<hbm>>
      tpu.wait_dma2 semaphore(%run_scoped3A : memref<!tpu.dma_semaphore, #tpu.memory_space<semaphore_mem>>) src(%dma_wait3A_356 : memref<160x64xi32, #tpu.memory_space<hbm>>) dst(%arg6 : memref<160x64xi32, #tpu.memory_space<vmem>>)
      tpu.yield
    }) : () -> ()
    %mul3A_1 = arith.constant 640 : i32
    %mul3A_2 = arith.muli %arg1, %mul3A_1 : i32
    "tpu.region"() ({
      %run_scoped3A = tpu.sem_alloc : memref<!tpu.dma_semaphore, #tpu.memory_space<semaphore_mem>>
      %dma_start3A_341 = arith.constant 0 : i32
      %dma_start3A_342 = tpu.memref_slice %arg20[%mul3A_2, %dma_start3A_341] : memref<10240x128xf32, #tpu.memory_space<vmem_shared>> -> memref<640x128xf32, #tpu.memory_space<vmem_shared>>
      tpu.enqueue_dma source(%arg4 : memref<640x128xf32, #tpu.memory_space<hbm>>) target(%dma_start3A_342 : memref<640x128xf32, #tpu.memory_space<vmem_shared>>) target_semaphore(%run_scoped3A : memref<!tpu.dma_semaphore, #tpu.memory_space<semaphore_mem>>)
      %dma_wait3A_343 = arith.constant 0 : i32
      %dma_wait3A_344 = tpu.memref_slice %arg20[%mul3A_2, %dma_wait3A_343] : memref<10240x128xf32, #tpu.memory_space<vmem_shared>> -> memref<640x128xf32, #tpu.memory_space<vmem_shared>>
      tpu.wait_dma2 semaphore(%run_scoped3A : memref<!tpu.dma_semaphore, #tpu.memory_space<semaphore_mem>>) src(%arg4 : memref<640x128xf32, #tpu.memory_space<hbm>>) dst(%dma_wait3A_344 : memref<640x128xf32, #tpu.memory_space<vmem_shared>>)
      tpu.yield
    }) : () -> ()
    %scan3A = arith.constant 0 : i32
    %scan3A_3 = arith.constant 0 : i32
    %scan3A_4 = arith.constant 4 : i32
    %scan3A_5 = arith.addi %scan3A_3, %scan3A_4 : i32
    %scan3A_6 = arith.constant 1 : i32
    scf.for %scan3A_341 = %scan3A_3 to %scan3A_5 step %scan3A_6  : i32 {
      %broadcast_in_dim3A = arith.constant 1.000000e+00 : f32
      %broadcast_in_dim3A_342 = vector.broadcast %broadcast_in_dim3A : f32 to vector<16xf32>
      %mul3A_343 = arith.constant 16 : i32
      %mul3A_344 = arith.muli %mul3A_343, %scan3A_341 : i32
      %swap3A_345 = arith.index_cast %mul3A_344 : i32 to index
      %swap3A_346 = tpu.vector_load %arg16[%swap3A_345] {strides = array<i32>} : memref<64xf32, #tpu.memory_space<vmem>>, vector<16xf32>,
      %swap3A_347 = vector.shape_cast %swap3A_346 : vector<16xf32> to vector<16xf32>
      %swap3A_348 = vector.shape_cast %broadcast_in_dim3A_342 : vector<16xf32> to vector<16xf32>
      tpu.vector_store %arg16[%swap3A_345], %swap3A_348 {strides = array<i32>} : memref<64xf32, #tpu.memory_space<vmem>>, vector<16xf32>,
    }
    %scan3A_7 = arith.constant 4 : i32
    %barrier3A = arith.constant 0 : index
    tpu.barrier barrier_id(%barrier3A)
    %get3A = arith.constant 0 : i32
    %get3A_8 = arith.index_cast %get3A : i32 to index
    %get3A_9 = arith.constant 0 : index
    %get3A_10 = tpu.vector_load %arg6[%get3A_8, %get3A_9] {strides = array<i32>} : memref<160x64xi32, #tpu.memory_space<vmem>>, vector<1x16xi32>,
    %get3A_11 = vector.shape_cast %get3A_10 : vector<1x16xi32> to vector<16xi32>
    %and3A = arith.constant 65535 : i32
    %and3A_12 = vector.broadcast %and3A : i32 to vector<16xi32>
    %and3A_13 = arith.andi %get3A_11, %and3A_12 : vector<16xi32>
    %swap3A = arith.constant 0 : index
    %swap3A_14 = tpu.vector_load %arg7[%swap3A] {strides = array<i32>} : memref<64xi32, #tpu.memory_space<vmem>>, vector<16xi32>,
    %swap3A_15 = vector.shape_cast %swap3A_14 : vector<16xi32> to vector<16xi32>
    %swap3A_16 = vector.shape_cast %and3A_13 : vector<16xi32> to vector<16xi32>
    tpu.vector_store %arg7[%swap3A], %swap3A_16 {strides = array<i32>} : memref<64xi32, #tpu.memory_space<vmem>>, vector<16xi32>,
    %shift_right_logical3A = arith.constant 16 : i32
    %shift_right_logical3A_17 = vector.broadcast %shift_right_logical3A : i32 to vector<16xi32>
    %shift_right_logical3A_18 = arith.shrui %get3A_11, %shift_right_logical3A_17 : vector<16xi32>
    %swap3A_19 = arith.constant 0 : index
    %swap3A_20 = tpu.vector_load %arg8[%swap3A_19] {strides = array<i32>} : memref<64xi32, #tpu.memory_space<vmem>>, vector<16xi32>,
    %swap3A_21 = vector.shape_cast %swap3A_20 : vector<16xi32> to vector<16xi32>
    %swap3A_22 = vector.shape_cast %shift_right_logical3A_18 : vector<16xi32> to vector<16xi32>
    tpu.vector_store %arg8[%swap3A_19], %swap3A_22 {strides = array<i32>} : memref<64xi32, #tpu.memory_space<vmem>>, vector<16xi32>,
    %get3A_23 = arith.constant 0 : i32
    %get3A_24 = arith.index_cast %get3A_23 : i32 to index
    %get3A_25 = arith.constant 16 : index
    %get3A_26 = tpu.vector_load %arg6[%get3A_24, %get3A_25] {strides = array<i32>} : memref<160x64xi32, #tpu.memory_space<vmem>>, vector<1x16xi32>,
    %get3A_27 = vector.shape_cast %get3A_26 : vector<1x16xi32> to vector<16xi32>
    %and3A_28 = arith.constant 65535 : i32
    %and3A_29 = vector.broadcast %and3A_28 : i32 to vector<16xi32>
    %and3A_30 = arith.andi %get3A_27, %and3A_29 : vector<16xi32>
    %swap3A_31 = arith.constant 16 : index
    %swap3A_32 = tpu.vector_load %arg7[%swap3A_31] {strides = array<i32>} : memref<64xi32, #tpu.memory_space<vmem>>, vector<16xi32>,
    %swap3A_33 = vector.shape_cast %swap3A_32 : vector<16xi32> to vector<16xi32>
    %swap3A_34 = vector.shape_cast %and3A_30 : vector<16xi32> to vector<16xi32>
    tpu.vector_store %arg7[%swap3A_31], %swap3A_34 {strides = array<i32>} : memref<64xi32, #tpu.memory_space<vmem>>, vector<16xi32>,
    %shift_right_logical3A_35 = arith.constant 16 : i32
    %shift_right_logical3A_36 = vector.broadcast %shift_right_logical3A_35 : i32 to vector<16xi32>
    %shift_right_logical3A_37 = arith.shrui %get3A_27, %shift_right_logical3A_36 : vector<16xi32>
    %swap3A_38 = arith.constant 16 : index
    %swap3A_39 = tpu.vector_load %arg8[%swap3A_38] {strides = array<i32>} : memref<64xi32, #tpu.memory_space<vmem>>, vector<16xi32>,
    %swap3A_40 = vector.shape_cast %swap3A_39 : vector<16xi32> to vector<16xi32>
    %swap3A_41 = vector.shape_cast %shift_right_logical3A_37 : vector<16xi32> to vector<16xi32>
    tpu.vector_store %arg8[%swap3A_38], %swap3A_41 {strides = array<i32>} : memref<64xi32, #tpu.memory_space<vmem>>, vector<16xi32>,
    %get3A_42 = arith.constant 0 : i32
    %get3A_43 = arith.index_cast %get3A_42 : i32 to index
    %get3A_44 = arith.constant 32 : index
    %get3A_45 = tpu.vector_load %arg6[%get3A_43, %get3A_44] {strides = array<i32>} : memref<160x64xi32, #tpu.memory_space<vmem>>, vector<1x16xi32>,
    %get3A_46 = vector.shape_cast %get3A_45 : vector<1x16xi32> to vector<16xi32>
    %and3A_47 = arith.constant 65535 : i32
    %and3A_48 = vector.broadcast %and3A_47 : i32 to vector<16xi32>
    %and3A_49 = arith.andi %get3A_46, %and3A_48 : vector<16xi32>
    %swap3A_50 = arith.constant 32 : index
    %swap3A_51 = tpu.vector_load %arg7[%swap3A_50] {strides = array<i32>} : memref<64xi32, #tpu.memory_space<vmem>>, vector<16xi32>,
    %swap3A_52 = vector.shape_cast %swap3A_51 : vector<16xi32> to vector<16xi32>
    %swap3A_53 = vector.shape_cast %and3A_49 : vector<16xi32> to vector<16xi32>
    tpu.vector_store %arg7[%swap3A_50], %swap3A_53 {strides = array<i32>} : memref<64xi32, #tpu.memory_space<vmem>>, vector<16xi32>,
    %shift_right_logical3A_54 = arith.constant 16 : i32
    %shift_right_logical3A_55 = vector.broadcast %shift_right_logical3A_54 : i32 to vector<16xi32>
    %shift_right_logical3A_56 = arith.shrui %get3A_46, %shift_right_logical3A_55 : vector<16xi32>
    %swap3A_57 = arith.constant 32 : index
    %swap3A_58 = tpu.vector_load %arg8[%swap3A_57] {strides = array<i32>} : memref<64xi32, #tpu.memory_space<vmem>>, vector<16xi32>,
    %swap3A_59 = vector.shape_cast %swap3A_58 : vector<16xi32> to vector<16xi32>
    %swap3A_60 = vector.shape_cast %shift_right_logical3A_56 : vector<16xi32> to vector<16xi32>
    tpu.vector_store %arg8[%swap3A_57], %swap3A_60 {strides = array<i32>} : memref<64xi32, #tpu.memory_space<vmem>>, vector<16xi32>,
    %get3A_61 = arith.constant 0 : i32
    %get3A_62 = arith.index_cast %get3A_61 : i32 to index
    %get3A_63 = arith.constant 48 : index
    %get3A_64 = tpu.vector_load %arg6[%get3A_62, %get3A_63] {strides = array<i32>} : memref<160x64xi32, #tpu.memory_space<vmem>>, vector<1x16xi32>,
    %get3A_65 = vector.shape_cast %get3A_64 : vector<1x16xi32> to vector<16xi32>
    %and3A_66 = arith.constant 65535 : i32
    %and3A_67 = vector.broadcast %and3A_66 : i32 to vector<16xi32>
    %and3A_68 = arith.andi %get3A_65, %and3A_67 : vector<16xi32>
    %swap3A_69 = arith.constant 48 : index
    %swap3A_70 = tpu.vector_load %arg7[%swap3A_69] {strides = array<i32>} : memref<64xi32, #tpu.memory_space<vmem>>, vector<16xi32>,
    %swap3A_71 = vector.shape_cast %swap3A_70 : vector<16xi32> to vector<16xi32>
    %swap3A_72 = vector.shape_cast %and3A_68 : vector<16xi32> to vector<16xi32>
    tpu.vector_store %arg7[%swap3A_69], %swap3A_72 {strides = array<i32>} : memref<64xi32, #tpu.memory_space<vmem>>, vector<16xi32>,
    %shift_right_logical3A_73 = arith.constant 16 : i32
    %shift_right_logical3A_74 = vector.broadcast %shift_right_logical3A_73 : i32 to vector<16xi32>
    %shift_right_logical3A_75 = arith.shrui %get3A_65, %shift_right_logical3A_74 : vector<16xi32>
    %swap3A_76 = arith.constant 48 : index
    %swap3A_77 = tpu.vector_load %arg8[%swap3A_76] {strides = array<i32>} : memref<64xi32, #tpu.memory_space<vmem>>, vector<16xi32>,
    %swap3A_78 = vector.shape_cast %swap3A_77 : vector<16xi32> to vector<16xi32>
    %swap3A_79 = vector.shape_cast %shift_right_logical3A_75 : vector<16xi32> to vector<16xi32>
    tpu.vector_store %arg8[%swap3A_76], %swap3A_79 {strides = array<i32>} : memref<64xi32, #tpu.memory_space<vmem>>, vector<16xi32>,
    %dma_start3A = arith.constant 0 : i32
    %dma_start3A_80 = arith.constant 0 : i32
    %dma_start3A_81 = tpu.memref_slice %arg2[%dma_start3A, %dma_start3A_80] : memref<10000x128xf32, #tpu.memory_space<hbm>> -> memref<10000x128xf32, #tpu.memory_space<hbm>>
    tpu.enqueue_indirect_dma source(%dma_start3A_81 : memref<10000x128xf32, #tpu.memory_space<hbm>>) target(%arg13 : memref<64x128xf32, #tpu.memory_space<vmem>>) offsets(%arg7 : memref<64xi32, #tpu.memory_space<vmem>>) semaphore(%arg17 : memref<!tpu.dma_semaphore, #tpu.memory_space<semaphore_mem>>)
    %get3A_82 = arith.constant 1 : i32
    %get3A_83 = arith.index_cast %get3A_82 : i32 to index
    %get3A_84 = arith.constant 0 : index
    %get3A_85 = tpu.vector_load %arg6[%get3A_83, %get3A_84] {strides = array<i32>} : memref<160x64xi32, #tpu.memory_space<vmem>>, vector<1x16xi32>,
    %get3A_86 = vector.shape_cast %get3A_85 : vector<1x16xi32> to vector<16xi32>
    %and3A_87 = arith.constant 65535 : i32
    %and3A_88 = vector.broadcast %and3A_87 : i32 to vector<16xi32>
    %and3A_89 = arith.andi %get3A_86, %and3A_88 : vector<16xi32>
    %swap3A_90 = arith.constant 0 : index
    %swap3A_91 = tpu.vector_load %arg9[%swap3A_90] {strides = array<i32>} : memref<64xi32, #tpu.memory_space<vmem>>, vector<16xi32>,
    %swap3A_92 = vector.shape_cast %swap3A_91 : vector<16xi32> to vector<16xi32>
    %swap3A_93 = vector.shape_cast %and3A_89 : vector<16xi32> to vector<16xi32>
    tpu.vector_store %arg9[%swap3A_90], %swap3A_93 {strides = array<i32>} : memref<64xi32, #tpu.memory_space<vmem>>, vector<16xi32>,
    %shift_right_logical3A_94 = arith.constant 16 : i32
    %shift_right_logical3A_95 = vector.broadcast %shift_right_logical3A_94 : i32 to vector<16xi32>
    %shift_right_logical3A_96 = arith.shrui %get3A_86, %shift_right_logical3A_95 : vector<16xi32>
    %swap3A_97 = arith.constant 0 : index
    %swap3A_98 = tpu.vector_load %arg10[%swap3A_97] {strides = array<i32>} : memref<64xi32, #tpu.memory_space<vmem>>, vector<16xi32>,
    %swap3A_99 = vector.shape_cast %swap3A_98 : vector<16xi32> to vector<16xi32>
    %swap3A_100 = vector.shape_cast %shift_right_logical3A_96 : vector<16xi32> to vector<16xi32>
    tpu.vector_store %arg10[%swap3A_97], %swap3A_100 {strides = array<i32>} : memref<64xi32, #tpu.memory_space<vmem>>, vector<16xi32>,
    %get3A_101 = arith.constant 1 : i32
    %get3A_102 = arith.index_cast %get3A_101 : i32 to index
    %get3A_103 = arith.constant 16 : index
    %get3A_104 = tpu.vector_load %arg6[%get3A_102, %get3A_103] {strides = array<i32>} : memref<160x64xi32, #tpu.memory_space<vmem>>, vector<1x16xi32>,
    %get3A_105 = vector.shape_cast %get3A_104 : vector<1x16xi32> to vector<16xi32>
    %and3A_106 = arith.constant 65535 : i32
    %and3A_107 = vector.broadcast %and3A_106 : i32 to vector<16xi32>
    %and3A_108 = arith.andi %get3A_105, %and3A_107 : vector<16xi32>
    %swap3A_109 = arith.constant 16 : index
    %swap3A_110 = tpu.vector_load %arg9[%swap3A_109] {strides = array<i32>} : memref<64xi32, #tpu.memory_space<vmem>>, vector<16xi32>,
    %swap3A_111 = vector.shape_cast %swap3A_110 : vector<16xi32> to vector<16xi32>
    %swap3A_112 = vector.shape_cast %and3A_108 : vector<16xi32> to vector<16xi32>
    tpu.vector_store %arg9[%swap3A_109], %swap3A_112 {strides = array<i32>} : memref<64xi32, #tpu.memory_space<vmem>>, vector<16xi32>,
    %shift_right_logical3A_113 = arith.constant 16 : i32
    %shift_right_logical3A_114 = vector.broadcast %shift_right_logical3A_113 : i32 to vector<16xi32>
    %shift_right_logical3A_115 = arith.shrui %get3A_105, %shift_right_logical3A_114 : vector<16xi32>
    %swap3A_116 = arith.constant 16 : index
    %swap3A_117 = tpu.vector_load %arg10[%swap3A_116] {strides = array<i32>} : memref<64xi32, #tpu.memory_space<vmem>>, vector<16xi32>,
    %swap3A_118 = vector.shape_cast %swap3A_117 : vector<16xi32> to vector<16xi32>
    %swap3A_119 = vector.shape_cast %shift_right_logical3A_115 : vector<16xi32> to vector<16xi32>
    tpu.vector_store %arg10[%swap3A_116], %swap3A_119 {strides = array<i32>} : memref<64xi32, #tpu.memory_space<vmem>>, vector<16xi32>,
    %get3A_120 = arith.constant 1 : i32
    %get3A_121 = arith.index_cast %get3A_120 : i32 to index
    %get3A_122 = arith.constant 32 : index
    %get3A_123 = tpu.vector_load %arg6[%get3A_121, %get3A_122] {strides = array<i32>} : memref<160x64xi32, #tpu.memory_space<vmem>>, vector<1x16xi32>,
    %get3A_124 = vector.shape_cast %get3A_123 : vector<1x16xi32> to vector<16xi32>
    %and3A_125 = arith.constant 65535 : i32
    %and3A_126 = vector.broadcast %and3A_125 : i32 to vector<16xi32>
    %and3A_127 = arith.andi %get3A_124, %and3A_126 : vector<16xi32>
    %swap3A_128 = arith.constant 32 : index
    %swap3A_129 = tpu.vector_load %arg9[%swap3A_128] {strides = array<i32>} : memref<64xi32, #tpu.memory_space<vmem>>, vector<16xi32>,
    %swap3A_130 = vector.shape_cast %swap3A_129 : vector<16xi32> to vector<16xi32>
    %swap3A_131 = vector.shape_cast %and3A_127 : vector<16xi32> to vector<16xi32>
    tpu.vector_store %arg9[%swap3A_128], %swap3A_131 {strides = array<i32>} : memref<64xi32, #tpu.memory_space<vmem>>, vector<16xi32>,
    %shift_right_logical3A_132 = arith.constant 16 : i32
    %shift_right_logical3A_133 = vector.broadcast %shift_right_logical3A_132 : i32 to vector<16xi32>
    %shift_right_logical3A_134 = arith.shrui %get3A_124, %shift_right_logical3A_133 : vector<16xi32>
    %swap3A_135 = arith.constant 32 : index
    %swap3A_136 = tpu.vector_load %arg10[%swap3A_135] {strides = array<i32>} : memref<64xi32, #tpu.memory_space<vmem>>, vector<16xi32>,
    %swap3A_137 = vector.shape_cast %swap3A_136 : vector<16xi32> to vector<16xi32>
    %swap3A_138 = vector.shape_cast %shift_right_logical3A_134 : vector<16xi32> to vector<16xi32>
    tpu.vector_store %arg10[%swap3A_135], %swap3A_138 {strides = array<i32>} : memref<64xi32, #tpu.memory_space<vmem>>, vector<16xi32>,
    %get3A_139 = arith.constant 1 : i32
    %get3A_140 = arith.index_cast %get3A_139 : i32 to index
    %get3A_141 = arith.constant 48 : index
    %get3A_142 = tpu.vector_load %arg6[%get3A_140, %get3A_141] {strides = array<i32>} : memref<160x64xi32, #tpu.memory_space<vmem>>, vector<1x16xi32>,
    %get3A_143 = vector.shape_cast %get3A_142 : vector<1x16xi32> to vector<16xi32>
    %and3A_144 = arith.constant 65535 : i32
    %and3A_145 = vector.broadcast %and3A_144 : i32 to vector<16xi32>
    %and3A_146 = arith.andi %get3A_143, %and3A_145 : vector<16xi32>
    %swap3A_147 = arith.constant 48 : index
    %swap3A_148 = tpu.vector_load %arg9[%swap3A_147] {strides = array<i32>} : memref<64xi32, #tpu.memory_space<vmem>>, vector<16xi32>,
    %swap3A_149 = vector.shape_cast %swap3A_148 : vector<16xi32> to vector<16xi32>
    %swap3A_150 = vector.shape_cast %and3A_146 : vector<16xi32> to vector<16xi32>
    tpu.vector_store %arg9[%swap3A_147], %swap3A_150 {strides = array<i32>} : memref<64xi32, #tpu.memory_space<vmem>>, vector<16xi32>,
    %shift_right_logical3A_151 = arith.constant 16 : i32
    %shift_right_logical3A_152 = vector.broadcast %shift_right_logical3A_151 : i32 to vector<16xi32>
    %shift_right_logical3A_153 = arith.shrui %get3A_143, %shift_right_logical3A_152 : vector<16xi32>
    %swap3A_154 = arith.constant 48 : index
    %swap3A_155 = tpu.vector_load %arg10[%swap3A_154] {strides = array<i32>} : memref<64xi32, #tpu.memory_space<vmem>>, vector<16xi32>,
    %swap3A_156 = vector.shape_cast %swap3A_155 : vector<16xi32> to vector<16xi32>
    %swap3A_157 = vector.shape_cast %shift_right_logical3A_153 : vector<16xi32> to vector<16xi32>
    tpu.vector_store %arg10[%swap3A_154], %swap3A_157 {strides = array<i32>} : memref<64xi32, #tpu.memory_space<vmem>>, vector<16xi32>,
    %dma_start3A_158 = arith.constant 0 : i32
    %dma_start3A_159 = arith.constant 0 : i32
    %dma_start3A_160 = tpu.memref_slice %arg2[%dma_start3A_158, %dma_start3A_159] : memref<10000x128xf32, #tpu.memory_space<hbm>> -> memref<10000x128xf32, #tpu.memory_space<hbm>>
    tpu.enqueue_indirect_dma source(%dma_start3A_160 : memref<10000x128xf32, #tpu.memory_space<hbm>>) target(%arg14 : memref<64x128xf32, #tpu.memory_space<vmem>>) offsets(%arg9 : memref<64xi32, #tpu.memory_space<vmem>>) semaphore(%arg18 : memref<!tpu.dma_semaphore, #tpu.memory_space<semaphore_mem>>)
    %get3A_161 = arith.constant 2 : i32
    %get3A_162 = arith.index_cast %get3A_161 : i32 to index
    %get3A_163 = arith.constant 0 : index
    %get3A_164 = tpu.vector_load %arg6[%get3A_162, %get3A_163] {strides = array<i32>} : memref<160x64xi32, #tpu.memory_space<vmem>>, vector<1x16xi32>,
    %get3A_165 = vector.shape_cast %get3A_164 : vector<1x16xi32> to vector<16xi32>
    %and3A_166 = arith.constant 65535 : i32
    %and3A_167 = vector.broadcast %and3A_166 : i32 to vector<16xi32>
    %and3A_168 = arith.andi %get3A_165, %and3A_167 : vector<16xi32>
    %swap3A_169 = arith.constant 0 : index
    %swap3A_170 = tpu.vector_load %arg11[%swap3A_169] {strides = array<i32>} : memref<64xi32, #tpu.memory_space<vmem>>, vector<16xi32>,
    %swap3A_171 = vector.shape_cast %swap3A_170 : vector<16xi32> to vector<16xi32>
    %swap3A_172 = vector.shape_cast %and3A_168 : vector<16xi32> to vector<16xi32>
    tpu.vector_store %arg11[%swap3A_169], %swap3A_172 {strides = array<i32>} : memref<64xi32, #tpu.memory_space<vmem>>, vector<16xi32>,
    %shift_right_logical3A_173 = arith.constant 16 : i32
    %shift_right_logical3A_174 = vector.broadcast %shift_right_logical3A_173 : i32 to vector<16xi32>
    %shift_right_logical3A_175 = arith.shrui %get3A_165, %shift_right_logical3A_174 : vector<16xi32>
    %swap3A_176 = arith.constant 0 : index
    %swap3A_177 = tpu.vector_load %arg12[%swap3A_176] {strides = array<i32>} : memref<64xi32, #tpu.memory_space<vmem>>, vector<16xi32>,
    %swap3A_178 = vector.shape_cast %swap3A_177 : vector<16xi32> to vector<16xi32>
    %swap3A_179 = vector.shape_cast %shift_right_logical3A_175 : vector<16xi32> to vector<16xi32>
    tpu.vector_store %arg12[%swap3A_176], %swap3A_179 {strides = array<i32>} : memref<64xi32, #tpu.memory_space<vmem>>, vector<16xi32>,
    %get3A_180 = arith.constant 2 : i32
    %get3A_181 = arith.index_cast %get3A_180 : i32 to index
    %get3A_182 = arith.constant 16 : index
    %get3A_183 = tpu.vector_load %arg6[%get3A_181, %get3A_182] {strides = array<i32>} : memref<160x64xi32, #tpu.memory_space<vmem>>, vector<1x16xi32>,
    %get3A_184 = vector.shape_cast %get3A_183 : vector<1x16xi32> to vector<16xi32>
    %and3A_185 = arith.constant 65535 : i32
    %and3A_186 = vector.broadcast %and3A_185 : i32 to vector<16xi32>
    %and3A_187 = arith.andi %get3A_184, %and3A_186 : vector<16xi32>
    %swap3A_188 = arith.constant 16 : index
    %swap3A_189 = tpu.vector_load %arg11[%swap3A_188] {strides = array<i32>} : memref<64xi32, #tpu.memory_space<vmem>>, vector<16xi32>,
    %swap3A_190 = vector.shape_cast %swap3A_189 : vector<16xi32> to vector<16xi32>
    %swap3A_191 = vector.shape_cast %and3A_187 : vector<16xi32> to vector<16xi32>
    tpu.vector_store %arg11[%swap3A_188], %swap3A_191 {strides = array<i32>} : memref<64xi32, #tpu.memory_space<vmem>>, vector<16xi32>,
    %shift_right_logical3A_192 = arith.constant 16 : i32
    %shift_right_logical3A_193 = vector.broadcast %shift_right_logical3A_192 : i32 to vector<16xi32>
    %shift_right_logical3A_194 = arith.shrui %get3A_184, %shift_right_logical3A_193 : vector<16xi32>
    %swap3A_195 = arith.constant 16 : index
    %swap3A_196 = tpu.vector_load %arg12[%swap3A_195] {strides = array<i32>} : memref<64xi32, #tpu.memory_space<vmem>>, vector<16xi32>,
    %swap3A_197 = vector.shape_cast %swap3A_196 : vector<16xi32> to vector<16xi32>
    %swap3A_198 = vector.shape_cast %shift_right_logical3A_194 : vector<16xi32> to vector<16xi32>
    tpu.vector_store %arg12[%swap3A_195], %swap3A_198 {strides = array<i32>} : memref<64xi32, #tpu.memory_space<vmem>>, vector<16xi32>,
    %get3A_199 = arith.constant 2 : i32
    %get3A_200 = arith.index_cast %get3A_199 : i32 to index
    %get3A_201 = arith.constant 32 : index
    %get3A_202 = tpu.vector_load %arg6[%get3A_200, %get3A_201] {strides = array<i32>} : memref<160x64xi32, #tpu.memory_space<vmem>>, vector<1x16xi32>,
    %get3A_203 = vector.shape_cast %get3A_202 : vector<1x16xi32> to vector<16xi32>
    %and3A_204 = arith.constant 65535 : i32
    %and3A_205 = vector.broadcast %and3A_204 : i32 to vector<16xi32>
    %and3A_206 = arith.andi %get3A_203, %and3A_205 : vector<16xi32>
    %swap3A_207 = arith.constant 32 : index
    %swap3A_208 = tpu.vector_load %arg11[%swap3A_207] {strides = array<i32>} : memref<64xi32, #tpu.memory_space<vmem>>, vector<16xi32>,
    %swap3A_209 = vector.shape_cast %swap3A_208 : vector<16xi32> to vector<16xi32>
    %swap3A_210 = vector.shape_cast %and3A_206 : vector<16xi32> to vector<16xi32>
    tpu.vector_store %arg11[%swap3A_207], %swap3A_210 {strides = array<i32>} : memref<64xi32, #tpu.memory_space<vmem>>, vector<16xi32>,
    %shift_right_logical3A_211 = arith.constant 16 : i32
    %shift_right_logical3A_212 = vector.broadcast %shift_right_logical3A_211 : i32 to vector<16xi32>
    %shift_right_logical3A_213 = arith.shrui %get3A_203, %shift_right_logical3A_212 : vector<16xi32>
    %swap3A_214 = arith.constant 32 : index
    %swap3A_215 = tpu.vector_load %arg12[%swap3A_214] {strides = array<i32>} : memref<64xi32, #tpu.memory_space<vmem>>, vector<16xi32>,
    %swap3A_216 = vector.shape_cast %swap3A_215 : vector<16xi32> to vector<16xi32>
    %swap3A_217 = vector.shape_cast %shift_right_logical3A_213 : vector<16xi32> to vector<16xi32>
    tpu.vector_store %arg12[%swap3A_214], %swap3A_217 {strides = array<i32>} : memref<64xi32, #tpu.memory_space<vmem>>, vector<16xi32>,
    %get3A_218 = arith.constant 2 : i32
    %get3A_219 = arith.index_cast %get3A_218 : i32 to index
    %get3A_220 = arith.constant 48 : index
    %get3A_221 = tpu.vector_load %arg6[%get3A_219, %get3A_220] {strides = array<i32>} : memref<160x64xi32, #tpu.memory_space<vmem>>, vector<1x16xi32>,
    %get3A_222 = vector.shape_cast %get3A_221 : vector<1x16xi32> to vector<16xi32>
    %and3A_223 = arith.constant 65535 : i32
    %and3A_224 = vector.broadcast %and3A_223 : i32 to vector<16xi32>
    %and3A_225 = arith.andi %get3A_222, %and3A_224 : vector<16xi32>
    %swap3A_226 = arith.constant 48 : index
    %swap3A_227 = tpu.vector_load %arg11[%swap3A_226] {strides = array<i32>} : memref<64xi32, #tpu.memory_space<vmem>>, vector<16xi32>,
    %swap3A_228 = vector.shape_cast %swap3A_227 : vector<16xi32> to vector<16xi32>
    %swap3A_229 = vector.shape_cast %and3A_225 : vector<16xi32> to vector<16xi32>
    tpu.vector_store %arg11[%swap3A_226], %swap3A_229 {strides = array<i32>} : memref<64xi32, #tpu.memory_space<vmem>>, vector<16xi32>,
    %shift_right_logical3A_230 = arith.constant 16 : i32
    %shift_right_logical3A_231 = vector.broadcast %shift_right_logical3A_230 : i32 to vector<16xi32>
    %shift_right_logical3A_232 = arith.shrui %get3A_222, %shift_right_logical3A_231 : vector<16xi32>
    %swap3A_233 = arith.constant 48 : index
    %swap3A_234 = tpu.vector_load %arg12[%swap3A_233] {strides = array<i32>} : memref<64xi32, #tpu.memory_space<vmem>>, vector<16xi32>,
    %swap3A_235 = vector.shape_cast %swap3A_234 : vector<16xi32> to vector<16xi32>
    %swap3A_236 = vector.shape_cast %shift_right_logical3A_232 : vector<16xi32> to vector<16xi32>
    tpu.vector_store %arg12[%swap3A_233], %swap3A_236 {strides = array<i32>} : memref<64xi32, #tpu.memory_space<vmem>>, vector<16xi32>,
    %dma_start3A_237 = arith.constant 0 : i32
    %dma_start3A_238 = arith.constant 0 : i32
    %dma_start3A_239 = tpu.memref_slice %arg2[%dma_start3A_237, %dma_start3A_238] : memref<10000x128xf32, #tpu.memory_space<hbm>> -> memref<10000x128xf32, #tpu.memory_space<hbm>>
    tpu.enqueue_indirect_dma source(%dma_start3A_239 : memref<10000x128xf32, #tpu.memory_space<hbm>>) target(%arg15 : memref<64x128xf32, #tpu.memory_space<vmem>>) offsets(%arg11 : memref<64xi32, #tpu.memory_space<vmem>>) semaphore(%arg19 : memref<!tpu.dma_semaphore, #tpu.memory_space<semaphore_mem>>)
    %scan3A_240 = arith.constant 0 : i32
    %scan3A_241 = arith.constant 0 : i32
    %scan3A_242 = arith.constant 52 : i32
    %scan3A_243 = arith.addi %scan3A_241, %scan3A_242 : i32
    %scan3A_244 = arith.constant 1 : i32
    scf.for %scan3A_341 = %scan3A_241 to %scan3A_243 step %scan3A_244  : i32 {
      %mul3A_342 = arith.constant 3 : i32
      %mul3A_343 = arith.muli %mul3A_342, %scan3A_341 : i32
      %dma_wait3A_344 = arith.constant 0 : i32
      %dma_wait3A_345 = arith.constant 0 : i32
      %dma_wait3A_346 = tpu.memref_slice %arg2[%dma_wait3A_344, %dma_wait3A_345] : memref<10000x128xf32, #tpu.memory_space<hbm>> -> memref<10000x128xf32, #tpu.memory_space<hbm>>
      tpu.wait_indirect_dma semaphore(%arg17 : memref<!tpu.dma_semaphore, #tpu.memory_space<semaphore_mem>>) src(%dma_wait3A_346 : memref<10000x128xf32, #tpu.memory_space<hbm>>) dst(%arg13 : memref<64x128xf32, #tpu.memory_space<vmem>>)
      "tpu.region"() ({
        %run_scoped3A = tpu.sem_alloc : memref<!tpu.dma_semaphore, #tpu.memory_space<semaphore_mem>>
        %dma_start3A_588 = arith.constant 0 : i32
        %dma_start3A_589 = arith.constant 0 : i32
        %dma_start3A_590 = tpu.memref_slice %arg20[%dma_start3A_588, %dma_start3A_589] : memref<10240x128xf32, #tpu.memory_space<vmem_shared>> -> memref<10240x128xf32, #tpu.memory_space<vmem_shared>>
        tpu.enqueue_indirect_dma source(%arg13 : memref<64x128xf32, #tpu.memory_space<vmem>>) target(%dma_start3A_590 : memref<10240x128xf32, #tpu.memory_space<vmem_shared>>) offsets(%arg8 : memref<64xi32, #tpu.memory_space<vmem>>) semaphore(%run_scoped3A : memref<!tpu.dma_semaphore, #tpu.memory_space<semaphore_mem>>) {add = true}
        %dma_wait3A_591 = arith.constant 0 : i32
        %dma_wait3A_592 = arith.constant 0 : i32
        %dma_wait3A_593 = tpu.memref_slice %arg20[%dma_wait3A_591, %dma_wait3A_592] : memref<10240x128xf32, #tpu.memory_space<vmem_shared>> -> memref<10240x128xf32, #tpu.memory_space<vmem_shared>>
        tpu.wait_indirect_dma semaphore(%run_scoped3A : memref<!tpu.dma_semaphore, #tpu.memory_space<semaphore_mem>>) src(%arg13 : memref<64x128xf32, #tpu.memory_space<vmem>>) dst(%dma_wait3A_593 : memref<10240x128xf32, #tpu.memory_space<vmem_shared>>)
        tpu.yield
      }) : () -> ()
      %add3A_347 = arith.constant 3 : i32
      %add3A_348 = arith.addi %mul3A_343, %add3A_347 : i32
      %get3A_349 = arith.index_cast %add3A_348 : i32 to index
      %get3A_350 = arith.constant 0 : index
      %get3A_351 = tpu.vector_load %arg6[%get3A_349, %get3A_350] {strides = array<i32>} : memref<160x64xi32, #tpu.memory_space<vmem>>, vector<1x16xi32>,
      %get3A_352 = vector.shape_cast %get3A_351 : vector<1x16xi32> to vector<16xi32>
      %and3A_353 = arith.constant 65535 : i32
      %and3A_354 = vector.broadcast %and3A_353 : i32 to vector<16xi32>
      %and3A_355 = arith.andi %get3A_352, %and3A_354 : vector<16xi32>
      %swap3A_356 = arith.constant 0 : index
      %swap3A_357 = tpu.vector_load %arg7[%swap3A_356] {strides = array<i32>} : memref<64xi32, #tpu.memory_space<vmem>>, vector<16xi32>,
      %swap3A_358 = vector.shape_cast %swap3A_357 : vector<16xi32> to vector<16xi32>
      %swap3A_359 = vector.shape_cast %and3A_355 : vector<16xi32> to vector<16xi32>
      tpu.vector_store %arg7[%swap3A_356], %swap3A_359 {strides = array<i32>} : memref<64xi32, #tpu.memory_space<vmem>>, vector<16xi32>,
      %shift_right_logical3A_360 = arith.constant 16 : i32
      %shift_right_logical3A_361 = vector.broadcast %shift_right_logical3A_360 : i32 to vector<16xi32>
      %shift_right_logical3A_362 = arith.shrui %get3A_352, %shift_right_logical3A_361 : vector<16xi32>
      %swap3A_363 = arith.constant 0 : index
      %swap3A_364 = tpu.vector_load %arg8[%swap3A_363] {strides = array<i32>} : memref<64xi32, #tpu.memory_space<vmem>>, vector<16xi32>,
      %swap3A_365 = vector.shape_cast %swap3A_364 : vector<16xi32> to vector<16xi32>
      %swap3A_366 = vector.shape_cast %shift_right_logical3A_362 : vector<16xi32> to vector<16xi32>
      tpu.vector_store %arg8[%swap3A_363], %swap3A_366 {strides = array<i32>} : memref<64xi32, #tpu.memory_space<vmem>>, vector<16xi32>,
      %get3A_367 = arith.index_cast %add3A_348 : i32 to index
      %get3A_368 = arith.constant 16 : index
      %get3A_369 = tpu.vector_load %arg6[%get3A_367, %get3A_368] {strides = array<i32>} : memref<160x64xi32, #tpu.memory_space<vmem>>, vector<1x16xi32>,
      %get3A_370 = vector.shape_cast %get3A_369 : vector<1x16xi32> to vector<16xi32>
      %and3A_371 = arith.constant 65535 : i32
      %and3A_372 = vector.broadcast %and3A_371 : i32 to vector<16xi32>
      %and3A_373 = arith.andi %get3A_370, %and3A_372 : vector<16xi32>
      %swap3A_374 = arith.constant 16 : index
      %swap3A_375 = tpu.vector_load %arg7[%swap3A_374] {strides = array<i32>} : memref<64xi32, #tpu.memory_space<vmem>>, vector<16xi32>,
      %swap3A_376 = vector.shape_cast %swap3A_375 : vector<16xi32> to vector<16xi32>
      %swap3A_377 = vector.shape_cast %and3A_373 : vector<16xi32> to vector<16xi32>
      tpu.vector_store %arg7[%swap3A_374], %swap3A_377 {strides = array<i32>} : memref<64xi32, #tpu.memory_space<vmem>>, vector<16xi32>,
      %shift_right_logical3A_378 = arith.constant 16 : i32
      %shift_right_logical3A_379 = vector.broadcast %shift_right_logical3A_378 : i32 to vector<16xi32>
      %shift_right_logical3A_380 = arith.shrui %get3A_370, %shift_right_logical3A_379 : vector<16xi32>
      %swap3A_381 = arith.constant 16 : index
      %swap3A_382 = tpu.vector_load %arg8[%swap3A_381] {strides = array<i32>} : memref<64xi32, #tpu.memory_space<vmem>>, vector<16xi32>,
      %swap3A_383 = vector.shape_cast %swap3A_382 : vector<16xi32> to vector<16xi32>
      %swap3A_384 = vector.shape_cast %shift_right_logical3A_380 : vector<16xi32> to vector<16xi32>
      tpu.vector_store %arg8[%swap3A_381], %swap3A_384 {strides = array<i32>} : memref<64xi32, #tpu.memory_space<vmem>>, vector<16xi32>,
      %get3A_385 = arith.index_cast %add3A_348 : i32 to index
      %get3A_386 = arith.constant 32 : index
      %get3A_387 = tpu.vector_load %arg6[%get3A_385, %get3A_386] {strides = array<i32>} : memref<160x64xi32, #tpu.memory_space<vmem>>, vector<1x16xi32>,
      %get3A_388 = vector.shape_cast %get3A_387 : vector<1x16xi32> to vector<16xi32>
      %and3A_389 = arith.constant 65535 : i32
      %and3A_390 = vector.broadcast %and3A_389 : i32 to vector<16xi32>
      %and3A_391 = arith.andi %get3A_388, %and3A_390 : vector<16xi32>
      %swap3A_392 = arith.constant 32 : index
      %swap3A_393 = tpu.vector_load %arg7[%swap3A_392] {strides = array<i32>} : memref<64xi32, #tpu.memory_space<vmem>>, vector<16xi32>,
      %swap3A_394 = vector.shape_cast %swap3A_393 : vector<16xi32> to vector<16xi32>
      %swap3A_395 = vector.shape_cast %and3A_391 : vector<16xi32> to vector<16xi32>
      tpu.vector_store %arg7[%swap3A_392], %swap3A_395 {strides = array<i32>} : memref<64xi32, #tpu.memory_space<vmem>>, vector<16xi32>,
      %shift_right_logical3A_396 = arith.constant 16 : i32
      %shift_right_logical3A_397 = vector.broadcast %shift_right_logical3A_396 : i32 to vector<16xi32>
      %shift_right_logical3A_398 = arith.shrui %get3A_388, %shift_right_logical3A_397 : vector<16xi32>
      %swap3A_399 = arith.constant 32 : index
      %swap3A_400 = tpu.vector_load %arg8[%swap3A_399] {strides = array<i32>} : memref<64xi32, #tpu.memory_space<vmem>>, vector<16xi32>,
      %swap3A_401 = vector.shape_cast %swap3A_400 : vector<16xi32> to vector<16xi32>
      %swap3A_402 = vector.shape_cast %shift_right_logical3A_398 : vector<16xi32> to vector<16xi32>
      tpu.vector_store %arg8[%swap3A_399], %swap3A_402 {strides = array<i32>} : memref<64xi32, #tpu.memory_space<vmem>>, vector<16xi32>,
      %get3A_403 = arith.index_cast %add3A_348 : i32 to index
      %get3A_404 = arith.constant 48 : index
      %get3A_405 = tpu.vector_load %arg6[%get3A_403, %get3A_404] {strides = array<i32>} : memref<160x64xi32, #tpu.memory_space<vmem>>, vector<1x16xi32>,
      %get3A_406 = vector.shape_cast %get3A_405 : vector<1x16xi32> to vector<16xi32>
      %and3A_407 = arith.constant 65535 : i32
      %and3A_408 = vector.broadcast %and3A_407 : i32 to vector<16xi32>
      %and3A_409 = arith.andi %get3A_406, %and3A_408 : vector<16xi32>
      %swap3A_410 = arith.constant 48 : index
      %swap3A_411 = tpu.vector_load %arg7[%swap3A_410] {strides = array<i32>} : memref<64xi32, #tpu.memory_space<vmem>>, vector<16xi32>,
      %swap3A_412 = vector.shape_cast %swap3A_411 : vector<16xi32> to vector<16xi32>
      %swap3A_413 = vector.shape_cast %and3A_409 : vector<16xi32> to vector<16xi32>
      tpu.vector_store %arg7[%swap3A_410], %swap3A_413 {strides = array<i32>} : memref<64xi32, #tpu.memory_space<vmem>>, vector<16xi32>,
      %shift_right_logical3A_414 = arith.constant 16 : i32
      %shift_right_logical3A_415 = vector.broadcast %shift_right_logical3A_414 : i32 to vector<16xi32>
      %shift_right_logical3A_416 = arith.shrui %get3A_406, %shift_right_logical3A_415 : vector<16xi32>
      %swap3A_417 = arith.constant 48 : index
      %swap3A_418 = tpu.vector_load %arg8[%swap3A_417] {strides = array<i32>} : memref<64xi32, #tpu.memory_space<vmem>>, vector<16xi32>,
      %swap3A_419 = vector.shape_cast %swap3A_418 : vector<16xi32> to vector<16xi32>
      %swap3A_420 = vector.shape_cast %shift_right_logical3A_416 : vector<16xi32> to vector<16xi32>
      tpu.vector_store %arg8[%swap3A_417], %swap3A_420 {strides = array<i32>} : memref<64xi32, #tpu.memory_space<vmem>>, vector<16xi32>,
      %dma_start3A_421 = arith.constant 0 : i32
      %dma_start3A_422 = arith.constant 0 : i32
      %dma_start3A_423 = tpu.memref_slice %arg2[%dma_start3A_421, %dma_start3A_422] : memref<10000x128xf32, #tpu.memory_space<hbm>> -> memref<10000x128xf32, #tpu.memory_space<hbm>>
      tpu.enqueue_indirect_dma source(%dma_start3A_423 : memref<10000x128xf32, #tpu.memory_space<hbm>>) target(%arg13 : memref<64x128xf32, #tpu.memory_space<vmem>>) offsets(%arg7 : memref<64xi32, #tpu.memory_space<vmem>>) semaphore(%arg17 : memref<!tpu.dma_semaphore, #tpu.memory_space<semaphore_mem>>)
      %add3A_424 = arith.constant 1 : i32
      %add3A_425 = arith.addi %mul3A_343, %add3A_424 : i32
      %dma_wait3A_426 = arith.constant 0 : i32
      %dma_wait3A_427 = arith.constant 0 : i32
      %dma_wait3A_428 = tpu.memref_slice %arg2[%dma_wait3A_426, %dma_wait3A_427] : memref<10000x128xf32, #tpu.memory_space<hbm>> -> memref<10000x128xf32, #tpu.memory_space<hbm>>
      tpu.wait_indirect_dma semaphore(%arg18 : memref<!tpu.dma_semaphore, #tpu.memory_space<semaphore_mem>>) src(%dma_wait3A_428 : memref<10000x128xf32, #tpu.memory_space<hbm>>) dst(%arg14 : memref<64x128xf32, #tpu.memory_space<vmem>>)
      "tpu.region"() ({
        %run_scoped3A = tpu.sem_alloc : memref<!tpu.dma_semaphore, #tpu.memory_space<semaphore_mem>>
        %dma_start3A_588 = arith.constant 0 : i32
        %dma_start3A_589 = arith.constant 0 : i32
        %dma_start3A_590 = tpu.memref_slice %arg20[%dma_start3A_588, %dma_start3A_589] : memref<10240x128xf32, #tpu.memory_space<vmem_shared>> -> memref<10240x128xf32, #tpu.memory_space<vmem_shared>>
        tpu.enqueue_indirect_dma source(%arg14 : memref<64x128xf32, #tpu.memory_space<vmem>>) target(%dma_start3A_590 : memref<10240x128xf32, #tpu.memory_space<vmem_shared>>) offsets(%arg10 : memref<64xi32, #tpu.memory_space<vmem>>) semaphore(%run_scoped3A : memref<!tpu.dma_semaphore, #tpu.memory_space<semaphore_mem>>) {add = true}
        %dma_wait3A_591 = arith.constant 0 : i32
        %dma_wait3A_592 = arith.constant 0 : i32
        %dma_wait3A_593 = tpu.memref_slice %arg20[%dma_wait3A_591, %dma_wait3A_592] : memref<10240x128xf32, #tpu.memory_space<vmem_shared>> -> memref<10240x128xf32, #tpu.memory_space<vmem_shared>>
        tpu.wait_indirect_dma semaphore(%run_scoped3A : memref<!tpu.dma_semaphore, #tpu.memory_space<semaphore_mem>>) src(%arg14 : memref<64x128xf32, #tpu.memory_space<vmem>>) dst(%dma_wait3A_593 : memref<10240x128xf32, #tpu.memory_space<vmem_shared>>)
        tpu.yield
      }) : () -> ()
      %add3A_429 = arith.constant 3 : i32
      %add3A_430 = arith.addi %add3A_425, %add3A_429 : i32
      %get3A_431 = arith.index_cast %add3A_430 : i32 to index
      %get3A_432 = arith.constant 0 : index
      %get3A_433 = tpu.vector_load %arg6[%get3A_431, %get3A_432] {strides = array<i32>} : memref<160x64xi32, #tpu.memory_space<vmem>>, vector<1x16xi32>,
      %get3A_434 = vector.shape_cast %get3A_433 : vector<1x16xi32> to vector<16xi32>
      %and3A_435 = arith.constant 65535 : i32
      %and3A_436 = vector.broadcast %and3A_435 : i32 to vector<16xi32>
      %and3A_437 = arith.andi %get3A_434, %and3A_436 : vector<16xi32>
      %swap3A_438 = arith.constant 0 : index
      %swap3A_439 = tpu.vector_load %arg9[%swap3A_438] {strides = array<i32>} : memref<64xi32, #tpu.memory_space<vmem>>, vector<16xi32>,
      %swap3A_440 = vector.shape_cast %swap3A_439 : vector<16xi32> to vector<16xi32>
      %swap3A_441 = vector.shape_cast %and3A_437 : vector<16xi32> to vector<16xi32>
      tpu.vector_store %arg9[%swap3A_438], %swap3A_441 {strides = array<i32>} : memref<64xi32, #tpu.memory_space<vmem>>, vector<16xi32>,
      %shift_right_logical3A_442 = arith.constant 16 : i32
      %shift_right_logical3A_443 = vector.broadcast %shift_right_logical3A_442 : i32 to vector<16xi32>
      %shift_right_logical3A_444 = arith.shrui %get3A_434, %shift_right_logical3A_443 : vector<16xi32>
      %swap3A_445 = arith.constant 0 : index
      %swap3A_446 = tpu.vector_load %arg10[%swap3A_445] {strides = array<i32>} : memref<64xi32, #tpu.memory_space<vmem>>, vector<16xi32>,
      %swap3A_447 = vector.shape_cast %swap3A_446 : vector<16xi32> to vector<16xi32>
      %swap3A_448 = vector.shape_cast %shift_right_logical3A_444 : vector<16xi32> to vector<16xi32>
      tpu.vector_store %arg10[%swap3A_445], %swap3A_448 {strides = array<i32>} : memref<64xi32, #tpu.memory_space<vmem>>, vector<16xi32>,
      %get3A_449 = arith.index_cast %add3A_430 : i32 to index
      %get3A_450 = arith.constant 16 : index
      %get3A_451 = tpu.vector_load %arg6[%get3A_449, %get3A_450] {strides = array<i32>} : memref<160x64xi32, #tpu.memory_space<vmem>>, vector<1x16xi32>,
      %get3A_452 = vector.shape_cast %get3A_451 : vector<1x16xi32> to vector<16xi32>
      %and3A_453 = arith.constant 65535 : i32
      %and3A_454 = vector.broadcast %and3A_453 : i32 to vector<16xi32>
      %and3A_455 = arith.andi %get3A_452, %and3A_454 : vector<16xi32>
      %swap3A_456 = arith.constant 16 : index
      %swap3A_457 = tpu.vector_load %arg9[%swap3A_456] {strides = array<i32>} : memref<64xi32, #tpu.memory_space<vmem>>, vector<16xi32>,
      %swap3A_458 = vector.shape_cast %swap3A_457 : vector<16xi32> to vector<16xi32>
      %swap3A_459 = vector.shape_cast %and3A_455 : vector<16xi32> to vector<16xi32>
      tpu.vector_store %arg9[%swap3A_456], %swap3A_459 {strides = array<i32>} : memref<64xi32, #tpu.memory_space<vmem>>, vector<16xi32>,
      %shift_right_logical3A_460 = arith.constant 16 : i32
      %shift_right_logical3A_461 = vector.broadcast %shift_right_logical3A_460 : i32 to vector<16xi32>
      %shift_right_logical3A_462 = arith.shrui %get3A_452, %shift_right_logical3A_461 : vector<16xi32>
      %swap3A_463 = arith.constant 16 : index
      %swap3A_464 = tpu.vector_load %arg10[%swap3A_463] {strides = array<i32>} : memref<64xi32, #tpu.memory_space<vmem>>, vector<16xi32>,
      %swap3A_465 = vector.shape_cast %swap3A_464 : vector<16xi32> to vector<16xi32>
      %swap3A_466 = vector.shape_cast %shift_right_logical3A_462 : vector<16xi32> to vector<16xi32>
      tpu.vector_store %arg10[%swap3A_463], %swap3A_466 {strides = array<i32>} : memref<64xi32, #tpu.memory_space<vmem>>, vector<16xi32>,
      %get3A_467 = arith.index_cast %add3A_430 : i32 to index
      %get3A_468 = arith.constant 32 : index
      %get3A_469 = tpu.vector_load %arg6[%get3A_467, %get3A_468] {strides = array<i32>} : memref<160x64xi32, #tpu.memory_space<vmem>>, vector<1x16xi32>,
      %get3A_470 = vector.shape_cast %get3A_469 : vector<1x16xi32> to vector<16xi32>
      %and3A_471 = arith.constant 65535 : i32
      %and3A_472 = vector.broadcast %and3A_471 : i32 to vector<16xi32>
      %and3A_473 = arith.andi %get3A_470, %and3A_472 : vector<16xi32>
      %swap3A_474 = arith.constant 32 : index
      %swap3A_475 = tpu.vector_load %arg9[%swap3A_474] {strides = array<i32>} : memref<64xi32, #tpu.memory_space<vmem>>, vector<16xi32>,
      %swap3A_476 = vector.shape_cast %swap3A_475 : vector<16xi32> to vector<16xi32>
      %swap3A_477 = vector.shape_cast %and3A_473 : vector<16xi32> to vector<16xi32>
      tpu.vector_store %arg9[%swap3A_474], %swap3A_477 {strides = array<i32>} : memref<64xi32, #tpu.memory_space<vmem>>, vector<16xi32>,
      %shift_right_logical3A_478 = arith.constant 16 : i32
      %shift_right_logical3A_479 = vector.broadcast %shift_right_logical3A_478 : i32 to vector<16xi32>
      %shift_right_logical3A_480 = arith.shrui %get3A_470, %shift_right_logical3A_479 : vector<16xi32>
      %swap3A_481 = arith.constant 32 : index
      %swap3A_482 = tpu.vector_load %arg10[%swap3A_481] {strides = array<i32>} : memref<64xi32, #tpu.memory_space<vmem>>, vector<16xi32>,
      %swap3A_483 = vector.shape_cast %swap3A_482 : vector<16xi32> to vector<16xi32>
      %swap3A_484 = vector.shape_cast %shift_right_logical3A_480 : vector<16xi32> to vector<16xi32>
      tpu.vector_store %arg10[%swap3A_481], %swap3A_484 {strides = array<i32>} : memref<64xi32, #tpu.memory_space<vmem>>, vector<16xi32>,
      %get3A_485 = arith.index_cast %add3A_430 : i32 to index
      %get3A_486 = arith.constant 48 : index
      %get3A_487 = tpu.vector_load %arg6[%get3A_485, %get3A_486] {strides = array<i32>} : memref<160x64xi32, #tpu.memory_space<vmem>>, vector<1x16xi32>,
      %get3A_488 = vector.shape_cast %get3A_487 : vector<1x16xi32> to vector<16xi32>
      %and3A_489 = arith.constant 65535 : i32
      %and3A_490 = vector.broadcast %and3A_489 : i32 to vector<16xi32>
      %and3A_491 = arith.andi %get3A_488, %and3A_490 : vector<16xi32>
      %swap3A_492 = arith.constant 48 : index
      %swap3A_493 = tpu.vector_load %arg9[%swap3A_492] {strides = array<i32>} : memref<64xi32, #tpu.memory_space<vmem>>, vector<16xi32>,
      %swap3A_494 = vector.shape_cast %swap3A_493 : vector<16xi32> to vector<16xi32>
      %swap3A_495 = vector.shape_cast %and3A_491 : vector<16xi32> to vector<16xi32>
      tpu.vector_store %arg9[%swap3A_492], %swap3A_495 {strides = array<i32>} : memref<64xi32, #tpu.memory_space<vmem>>, vector<16xi32>,
      %shift_right_logical3A_496 = arith.constant 16 : i32
      %shift_right_logical3A_497 = vector.broadcast %shift_right_logical3A_496 : i32 to vector<16xi32>
      %shift_right_logical3A_498 = arith.shrui %get3A_488, %shift_right_logical3A_497 : vector<16xi32>
      %swap3A_499 = arith.constant 48 : index
      %swap3A_500 = tpu.vector_load %arg10[%swap3A_499] {strides = array<i32>} : memref<64xi32, #tpu.memory_space<vmem>>, vector<16xi32>,
      %swap3A_501 = vector.shape_cast %swap3A_500 : vector<16xi32> to vector<16xi32>
      %swap3A_502 = vector.shape_cast %shift_right_logical3A_498 : vector<16xi32> to vector<16xi32>
      tpu.vector_store %arg10[%swap3A_499], %swap3A_502 {strides = array<i32>} : memref<64xi32, #tpu.memory_space<vmem>>, vector<16xi32>,
      %dma_start3A_503 = arith.constant 0 : i32
      %dma_start3A_504 = arith.constant 0 : i32
      %dma_start3A_505 = tpu.memref_slice %arg2[%dma_start3A_503, %dma_start3A_504] : memref<10000x128xf32, #tpu.memory_space<hbm>> -> memref<10000x128xf32, #tpu.memory_space<hbm>>
      tpu.enqueue_indirect_dma source(%dma_start3A_505 : memref<10000x128xf32, #tpu.memory_space<hbm>>) target(%arg14 : memref<64x128xf32, #tpu.memory_space<vmem>>) offsets(%arg9 : memref<64xi32, #tpu.memory_space<vmem>>) semaphore(%arg18 : memref<!tpu.dma_semaphore, #tpu.memory_space<semaphore_mem>>)
      %add3A_506 = arith.constant 2 : i32
      %add3A_507 = arith.addi %mul3A_343, %add3A_506 : i32
      %dma_wait3A_508 = arith.constant 0 : i32
      %dma_wait3A_509 = arith.constant 0 : i32
      %dma_wait3A_510 = tpu.memref_slice %arg2[%dma_wait3A_508, %dma_wait3A_509] : memref<10000x128xf32, #tpu.memory_space<hbm>> -> memref<10000x128xf32, #tpu.memory_space<hbm>>
      tpu.wait_indirect_dma semaphore(%arg19 : memref<!tpu.dma_semaphore, #tpu.memory_space<semaphore_mem>>) src(%dma_wait3A_510 : memref<10000x128xf32, #tpu.memory_space<hbm>>) dst(%arg15 : memref<64x128xf32, #tpu.memory_space<vmem>>)
      "tpu.region"() ({
        %run_scoped3A = tpu.sem_alloc : memref<!tpu.dma_semaphore, #tpu.memory_space<semaphore_mem>>
        %dma_start3A_588 = arith.constant 0 : i32
        %dma_start3A_589 = arith.constant 0 : i32
        %dma_start3A_590 = tpu.memref_slice %arg20[%dma_start3A_588, %dma_start3A_589] : memref<10240x128xf32, #tpu.memory_space<vmem_shared>> -> memref<10240x128xf32, #tpu.memory_space<vmem_shared>>
        tpu.enqueue_indirect_dma source(%arg15 : memref<64x128xf32, #tpu.memory_space<vmem>>) target(%dma_start3A_590 : memref<10240x128xf32, #tpu.memory_space<vmem_shared>>) offsets(%arg12 : memref<64xi32, #tpu.memory_space<vmem>>) semaphore(%run_scoped3A : memref<!tpu.dma_semaphore, #tpu.memory_space<semaphore_mem>>) {add = true}
        %dma_wait3A_591 = arith.constant 0 : i32
        %dma_wait3A_592 = arith.constant 0 : i32
        %dma_wait3A_593 = tpu.memref_slice %arg20[%dma_wait3A_591, %dma_wait3A_592] : memref<10240x128xf32, #tpu.memory_space<vmem_shared>> -> memref<10240x128xf32, #tpu.memory_space<vmem_shared>>
        tpu.wait_indirect_dma semaphore(%run_scoped3A : memref<!tpu.dma_semaphore, #tpu.memory_space<semaphore_mem>>) src(%arg15 : memref<64x128xf32, #tpu.memory_space<vmem>>) dst(%dma_wait3A_593 : memref<10240x128xf32, #tpu.memory_space<vmem_shared>>)
        tpu.yield
      }) : () -> ()
      %add3A_511 = arith.constant 3 : i32
      %add3A_512 = arith.addi %add3A_507, %add3A_511 : i32
      %get3A_513 = arith.index_cast %add3A_512 : i32 to index
      %get3A_514 = arith.constant 0 : index
      %get3A_515 = tpu.vector_load %arg6[%get3A_513, %get3A_514] {strides = array<i32>} : memref<160x64xi32, #tpu.memory_space<vmem>>, vector<1x16xi32>,
      %get3A_516 = vector.shape_cast %get3A_515 : vector<1x16xi32> to vector<16xi32>
      %and3A_517 = arith.constant 65535 : i32
      %and3A_518 = vector.broadcast %and3A_517 : i32 to vector<16xi32>
      %and3A_519 = arith.andi %get3A_516, %and3A_518 : vector<16xi32>
      %swap3A_520 = arith.constant 0 : index
      %swap3A_521 = tpu.vector_load %arg11[%swap3A_520] {strides = array<i32>} : memref<64xi32, #tpu.memory_space<vmem>>, vector<16xi32>,
      %swap3A_522 = vector.shape_cast %swap3A_521 : vector<16xi32> to vector<16xi32>
      %swap3A_523 = vector.shape_cast %and3A_519 : vector<16xi32> to vector<16xi32>
      tpu.vector_store %arg11[%swap3A_520], %swap3A_523 {strides = array<i32>} : memref<64xi32, #tpu.memory_space<vmem>>, vector<16xi32>,
      %shift_right_logical3A_524 = arith.constant 16 : i32
      %shift_right_logical3A_525 = vector.broadcast %shift_right_logical3A_524 : i32 to vector<16xi32>
      %shift_right_logical3A_526 = arith.shrui %get3A_516, %shift_right_logical3A_525 : vector<16xi32>
      %swap3A_527 = arith.constant 0 : index
      %swap3A_528 = tpu.vector_load %arg12[%swap3A_527] {strides = array<i32>} : memref<64xi32, #tpu.memory_space<vmem>>, vector<16xi32>,
      %swap3A_529 = vector.shape_cast %swap3A_528 : vector<16xi32> to vector<16xi32>
      %swap3A_530 = vector.shape_cast %shift_right_logical3A_526 : vector<16xi32> to vector<16xi32>
      tpu.vector_store %arg12[%swap3A_527], %swap3A_530 {strides = array<i32>} : memref<64xi32, #tpu.memory_space<vmem>>, vector<16xi32>,
      %get3A_531 = arith.index_cast %add3A_512 : i32 to index
      %get3A_532 = arith.constant 16 : index
      %get3A_533 = tpu.vector_load %arg6[%get3A_531, %get3A_532] {strides = array<i32>} : memref<160x64xi32, #tpu.memory_space<vmem>>, vector<1x16xi32>,
      %get3A_534 = vector.shape_cast %get3A_533 : vector<1x16xi32> to vector<16xi32>
      %and3A_535 = arith.constant 65535 : i32
      %and3A_536 = vector.broadcast %and3A_535 : i32 to vector<16xi32>
      %and3A_537 = arith.andi %get3A_534, %and3A_536 : vector<16xi32>
      %swap3A_538 = arith.constant 16 : index
      %swap3A_539 = tpu.vector_load %arg11[%swap3A_538] {strides = array<i32>} : memref<64xi32, #tpu.memory_space<vmem>>, vector<16xi32>,
      %swap3A_540 = vector.shape_cast %swap3A_539 : vector<16xi32> to vector<16xi32>
      %swap3A_541 = vector.shape_cast %and3A_537 : vector<16xi32> to vector<16xi32>
      tpu.vector_store %arg11[%swap3A_538], %swap3A_541 {strides = array<i32>} : memref<64xi32, #tpu.memory_space<vmem>>, vector<16xi32>,
      %shift_right_logical3A_542 = arith.constant 16 : i32
      %shift_right_logical3A_543 = vector.broadcast %shift_right_logical3A_542 : i32 to vector<16xi32>
      %shift_right_logical3A_544 = arith.shrui %get3A_534, %shift_right_logical3A_543 : vector<16xi32>
      %swap3A_545 = arith.constant 16 : index
      %swap3A_546 = tpu.vector_load %arg12[%swap3A_545] {strides = array<i32>} : memref<64xi32, #tpu.memory_space<vmem>>, vector<16xi32>,
      %swap3A_547 = vector.shape_cast %swap3A_546 : vector<16xi32> to vector<16xi32>
      %swap3A_548 = vector.shape_cast %shift_right_logical3A_544 : vector<16xi32> to vector<16xi32>
      tpu.vector_store %arg12[%swap3A_545], %swap3A_548 {strides = array<i32>} : memref<64xi32, #tpu.memory_space<vmem>>, vector<16xi32>,
      %get3A_549 = arith.index_cast %add3A_512 : i32 to index
      %get3A_550 = arith.constant 32 : index
      %get3A_551 = tpu.vector_load %arg6[%get3A_549, %get3A_550] {strides = array<i32>} : memref<160x64xi32, #tpu.memory_space<vmem>>, vector<1x16xi32>,
      %get3A_552 = vector.shape_cast %get3A_551 : vector<1x16xi32> to vector<16xi32>
      %and3A_553 = arith.constant 65535 : i32
      %and3A_554 = vector.broadcast %and3A_553 : i32 to vector<16xi32>
      %and3A_555 = arith.andi %get3A_552, %and3A_554 : vector<16xi32>
      %swap3A_556 = arith.constant 32 : index
      %swap3A_557 = tpu.vector_load %arg11[%swap3A_556] {strides = array<i32>} : memref<64xi32, #tpu.memory_space<vmem>>, vector<16xi32>,
      %swap3A_558 = vector.shape_cast %swap3A_557 : vector<16xi32> to vector<16xi32>
      %swap3A_559 = vector.shape_cast %and3A_555 : vector<16xi32> to vector<16xi32>
      tpu.vector_store %arg11[%swap3A_556], %swap3A_559 {strides = array<i32>} : memref<64xi32, #tpu.memory_space<vmem>>, vector<16xi32>,
      %shift_right_logical3A_560 = arith.constant 16 : i32
      %shift_right_logical3A_561 = vector.broadcast %shift_right_logical3A_560 : i32 to vector<16xi32>
      %shift_right_logical3A_562 = arith.shrui %get3A_552, %shift_right_logical3A_561 : vector<16xi32>
      %swap3A_563 = arith.constant 32 : index
      %swap3A_564 = tpu.vector_load %arg12[%swap3A_563] {strides = array<i32>} : memref<64xi32, #tpu.memory_space<vmem>>, vector<16xi32>,
      %swap3A_565 = vector.shape_cast %swap3A_564 : vector<16xi32> to vector<16xi32>
      %swap3A_566 = vector.shape_cast %shift_right_logical3A_562 : vector<16xi32> to vector<16xi32>
      tpu.vector_store %arg12[%swap3A_563], %swap3A_566 {strides = array<i32>} : memref<64xi32, #tpu.memory_space<vmem>>, vector<16xi32>,
      %get3A_567 = arith.index_cast %add3A_512 : i32 to index
      %get3A_568 = arith.constant 48 : index
      %get3A_569 = tpu.vector_load %arg6[%get3A_567, %get3A_568] {strides = array<i32>} : memref<160x64xi32, #tpu.memory_space<vmem>>, vector<1x16xi32>,
      %get3A_570 = vector.shape_cast %get3A_569 : vector<1x16xi32> to vector<16xi32>
      %and3A_571 = arith.constant 65535 : i32
      %and3A_572 = vector.broadcast %and3A_571 : i32 to vector<16xi32>
      %and3A_573 = arith.andi %get3A_570, %and3A_572 : vector<16xi32>
      %swap3A_574 = arith.constant 48 : index
      %swap3A_575 = tpu.vector_load %arg11[%swap3A_574] {strides = array<i32>} : memref<64xi32, #tpu.memory_space<vmem>>, vector<16xi32>,
      %swap3A_576 = vector.shape_cast %swap3A_575 : vector<16xi32> to vector<16xi32>
      %swap3A_577 = vector.shape_cast %and3A_573 : vector<16xi32> to vector<16xi32>
      tpu.vector_store %arg11[%swap3A_574], %swap3A_577 {strides = array<i32>} : memref<64xi32, #tpu.memory_space<vmem>>, vector<16xi32>,
      %shift_right_logical3A_578 = arith.constant 16 : i32
      %shift_right_logical3A_579 = vector.broadcast %shift_right_logical3A_578 : i32 to vector<16xi32>
      %shift_right_logical3A_580 = arith.shrui %get3A_570, %shift_right_logical3A_579 : vector<16xi32>
      %swap3A_581 = arith.constant 48 : index
      %swap3A_582 = tpu.vector_load %arg12[%swap3A_581] {strides = array<i32>} : memref<64xi32, #tpu.memory_space<vmem>>, vector<16xi32>,
      %swap3A_583 = vector.shape_cast %swap3A_582 : vector<16xi32> to vector<16xi32>
      %swap3A_584 = vector.shape_cast %shift_right_logical3A_580 : vector<16xi32> to vector<16xi32>
      tpu.vector_store %arg12[%swap3A_581], %swap3A_584 {strides = array<i32>} : memref<64xi32, #tpu.memory_space<vmem>>, vector<16xi32>,
      %dma_start3A_585 = arith.constant 0 : i32
      %dma_start3A_586 = arith.constant 0 : i32
      %dma_start3A_587 = tpu.memref_slice %arg2[%dma_start3A_585, %dma_start3A_586] : memref<10000x128xf32, #tpu.memory_space<hbm>> -> memref<10000x128xf32, #tpu.memory_space<hbm>>
      tpu.enqueue_indirect_dma source(%dma_start3A_587 : memref<10000x128xf32, #tpu.memory_space<hbm>>) target(%arg15 : memref<64x128xf32, #tpu.memory_space<vmem>>) offsets(%arg11 : memref<64xi32, #tpu.memory_space<vmem>>) semaphore(%arg19 : memref<!tpu.dma_semaphore, #tpu.memory_space<semaphore_mem>>)
    }
    %scan3A_245 = arith.constant 52 : i32
    %dma_wait3A = arith.constant 0 : i32
    %dma_wait3A_246 = arith.constant 0 : i32
    %dma_wait3A_247 = tpu.memref_slice %arg2[%dma_wait3A, %dma_wait3A_246] : memref<10000x128xf32, #tpu.memory_space<hbm>> -> memref<10000x128xf32, #tpu.memory_space<hbm>>
    tpu.wait_indirect_dma semaphore(%arg17 : memref<!tpu.dma_semaphore, #tpu.memory_space<semaphore_mem>>) src(%dma_wait3A_247 : memref<10000x128xf32, #tpu.memory_space<hbm>>) dst(%arg13 : memref<64x128xf32, #tpu.memory_space<vmem>>)
    "tpu.region"() ({
      %run_scoped3A = tpu.sem_alloc : memref<!tpu.dma_semaphore, #tpu.memory_space<semaphore_mem>>
      %dma_start3A_341 = arith.constant 0 : i32
      %dma_start3A_342 = arith.constant 0 : i32
      %dma_start3A_343 = tpu.memref_slice %arg20[%dma_start3A_341, %dma_start3A_342] : memref<10240x128xf32, #tpu.memory_space<vmem_shared>> -> memref<10240x128xf32, #tpu.memory_space<vmem_shared>>
      tpu.enqueue_indirect_dma source(%arg13 : memref<64x128xf32, #tpu.memory_space<vmem>>) target(%dma_start3A_343 : memref<10240x128xf32, #tpu.memory_space<vmem_shared>>) offsets(%arg8 : memref<64xi32, #tpu.memory_space<vmem>>) semaphore(%run_scoped3A : memref<!tpu.dma_semaphore, #tpu.memory_space<semaphore_mem>>) {add = true}
      %dma_wait3A_344 = arith.constant 0 : i32
      %dma_wait3A_345 = arith.constant 0 : i32
      %dma_wait3A_346 = tpu.memref_slice %arg20[%dma_wait3A_344, %dma_wait3A_345] : memref<10240x128xf32, #tpu.memory_space<vmem_shared>> -> memref<10240x128xf32, #tpu.memory_space<vmem_shared>>
      tpu.wait_indirect_dma semaphore(%run_scoped3A : memref<!tpu.dma_semaphore, #tpu.memory_space<semaphore_mem>>) src(%arg13 : memref<64x128xf32, #tpu.memory_space<vmem>>) dst(%dma_wait3A_346 : memref<10240x128xf32, #tpu.memory_space<vmem_shared>>)
      tpu.yield
    }) : () -> ()
    %get3A_248 = arith.constant 159 : i32
    %get3A_249 = arith.index_cast %get3A_248 : i32 to index
    %get3A_250 = arith.constant 0 : index
    %get3A_251 = tpu.vector_load %arg6[%get3A_249, %get3A_250] {strides = array<i32>} : memref<160x64xi32, #tpu.memory_space<vmem>>, vector<1x16xi32>,
    %get3A_252 = vector.shape_cast %get3A_251 : vector<1x16xi32> to vector<16xi32>
    %and3A_253 = arith.constant 65535 : i32
    %and3A_254 = vector.broadcast %and3A_253 : i32 to vector<16xi32>
    %and3A_255 = arith.andi %get3A_252, %and3A_254 : vector<16xi32>
    %swap3A_256 = arith.constant 0 : index
    %swap3A_257 = tpu.vector_load %arg7[%swap3A_256] {strides = array<i32>} : memref<64xi32, #tpu.memory_space<vmem>>, vector<16xi32>,
    %swap3A_258 = vector.shape_cast %swap3A_257 : vector<16xi32> to vector<16xi32>
    %swap3A_259 = vector.shape_cast %and3A_255 : vector<16xi32> to vector<16xi32>
    tpu.vector_store %arg7[%swap3A_256], %swap3A_259 {strides = array<i32>} : memref<64xi32, #tpu.memory_space<vmem>>, vector<16xi32>,
    %shift_right_logical3A_260 = arith.constant 16 : i32
    %shift_right_logical3A_261 = vector.broadcast %shift_right_logical3A_260 : i32 to vector<16xi32>
    %shift_right_logical3A_262 = arith.shrui %get3A_252, %shift_right_logical3A_261 : vector<16xi32>
    %swap3A_263 = arith.constant 0 : index
    %swap3A_264 = tpu.vector_load %arg8[%swap3A_263] {strides = array<i32>} : memref<64xi32, #tpu.memory_space<vmem>>, vector<16xi32>,
    %swap3A_265 = vector.shape_cast %swap3A_264 : vector<16xi32> to vector<16xi32>
    %swap3A_266 = vector.shape_cast %shift_right_logical3A_262 : vector<16xi32> to vector<16xi32>
    tpu.vector_store %arg8[%swap3A_263], %swap3A_266 {strides = array<i32>} : memref<64xi32, #tpu.memory_space<vmem>>, vector<16xi32>,
    %get3A_267 = arith.constant 159 : i32
    %get3A_268 = arith.index_cast %get3A_267 : i32 to index
    %get3A_269 = arith.constant 16 : index
    %get3A_270 = tpu.vector_load %arg6[%get3A_268, %get3A_269] {strides = array<i32>} : memref<160x64xi32, #tpu.memory_space<vmem>>, vector<1x16xi32>,
    %get3A_271 = vector.shape_cast %get3A_270 : vector<1x16xi32> to vector<16xi32>
    %and3A_272 = arith.constant 65535 : i32
    %and3A_273 = vector.broadcast %and3A_272 : i32 to vector<16xi32>
    %and3A_274 = arith.andi %get3A_271, %and3A_273 : vector<16xi32>
    %swap3A_275 = arith.constant 16 : index
    %swap3A_276 = tpu.vector_load %arg7[%swap3A_275] {strides = array<i32>} : memref<64xi32, #tpu.memory_space<vmem>>, vector<16xi32>,
    %swap3A_277 = vector.shape_cast %swap3A_276 : vector<16xi32> to vector<16xi32>
    %swap3A_278 = vector.shape_cast %and3A_274 : vector<16xi32> to vector<16xi32>
    tpu.vector_store %arg7[%swap3A_275], %swap3A_278 {strides = array<i32>} : memref<64xi32, #tpu.memory_space<vmem>>, vector<16xi32>,
    %shift_right_logical3A_279 = arith.constant 16 : i32
    %shift_right_logical3A_280 = vector.broadcast %shift_right_logical3A_279 : i32 to vector<16xi32>
    %shift_right_logical3A_281 = arith.shrui %get3A_271, %shift_right_logical3A_280 : vector<16xi32>
    %swap3A_282 = arith.constant 16 : index
    %swap3A_283 = tpu.vector_load %arg8[%swap3A_282] {strides = array<i32>} : memref<64xi32, #tpu.memory_space<vmem>>, vector<16xi32>,
    %swap3A_284 = vector.shape_cast %swap3A_283 : vector<16xi32> to vector<16xi32>
    %swap3A_285 = vector.shape_cast %shift_right_logical3A_281 : vector<16xi32> to vector<16xi32>
    tpu.vector_store %arg8[%swap3A_282], %swap3A_285 {strides = array<i32>} : memref<64xi32, #tpu.memory_space<vmem>>, vector<16xi32>,
    %get3A_286 = arith.constant 159 : i32
    %get3A_287 = arith.index_cast %get3A_286 : i32 to index
    %get3A_288 = arith.constant 32 : index
    %get3A_289 = tpu.vector_load %arg6[%get3A_287, %get3A_288] {strides = array<i32>} : memref<160x64xi32, #tpu.memory_space<vmem>>, vector<1x16xi32>,
    %get3A_290 = vector.shape_cast %get3A_289 : vector<1x16xi32> to vector<16xi32>
    %and3A_291 = arith.constant 65535 : i32
    %and3A_292 = vector.broadcast %and3A_291 : i32 to vector<16xi32>
    %and3A_293 = arith.andi %get3A_290, %and3A_292 : vector<16xi32>
    %swap3A_294 = arith.constant 32 : index
    %swap3A_295 = tpu.vector_load %arg7[%swap3A_294] {strides = array<i32>} : memref<64xi32, #tpu.memory_space<vmem>>, vector<16xi32>,
    %swap3A_296 = vector.shape_cast %swap3A_295 : vector<16xi32> to vector<16xi32>
    %swap3A_297 = vector.shape_cast %and3A_293 : vector<16xi32> to vector<16xi32>
    tpu.vector_store %arg7[%swap3A_294], %swap3A_297 {strides = array<i32>} : memref<64xi32, #tpu.memory_space<vmem>>, vector<16xi32>,
    %shift_right_logical3A_298 = arith.constant 16 : i32
    %shift_right_logical3A_299 = vector.broadcast %shift_right_logical3A_298 : i32 to vector<16xi32>
    %shift_right_logical3A_300 = arith.shrui %get3A_290, %shift_right_logical3A_299 : vector<16xi32>
    %swap3A_301 = arith.constant 32 : index
    %swap3A_302 = tpu.vector_load %arg8[%swap3A_301] {strides = array<i32>} : memref<64xi32, #tpu.memory_space<vmem>>, vector<16xi32>,
    %swap3A_303 = vector.shape_cast %swap3A_302 : vector<16xi32> to vector<16xi32>
    %swap3A_304 = vector.shape_cast %shift_right_logical3A_300 : vector<16xi32> to vector<16xi32>
    tpu.vector_store %arg8[%swap3A_301], %swap3A_304 {strides = array<i32>} : memref<64xi32, #tpu.memory_space<vmem>>, vector<16xi32>,
    %get3A_305 = arith.constant 159 : i32
    %get3A_306 = arith.index_cast %get3A_305 : i32 to index
    %get3A_307 = arith.constant 48 : index
    %get3A_308 = tpu.vector_load %arg6[%get3A_306, %get3A_307] {strides = array<i32>} : memref<160x64xi32, #tpu.memory_space<vmem>>, vector<1x16xi32>,
    %get3A_309 = vector.shape_cast %get3A_308 : vector<1x16xi32> to vector<16xi32>
    %and3A_310 = arith.constant 65535 : i32
    %and3A_311 = vector.broadcast %and3A_310 : i32 to vector<16xi32>
    %and3A_312 = arith.andi %get3A_309, %and3A_311 : vector<16xi32>
    %swap3A_313 = arith.constant 48 : index
    %swap3A_314 = tpu.vector_load %arg7[%swap3A_313] {strides = array<i32>} : memref<64xi32, #tpu.memory_space<vmem>>, vector<16xi32>,
    %swap3A_315 = vector.shape_cast %swap3A_314 : vector<16xi32> to vector<16xi32>
    %swap3A_316 = vector.shape_cast %and3A_312 : vector<16xi32> to vector<16xi32>
    tpu.vector_store %arg7[%swap3A_313], %swap3A_316 {strides = array<i32>} : memref<64xi32, #tpu.memory_space<vmem>>, vector<16xi32>,
    %shift_right_logical3A_317 = arith.constant 16 : i32
    %shift_right_logical3A_318 = vector.broadcast %shift_right_logical3A_317 : i32 to vector<16xi32>
    %shift_right_logical3A_319 = arith.shrui %get3A_309, %shift_right_logical3A_318 : vector<16xi32>
    %swap3A_320 = arith.constant 48 : index
    %swap3A_321 = tpu.vector_load %arg8[%swap3A_320] {strides = array<i32>} : memref<64xi32, #tpu.memory_space<vmem>>, vector<16xi32>,
    %swap3A_322 = vector.shape_cast %swap3A_321 : vector<16xi32> to vector<16xi32>
    %swap3A_323 = vector.shape_cast %shift_right_logical3A_319 : vector<16xi32> to vector<16xi32>
    tpu.vector_store %arg8[%swap3A_320], %swap3A_323 {strides = array<i32>} : memref<64xi32, #tpu.memory_space<vmem>>, vector<16xi32>,
    %dma_start3A_324 = arith.constant 0 : i32
    %dma_start3A_325 = arith.constant 0 : i32
    %dma_start3A_326 = tpu.memref_slice %arg2[%dma_start3A_324, %dma_start3A_325] : memref<10000x128xf32, #tpu.memory_space<hbm>> -> memref<10000x128xf32, #tpu.memory_space<hbm>>
    tpu.enqueue_indirect_dma source(%dma_start3A_326 : memref<10000x128xf32, #tpu.memory_space<hbm>>) target(%arg13 : memref<64x128xf32, #tpu.memory_space<vmem>>) offsets(%arg7 : memref<64xi32, #tpu.memory_space<vmem>>) semaphore(%arg17 : memref<!tpu.dma_semaphore, #tpu.memory_space<semaphore_mem>>)
    %dma_wait3A_327 = arith.constant 0 : i32
    %dma_wait3A_328 = arith.constant 0 : i32
    %dma_wait3A_329 = tpu.memref_slice %arg2[%dma_wait3A_327, %dma_wait3A_328] : memref<10000x128xf32, #tpu.memory_space<hbm>> -> memref<10000x128xf32, #tpu.memory_space<hbm>>
    tpu.wait_indirect_dma semaphore(%arg18 : memref<!tpu.dma_semaphore, #tpu.memory_space<semaphore_mem>>) src(%dma_wait3A_329 : memref<10000x128xf32, #tpu.memory_space<hbm>>) dst(%arg14 : memref<64x128xf32, #tpu.memory_space<vmem>>)
    "tpu.region"() ({
      %run_scoped3A = tpu.sem_alloc : memref<!tpu.dma_semaphore, #tpu.memory_space<semaphore_mem>>
      %dma_start3A_341 = arith.constant 0 : i32
      %dma_start3A_342 = arith.constant 0 : i32
      %dma_start3A_343 = tpu.memref_slice %arg20[%dma_start3A_341, %dma_start3A_342] : memref<10240x128xf32, #tpu.memory_space<vmem_shared>> -> memref<10240x128xf32, #tpu.memory_space<vmem_shared>>
      tpu.enqueue_indirect_dma source(%arg14 : memref<64x128xf32, #tpu.memory_space<vmem>>) target(%dma_start3A_343 : memref<10240x128xf32, #tpu.memory_space<vmem_shared>>) offsets(%arg10 : memref<64xi32, #tpu.memory_space<vmem>>) semaphore(%run_scoped3A : memref<!tpu.dma_semaphore, #tpu.memory_space<semaphore_mem>>) {add = true}
      %dma_wait3A_344 = arith.constant 0 : i32
      %dma_wait3A_345 = arith.constant 0 : i32
      %dma_wait3A_346 = tpu.memref_slice %arg20[%dma_wait3A_344, %dma_wait3A_345] : memref<10240x128xf32, #tpu.memory_space<vmem_shared>> -> memref<10240x128xf32, #tpu.memory_space<vmem_shared>>
      tpu.wait_indirect_dma semaphore(%run_scoped3A : memref<!tpu.dma_semaphore, #tpu.memory_space<semaphore_mem>>) src(%arg14 : memref<64x128xf32, #tpu.memory_space<vmem>>) dst(%dma_wait3A_346 : memref<10240x128xf32, #tpu.memory_space<vmem_shared>>)
      tpu.yield
    }) : () -> ()
    %dma_wait3A_330 = arith.constant 0 : i32
    %dma_wait3A_331 = arith.constant 0 : i32
    %dma_wait3A_332 = tpu.memref_slice %arg2[%dma_wait3A_330, %dma_wait3A_331] : memref<10000x128xf32, #tpu.memory_space<hbm>> -> memref<10000x128xf32, #tpu.memory_space<hbm>>
    tpu.wait_indirect_dma semaphore(%arg19 : memref<!tpu.dma_semaphore, #tpu.memory_space<semaphore_mem>>) src(%dma_wait3A_332 : memref<10000x128xf32, #tpu.memory_space<hbm>>) dst(%arg15 : memref<64x128xf32, #tpu.memory_space<vmem>>)
    "tpu.region"() ({
      %run_scoped3A = tpu.sem_alloc : memref<!tpu.dma_semaphore, #tpu.memory_space<semaphore_mem>>
      %dma_start3A_341 = arith.constant 0 : i32
      %dma_start3A_342 = arith.constant 0 : i32
      %dma_start3A_343 = tpu.memref_slice %arg20[%dma_start3A_341, %dma_start3A_342] : memref<10240x128xf32, #tpu.memory_space<vmem_shared>> -> memref<10240x128xf32, #tpu.memory_space<vmem_shared>>
      tpu.enqueue_indirect_dma source(%arg15 : memref<64x128xf32, #tpu.memory_space<vmem>>) target(%dma_start3A_343 : memref<10240x128xf32, #tpu.memory_space<vmem_shared>>) offsets(%arg12 : memref<64xi32, #tpu.memory_space<vmem>>) semaphore(%run_scoped3A : memref<!tpu.dma_semaphore, #tpu.memory_space<semaphore_mem>>) {add = true}
      %dma_wait3A_344 = arith.constant 0 : i32
      %dma_wait3A_345 = arith.constant 0 : i32
      %dma_wait3A_346 = tpu.memref_slice %arg20[%dma_wait3A_344, %dma_wait3A_345] : memref<10240x128xf32, #tpu.memory_space<vmem_shared>> -> memref<10240x128xf32, #tpu.memory_space<vmem_shared>>
      tpu.wait_indirect_dma semaphore(%run_scoped3A : memref<!tpu.dma_semaphore, #tpu.memory_space<semaphore_mem>>) src(%arg15 : memref<64x128xf32, #tpu.memory_space<vmem>>) dst(%dma_wait3A_346 : memref<10240x128xf32, #tpu.memory_space<vmem_shared>>)
      tpu.yield
    }) : () -> ()
    %dma_wait3A_333 = arith.constant 0 : i32
    %dma_wait3A_334 = arith.constant 0 : i32
    %dma_wait3A_335 = tpu.memref_slice %arg2[%dma_wait3A_333, %dma_wait3A_334] : memref<10000x128xf32, #tpu.memory_space<hbm>> -> memref<10000x128xf32, #tpu.memory_space<hbm>>
    tpu.wait_indirect_dma semaphore(%arg17 : memref<!tpu.dma_semaphore, #tpu.memory_space<semaphore_mem>>) src(%dma_wait3A_335 : memref<10000x128xf32, #tpu.memory_space<hbm>>) dst(%arg13 : memref<64x128xf32, #tpu.memory_space<vmem>>)
    "tpu.region"() ({
      %run_scoped3A = tpu.sem_alloc : memref<!tpu.dma_semaphore, #tpu.memory_space<semaphore_mem>>
      %dma_start3A_341 = arith.constant 0 : i32
      %dma_start3A_342 = arith.constant 0 : i32
      %dma_start3A_343 = tpu.memref_slice %arg20[%dma_start3A_341, %dma_start3A_342] : memref<10240x128xf32, #tpu.memory_space<vmem_shared>> -> memref<10240x128xf32, #tpu.memory_space<vmem_shared>>
      tpu.enqueue_indirect_dma source(%arg13 : memref<64x128xf32, #tpu.memory_space<vmem>>) target(%dma_start3A_343 : memref<10240x128xf32, #tpu.memory_space<vmem_shared>>) offsets(%arg8 : memref<64xi32, #tpu.memory_space<vmem>>) semaphore(%run_scoped3A : memref<!tpu.dma_semaphore, #tpu.memory_space<semaphore_mem>>) {add = true}
      %dma_wait3A_344 = arith.constant 0 : i32
      %dma_wait3A_345 = arith.constant 0 : i32
      %dma_wait3A_346 = tpu.memref_slice %arg20[%dma_wait3A_344, %dma_wait3A_345] : memref<10240x128xf32, #tpu.memory_space<vmem_shared>> -> memref<10240x128xf32, #tpu.memory_space<vmem_shared>>
      tpu.wait_indirect_dma semaphore(%run_scoped3A : memref<!tpu.dma_semaphore, #tpu.memory_space<semaphore_mem>>) src(%arg13 : memref<64x128xf32, #tpu.memory_space<vmem>>) dst(%dma_wait3A_346 : memref<10240x128xf32, #tpu.memory_space<vmem_shared>>)
      tpu.yield
    }) : () -> ()
    %barrier3A_336 = arith.constant 0 : index
    tpu.barrier barrier_id(%barrier3A_336)
    %mul3A_337 = arith.constant 640 : i32
    %mul3A_338 = arith.muli %arg1, %mul3A_337 : i32
    %mul3A_339 = arith.constant 640 : i32
    %mul3A_340 = arith.muli %arg1, %mul3A_339 : i32
    "tpu.region"() ({
      %run_scoped3A = tpu.sem_alloc : memref<!tpu.dma_semaphore, #tpu.memory_space<semaphore_mem>>
      %dma_start3A_341 = arith.constant 0 : i32
      %dma_start3A_342 = tpu.memref_slice %arg5[%arg0, %mul3A_340, %dma_start3A_341] : memref<2x10240x128xf32, #tpu.memory_space<hbm>> -> memref<1x640x128xf32, #tpu.memory_space<hbm>>
      %dma_start3A_343 = tpu.memref_squeeze %dma_start3A_342 : memref<1x640x128xf32, #tpu.memory_space<hbm>> -> memref<640x128xf32, #tpu.memory_space<hbm>>
      %dma_start3A_344 = arith.constant 0 : i32
      %dma_start3A_345 = tpu.memref_slice %arg20[%mul3A_338, %dma_start3A_344] : memref<10240x128xf32, #tpu.memory_space<vmem_shared>> -> memref<640x128xf32, #tpu.memory_space<vmem_shared>>
      tpu.enqueue_dma source(%dma_start3A_345 : memref<640x128xf32, #tpu.memory_space<vmem_shared>>) target(%dma_start3A_343 : memref<640x128xf32, #tpu.memory_space<hbm>>) target_semaphore(%run_scoped3A : memref<!tpu.dma_semaphore, #tpu.memory_space<semaphore_mem>>)
      %dma_wait3A_346 = arith.constant 0 : i32
      %dma_wait3A_347 = tpu.memref_slice %arg5[%arg0, %mul3A_340, %dma_wait3A_346] : memref<2x10240x128xf32, #tpu.memory_space<hbm>> -> memref<1x640x128xf32, #tpu.memory_space<hbm>>
      %dma_wait3A_348 = tpu.memref_squeeze %dma_wait3A_347 : memref<1x640x128xf32, #tpu.memory_space<hbm>> -> memref<640x128xf32, #tpu.memory_space<hbm>>
      %dma_wait3A_349 = arith.constant 0 : i32
      %dma_wait3A_350 = tpu.memref_slice %arg20[%mul3A_338, %dma_wait3A_349] : memref<10240x128xf32, #tpu.memory_space<vmem_shared>> -> memref<640x128xf32, #tpu.memory_space<vmem_shared>>
      tpu.wait_dma2 semaphore(%run_scoped3A : memref<!tpu.dma_semaphore, #tpu.memory_space<semaphore_mem>>) src(%dma_wait3A_350 : memref<640x128xf32, #tpu.memory_space<vmem_shared>>) dst(%dma_wait3A_348 : memref<640x128xf32, #tpu.memory_space<hbm>>)
      tpu.yield
    }) : () -> ()
    return
  }
}

module attributes {stable_mosaic.version = 14 : i64} {
  func.func @_enc_body(%arg0: i32, %arg1: memref<2000x128xf32, #tpu.memory_space<vmem>>, %arg2: memref<128x128xf32, #tpu.memory_space<vmem>>, %arg3: memref<1x128xf32, #tpu.memory_space<vmem>>, %arg4: memref<2x64000xi32, #tpu.memory_space<vmem>>, %arg5: memref<2000x128xf32, #tpu.memory_space<vmem>>, %arg6: memref<1x1x65536xi32, #tpu.memory_space<vmem>>) attributes {dimension_semantics = [#tpu.dimension_semantics<arbitrary>], iteration_bounds = array<i64: 5>, scalar_prefetch = 0 : i64, scratch_operands = 0 : i64, tpu.core_type = #tpu.core_type<tc>, window_params = [{transform_indices = @transform_0, window_bounds = array<i64: 2000, 128>}, {pipeline_mode = #tpu.pipeline_mode<synchronous>, transform_indices = @transform_1, window_bounds = array<i64: 128, 128>}, {pipeline_mode = #tpu.pipeline_mode<synchronous>, transform_indices = @transform_2, window_bounds = array<i64: 1, 128>}, {transform_indices = @transform_3, window_bounds = array<i64: 2, 64000>}, {transform_indices = @transform_4, window_bounds = array<i64: 2000, 128>}, {transform_indices = @transform_5, window_bounds = array<i64: 1, 1, 65536>}]} {
    %get3A = arith.constant 0 : index
    %get3A_0 = arith.constant 0 : index
    %get3A_1 = vector.load %arg1[%get3A, %get3A_0] : memref<2000x128xf32, #tpu.memory_space<vmem>>, vector<2000x128xf32>
    %get3A_2 = arith.constant 0 : index
    %get3A_3 = arith.constant 0 : index
    %get3A_4 = vector.load %arg2[%get3A_2, %get3A_3] : memref<128x128xf32, #tpu.memory_space<vmem>>, vector<128x128xf32>
    %dot_general3A = arith.constant dense<0.000000e+00> : vector<2000x128xf32>
    %dot_general3A_5 = tpu.matmul %get3A_1, %get3A_4, %dot_general3A {dimension_numbers = #tpu.dot_dimension_numbers<[1], [0], [0], [1], [0, 0, 1, 1], [], []>, transpose_lhs_hint = false} : vector<2000x128xf32>, vector<128x128xf32>, vector<2000x128xf32> -> vector<2000x128xf32>
    %get3A_6 = arith.constant 0 : index
    %get3A_7 = arith.constant 0 : index
    %get3A_8 = vector.load %arg3[%get3A_6, %get3A_7] : memref<1x128xf32, #tpu.memory_space<vmem>>, vector<1x128xf32>
    %add3A = vector.broadcast %get3A_8 : vector<1x128xf32> to vector<2000x128xf32>
    %add3A_9 = arith.addf %dot_general3A_5, %add3A : vector<2000x128xf32>
    %swap3A = arith.constant 0 : index
    %swap3A_10 = arith.constant 0 : index
    %swap3A_11 = vector.load %arg5[%swap3A, %swap3A_10] : memref<2000x128xf32, #tpu.memory_space<vmem>>, vector<2000x128xf32>
    tpu.vector_store %arg5[%swap3A, %swap3A_10], %add3A_9 {strides = array<i32>} : memref<2000x128xf32, #tpu.memory_space<vmem>>, vector<2000x128xf32>,
    %get3A_12 = arith.constant 0 : index
    %get3A_13 = arith.constant 0 : index
    %get3A_14 = vector.load %arg4[%get3A_12, %get3A_13] : memref<2x64000xi32, #tpu.memory_space<vmem>>, vector<1x64000xi32>
    %get3A_15 = arith.constant 1 : index
    %get3A_16 = arith.constant 0 : index
    %get3A_17 = vector.load %arg4[%get3A_15, %get3A_16] : memref<2x64000xi32, #tpu.memory_space<vmem>>, vector<1x64000xi32>
    %shift_left3A = arith.constant 16 : i32
    %shift_left3A_18 = vector.broadcast %shift_left3A : i32 to vector<1x64000xi32>
    %shift_left3A_19 = arith.shli %get3A_17, %shift_left3A_18 : vector<1x64000xi32>
    %or3A = arith.ori %get3A_14, %shift_left3A_19 : vector<1x64000xi32>
    %swap3A_20 = arith.constant 0 : index
    %swap3A_21 = arith.constant 0 : index
    %swap3A_22 = arith.constant 0 : index
    %swap3A_23 = vector.load %arg6[%swap3A_20, %swap3A_21, %swap3A_22] : memref<1x1x65536xi32, #tpu.memory_space<vmem>>, vector<1x1x64000xi32>
    %swap3A_24 = vector.shape_cast %swap3A_23 : vector<1x1x64000xi32> to vector<1x64000xi32>
    %swap3A_25 = vector.shape_cast %or3A : vector<1x64000xi32> to vector<1x1x64000xi32>
    tpu.vector_store %arg6[%swap3A_20, %swap3A_21, %swap3A_22], %swap3A_25 {strides = array<i32>} : memref<1x1x65536xi32, #tpu.memory_space<vmem>>, vector<1x1x64000xi32>,
    %mul3A = arith.constant 1536 : i32
    %mul3A_26 = arith.muli %arg0, %mul3A : i32
    %iota3A = tpu.iota {dimensions = array<i32: 1>} : vector<1x1536xi32>
    %add3A_27 = vector.broadcast %mul3A_26 : i32 to vector<1x1536xi32>
    %add3A_28 = arith.addi %add3A_27, %iota3A : vector<1x1536xi32>
    %mul3A_29 = arith.constant 37 : i32
    %mul3A_30 = vector.broadcast %mul3A_29 : i32 to vector<1x1536xi32>
    %mul3A_31 = arith.muli %add3A_28, %mul3A_30 : vector<1x1536xi32>
    %jit3A = arith.constant 10000 : i32
    %eq3A = arith.constant 0 : i32
    %eq3A_32 = arith.cmpi eq, %jit3A, %eq3A : i32
    %jit3A_33 = arith.constant 1 : i32
    %select_n3A = arith.select %eq3A_32, %jit3A_33, %jit3A : i32
    %rem3A = vector.broadcast %select_n3A : i32 to vector<1x1536xi32>
    %rem3A_34 = arith.remsi %mul3A_31, %rem3A : vector<1x1536xi32>
    %ne3A = arith.constant 0 : i32
    %ne3A_35 = vector.broadcast %ne3A : i32 to vector<1x1536xi32>
    %ne3A_36 = arith.cmpi ne, %rem3A_34, %ne3A_35 : vector<1x1536xi32>
    %lt3A = arith.constant 0 : i32
    %lt3A_37 = vector.broadcast %lt3A : i32 to vector<1x1536xi32>
    %lt3A_38 = arith.cmpi slt, %rem3A_34, %lt3A_37 : vector<1x1536xi32>
    %lt3A_39 = arith.constant 0 : i32
    %lt3A_40 = arith.cmpi slt, %select_n3A, %lt3A_39 : i32
    %ne3A_41 = vector.broadcast %lt3A_40 : i1 to vector<1x1536xi1>
    %ne3A_42 = vector.broadcast %ne3A_41 : vector<1x1536xi1> to vector<1x1536xi1>
    %ne3A_43 = arith.xori %lt3A_38, %ne3A_42 : vector<1x1536xi1>
    %and3A = arith.andi %ne3A_43, %ne3A_36 : vector<1x1536xi1>
    %add3A_44 = vector.broadcast %select_n3A : i32 to vector<1x1536xi32>
    %add3A_45 = arith.addi %rem3A_34, %add3A_44 : vector<1x1536xi32>
    %select_n3A_46 = arith.select %and3A, %add3A_45, %rem3A_34 : vector<1x1536xi1>, vector<1x1536xi32>
    %jit3A_47 = arith.constant 240 : i32
    %eq3A_48 = arith.constant 0 : i32
    %eq3A_49 = arith.cmpi eq, %jit3A_47, %eq3A_48 : i32
    %jit3A_50 = arith.constant 1 : i32
    %select_n3A_51 = arith.select %eq3A_49, %jit3A_50, %jit3A_47 : i32
    %rem3A_52 = vector.broadcast %select_n3A_51 : i32 to vector<1x1536xi32>
    %rem3A_53 = arith.remsi %add3A_28, %rem3A_52 : vector<1x1536xi32>
    %ne3A_54 = arith.constant 0 : i32
    %ne3A_55 = vector.broadcast %ne3A_54 : i32 to vector<1x1536xi32>
    %ne3A_56 = arith.cmpi ne, %rem3A_53, %ne3A_55 : vector<1x1536xi32>
    %lt3A_57 = arith.constant 0 : i32
    %lt3A_58 = vector.broadcast %lt3A_57 : i32 to vector<1x1536xi32>
    %lt3A_59 = arith.cmpi slt, %rem3A_53, %lt3A_58 : vector<1x1536xi32>
    %lt3A_60 = arith.constant 0 : i32
    %lt3A_61 = arith.cmpi slt, %select_n3A_51, %lt3A_60 : i32
    %ne3A_62 = vector.broadcast %lt3A_61 : i1 to vector<1x1536xi1>
    %ne3A_63 = vector.broadcast %ne3A_62 : vector<1x1536xi1> to vector<1x1536xi1>
    %ne3A_64 = arith.xori %lt3A_59, %ne3A_63 : vector<1x1536xi1>
    %and3A_65 = arith.andi %ne3A_64, %ne3A_56 : vector<1x1536xi1>
    %add3A_66 = vector.broadcast %select_n3A_51 : i32 to vector<1x1536xi32>
    %add3A_67 = arith.addi %rem3A_53, %add3A_66 : vector<1x1536xi32>
    %select_n3A_68 = arith.select %and3A_65, %add3A_67, %rem3A_53 : vector<1x1536xi1>, vector<1x1536xi32>
    %add3A_69 = arith.constant 10000 : i32
    %add3A_70 = vector.broadcast %add3A_69 : i32 to vector<1x1536xi32>
    %add3A_71 = arith.addi %add3A_70, %select_n3A_68 : vector<1x1536xi32>
    %shift_left3A_72 = arith.constant 16 : i32
    %shift_left3A_73 = vector.broadcast %shift_left3A_72 : i32 to vector<1x1536xi32>
    %shift_left3A_74 = arith.shli %add3A_71, %shift_left3A_73 : vector<1x1536xi32>
    %or3A_75 = arith.ori %select_n3A_46, %shift_left3A_74 : vector<1x1536xi32>
    %swap3A_76 = arith.constant 0 : index
    %swap3A_77 = arith.constant 0 : index
    %swap3A_78 = arith.constant 64000 : index
    %swap3A_79 = vector.load %arg6[%swap3A_76, %swap3A_77, %swap3A_78] : memref<1x1x65536xi32, #tpu.memory_space<vmem>>, vector<1x1x1536xi32>
    %swap3A_80 = vector.shape_cast %swap3A_79 : vector<1x1x1536xi32> to vector<1x1536xi32>
    %swap3A_81 = vector.shape_cast %or3A_75 : vector<1x1536xi32> to vector<1x1x1536xi32>
    tpu.vector_store %arg6[%swap3A_76, %swap3A_77, %swap3A_78], %swap3A_81 {strides = array<i32>} : memref<1x1x65536xi32, #tpu.memory_space<vmem>>, vector<1x1x1536xi32>,
    return
  }
  func.func @transform_0(%arg0: i32) -> (i32, i32) {
    %c0_i32 = arith.constant 0 : i32
    %c0_i32_0 = arith.constant 0 : i32
    return %arg0, %c0_i32 : i32, i32
  }
  func.func @transform_1(%arg0: i32) -> (i32, i32) {
    %c0_i32 = arith.constant 0 : i32
    %c0_i32_0 = arith.constant 0 : i32
    %c0_i32_1 = arith.constant 0 : i32
    return %c0_i32, %c0_i32_0 : i32, i32
  }
  func.func @transform_2(%arg0: i32) -> (i32, i32) {
    %c0_i32 = arith.constant 0 : i32
    %c0_i32_0 = arith.constant 0 : i32
    %c0_i32_1 = arith.constant 0 : i32
    return %c0_i32, %c0_i32_0 : i32, i32
  }
  func.func @transform_3(%arg0: i32) -> (i32, i32) {
    %c0_i32 = arith.constant 0 : i32
    %c0_i32_0 = arith.constant 0 : i32
    return %c0_i32, %arg0 : i32, i32
  }
  func.func @transform_4(%arg0: i32) -> (i32, i32) {
    %c0_i32 = arith.constant 0 : i32
    %c0_i32_0 = arith.constant 0 : i32
    return %arg0, %c0_i32 : i32, i32
  }
  func.func @transform_5(%arg0: i32) -> (i32, i32, i32) {
    %c0_i32 = arith.constant 0 : i32
    %c0_i32_0 = arith.constant 0 : i32
    %c0_i32_1 = arith.constant 0 : i32
    return %arg0, %c0_i32, %c0_i32_0 : i32, i32, i32
  }
}

module attributes {stable_mosaic.version = 14 : i64} {
  func.func @_layer_body(%arg0: i32, %arg1: memref<2000x128xf32, #tpu.memory_space<vmem>>, %arg2: memref<2x2000x128xf32, #tpu.memory_space<vmem>>, %arg3: memref<2000x2xf32, #tpu.memory_space<vmem>>, %arg4: memref<256x128xf32, #tpu.memory_space<vmem>>, %arg5: memref<1x128xf32, #tpu.memory_space<vmem>>, %arg6: memref<128x128xf32, #tpu.memory_space<vmem>>, %arg7: memref<1x128xf32, #tpu.memory_space<vmem>>, %arg8: memref<2000x128xf32, #tpu.memory_space<vmem>>) attributes {dimension_semantics = [#tpu.dimension_semantics<arbitrary>], iteration_bounds = array<i64: 5>, scalar_prefetch = 0 : i64, scratch_operands = 0 : i64, tpu.core_type = #tpu.core_type<tc>, window_params = [{transform_indices = @transform_0, window_bounds = array<i64: 2000, 128>}, {transform_indices = @transform_1, window_bounds = array<i64: 2, 2000, 128>}, {transform_indices = @transform_2, window_bounds = array<i64: 2000, 2>}, {pipeline_mode = #tpu.pipeline_mode<synchronous>, transform_indices = @transform_3, window_bounds = array<i64: 256, 128>}, {pipeline_mode = #tpu.pipeline_mode<synchronous>, transform_indices = @transform_4, window_bounds = array<i64: 1, 128>}, {pipeline_mode = #tpu.pipeline_mode<synchronous>, transform_indices = @transform_5, window_bounds = array<i64: 128, 128>}, {pipeline_mode = #tpu.pipeline_mode<synchronous>, transform_indices = @transform_6, window_bounds = array<i64: 1, 128>}, {transform_indices = @transform_7, window_bounds = array<i64: 2000, 128>}]} {
    %get3A = arith.constant 0 : index
    %get3A_0 = arith.constant 0 : index
    %get3A_1 = vector.load %arg1[%get3A, %get3A_0] : memref<2000x128xf32, #tpu.memory_space<vmem>>, vector<2000x128xf32>
    %get3A_2 = arith.constant 0 : index
    %get3A_3 = arith.constant 0 : index
    %get3A_4 = arith.constant 0 : index
    %get3A_5 = vector.load %arg2[%get3A_2, %get3A_3, %get3A_4] : memref<2x2000x128xf32, #tpu.memory_space<vmem>>, vector<2x2000x128xf32>
    %get3A_6 = arith.constant 0 : index
    %get3A_7 = arith.constant 0 : index
    %get3A_8 = vector.load %arg4[%get3A_6, %get3A_7] : memref<256x128xf32, #tpu.memory_space<vmem>>, vector<256x128xf32>
    %slice3A = vector.extract_strided_slice %get3A_5 {offsets = [0, 0, 0], sizes = [1, 2000, 128], strides = [1, 1, 1]} : vector<2x2000x128xf32> to vector<1x2000x128xf32>
    %squeeze3A = vector.shape_cast %slice3A : vector<1x2000x128xf32> to vector<2000x128xf32>
    %slice3A_9 = vector.extract_strided_slice %get3A_5 {offsets = [1, 0, 0], sizes = [1, 2000, 128], strides = [1, 1, 1]} : vector<2x2000x128xf32> to vector<1x2000x128xf32>
    %squeeze3A_10 = vector.shape_cast %slice3A_9 : vector<1x2000x128xf32> to vector<2000x128xf32>
    %add3A = arith.addf %squeeze3A, %squeeze3A_10 : vector<2000x128xf32>
    %get3A_11 = arith.constant 0 : index
    %get3A_12 = arith.constant 0 : index
    %get3A_13 = vector.load %arg3[%get3A_11, %get3A_12] : memref<2000x2xf32, #tpu.memory_space<vmem>>, vector<2000x1xf32>
    %get3A_14 = arith.constant 0 : index
    %get3A_15 = arith.constant 1 : index
    %get3A_16 = vector.load %arg3[%get3A_14, %get3A_15] : memref<2000x2xf32, #tpu.memory_space<vmem>>, vector<2000x1xf32>
    %add3A_17 = arith.addf %get3A_13, %get3A_16 : vector<2000x1xf32>
    %max3A = arith.constant 1.000000e+00 : f32
    %max3A_18 = vector.broadcast %max3A : f32 to vector<2000x1xf32>
    %max3A_19 = arith.maximumf %add3A_17, %max3A_18 : vector<2000x1xf32>
    %rsqrt3A = math.rsqrt %max3A_19 : vector<2000x1xf32>
    %mul3A = arith.mulf %rsqrt3A, %rsqrt3A : vector<2000x1xf32>
    %mul3A_20 = arith.mulf %mul3A, %rsqrt3A : vector<2000x1xf32>
    %mul3A_21 = vector.broadcast %mul3A_20 : vector<2000x1xf32> to vector<2000x128xf32>
    %mul3A_22 = arith.mulf %add3A, %mul3A_21 : vector<2000x128xf32>
    %slice3A_23 = vector.extract_strided_slice %get3A_8 {offsets = [0, 0], sizes = [128, 128], strides = [1, 1]} : vector<256x128xf32> to vector<128x128xf32>
    %dot_general3A = arith.constant dense<0.000000e+00> : vector<2000x128xf32>
    %dot_general3A_24 = tpu.matmul %get3A_1, %slice3A_23, %dot_general3A {dimension_numbers = #tpu.dot_dimension_numbers<[1], [0], [0], [1], [0, 0, 1, 1], [], []>, transpose_lhs_hint = false} : vector<2000x128xf32>, vector<128x128xf32>, vector<2000x128xf32> -> vector<2000x128xf32>
    %slice3A_25 = vector.extract_strided_slice %get3A_8 {offsets = [128, 0], sizes = [128, 128], strides = [1, 1]} : vector<256x128xf32> to vector<128x128xf32>
    %dot_general3A_26 = arith.constant dense<0.000000e+00> : vector<2000x128xf32>
    %dot_general3A_27 = tpu.matmul %mul3A_22, %slice3A_25, %dot_general3A_26 {dimension_numbers = #tpu.dot_dimension_numbers<[1], [0], [0], [1], [0, 0, 1, 1], [], []>, transpose_lhs_hint = false} : vector<2000x128xf32>, vector<128x128xf32>, vector<2000x128xf32> -> vector<2000x128xf32>
    %add3A_28 = arith.addf %dot_general3A_24, %dot_general3A_27 : vector<2000x128xf32>
    %get3A_29 = arith.constant 0 : index
    %get3A_30 = arith.constant 0 : index
    %get3A_31 = vector.load %arg5[%get3A_29, %get3A_30] : memref<1x128xf32, #tpu.memory_space<vmem>>, vector<1x128xf32>
    %add3A_32 = vector.broadcast %get3A_31 : vector<1x128xf32> to vector<2000x128xf32>
    %add3A_33 = arith.addf %add3A_28, %add3A_32 : vector<2000x128xf32>
    %max3A_34 = arith.constant 0.000000e+00 : f32
    %max3A_35 = vector.broadcast %max3A_34 : f32 to vector<2000x128xf32>
    %max3A_36 = arith.maximumf %add3A_33, %max3A_35 : vector<2000x128xf32>
    %get3A_37 = arith.constant 0 : index
    %get3A_38 = arith.constant 0 : index
    %get3A_39 = vector.load %arg6[%get3A_37, %get3A_38] : memref<128x128xf32, #tpu.memory_space<vmem>>, vector<128x128xf32>
    %dot_general3A_40 = arith.constant dense<0.000000e+00> : vector<2000x128xf32>
    %dot_general3A_41 = tpu.matmul %max3A_36, %get3A_39, %dot_general3A_40 {dimension_numbers = #tpu.dot_dimension_numbers<[1], [0], [0], [1], [0, 0, 1, 1], [], []>, transpose_lhs_hint = false} : vector<2000x128xf32>, vector<128x128xf32>, vector<2000x128xf32> -> vector<2000x128xf32>
    %add3A_42 = arith.addf %get3A_1, %dot_general3A_41 : vector<2000x128xf32>
    %get3A_43 = arith.constant 0 : index
    %get3A_44 = arith.constant 0 : index
    %get3A_45 = vector.load %arg7[%get3A_43, %get3A_44] : memref<1x128xf32, #tpu.memory_space<vmem>>, vector<1x128xf32>
    %add3A_46 = vector.broadcast %get3A_45 : vector<1x128xf32> to vector<2000x128xf32>
    %add3A_47 = arith.addf %add3A_42, %add3A_46 : vector<2000x128xf32>
    %swap3A = arith.constant 0 : index
    %swap3A_48 = arith.constant 0 : index
    %swap3A_49 = vector.load %arg8[%swap3A, %swap3A_48] : memref<2000x128xf32, #tpu.memory_space<vmem>>, vector<2000x128xf32>
    tpu.vector_store %arg8[%swap3A, %swap3A_48], %add3A_47 {strides = array<i32>} : memref<2000x128xf32, #tpu.memory_space<vmem>>, vector<2000x128xf32>,
    return
  }
  func.func @transform_0(%arg0: i32) -> (i32, i32) {
    %c0_i32 = arith.constant 0 : i32
    %c0_i32_0 = arith.constant 0 : i32
    return %arg0, %c0_i32 : i32, i32
  }
  func.func @transform_1(%arg0: i32) -> (i32, i32, i32) {
    %c0_i32 = arith.constant 0 : i32
    %c0_i32_0 = arith.constant 0 : i32
    %c0_i32_1 = arith.constant 0 : i32
    return %c0_i32, %arg0, %c0_i32_0 : i32, i32, i32
  }
  func.func @transform_2(%arg0: i32) -> (i32, i32) {
    %c0_i32 = arith.constant 0 : i32
    %c0_i32_0 = arith.constant 0 : i32
    return %arg0, %c0_i32 : i32, i32
  }
  func.func @transform_3(%arg0: i32) -> (i32, i32) {
    %c0_i32 = arith.constant 0 : i32
    %c0_i32_0 = arith.constant 0 : i32
    %c0_i32_1 = arith.constant 0 : i32
    return %c0_i32, %c0_i32_0 : i32, i32
  }
  func.func @transform_4(%arg0: i32) -> (i32, i32) {
    %c0_i32 = arith.constant 0 : i32
    %c0_i32_0 = arith.constant 0 : i32
    %c0_i32_1 = arith.constant 0 : i32
    return %c0_i32, %c0_i32_0 : i32, i32
  }
  func.func @transform_5(%arg0: i32) -> (i32, i32) {
    %c0_i32 = arith.constant 0 : i32
    %c0_i32_0 = arith.constant 0 : i32
    %c0_i32_1 = arith.constant 0 : i32
    return %c0_i32, %c0_i32_0 : i32, i32
  }
  func.func @transform_6(%arg0: i32) -> (i32, i32) {
    %c0_i32 = arith.constant 0 : i32
    %c0_i32_0 = arith.constant 0 : i32
    %c0_i32_1 = arith.constant 0 : i32
    return %c0_i32, %c0_i32_0 : i32, i32
  }
  func.func @transform_7(%arg0: i32) -> (i32, i32) {
    %c0_i32 = arith.constant 0 : i32
    %c0_i32_0 = arith.constant 0 : i32
    return %arg0, %c0_i32 : i32, i32
  }
}

module attributes {stable_mosaic.version = 14 : i64} {
  func.func @_layer_pool_body(%arg0: i32, %arg1: memref<2000x128xf32, #tpu.memory_space<vmem>>, %arg2: memref<2x2000x128xf32, #tpu.memory_space<vmem>>, %arg3: memref<2000x2xf32, #tpu.memory_space<vmem>>, %arg4: memref<256x128xf32, #tpu.memory_space<vmem>>, %arg5: memref<1x128xf32, #tpu.memory_space<vmem>>, %arg6: memref<128x128xf32, #tpu.memory_space<vmem>>, %arg7: memref<1x128xf32, #tpu.memory_space<vmem>>, %arg8: memref<128x64xf32, #tpu.memory_space<vmem>>, %arg9: memref<1x64xf32, #tpu.memory_space<vmem>>, %arg10: memref<64x32xf32, #tpu.memory_space<vmem>>, %arg11: memref<1x32xf32, #tpu.memory_space<vmem>>, %arg12: memref<32x10xf32, #tpu.memory_space<vmem>>, %arg13: memref<1x10xf32, #tpu.memory_space<vmem>>, %arg14: memref<2000x128xf32, #tpu.memory_space<vmem>>, %arg15: memref<1x128xf32, #tpu.memory_space<vmem>>, %arg16: memref<1x10xf32, #tpu.memory_space<vmem>>) attributes {dimension_semantics = [#tpu.dimension_semantics<arbitrary>], iteration_bounds = array<i64: 5>, scalar_prefetch = 0 : i64, scratch_operands = 0 : i64, tpu.core_type = #tpu.core_type<tc>, window_params = [{transform_indices = @transform_0, window_bounds = array<i64: 2000, 128>}, {transform_indices = @transform_1, window_bounds = array<i64: 2, 2000, 128>}, {transform_indices = @transform_2, window_bounds = array<i64: 2000, 2>}, {pipeline_mode = #tpu.pipeline_mode<synchronous>, transform_indices = @transform_3, window_bounds = array<i64: 256, 128>}, {pipeline_mode = #tpu.pipeline_mode<synchronous>, transform_indices = @transform_4, window_bounds = array<i64: 1, 128>}, {pipeline_mode = #tpu.pipeline_mode<synchronous>, transform_indices = @transform_5, window_bounds = array<i64: 128, 128>}, {pipeline_mode = #tpu.pipeline_mode<synchronous>, transform_indices = @transform_6, window_bounds = array<i64: 1, 128>}, {pipeline_mode = #tpu.pipeline_mode<synchronous>, transform_indices = @transform_7, window_bounds = array<i64: 128, 64>}, {pipeline_mode = #tpu.pipeline_mode<synchronous>, transform_indices = @transform_8, window_bounds = array<i64: 1, 64>}, {pipeline_mode = #tpu.pipeline_mode<synchronous>, transform_indices = @transform_9, window_bounds = array<i64: 64, 32>}, {pipeline_mode = #tpu.pipeline_mode<synchronous>, transform_indices = @transform_10, window_bounds = array<i64: 1, 32>}, {pipeline_mode = #tpu.pipeline_mode<synchronous>, transform_indices = @transform_11, window_bounds = array<i64: 32, 10>}, {pipeline_mode = #tpu.pipeline_mode<synchronous>, transform_indices = @transform_12, window_bounds = array<i64: 1, 10>}, {transform_indices = @transform_13, window_bounds = array<i64: 2000, 128>}, {pipeline_mode = #tpu.pipeline_mode<synchronous>, transform_indices = @transform_14, window_bounds = array<i64: 1, 128>}, {pipeline_mode = #tpu.pipeline_mode<synchronous>, transform_indices = @transform_15, window_bounds = array<i64: 1, 10>}]} {
    %get3A = arith.constant 0 : index
    %get3A_0 = arith.constant 0 : index
    %get3A_1 = vector.load %arg1[%get3A, %get3A_0] : memref<2000x128xf32, #tpu.memory_space<vmem>>, vector<2000x128xf32>
    %get3A_2 = arith.constant 0 : index
    %get3A_3 = arith.constant 0 : index
    %get3A_4 = arith.constant 0 : index
    %get3A_5 = vector.load %arg2[%get3A_2, %get3A_3, %get3A_4] : memref<2x2000x128xf32, #tpu.memory_space<vmem>>, vector<2x2000x128xf32>
    %get3A_6 = arith.constant 0 : index
    %get3A_7 = arith.constant 0 : index
    %get3A_8 = vector.load %arg4[%get3A_6, %get3A_7] : memref<256x128xf32, #tpu.memory_space<vmem>>, vector<256x128xf32>
    %slice3A = vector.extract_strided_slice %get3A_5 {offsets = [0, 0, 0], sizes = [1, 2000, 128], strides = [1, 1, 1]} : vector<2x2000x128xf32> to vector<1x2000x128xf32>
    %squeeze3A = vector.shape_cast %slice3A : vector<1x2000x128xf32> to vector<2000x128xf32>
    %slice3A_9 = vector.extract_strided_slice %get3A_5 {offsets = [1, 0, 0], sizes = [1, 2000, 128], strides = [1, 1, 1]} : vector<2x2000x128xf32> to vector<1x2000x128xf32>
    %squeeze3A_10 = vector.shape_cast %slice3A_9 : vector<1x2000x128xf32> to vector<2000x128xf32>
    %add3A = arith.addf %squeeze3A, %squeeze3A_10 : vector<2000x128xf32>
    %get3A_11 = arith.constant 0 : index
    %get3A_12 = arith.constant 0 : index
    %get3A_13 = vector.load %arg3[%get3A_11, %get3A_12] : memref<2000x2xf32, #tpu.memory_space<vmem>>, vector<2000x1xf32>
    %get3A_14 = arith.constant 0 : index
    %get3A_15 = arith.constant 1 : index
    %get3A_16 = vector.load %arg3[%get3A_14, %get3A_15] : memref<2000x2xf32, #tpu.memory_space<vmem>>, vector<2000x1xf32>
    %add3A_17 = arith.addf %get3A_13, %get3A_16 : vector<2000x1xf32>
    %max3A = arith.constant 1.000000e+00 : f32
    %max3A_18 = vector.broadcast %max3A : f32 to vector<2000x1xf32>
    %max3A_19 = arith.maximumf %add3A_17, %max3A_18 : vector<2000x1xf32>
    %rsqrt3A = math.rsqrt %max3A_19 : vector<2000x1xf32>
    %mul3A = arith.mulf %rsqrt3A, %rsqrt3A : vector<2000x1xf32>
    %mul3A_20 = arith.mulf %mul3A, %rsqrt3A : vector<2000x1xf32>
    %mul3A_21 = vector.broadcast %mul3A_20 : vector<2000x1xf32> to vector<2000x128xf32>
    %mul3A_22 = arith.mulf %add3A, %mul3A_21 : vector<2000x128xf32>
    %slice3A_23 = vector.extract_strided_slice %get3A_8 {offsets = [0, 0], sizes = [128, 128], strides = [1, 1]} : vector<256x128xf32> to vector<128x128xf32>
    %dot_general3A = arith.constant dense<0.000000e+00> : vector<2000x128xf32>
    %dot_general3A_24 = tpu.matmul %get3A_1, %slice3A_23, %dot_general3A {dimension_numbers = #tpu.dot_dimension_numbers<[1], [0], [0], [1], [0, 0, 1, 1], [], []>, transpose_lhs_hint = false} : vector<2000x128xf32>, vector<128x128xf32>, vector<2000x128xf32> -> vector<2000x128xf32>
    %slice3A_25 = vector.extract_strided_slice %get3A_8 {offsets = [128, 0], sizes = [128, 128], strides = [1, 1]} : vector<256x128xf32> to vector<128x128xf32>
    %dot_general3A_26 = arith.constant dense<0.000000e+00> : vector<2000x128xf32>
    %dot_general3A_27 = tpu.matmul %mul3A_22, %slice3A_25, %dot_general3A_26 {dimension_numbers = #tpu.dot_dimension_numbers<[1], [0], [0], [1], [0, 0, 1, 1], [], []>, transpose_lhs_hint = false} : vector<2000x128xf32>, vector<128x128xf32>, vector<2000x128xf32> -> vector<2000x128xf32>
    %add3A_28 = arith.addf %dot_general3A_24, %dot_general3A_27 : vector<2000x128xf32>
    %get3A_29 = arith.constant 0 : index
    %get3A_30 = arith.constant 0 : index
    %get3A_31 = vector.load %arg5[%get3A_29, %get3A_30] : memref<1x128xf32, #tpu.memory_space<vmem>>, vector<1x128xf32>
    %add3A_32 = vector.broadcast %get3A_31 : vector<1x128xf32> to vector<2000x128xf32>
    %add3A_33 = arith.addf %add3A_28, %add3A_32 : vector<2000x128xf32>
    %max3A_34 = arith.constant 0.000000e+00 : f32
    %max3A_35 = vector.broadcast %max3A_34 : f32 to vector<2000x128xf32>
    %max3A_36 = arith.maximumf %add3A_33, %max3A_35 : vector<2000x128xf32>
    %get3A_37 = arith.constant 0 : index
    %get3A_38 = arith.constant 0 : index
    %get3A_39 = vector.load %arg6[%get3A_37, %get3A_38] : memref<128x128xf32, #tpu.memory_space<vmem>>, vector<128x128xf32>
    %dot_general3A_40 = arith.constant dense<0.000000e+00> : vector<2000x128xf32>
    %dot_general3A_41 = tpu.matmul %max3A_36, %get3A_39, %dot_general3A_40 {dimension_numbers = #tpu.dot_dimension_numbers<[1], [0], [0], [1], [0, 0, 1, 1], [], []>, transpose_lhs_hint = false} : vector<2000x128xf32>, vector<128x128xf32>, vector<2000x128xf32> -> vector<2000x128xf32>
    %add3A_42 = arith.addf %get3A_1, %dot_general3A_41 : vector<2000x128xf32>
    %get3A_43 = arith.constant 0 : index
    %get3A_44 = arith.constant 0 : index
    %get3A_45 = vector.load %arg7[%get3A_43, %get3A_44] : memref<1x128xf32, #tpu.memory_space<vmem>>, vector<1x128xf32>
    %add3A_46 = vector.broadcast %get3A_45 : vector<1x128xf32> to vector<2000x128xf32>
    %add3A_47 = arith.addf %add3A_42, %add3A_46 : vector<2000x128xf32>
    %swap3A = arith.constant 0 : index
    %swap3A_48 = arith.constant 0 : index
    %swap3A_49 = vector.load %arg14[%swap3A, %swap3A_48] : memref<2000x128xf32, #tpu.memory_space<vmem>>, vector<2000x128xf32>
    tpu.vector_store %arg14[%swap3A, %swap3A_48], %add3A_47 {strides = array<i32>} : memref<2000x128xf32, #tpu.memory_space<vmem>>, vector<2000x128xf32>,
    %eq3A = arith.constant 0 : i32
    %eq3A_50 = arith.cmpi eq, %arg0, %eq3A : i32
    %convert_element_type3A = arith.extui %eq3A_50 : i1 to i32
    %cond3A = arith.constant 0 : i32
    %cond3A_51 = arith.cmpi ne, %convert_element_type3A, %cond3A : i32
    scf.if %cond3A_51 {
      %broadcast_in_dim3A_65 = arith.constant 0.000000e+00 : f32
      %broadcast_in_dim3A_66 = vector.broadcast %broadcast_in_dim3A_65 : f32 to vector<1x128xf32>
      %swap3A_67 = arith.constant 0 : index
      %swap3A_68 = arith.constant 0 : index
      %swap3A_69 = vector.load %arg15[%swap3A_67, %swap3A_68] : memref<1x128xf32, #tpu.memory_space<vmem>>, vector<1x128xf32>
      tpu.vector_store %arg15[%swap3A_67, %swap3A_68], %broadcast_in_dim3A_66 {strides = array<i32>} : memref<1x128xf32, #tpu.memory_space<vmem>>, vector<1x128xf32>,
    } else {
    }
    %get3A_52 = arith.constant 0 : index
    %get3A_53 = arith.constant 0 : index
    %get3A_54 = vector.load %arg15[%get3A_52, %get3A_53] : memref<1x128xf32, #tpu.memory_space<vmem>>, vector<1x128xf32>
    %reduce_sum3A = arith.constant dense<0.000000e+00> : vector<128xf32>
    %reduce_sum3A_55 = vector.multi_reduction <add>, %add3A_47, %reduce_sum3A [0] : vector<2000x128xf32> to vector<128xf32>
    %broadcast_in_dim3A = vector.shape_cast %reduce_sum3A_55 : vector<128xf32> to vector<1x128xf32>
    %add3A_56 = arith.addf %get3A_54, %broadcast_in_dim3A : vector<1x128xf32>
    %swap3A_57 = arith.constant 0 : index
    %swap3A_58 = arith.constant 0 : index
    %swap3A_59 = vector.load %arg15[%swap3A_57, %swap3A_58] : memref<1x128xf32, #tpu.memory_space<vmem>>, vector<1x128xf32>
    tpu.vector_store %arg15[%swap3A_57, %swap3A_58], %add3A_56 {strides = array<i32>} : memref<1x128xf32, #tpu.memory_space<vmem>>, vector<1x128xf32>,
    %eq3A_60 = arith.constant 4 : i32
    %eq3A_61 = arith.cmpi eq, %arg0, %eq3A_60 : i32
    %convert_element_type3A_62 = arith.extui %eq3A_61 : i1 to i32
    %cond3A_63 = arith.constant 0 : i32
    %cond3A_64 = arith.cmpi ne, %convert_element_type3A_62, %cond3A_63 : i32
    scf.if %cond3A_64 {
      %get3A_65 = arith.constant 0 : index
      %get3A_66 = arith.constant 0 : index
      %get3A_67 = vector.load %arg15[%get3A_65, %get3A_66] : memref<1x128xf32, #tpu.memory_space<vmem>>, vector<1x128xf32>
      %mul3A_68 = arith.constant 9.99999974E-5 : f32
      %mul3A_69 = vector.broadcast %mul3A_68 : f32 to vector<1x128xf32>
      %mul3A_70 = arith.mulf %get3A_67, %mul3A_69 : vector<1x128xf32>
      %get3A_71 = arith.constant 0 : index
      %get3A_72 = arith.constant 0 : index
      %get3A_73 = vector.load %arg8[%get3A_71, %get3A_72] : memref<128x64xf32, #tpu.memory_space<vmem>>, vector<128x64xf32>
      %dot_general3A_74 = arith.constant dense<0.000000e+00> : vector<1x64xf32>
      %dot_general3A_75 = tpu.matmul %mul3A_70, %get3A_73, %dot_general3A_74 {dimension_numbers = #tpu.dot_dimension_numbers<[1], [0], [0], [1], [0, 0, 1, 1], [], []>, transpose_lhs_hint = false} : vector<1x128xf32>, vector<128x64xf32>, vector<1x64xf32> -> vector<1x64xf32>
      %get3A_76 = arith.constant 0 : index
      %get3A_77 = arith.constant 0 : index
      %get3A_78 = vector.load %arg9[%get3A_76, %get3A_77] : memref<1x64xf32, #tpu.memory_space<vmem>>, vector<1x64xf32>
      %add3A_79 = arith.addf %dot_general3A_75, %get3A_78 : vector<1x64xf32>
      %max3A_80 = arith.constant 0.000000e+00 : f32
      %max3A_81 = vector.broadcast %max3A_80 : f32 to vector<1x64xf32>
      %max3A_82 = arith.maximumf %add3A_79, %max3A_81 : vector<1x64xf32>
      %get3A_83 = arith.constant 0 : index
      %get3A_84 = arith.constant 0 : index
      %get3A_85 = vector.load %arg10[%get3A_83, %get3A_84] : memref<64x32xf32, #tpu.memory_space<vmem>>, vector<64x32xf32>
      %dot_general3A_86 = arith.constant dense<0.000000e+00> : vector<1x32xf32>
      %dot_general3A_87 = tpu.matmul %max3A_82, %get3A_85, %dot_general3A_86 {dimension_numbers = #tpu.dot_dimension_numbers<[1], [0], [0], [1], [0, 0, 1, 1], [], []>, transpose_lhs_hint = false} : vector<1x64xf32>, vector<64x32xf32>, vector<1x32xf32> -> vector<1x32xf32>
      %get3A_88 = arith.constant 0 : index
      %get3A_89 = arith.constant 0 : index
      %get3A_90 = vector.load %arg11[%get3A_88, %get3A_89] : memref<1x32xf32, #tpu.memory_space<vmem>>, vector<1x32xf32>
      %add3A_91 = arith.addf %dot_general3A_87, %get3A_90 : vector<1x32xf32>
      %max3A_92 = arith.constant 0.000000e+00 : f32
      %max3A_93 = vector.broadcast %max3A_92 : f32 to vector<1x32xf32>
      %max3A_94 = arith.maximumf %add3A_91, %max3A_93 : vector<1x32xf32>
      %get3A_95 = arith.constant 0 : index
      %get3A_96 = arith.constant 0 : index
      %get3A_97 = vector.load %arg12[%get3A_95, %get3A_96] : memref<32x10xf32, #tpu.memory_space<vmem>>, vector<32x10xf32>
      %dot_general3A_98 = arith.constant dense<0.000000e+00> : vector<1x10xf32>
      %dot_general3A_99 = tpu.matmul %max3A_94, %get3A_97, %dot_general3A_98 {dimension_numbers = #tpu.dot_dimension_numbers<[1], [0], [0], [1], [0, 0, 1, 1], [], []>, transpose_lhs_hint = false} : vector<1x32xf32>, vector<32x10xf32>, vector<1x10xf32> -> vector<1x10xf32>
      %get3A_100 = arith.constant 0 : index
      %get3A_101 = arith.constant 0 : index
      %get3A_102 = vector.load %arg13[%get3A_100, %get3A_101] : memref<1x10xf32, #tpu.memory_space<vmem>>, vector<1x10xf32>
      %add3A_103 = arith.addf %dot_general3A_99, %get3A_102 : vector<1x10xf32>
      %swap3A_104 = arith.constant 0 : index
      %swap3A_105 = arith.constant 0 : index
      %swap3A_106 = vector.load %arg16[%swap3A_104, %swap3A_105] : memref<1x10xf32, #tpu.memory_space<vmem>>, vector<1x10xf32>
      tpu.vector_store %arg16[%swap3A_104, %swap3A_105], %add3A_103 {strides = array<i32>} : memref<1x10xf32, #tpu.memory_space<vmem>>, vector<1x10xf32>,
    } else {
    }
    return
  }
  func.func @transform_0(%arg0: i32) -> (i32, i32) {
    %c0_i32 = arith.constant 0 : i32
    %c0_i32_0 = arith.constant 0 : i32
    return %arg0, %c0_i32 : i32, i32
  }
  func.func @transform_1(%arg0: i32) -> (i32, i32, i32) {
    %c0_i32 = arith.constant 0 : i32
    %c0_i32_0 = arith.constant 0 : i32
    %c0_i32_1 = arith.constant 0 : i32
    return %c0_i32, %arg0, %c0_i32_0 : i32, i32, i32
  }
  func.func @transform_2(%arg0: i32) -> (i32, i32) {
    %c0_i32 = arith.constant 0 : i32
    %c0_i32_0 = arith.constant 0 : i32
    return %arg0, %c0_i32 : i32, i32
  }
  func.func @transform_3(%arg0: i32) -> (i32, i32) {
    %c0_i32 = arith.constant 0 : i32
    %c0_i32_0 = arith.constant 0 : i32
    %c0_i32_1 = arith.constant 0 : i32
    return %c0_i32, %c0_i32_0 : i32, i32
  }
  func.func @transform_4(%arg0: i32) -> (i32, i32) {
    %c0_i32 = arith.constant 0 : i32
    %c0_i32_0 = arith.constant 0 : i32
    %c0_i32_1 = arith.constant 0 : i32
    return %c0_i32, %c0_i32_0 : i32, i32
  }
  func.func @transform_5(%arg0: i32) -> (i32, i32) {
    %c0_i32 = arith.constant 0 : i32
    %c0_i32_0 = arith.constant 0 : i32
    %c0_i32_1 = arith.constant 0 : i32
    return %c0_i32, %c0_i32_0 : i32, i32
  }
  func.func @transform_6(%arg0: i32) -> (i32, i32) {
    %c0_i32 = arith.constant 0 : i32
    %c0_i32_0 = arith.constant 0 : i32
    %c0_i32_1 = arith.constant 0 : i32
    return %c0_i32, %c0_i32_0 : i32, i32
  }
  func.func @transform_7(%arg0: i32) -> (i32, i32) {
    %c0_i32 = arith.constant 0 : i32
    %c0_i32_0 = arith.constant 0 : i32
    %c0_i32_1 = arith.constant 0 : i32
    return %c0_i32, %c0_i32_0 : i32, i32
  }
  func.func @transform_8(%arg0: i32) -> (i32, i32) {
    %c0_i32 = arith.constant 0 : i32
    %c0_i32_0 = arith.constant 0 : i32
    %c0_i32_1 = arith.constant 0 : i32
    return %c0_i32, %c0_i32_0 : i32, i32
  }
  func.func @transform_9(%arg0: i32) -> (i32, i32) {
    %c0_i32 = arith.constant 0 : i32
    %c0_i32_0 = arith.constant 0 : i32
    %c0_i32_1 = arith.constant 0 : i32
    return %c0_i32, %c0_i32_0 : i32, i32
  }
  func.func @transform_10(%arg0: i32) -> (i32, i32) {
    %c0_i32 = arith.constant 0 : i32
    %c0_i32_0 = arith.constant 0 : i32
    %c0_i32_1 = arith.constant 0 : i32
    return %c0_i32, %c0_i32_0 : i32, i32
  }
  func.func @transform_11(%arg0: i32) -> (i32, i32) {
    %c0_i32 = arith.constant 0 : i32
    %c0_i32_0 = arith.constant 0 : i32
    %c0_i32_1 = arith.constant 0 : i32
    return %c0_i32, %c0_i32_0 : i32, i32
  }
  func.func @transform_12(%arg0: i32) -> (i32, i32) {
    %c0_i32 = arith.constant 0 : i32
    %c0_i32_0 = arith.constant 0 : i32
    %c0_i32_1 = arith.constant 0 : i32
    return %c0_i32, %c0_i32_0 : i32, i32
  }
  func.func @transform_13(%arg0: i32) -> (i32, i32) {
    %c0_i32 = arith.constant 0 : i32
    %c0_i32_0 = arith.constant 0 : i32
    return %arg0, %c0_i32 : i32, i32
  }
  func.func @transform_14(%arg0: i32) -> (i32, i32) {
    %c0_i32 = arith.constant 0 : i32
    %c0_i32_0 = arith.constant 0 : i32
    %c0_i32_1 = arith.constant 0 : i32
    return %c0_i32, %c0_i32_0 : i32, i32
  }
  func.func @transform_15(%arg0: i32) -> (i32, i32) {
    %c0_i32 = arith.constant 0 : i32
    %c0_i32_0 = arith.constant 0 : i32
    %c0_i32_1 = arith.constant 0 : i32
    return %c0_i32, %c0_i32_0 : i32, i32
  }
}

</mosaic_0001>

<sc_bundles>
// kernel: sc_edge_agg.4.cloned.1.call-start
scs
__scs_entry_jumppad:
0x0: {  	(pc) =	sbr.rel $0x88, $3  }
0x1: {  	(tag) =	ssettag $0x0;
	lr =	simm.s32 $0x1  }
0x2: {  	[smem:$0x3F8B] =	sst lr;
	_ =	strace $0xD0000000  }
0x3: {  	_ = 	snop  }
0x4: {  	_ = 	snop  }
0x5: {  	_ = 	snop  }
0x6: {  	_ = 	snop  }
0x7: {  	_ = 	snop  }
__scs_overlays_trampoline_lowered:
0x8: {  	[smem:$0x3F9A] =	sst s0  }
0x9: {  	[smem:$0x3F9B] =	sst s1  }
0xa: {  	[smem:$0x3F9C] =	sst s2  }
0xb: {  	[smem:$0x3F9D] =	sst s3  }
0xc: {  	[smem:$0x3F9E] =	sst s4  }
0xd: {  	[smem:$0x3F9F] =	sst s5  }
0xe: {  	[smem:$0x3FA0] =	sst s6  }
0xf: {  	[smem:$0x3FA1] =	sst s7  }
0x10: {  	[smem:$0x3FA2] =	sst s8  }
0x11: {  	[smem:$0x3FA3] =	sst s9;
	s0 =	simm.s32 @!p0 $0x0  }
0x12: {  	s1 =	sld [smem:$0x3F89];
	s0 =	simm.s32 @p0 $0x1  }
0x13: {  	[smem:$0x3FA4] =	sst s0;
	s0 =	simm.s32 @!p1 $0x0  }
0x14: {  	s2 =	sld [smem:$0x3F88];
	s0 =	simm.s32 @p1 $0x1  }
0x15: {  	[smem:$0x3FA5] =	sst s0;
	s0 =	simm.s32 @!p2 $0x0  }
0x16: {  	s3 =	sld [smem:$0x3FDB];
	s0 =	simm.s32 @p2 $0x1  }
0x17: {  	s4 =	simm.s32 $0x1BF5;
	[smem:$0x3FA7] =	sst s0  }
0x18: {  	s0 =	sld [smem:$0x3F8A];
	_ =	swait.ge [sflag:s4], $0x0  }
0x19: {  	s7 =	sld [smem:$0x3F8B]  }
0x1a: {  	s8 =	sadd.s32 $0xFFFFE003, lr  }
0x1b: {  	s9 =	sadd.s32 $0xFFFFFEF7, lr;
	s5 =	simm.s32 $0xFFFFFFFF;
	p2 =	slt.u32 s8, $0xFFFFF086  }
0x1c: {  	p1 =	slt.u32 s9, $0xF7A;
	s5 =	simm.s32 @!p2 $0x0  }
0x1d: {  	s5 =	simm.s32 @p1 $0x1;
	p0 =	seq.s32 s7, s2  }
0x1e: {  	s7 =	smul.u32 @!p0 $0xF7A, s2;
	p2 =	seq.s32 @!p0 s5, $0x0  }
0x1f: {  	s9 =	smul.u32 $0xF7A, s1;
	s8 =	simm.s32 @!p0 $0x1BF5;
	p2 =	por !p2, p0  }
0x20: {  	[sflag:s8] =	ssyncset.s32 @!p0 $0xFFFFF086;
	s6 =	sadd.s32 @!p0 s3, s7;
	s7 =	simm.s32 @!p0 $0x108  }
0x21: {  	s3 =	sadd.s32 s3, s9;
	s6 =	sadd.s32 @!p0 $0x88, s6;
	s7 =	simm.s32 @p2 $0x1082  }
0x22: {  	[simem:s7], [sflag:s8] =	dma.local @!p0 [hbm:s6], $0xF7A  }
0x23: {  	s9 =	sor.u32 $0xD0000000, s2;
	s6 =	simm.s32 $0x108;
	_ =	swait.ge @!p0 [sflag:s8], $0x0  }
0x24: {  	s3 =	sadd.s32 $0x88, s3;
	s6 =	simm.s32 @!p1 $0x1082;
	[sflag:s4] =	ssyncset.s32 $0xFFFFF086  }
0x25: {  	[simem:s6], [sflag:s4] =	dma.local [hbm:s3], $0xF7A  }
0x26: {  	[smem:$0x3F8B] =	sst s1;
	(tag) =	ssettag s2;
	_ =	strace s9  }
0x27: {  	s1 =	sld [smem:$0x3F9B]  }
0x28: {  	s2 =	sld [smem:$0x3F9C]  }
0x29: {  	s4 =	sld [smem:$0x3F9E]  }
0x2a: {  	p0 =	seq.s32 s5, $0x0;
	s5 =	sld [smem:$0x3F9F]  }
0x2b: {  	s6 =	sld [smem:$0x3FA0]  }
0x2c: {  	s7 =	sld [smem:$0x3FA1]  }
0x2d: {  	s3 =	simm.s32 $0x108;
	s8 =	sld [smem:$0x3FA2]  }
0x2e: {  	s3 =	simm.s32 @!p0 $0x1082;
	s9 =	sld [smem:$0x3FA3]  }
0x2f: {  	lr =	sadd.s32 s0, s3;
	s0 =	sld [smem:$0x3F9A]  }
0x30: {  	s3 =	sld [smem:$0x3F9D]  }
0x31: {  	[smem:$0x3FA6] =	sst s10  }
0x32: {  	s10 =	sld [smem:$0x3FA4];
	_ =	sdelay $0x3  }
0x33: {  	p0 =	seq.s32 s10, $0x1;
	s10 =	sld [smem:$0x3FA6];
	_ =	sdelay $0x3  }
0x34: {  	[smem:$0x3FA6] =	sst s10  }
0x35: {  	s10 =	sld [smem:$0x3FA5];
	_ =	sdelay $0x3  }
0x36: {  	p1 =	seq.s32 s10, $0x1;
	s10 =	sld [smem:$0x3FA6];
	_ =	sdelay $0x3  }
0x37: {  	[smem:$0x3FA6] =	sst s10  }
0x38: {  	s10 =	sld [smem:$0x3FA7]  }
0x39: {  	_ = 	snop;
	(pc) =	sbr.ind lr, $3  }
0x3a: {  	_ = 	snop  }
0x3b: {  	_ = 	snop  }
0x3c: {  	p2 =	seq.s32 s10, $0x1;
	s10 =	sld [smem:$0x3FA6]  }
0x3d: {  	_ =	shalt  }
0x3e: {  	_ =	shalt  }
0x3f: {  	_ =	shalt  }
0x40: {  	_ =	shalt  }
0x41: {  	_ =	shalt  }
0x42: {  	_ =	shalt  }
0x43: {  	_ =	shalt  }
0x44: {  	_ =	shalt  }
0x45: {  	_ =	shalt  }
0x46: {  	_ =	shalt  }
0x47: {  	_ =	shalt  }
0x48: {  	_ =	shalt  }
0x49: {  	_ =	shalt  }
0x4a: {  	_ =	shalt  }
0x4b: {  	_ =	shalt  }
0x4c: {  	_ =	shalt  }
0x4d: {  	_ =	shalt  }
0x4e: {  	_ =	shalt  }
0x4f: {  	_ =	shalt  }
0x50: {  	_ =	shalt  }
0x51: {  	_ =	shalt  }
0x52: {  	_ =	shalt  }
0x53: {  	_ =	shalt  }
0x54: {  	_ =	shalt  }
0x55: {  	_ =	shalt  }
0x56: {  	_ =	shalt  }
0x57: {  	_ =	shalt  }
0x58: {  	_ =	shalt  }
0x59: {  	_ =	shalt  }
0x5a: {  	_ =	shalt  }
0x5b: {  	_ =	shalt  }
0x5c: {  	_ =	shalt  }
0x5d: {  	_ =	shalt  }
0x5e: {  	_ =	shalt  }
0x5f: {  	_ =	shalt  }
0x60: {  	_ =	shalt  }
0x61: {  	_ =	shalt  }
0x62: {  	_ =	shalt  }
0x63: {  	_ =	shalt  }
0x64: {  	_ =	shalt  }
0x65: {  	_ =	shalt  }
0x66: {  	_ =	shalt  }
0x67: {  	_ =	shalt  }
0x68: {  	_ =	shalt  }
0x69: {  	_ =	shalt  }
0x6a: {  	_ =	shalt  }
0x6b: {  	_ =	shalt  }
0x6c: {  	_ =	shalt  }
0x6d: {  	_ =	shalt  }
0x6e: {  	_ =	shalt  }
0x6f: {  	_ =	shalt  }
0x70: {  	_ =	shalt  }
0x71: {  	_ =	shalt  }
0x72: {  	_ =	shalt  }
0x73: {  	_ =	shalt  }
0x74: {  	_ =	shalt  }
0x75: {  	_ =	shalt  }
0x76: {  	_ =	shalt  }
0x77: {  	_ =	shalt  }
0x78: {  	_ =	shalt  }
0x79: {  	_ =	shalt  }
0x7a: {  	_ =	shalt  }
0x7b: {  	_ =	shalt  }
0x7c: {  	_ =	shalt  }
0x7d: {  	_ =	shalt  }
0x7e: {  	_ =	shalt  }
0x7f: {  	_ =	shalt  }
0x80: {  	_ =	shalt  }
0x81: {  	_ =	shalt  }
0x82: {  	_ =	shalt  }
0x83: {  	_ =	shalt  }
0x84: {  	_ =	shalt  }
0x85: {  	_ =	shalt  }
0x86: {  	_ =	shalt  }
0x87: {  	_ =	shalt  }
.Lfunc_end0:
.L_simem_size_0:
called_computation.1_lowered:
.L_overlay_start_0:
0x88: {  	s2 =	sld [smem:$0x3FD9]  }
0x89: {  	s3 =	sld [smem:$0x3FFE];
	_ =	sdelay $0x1  }
0x8a: {  	s1 =	srdreg.scid  }
0x8b: {  	s0 =	sand.u32 $0x1, s1  }
0x8c: {  	s16 =	sshll.u32 s0, $0xA;
	s2 =	sadd.s32 s3, s2  }
0x8d: {  	s2 =	sadd.s32 s2, s16  }
0x8e: {  	[smem:$0x3FB2] =	sst s2  }
0x8f: {  	_ = 	snop  }
0x90: {  	(tm) =	ssettm $0x1  }
0x91: {  	s17 =	sld [smem:$0x3FFB];
	_ =	sdelay $0x3  }
0x92: {  	_ =	strace s17  }
0x93: {  	s2 =	sld [smem:$0x3FFC];
	_ =	sdelay $0x3  }
0x94: {  	_ =	strace s2  }
0x95: {  	s2 =	sld [smem:$0x3FFD];
	_ =	sdelay $0x3  }
0x96: {  	_ =	strace s2  }
0x97: {  	_ =	strace $0x8FFFFFFF  }
0x98: {  	s18 =	sld [smem:$0x3FDB];
	_ =	sdelay $0x1  }
0x99: {  	s19 =	simm.s32 $_scs_section_size  }
0x9a: {  	s4 =	simm.s32 $_size__tile_overlayer_lowered;
	s5 =	simm.s32 $_tile_overlayer_lowered  }
0x9b: {  	s22 =	simm.s32 $0x1BFF;
	s21 =	sshll.u32 s5, $0x1;
	s2 =	sadd.s32 s19, s18  }
0x9c: {  	s6 =	simm.s32 $0x0;
	s20 =	sshll.u32 s4, $0x1;
	s4 =	sadd.s32 s21, s2  }
0x9d: {  	[timem:s6], [sflag:s22] =	dma.local [hbm:s4], s20  }
0x9e: {  	_ =	swait.ge [sflag:s22], s20  }
0x9f: {  	s3 =	ssub.s32 $0x0, s20;
	[sflag:s22] =	ssyncset.done $0x0  }
0xa0: {  	[sflag:s22] =	ssyncadd.s32 s3;
	_ =	sdelay $0x1  }
0xa1: {  	s23 =	simm.s32 $0x1B8B  }
0xa2: {  	_ =	swait.ge [sflag:s23], $0x1  }
0xa3: {  	[sflag:s23] =	ssyncset.done $0x0  }
0xa4: {  	s25 =	simm.s32 $0x1B8E;
	s24 =	sld [smem:$0x3FFE];
	[sflag:s23] =	ssyncadd.s32 $0xFFFFFFFF  }
0xa5: {  	s26 =	simm.s32 $execute0_lowered;
	[smem:$0x3FD2] =	sst s25  }
0xa6: {  	s4 =	sshll.u32 s26, $0x1;
	_ =	strace $0x80000049;
	[dreg:$0x1] =	wrdreg $0xFFFFFFFF  }
0xa7: {  	s28 =	simm.s32 $_size_execute0_lowered;
	s2 =	sadd.s32 s2, s4;
	[dreg:$0x0] =	wrdreg $0x0  }
0xa8: {  	s4 =	sshll.u32 s28, $0x1;
	[dreg:$0x2] =	wrdreg s2  }
0xa9: {  	[dreg:$0x3] =	wrdreg s4  }
0xaa: {  	[dreg:$0x4] =	wrdreg $0xC0  }
0xab: {  	_ =	task [dreg:s6], $0x5FFFF  }
0xac: {  	[dreg:$0x1] =	wrdreg $0xFFFFFFFF  }
0xad: {  	[dreg:$0x0] =	wrdreg $0x60  }
0xae: {  	[dreg:$0x2] =	wrdreg s24  }
0xaf: {  	[dreg:$0x3] =	wrdreg $0xB3800  }
0xb0: {  	[dreg:$0x4] =	wrdreg $0x9  }
0xb1: {  	_ =	task.clear_ibuf [dreg:s6], $0x5FFFF;
	_ =	strace $0x90000049  }
0xb2: {  	s29 =	simm.s32 $0x9;
	_ =	strace $0x8000004B  }
0xb3: {  	_ =	swait.ge [sflag:s29], $0x1  }
0xb4: {  	[sflag:s29] =	ssyncadd.s32 $0xFFFFFFFF  }
0xb5: {  	_ =	strace $0x9000004B  }
0xb6: {  	_ =	sfence  }
0xb7: {  	s30 =	sld [smem:$0x0];
	_ =	sdelay $0x2  }
0xb8: {  	s31 =	sshll.u32 s1, $0xD;
	s1 =	sshrl.u32 s1, $0x2  }
0xb9: {  	s3 =	sand.u32 $0x4000, s31;
	s1 =	sadd.s32 s1, s30  }
0xba: {  	s0 =	sor.u32 s3, s0;
	s1 =	sshll.u32 s1, $0x11  }
0xbb: {  	s0 =	sor.u32 s1, s0  }
0xbc: {  	s0 =	sadd.s32 $0x8F2B, s0  }
0xbd: {  	[sflag:s0] =	ssyncadd.remote.s32 $0x1  }
0xbe: {  	_ =	sfence.sel $0xFFFF  }
0xbf: {  	[dreg:$0x0] =	wrdreg $0xFFFFFFFF;
	(pc) =	sbr.abs _section_cstart, $3  }
0xc0: {  	[dreg:$0x1] =	wrdreg $0xFFFFFFFF  }
0xc1: {  	_ =	task.clear_ibuf [dreg:s6], $0x2FFFF;
	_ =	strace $0x9FFFFFFF  }
0xc2: {  	(tm) =	ssettm $0x7FFFFFFF  }
0xc3: {  	_ =	shalt  }
tec
execute0_lowered:
.L_overlay_start_1:
0x0: {  	(tag) =	ssettag $0x1  }
0x1: {  	s0 =	srdreg.scid;
	s6 =	rddreg [dreg:$0x0]  }
0x2: {  	s2 =	rddreg [dreg:$0x1];
	s3 =	simm.s32 $0x0;
	s12 =	simm.s32 $0x40  }
0x3: {  	s13 =	simm.s32 $0x5000;
	s14 =	simm.s32 $0x5300;
	s15 =	simm.s32 $0x5100  }
0x4: {  	s16 =	simm.s32 $0x7300;
	s17 =	simm.s32 $0x5200;
	s18 =	simm.s32 $0x9300  }
0x5: {  	s19 =	simm.s32 $0x1;
	s20 =	simm.s32 $0x5080;
	s21 =	simm.s32 $0x2  }
0x6: {  	s22 =	simm.s32 $0x5180;
	s23 =	simm.s32 $0x3;
	s24 =	simm.s32 $0x5280  }
0x7: {  	s25 =	simm.s32 $0x0;
	s5 =	sand.u32 $0x1, s0;
	s0 =	stileid.u32  }
0x8: {  	[smem:$0x7FF] =	sst s3;
	s4 =	sadd.s32 $0x4800, s6;
	s8 =	smul.u32 $0x140000, s5  }
0x9: {  	s1 =	sshll.u32 s5, $0x4;
	s9 =	smul.u32 $0x14000, s0;
	s28 =	ssub.s32 $0x2, s5  }
0xa: {  	s10 =	smul.u32 $0x50000, s0;
	s5 =	sadd.s32 $0x3FA00, s6;
	s1 =	sor.u32 s0, s1  }
0xb: {  	s31 =	sshll.u32 s0, $0x6;
	s29 =	sshrl.u32 s28, $0x1;
	s7 =	smul.u32 $0xA00, s1  }
0xc: {  	s1 =	rddreg [dreg:$0x2];
	_ =	strace $0x8000004A;
	s8 =	sadd.s32 s9, s8  }
0xd: {  	s9 =	ssub.s32 s28, s29;
	s30 =	sshrl.u32 s10, $0x2;
	s10 =	sor.u32 $0x1C04, s31  }
0xe: {  	s8 =	sshrl.u32 s8, $0x3;
	s11 =	sadd.s32 s30, s2;
	s7 =	sadd.s32 s7, s6  }
0xf: {  	s8 =	sadd.s32 s8, s6;
	s11 =	sshrl.u32 s11, $0x3;
	s6 =	sadd.s32 $0x2BA00, s7  }
0x10: {  	v0 =	vimm.f32 $1.000000000e+00;
	s7 =	sadd.s32 $0x42200, s8;
	s8 =	smax.u32 s9, $0x1;
	s9 =	simm.s32 $0x4  }
.LBB2_1:
0x11: {  	[tilespmem:s3], [sflag:$0x4] =	stream.linear.gather [hbm4b:s6+s3], $0x5000, $0x38;
	[tilespmem:$0x1F380] =	vst v63  }
0x12: {  	_ =	swait.ge [sflag:s9], $0x5000  }
0x13: {  	[sflag:s9] =	ssyncset.done $0x0  }
0x14: {  	[sflag:s9] =	ssyncadd.s32 $0xFFFFB000  }
0x15: {  	[spmem:s11], [sflag:s10] =	dma.local [hbm:s5], $0x2800  }
0x16: {  	_ =	swait.ge [sflag:s9], $0x2800  }
0x17: {  	[sflag:s9] =	ssyncset.done $0x0  }
0x18: {  	[sflag:s9] =	ssyncadd.s32 $0xFFFFD800  }
0x19: {  	[tilespmem:$0xB300] =	vst v0  }
0x1a: {  	[tilespmem:$0xB310] =	vst v0  }
0x1b: {  	[tilespmem:$0xB320] =	vst v0  }
0x1c: {  	[tilespmem:$0xB330] =	vst v0  }
0x1d: {  	[bflag:$0x0] =	sbarrier.arrive $0xFFFF  }
0x1e: {  	v1 =	vld [tilespmem:$0x0];
	_ =	sdelay $0x1  }
0x1f: {  	v2 =	vld [tilespmem:$0x10];
	_ =	sdelay $0x1  }
0x20: {  	v3 =	vld [tilespmem:$0x20]  }
0x21: {  	v4 =	vand.u32 $0xFFFF, v1  }
0x22: {  	v59 =	vld [tilespmem:$0x30];
	v1 =	vshrl.u32 v1, $0x10;
	[tilespmem:$0x5000] =	vst v4  }
0x23: {  	[tilespmem:$0x5080] =	vst v1;
	v1 =	vand.u32 $0xFFFF, v2  }
0x24: {  	[tilespmem:$0x5010] =	vst v1;
	v1 =	vshrl.u32 v2, $0x10  }
0x25: {  	[tilespmem:$0x5090] =	vst v1;
	v1 =	vand.u32 $0xFFFF, v3  }
0x26: {  	[tilespmem:$0x5020] =	vst v1;
	v1 =	vshrl.u32 v3, $0x10  }
0x27: {  	[tilespmem:$0x50A0] =	vst v1;
	v1 =	vand.u32 $0xFFFF, v59  }
0x28: {  	[tilespmem:$0x5030] =	vst v1;
	v1 =	vshrl.u32 v59, $0x10  }
0x29: {  	[tilespmem:$0x50B0] =	vst v1  }
0x2a: {  	[tilespmem:s14], [sflag:$0x1] =	stream.indirect.gather [hbm4b:s4+s12], $0x80, s13, s12, $0xb8;
	[tilespmem:$0x1F380] =	vst v63  }
0x2b: {  	v1 =	vld [tilespmem:$0x80];
	_ =	sdelay $0x1  }
0x2c: {  	v2 =	vld [tilespmem:$0x90];
	_ =	sdelay $0x1  }
0x2d: {  	v3 =	vld [tilespmem:$0xA0]  }
0x2e: {  	v60 =	vand.u32 $0xFFFF, v1  }
0x2f: {  	v61 =	vld [tilespmem:$0xB0];
	v1 =	vshrl.u32 v1, $0x10;
	[tilespmem:$0x5100] =	vst v60  }
0x30: {  	[tilespmem:$0x5180] =	vst v1;
	v1 =	vand.u32 $0xFFFF, v2  }
0x31: {  	[tilespmem:$0x5110] =	vst v1;
	v1 =	vshrl.u32 v2, $0x10  }
0x32: {  	[tilespmem:$0x5190] =	vst v1;
	v1 =	vand.u32 $0xFFFF, v3  }
0x33: {  	[tilespmem:$0x5120] =	vst v1;
	v1 =	vshrl.u32 v3, $0x10  }
0x34: {  	[tilespmem:$0x51A0] =	vst v1;
	v1 =	vand.u32 $0xFFFF, v61  }
0x35: {  	[tilespmem:$0x5130] =	vst v1;
	v1 =	vshrl.u32 v61, $0x10  }
0x36: {  	[tilespmem:$0x51B0] =	vst v1  }
0x37: {  	[tilespmem:s16], [sflag:$0x2] =	stream.indirect.gather [hbm4b:s4+s12], $0x80, s15, s12, $0xb8;
	[tilespmem:$0x1F380] =	vst v63  }
0x38: {  	v1 =	vld [tilespmem:$0x100];
	_ =	sdelay $0x1  }
0x39: {  	v2 =	vld [tilespmem:$0x110];
	_ =	sdelay $0x1  }
0x3a: {  	v3 =	vld [tilespmem:$0x120]  }
0x3b: {  	v62 =	vand.u32 $0xFFFF, v1  }
0x3c: {  	v63 =	vld [tilespmem:$0x130];
	v1 =	vshrl.u32 v1, $0x10;
	[tilespmem:$0x5200] =	vst v62  }
0x3d: {  	[tilespmem:$0x5280] =	vst v1;
	v1 =	vand.u32 $0xFFFF, v2  }
0x3e: {  	[tilespmem:$0x5210] =	vst v1;
	v1 =	vshrl.u32 v2, $0x10  }
0x3f: {  	[tilespmem:$0x5290] =	vst v1;
	v1 =	vand.u32 $0xFFFF, v3  }
0x40: {  	[tilespmem:$0x5220] =	vst v1;
	v1 =	vshrl.u32 v3, $0x10  }
0x41: {  	[tilespmem:$0x52A0] =	vst v1;
	v1 =	vand.u32 $0xFFFF, v63  }
0x42: {  	[tilespmem:$0x5230] =	vst v1;
	v1 =	vshrl.u32 v63, $0x10  }
0x43: {  	[tilespmem:$0x52B0] =	vst v1  }
0x44: {  	[tilespmem:s18], [sflag:$0x3] =	stream.indirect.gather [hbm4b:s4+s12], $0x80, s17, s12, $0xb8;
	[tilespmem:$0x1F380] =	vst v63  }
0x45: {  	_ =	swait.ge [sflag:s19], $0x2000  }
0x46: {  	[sflag:s19] =	ssyncset.done $0x0  }
0x47: {  	[sflag:s19] =	ssyncadd.s32 $0xFFFFE000  }
0x48: {  	[spmem:s2] =	stream.indirect.scatter.add.f32 [tilespmem:s14], [sflag:$0x4], $0x80, s20, s12, $0xb8;
	[tilespmem:$0x1F380] =	vst v63  }
0x49: {  	_ =	swait.ge [sflag:s9], $0x2000  }
0x4a: {  	[sflag:s9] =	ssyncset.done $0x0  }
0x4b: {  	s26 =	simm.s32 $0x2B0;
	[sflag:s9] =	ssyncadd.s32 $0xFFFFE000  }
0x4c: {  	v1 =	vld [tilespmem:s26+$0xFFFFFED0];
	_ =	sdelay $0x4  }
0x4d: {  	v2 =	vand.u32 $0xFFFF, v1  }
0x4e: {  	v1 =	vshrl.u32 v1, $0x10;
	[tilespmem:$0x5000] =	vst v2  }
0x4f: {  	[tilespmem:$0x5080] =	vst v1  }
0x50: {  	v1 =	vld [tilespmem:s26+$0xFFFFFEE0];
	_ =	sdelay $0x4  }
0x51: {  	v2 =	vand.u32 $0xFFFF, v1  }
0x52: {  	v1 =	vshrl.u32 v1, $0x10;
	[tilespmem:$0x5010] =	vst v2  }
0x53: {  	[tilespmem:$0x5090] =	vst v1  }
0x54: {  	v1 =	vld [tilespmem:s26+$0xFFFFFEF0];
	_ =	sdelay $0x4  }
0x55: {  	v2 =	vand.u32 $0xFFFF, v1  }
0x56: {  	v1 =	vshrl.u32 v1, $0x10;
	[tilespmem:$0x5020] =	vst v2  }
0x57: {  	[tilespmem:$0x50A0] =	vst v1  }
0x58: {  	v1 =	vld [tilespmem:s26+$0xFFFFFF00];
	_ =	sdelay $0x4  }
0x59: {  	v2 =	vand.u32 $0xFFFF, v1  }
0x5a: {  	v1 =	vshrl.u32 v1, $0x10;
	[tilespmem:$0x5030] =	vst v2  }
0x5b: {  	[tilespmem:$0x50B0] =	vst v1  }
0x5c: {  	[tilespmem:s14], [sflag:$0x1] =	stream.indirect.gather [hbm4b:s4+s12], $0x80, s13, s12, $0xb8;
	[tilespmem:$0x1F380] =	vst v63  }
0x5d: {  	_ =	swait.ge [sflag:s21], $0x2000  }
0x5e: {  	[sflag:s21] =	ssyncset.done $0x0  }
0x5f: {  	[sflag:s21] =	ssyncadd.s32 $0xFFFFE000  }
0x60: {  	[spmem:s2] =	stream.indirect.scatter.add.f32 [tilespmem:s16], [sflag:$0x4], $0x80, s22, s12, $0xb8;
	[tilespmem:$0x1F380] =	vst v63  }
0x61: {  	_ =	swait.ge [sflag:s9], $0x2000  }
0x62: {  	[sflag:s9] =	ssyncset.done $0x0  }
0x63: {  	[sflag:s9] =	ssyncadd.s32 $0xFFFFE000  }
0x64: {  	v1 =	vld [tilespmem:s26+$0xFFFFFF50];
	_ =	sdelay $0x4  }
0x65: {  	v2 =	vand.u32 $0xFFFF, v1  }
0x66: {  	v1 =	vshrl.u32 v1, $0x10;
	[tilespmem:$0x5100] =	vst v2  }
0x67: {  	[tilespmem:$0x5180] =	vst v1  }
0x68: {  	v1 =	vld [tilespmem:s26+$0xFFFFFF60];
	_ =	sdelay $0x4  }
0x69: {  	v2 =	vand.u32 $0xFFFF, v1  }
0x6a: {  	v1 =	vshrl.u32 v1, $0x10;
	[tilespmem:$0x5110] =	vst v2  }
0x6b: {  	[tilespmem:$0x5190] =	vst v1  }
0x6c: {  	v1 =	vld [tilespmem:s26+$0xFFFFFF70];
	_ =	sdelay $0x4  }
0x6d: {  	v2 =	vand.u32 $0xFFFF, v1  }
0x6e: {  	v1 =	vshrl.u32 v1, $0x10;
	[tilespmem:$0x5120] =	vst v2  }
0x6f: {  	[tilespmem:$0x51A0] =	vst v1  }
0x70: {  	v1 =	vld [tilespmem:s26+$0xFFFFFF80];
	_ =	sdelay $0x4  }
0x71: {  	v2 =	vand.u32 $0xFFFF, v1  }
0x72: {  	v1 =	vshrl.u32 v1, $0x10;
	[tilespmem:$0x5130] =	vst v2  }
0x73: {  	[tilespmem:$0x51B0] =	vst v1  }
0x74: {  	[tilespmem:s16], [sflag:$0x2] =	stream.indirect.gather [hbm4b:s4+s12], $0x80, s15, s12, $0xb8;
	[tilespmem:$0x1F380] =	vst v63  }
0x75: {  	_ =	swait.ge [sflag:s23], $0x2000  }
0x76: {  	[sflag:s23] =	ssyncset.done $0x0  }
0x77: {  	[sflag:s23] =	ssyncadd.s32 $0xFFFFE000  }
0x78: {  	[spmem:s2] =	stream.indirect.scatter.add.f32 [tilespmem:s18], [sflag:$0x4], $0x80, s24, s12, $0xb8;
	[tilespmem:$0x1F380] =	vst v63  }
0x79: {  	_ =	swait.ge [sflag:s9], $0x2000  }
0x7a: {  	[sflag:s9] =	ssyncset.done $0x0  }
0x7b: {  	[sflag:s9] =	ssyncadd.s32 $0xFFFFE000  }
0x7c: {  	v1 =	vld [tilespmem:s26+$0xFFFFFFD0];
	_ =	sdelay $0x4  }
0x7d: {  	v2 =	vand.u32 $0xFFFF, v1  }
0x7e: {  	v1 =	vshrl.u32 v1, $0x10;
	[tilespmem:$0x5200] =	vst v2  }
0x7f: {  	[tilespmem:$0x5280] =	vst v1  }
0x80: {  	v1 =	vld [tilespmem:s26+$0xFFFFFFE0];
	_ =	sdelay $0x4  }
0x81: {  	v2 =	vand.u32 $0xFFFF, v1  }
0x82: {  	v1 =	vshrl.u32 v1, $0x10;
	[tilespmem:$0x5210] =	vst v2  }
0x83: {  	[tilespmem:$0x5290] =	vst v1  }
0x84: {  	s28 =	simm.s32 $0x10C0;
	v1 =	vld [tilespmem:s26+$0xFFFFFFF0]  }
.LBB2_2:
0x85: {  	_ =	sdelay $0x2  }
0x86: {  	p0 =	sne.s32 s28, $0x13CC0;
	s29 =	smov.u32 s28;
	s28 =	sadd.s32 $0x600, s28  }
0x87: {  	v2 =	vand.u32 $0xFFFF, v1;
	v1 =	vshrl.u32 v1, $0x10  }
0x88: {  	[tilespmem:$0x5220] =	vst v2  }
0x89: {  	[tilespmem:$0x52A0] =	vst v1  }
0x8a: {  	v1 =	vld [tilespmem:s26+$0x0];
	_ =	sdelay $0x4  }
0x8b: {  	v2 =	vand.u32 $0xFFFF, v1;
	v1 =	vshrl.u32 v1, $0x10  }
0x8c: {  	[tilespmem:$0x5230] =	vst v2  }
0x8d: {  	[tilespmem:$0x52B0] =	vst v1  }
0x8e: {  	[tilespmem:s18], [sflag:$0x3] =	stream.indirect.gather [hbm4b:s4+s12], $0x80, s17, s12, $0xb8;
	[tilespmem:$0x1F380] =	vst v63  }
0x8f: {  	_ =	swait.ge [sflag:s19], $0x2000  }
0x90: {  	[sflag:s19] =	ssyncset.done $0x0  }
0x91: {  	[sflag:s19] =	ssyncadd.s32 $0xFFFFE000  }
0x92: {  	[spmem:s2] =	stream.indirect.scatter.add.f32 [tilespmem:s14], [sflag:$0x4], $0x80, s20, s12, $0xb8;
	[tilespmem:$0x1F380] =	vst v63  }
0x93: {  	_ =	swait.ge [sflag:s9], $0x2000  }
0x94: {  	[sflag:s9] =	ssyncset.done $0x0  }
0x95: {  	s26 =	sshra.s32 s29, $0x2;
	[sflag:s9] =	ssyncadd.s32 $0xFFFFE000  }
0x96: {  	v1 =	vld [tilespmem:s26+$0xFFFFFED0];
	_ =	sdelay $0x4  }
0x97: {  	v2 =	vand.u32 $0xFFFF, v1;
	v1 =	vshrl.u32 v1, $0x10  }
0x98: {  	[tilespmem:$0x5000] =	vst v2  }
0x99: {  	[tilespmem:$0x5080] =	vst v1  }
0x9a: {  	v1 =	vld [tilespmem:s26+$0xFFFFFEE0];
	_ =	sdelay $0x4  }
0x9b: {  	v2 =	vand.u32 $0xFFFF, v1;
	v1 =	vshrl.u32 v1, $0x10  }
0x9c: {  	[tilespmem:$0x5010] =	vst v2  }
0x9d: {  	[tilespmem:$0x5090] =	vst v1  }
0x9e: {  	v1 =	vld [tilespmem:s26+$0xFFFFFEF0];
	_ =	sdelay $0x4  }
0x9f: {  	v2 =	vand.u32 $0xFFFF, v1;
	v1 =	vshrl.u32 v1, $0x10  }
0xa0: {  	[tilespmem:$0x5020] =	vst v2  }
0xa1: {  	[tilespmem:$0x50A0] =	vst v1  }
0xa2: {  	v1 =	vld [tilespmem:s26+$0xFFFFFF00];
	_ =	sdelay $0x4  }
0xa3: {  	v2 =	vand.u32 $0xFFFF, v1;
	v1 =	vshrl.u32 v1, $0x10  }
0xa4: {  	[tilespmem:$0x5030] =	vst v2  }
0xa5: {  	[tilespmem:$0x50B0] =	vst v1  }
0xa6: {  	[tilespmem:s14], [sflag:$0x1] =	stream.indirect.gather [hbm4b:s4+s12], $0x80, s13, s12, $0xb8;
	[tilespmem:$0x1F380] =	vst v63  }
0xa7: {  	_ =	swait.ge [sflag:s21], $0x2000  }
0xa8: {  	[sflag:s21] =	ssyncset.done $0x0  }
0xa9: {  	[sflag:s21] =	ssyncadd.s32 $0xFFFFE000  }
0xaa: {  	[spmem:s2] =	stream.indirect.scatter.add.f32 [tilespmem:s16], [sflag:$0x4], $0x80, s22, s12, $0xb8;
	[tilespmem:$0x1F380] =	vst v63  }
0xab: {  	_ =	swait.ge [sflag:s9], $0x2000  }
0xac: {  	[sflag:s9] =	ssyncset.done $0x0  }
0xad: {  	[sflag:s9] =	ssyncadd.s32 $0xFFFFE000  }
0xae: {  	v1 =	vld [tilespmem:s26+$0xFFFFFF50];
	_ =	sdelay $0x4  }
0xaf: {  	v2 =	vand.u32 $0xFFFF, v1;
	v1 =	vshrl.u32 v1, $0x10  }
0xb0: {  	[tilespmem:$0x5100] =	vst v2  }
0xb1: {  	[tilespmem:$0x5180] =	vst v1  }
0xb2: {  	v1 =	vld [tilespmem:s26+$0xFFFFFF60];
	_ =	sdelay $0x4  }
0xb3: {  	v2 =	vand.u32 $0xFFFF, v1;
	v1 =	vshrl.u32 v1, $0x10  }
0xb4: {  	[tilespmem:$0x5110] =	vst v2  }
0xb5: {  	[tilespmem:$0x5190] =	vst v1  }
0xb6: {  	v1 =	vld [tilespmem:s26+$0xFFFFFF70];
	_ =	sdelay $0x4  }
0xb7: {  	v2 =	vand.u32 $0xFFFF, v1;
	v1 =	vshrl.u32 v1, $0x10  }
0xb8: {  	[tilespmem:$0x5120] =	vst v2  }
0xb9: {  	[tilespmem:$0x51A0] =	vst v1  }
0xba: {  	v1 =	vld [tilespmem:s26+$0xFFFFFF80];
	_ =	sdelay $0x4  }
0xbb: {  	v2 =	vand.u32 $0xFFFF, v1;
	v1 =	vshrl.u32 v1, $0x10  }
0xbc: {  	[tilespmem:$0x5130] =	vst v2  }
0xbd: {  	[tilespmem:$0x51B0] =	vst v1  }
0xbe: {  	[tilespmem:s16], [sflag:$0x2] =	stream.indirect.gather [hbm4b:s4+s12], $0x80, s15, s12, $0xb8;
	[tilespmem:$0x1F380] =	vst v63  }
0xbf: {  	_ =	swait.ge [sflag:s23], $0x2000  }
0xc0: {  	[sflag:s23] =	ssyncset.done $0x0  }
0xc1: {  	[sflag:s23] =	ssyncadd.s32 $0xFFFFE000  }
0xc2: {  	[spmem:s2] =	stream.indirect.scatter.add.f32 [tilespmem:s18], [sflag:$0x4], $0x80, s24, s12, $0xb8;
	[tilespmem:$0x1F380] =	vst v63  }
0xc3: {  	_ =	swait.ge [sflag:s9], $0x2000  }
0xc4: {  	[sflag:s9] =	ssyncset.done $0x0  }
0xc5: {  	[sflag:s9] =	ssyncadd.s32 $0xFFFFE000  }
0xc6: {  	v1 =	vld [tilespmem:s26+$0xFFFFFFD0];
	_ =	sdelay $0x4  }
0xc7: {  	v2 =	vand.u32 $0xFFFF, v1;
	v1 =	vshrl.u32 v1, $0x10  }
0xc8: {  	[tilespmem:$0x5200] =	vst v2  }
0xc9: {  	[tilespmem:$0x5280] =	vst v1  }
0xca: {  	v1 =	vld [tilespmem:s26+$0xFFFFFFE0];
	_ =	sdelay $0x3  }
.Ltmp0:
0xcb: {  	(pc) =	sbr.rel @p0 .LBB2_2-.Ltmp0, $4  }
0xcc: {  	v2 =	vand.u32 $0xFFFF, v1;
	v1 =	vshrl.u32 v1, $0x10  }
0xcd: {  	[tilespmem:$0x5210] =	vst v2  }
0xce: {  	[tilespmem:$0x5290] =	vst v1  }
0xcf: {  	v1 =	vld [tilespmem:s26+$0xFFFFFFF0]  }
0xd0: {  	_ =	sdelay $0x3  }
0xd1: {  	v2 =	vand.u32 $0xFFFF, v1  }
0xd2: {  	v1 =	vshrl.u32 v1, $0x10;
	[tilespmem:$0x5220] =	vst v2  }
0xd3: {  	[tilespmem:$0x52A0] =	vst v1  }
0xd4: {  	v1 =	vld [tilespmem:s26+$0x0];
	_ =	sdelay $0x4  }
0xd5: {  	v2 =	vand.u32 $0xFFFF, v1  }
0xd6: {  	v1 =	vshrl.u32 v1, $0x10;
	[tilespmem:$0x5230] =	vst v2  }
0xd7: {  	[tilespmem:$0x52B0] =	vst v1  }
0xd8: {  	[tilespmem:s18], [sflag:$0x3] =	stream.indirect.gather [hbm4b:s4+s12], $0x80, s17, s12, $0xb8;
	[tilespmem:$0x1F380] =	vst v63  }
0xd9: {  	_ =	swait.ge [sflag:s19], $0x2000  }
0xda: {  	[sflag:s19] =	ssyncset.done $0x0  }
0xdb: {  	[sflag:s19] =	ssyncadd.s32 $0xFFFFE000  }
0xdc: {  	[spmem:s2] =	stream.indirect.scatter.add.f32 [tilespmem:s14], [sflag:$0x4], $0x80, s20, s12, $0xb8;
	[tilespmem:$0x1F380] =	vst v63  }
0xdd: {  	_ =	swait.ge [sflag:s9], $0x2000  }
0xde: {  	[sflag:s9] =	ssyncset.done $0x0  }
0xdf: {  	[sflag:s9] =	ssyncadd.s32 $0xFFFFE000  }
0xe0: {  	v1 =	vld [tilespmem:$0x4F80];
	_ =	sdelay $0x1  }
0xe1: {  	v2 =	vld [tilespmem:$0x4F90];
	_ =	sdelay $0x1  }
0xe2: {  	v3 =	vld [tilespmem:$0x4FA0]  }
0xe3: {  	v4 =	vand.u32 $0xFFFF, v1  }
0xe4: {  	v63 =	vld [tilespmem:$0x4FB0];
	v1 =	vshrl.u32 v1, $0x10;
	[tilespmem:$0x5000] =	vst v4  }
0xe5: {  	[tilespmem:$0x5080] =	vst v1;
	v1 =	vand.u32 $0xFFFF, v2  }
0xe6: {  	[tilespmem:$0x5010] =	vst v1;
	v1 =	vshrl.u32 v2, $0x10  }
0xe7: {  	[tilespmem:$0x5090] =	vst v1;
	v1 =	vand.u32 $0xFFFF, v3  }
0xe8: {  	[tilespmem:$0x5020] =	vst v1;
	v1 =	vshrl.u32 v3, $0x10  }
0xe9: {  	[tilespmem:$0x50A0] =	vst v1;
	v1 =	vand.u32 $0xFFFF, v63  }
0xea: {  	[tilespmem:$0x5030] =	vst v1;
	v1 =	vshrl.u32 v63, $0x10  }
0xeb: {  	[tilespmem:$0x50B0] =	vst v1  }
0xec: {  	[tilespmem:s14], [sflag:$0x1] =	stream.indirect.gather [hbm4b:s4+s12], $0x80, s13, s12, $0xb8;
	[tilespmem:$0x1F380] =	vst v63  }
0xed: {  	_ =	swait.ge [sflag:s21], $0x2000  }
0xee: {  	[sflag:s21] =	ssyncset.done $0x0  }
0xef: {  	[sflag:s21] =	ssyncadd.s32 $0xFFFFE000  }
0xf0: {  	[spmem:s2] =	stream.indirect.scatter.add.f32 [tilespmem:s16], [sflag:$0x4], $0x80, s22, s12, $0xb8;
	[tilespmem:$0x1F380] =	vst v63  }
0xf1: {  	_ =	swait.ge [sflag:s9], $0x2000  }
0xf2: {  	[sflag:s9] =	ssyncset.done $0x0  }
0xf3: {  	[sflag:s9] =	ssyncadd.s32 $0xFFFFE000  }
0xf4: {  	_ =	swait.ge [sflag:s23], $0x2000  }
0xf5: {  	[sflag:s23] =	ssyncset.done $0x0  }
0xf6: {  	[sflag:s23] =	ssyncadd.s32 $0xFFFFE000  }
0xf7: {  	[spmem:s2] =	stream.indirect.scatter.add.f32 [tilespmem:s18], [sflag:$0x4], $0x80, s24, s12, $0xb8;
	[tilespmem:$0x1F380] =	vst v63  }
0xf8: {  	_ =	swait.ge [sflag:s9], $0x2000  }
0xf9: {  	[sflag:s9] =	ssyncset.done $0x0  }
0xfa: {  	[sflag:s9] =	ssyncadd.s32 $0xFFFFE000  }
0xfb: {  	_ =	swait.ge [sflag:s19], $0x2000  }
0xfc: {  	[sflag:s19] =	ssyncset.done $0x0  }
0xfd: {  	[sflag:s19] =	ssyncadd.s32 $0xFFFFE000  }
0xfe: {  	[spmem:s2] =	stream.indirect.scatter.add.f32 [tilespmem:s14], [sflag:$0x4], $0x80, s20, s12, $0xb8;
	[tilespmem:$0x1F380] =	vst v63  }
0xff: {  	_ =	swait.ge [sflag:s9], $0x2000  }
0x100: {  	s25 =	sadd.s32 $0x1, s25;
	[sflag:s9] =	ssyncset.done $0x0  }
0x101: {  	p0 =	sne.s32 s25, s8;
	[sflag:s9] =	ssyncadd.s32 $0xFFFFE000  }
.Ltmp1:
0x102: {  	[bflag:$0x0] =	sbarrier.arrive $0xFFFF;
	(pc) =	sbr.rel @p0 .LBB2_1-.Ltmp1, $4  }
0x103: {  	[hbm:s7], [sflag:s10] =	dma.local [spmem:s11], $0x2800  }
0x104: {  	_ =	swait.ge [sflag:s9], $0x2800  }
0x105: {  	[sflag:s9] =	ssyncset.done $0x0  }
0x106: {  	[sflag:s9] =	ssyncadd.s32 $0xFFFFD800  }
0x107: {  	_ =	sfence.sel $0x180000  }
0x108: {  	[bflag:$0x0] =	sbarrier.arrive $0xFFFF  }
0x109: {  	p0 =	sne.s32 s0, $0x0;
	_ =	strace $0x9000004A  }
0x10a: {  	s0 =	sadd.s32 @!p0 $0x100000, s1;
	[bflag:$0x2] =	sbarrier.arrive $0xFFFF  }
0x10b: {  	[sflag:s0] =	ssyncadd.tile.s32 @!p0 $0x1;
	_ =	shalt  }
.Lfunc_end2:
_tile_overlayer_lowered:
.L_overlay_start_2:
0x10c: {  	(tag) =	ssettag $0x2  }
0x10d: {  	s0 =	rddreg [dreg:$0x0];
	s2 =	stileid.u32  }
0x10e: {  	s1 =	rddreg [dreg:$0x1];
	p0 =	sne.s32 s2, $0x0  }
0x10f: {  	s3 =	rddreg [dreg:$0x2];
	[bflag:$0x3] =	sbarrier.arrive $0xFFFF;
	s2 =	simm.s32 @!p0 $0x1C04  }
0x110: {  	[timem:s3], [sflag:s2] =	dma.local @!p0 [hbm:s0], s1  }
0x111: {  	s0 =	simm.s32 @!p0 $0x4  }
0x112: {  	_ =	swait.ge @!p0 [sflag:s0], s1  }
0x113: {  	s1 =	ssub.s32 @!p0 $0x0, s1;
	[sflag:s0] =	ssyncset.done @!p0 $0x0  }
0x114: {  	[sflag:s0] =	ssyncadd.s32 @!p0 s1  }
0x115: {  	[bflag:$0x3] =	sbarrier.arrive $0xFFFF  }
0x116: {  	_ =	shalt  }

// kernel: sc_edge_agg.7.cloned.1.call-start
scs
__scs_entry_jumppad:
0x0: {  	(pc) =	sbr.rel $0x88, $3  }
0x1: {  	(tag) =	ssettag $0x0;
	lr =	simm.s32 $0x1  }
0x2: {  	[smem:$0x3F8B] =	sst lr;
	_ =	strace $0xD0000000  }
0x3: {  	_ = 	snop  }
0x4: {  	_ = 	snop  }
0x5: {  	_ = 	snop  }
0x6: {  	_ = 	snop  }
0x7: {  	_ = 	snop  }
__scs_overlays_trampoline_lowered:
0x8: {  	[smem:$0x3F9A] =	sst s0  }
0x9: {  	[smem:$0x3F9B] =	sst s1  }
0xa: {  	[smem:$0x3F9C] =	sst s2  }
0xb: {  	[smem:$0x3F9D] =	sst s3  }
0xc: {  	[smem:$0x3F9E] =	sst s4  }
0xd: {  	[smem:$0x3F9F] =	sst s5  }
0xe: {  	[smem:$0x3FA0] =	sst s6  }
0xf: {  	[smem:$0x3FA1] =	sst s7  }
0x10: {  	[smem:$0x3FA2] =	sst s8  }
0x11: {  	[smem:$0x3FA3] =	sst s9;
	s0 =	simm.s32 @!p0 $0x0  }
0x12: {  	s1 =	sld [smem:$0x3F89];
	s0 =	simm.s32 @p0 $0x1  }
0x13: {  	[smem:$0x3FA4] =	sst s0;
	s0 =	simm.s32 @!p1 $0x0  }
0x14: {  	s2 =	sld [smem:$0x3F88];
	s0 =	simm.s32 @p1 $0x1  }
0x15: {  	[smem:$0x3FA5] =	sst s0;
	s0 =	simm.s32 @!p2 $0x0  }
0x16: {  	s3 =	sld [smem:$0x3FDB];
	s0 =	simm.s32 @p2 $0x1  }
0x17: {  	s4 =	simm.s32 $0x1BF5;
	[smem:$0x3FA7] =	sst s0  }
0x18: {  	s0 =	sld [smem:$0x3F8A];
	_ =	swait.ge [sflag:s4], $0x0  }
0x19: {  	s7 =	sld [smem:$0x3F8B]  }
0x1a: {  	s8 =	sadd.s32 $0xFFFFE003, lr  }
0x1b: {  	s9 =	sadd.s32 $0xFFFFFEF7, lr;
	s5 =	simm.s32 $0xFFFFFFFF;
	p2 =	slt.u32 s8, $0xFFFFF086  }
0x1c: {  	p1 =	slt.u32 s9, $0xF7A;
	s5 =	simm.s32 @!p2 $0x0  }
0x1d: {  	s5 =	simm.s32 @p1 $0x1;
	p0 =	seq.s32 s7, s2  }
0x1e: {  	s7 =	smul.u32 @!p0 $0xF7A, s2;
	p2 =	seq.s32 @!p0 s5, $0x0  }
0x1f: {  	s9 =	smul.u32 $0xF7A, s1;
	s8 =	simm.s32 @!p0 $0x1BF5;
	p2 =	por !p2, p0  }
0x20: {  	[sflag:s8] =	ssyncset.s32 @!p0 $0xFFFFF086;
	s6 =	sadd.s32 @!p0 s3, s7;
	s7 =	simm.s32 @!p0 $0x108  }
0x21: {  	s3 =	sadd.s32 s3, s9;
	s6 =	sadd.s32 @!p0 $0x88, s6;
	s7 =	simm.s32 @p2 $0x1082  }
0x22: {  	[simem:s7], [sflag:s8] =	dma.local @!p0 [hbm:s6], $0xF7A  }
0x23: {  	s9 =	sor.u32 $0xD0000000, s2;
	s6 =	simm.s32 $0x108;
	_ =	swait.ge @!p0 [sflag:s8], $0x0  }
0x24: {  	s3 =	sadd.s32 $0x88, s3;
	s6 =	simm.s32 @!p1 $0x1082;
	[sflag:s4] =	ssyncset.s32 $0xFFFFF086  }
0x25: {  	[simem:s6], [sflag:s4] =	dma.local [hbm:s3], $0xF7A  }
0x26: {  	[smem:$0x3F8B] =	sst s1;
	(tag) =	ssettag s2;
	_ =	strace s9  }
0x27: {  	s1 =	sld [smem:$0x3F9B]  }
0x28: {  	s2 =	sld [smem:$0x3F9C]  }
0x29: {  	s4 =	sld [smem:$0x3F9E]  }
0x2a: {  	p0 =	seq.s32 s5, $0x0;
	s5 =	sld [smem:$0x3F9F]  }
0x2b: {  	s6 =	sld [smem:$0x3FA0]  }
0x2c: {  	s7 =	sld [smem:$0x3FA1]  }
0x2d: {  	s3 =	simm.s32 $0x108;
	s8 =	sld [smem:$0x3FA2]  }
0x2e: {  	s3 =	simm.s32 @!p0 $0x1082;
	s9 =	sld [smem:$0x3FA3]  }
0x2f: {  	lr =	sadd.s32 s0, s3;
	s0 =	sld [smem:$0x3F9A]  }
0x30: {  	s3 =	sld [smem:$0x3F9D]  }
0x31: {  	[smem:$0x3FA6] =	sst s10  }
0x32: {  	s10 =	sld [smem:$0x3FA4];
	_ =	sdelay $0x3  }
0x33: {  	p0 =	seq.s32 s10, $0x1;
	s10 =	sld [smem:$0x3FA6];
	_ =	sdelay $0x3  }
0x34: {  	[smem:$0x3FA6] =	sst s10  }
0x35: {  	s10 =	sld [smem:$0x3FA5];
	_ =	sdelay $0x3  }
0x36: {  	p1 =	seq.s32 s10, $0x1;
	s10 =	sld [smem:$0x3FA6];
	_ =	sdelay $0x3  }
0x37: {  	[smem:$0x3FA6] =	sst s10  }
0x38: {  	s10 =	sld [smem:$0x3FA7]  }
0x39: {  	_ = 	snop;
	(pc) =	sbr.ind lr, $3  }
0x3a: {  	_ = 	snop  }
0x3b: {  	_ = 	snop  }
0x3c: {  	p2 =	seq.s32 s10, $0x1;
	s10 =	sld [smem:$0x3FA6]  }
0x3d: {  	_ =	shalt  }
0x3e: {  	_ =	shalt  }
0x3f: {  	_ =	shalt  }
0x40: {  	_ =	shalt  }
0x41: {  	_ =	shalt  }
0x42: {  	_ =	shalt  }
0x43: {  	_ =	shalt  }
0x44: {  	_ =	shalt  }
0x45: {  	_ =	shalt  }
0x46: {  	_ =	shalt  }
0x47: {  	_ =	shalt  }
0x48: {  	_ =	shalt  }
0x49: {  	_ =	shalt  }
0x4a: {  	_ =	shalt  }
0x4b: {  	_ =	shalt  }
0x4c: {  	_ =	shalt  }
0x4d: {  	_ =	shalt  }
0x4e: {  	_ =	shalt  }
0x4f: {  	_ =	shalt  }
0x50: {  	_ =	shalt  }
0x51: {  	_ =	shalt  }
0x52: {  	_ =	shalt  }
0x53: {  	_ =	shalt  }
0x54: {  	_ =	shalt  }
0x55: {  	_ =	shalt  }
0x56: {  	_ =	shalt  }
0x57: {  	_ =	shalt  }
0x58: {  	_ =	shalt  }
0x59: {  	_ =	shalt  }
0x5a: {  	_ =	shalt  }
0x5b: {  	_ =	shalt  }
0x5c: {  	_ =	shalt  }
0x5d: {  	_ =	shalt  }
0x5e: {  	_ =	shalt  }
0x5f: {  	_ =	shalt  }
0x60: {  	_ =	shalt  }
0x61: {  	_ =	shalt  }
0x62: {  	_ =	shalt  }
0x63: {  	_ =	shalt  }
0x64: {  	_ =	shalt  }
0x65: {  	_ =	shalt  }
0x66: {  	_ =	shalt  }
0x67: {  	_ =	shalt  }
0x68: {  	_ =	shalt  }
0x69: {  	_ =	shalt  }
0x6a: {  	_ =	shalt  }
0x6b: {  	_ =	shalt  }
0x6c: {  	_ =	shalt  }
0x6d: {  	_ =	shalt  }
0x6e: {  	_ =	shalt  }
0x6f: {  	_ =	shalt  }
0x70: {  	_ =	shalt  }
0x71: {  	_ =	shalt  }
0x72: {  	_ =	shalt  }
0x73: {  	_ =	shalt  }
0x74: {  	_ =	shalt  }
0x75: {  	_ =	shalt  }
0x76: {  	_ =	shalt  }
0x77: {  	_ =	shalt  }
0x78: {  	_ =	shalt  }
0x79: {  	_ =	shalt  }
0x7a: {  	_ =	shalt  }
0x7b: {  	_ =	shalt  }
0x7c: {  	_ =	shalt  }
0x7d: {  	_ =	shalt  }
0x7e: {  	_ =	shalt  }
0x7f: {  	_ =	shalt  }
0x80: {  	_ =	shalt  }
0x81: {  	_ =	shalt  }
0x82: {  	_ =	shalt  }
0x83: {  	_ =	shalt  }
0x84: {  	_ =	shalt  }
0x85: {  	_ =	shalt  }
0x86: {  	_ =	shalt  }
0x87: {  	_ =	shalt  }
.Lfunc_end0:
.L_simem_size_0:
called_computation.2_lowered:
.L_overlay_start_0:
0x88: {  	s2 =	sld [smem:$0x3FD9]  }
0x89: {  	s3 =	sld [smem:$0x3FFE];
	_ =	sdelay $0x1  }
0x8a: {  	s1 =	srdreg.scid  }
0x8b: {  	s0 =	sand.u32 $0x1, s1  }
0x8c: {  	s16 =	sshll.u32 s0, $0xA;
	s2 =	sadd.s32 s3, s2  }
0x8d: {  	s2 =	sadd.s32 s2, s16  }
0x8e: {  	[smem:$0x3FB2] =	sst s2  }
0x8f: {  	_ = 	snop  }
0x90: {  	(tm) =	ssettm $0x1  }
0x91: {  	s17 =	sld [smem:$0x3FFB];
	_ =	sdelay $0x3  }
0x92: {  	_ =	strace s17  }
0x93: {  	s2 =	sld [smem:$0x3FFC];
	_ =	sdelay $0x3  }
0x94: {  	_ =	strace s2  }
0x95: {  	s2 =	sld [smem:$0x3FFD];
	_ =	sdelay $0x3  }
0x96: {  	_ =	strace s2  }
0x97: {  	_ =	strace $0x8FFFFFFF  }
0x98: {  	s18 =	sld [smem:$0x3FDB];
	_ =	sdelay $0x1  }
0x99: {  	s19 =	simm.s32 $_scs_section_size  }
0x9a: {  	s4 =	simm.s32 $_size__tile_overlayer_lowered;
	s5 =	simm.s32 $_tile_overlayer_lowered  }
0x9b: {  	s22 =	simm.s32 $0x1BFF;
	s21 =	sshll.u32 s5, $0x1;
	s2 =	sadd.s32 s19, s18  }
0x9c: {  	s6 =	simm.s32 $0x0;
	s20 =	sshll.u32 s4, $0x1;
	s4 =	sadd.s32 s21, s2  }
0x9d: {  	[timem:s6], [sflag:s22] =	dma.local [hbm:s4], s20  }
0x9e: {  	_ =	swait.ge [sflag:s22], s20  }
0x9f: {  	s3 =	ssub.s32 $0x0, s20;
	[sflag:s22] =	ssyncset.done $0x0  }
0xa0: {  	[sflag:s22] =	ssyncadd.s32 s3;
	_ =	sdelay $0x1  }
0xa1: {  	s23 =	simm.s32 $0x1B8B  }
0xa2: {  	_ =	swait.ge [sflag:s23], $0x1  }
0xa3: {  	[sflag:s23] =	ssyncset.done $0x0  }
0xa4: {  	s25 =	simm.s32 $0x1B8E;
	s24 =	sld [smem:$0x3FFE];
	[sflag:s23] =	ssyncadd.s32 $0xFFFFFFFF  }
0xa5: {  	s26 =	simm.s32 $execute0_lowered;
	[smem:$0x3FD2] =	sst s25  }
0xa6: {  	s4 =	sshll.u32 s26, $0x1;
	_ =	strace $0x8000004C;
	[dreg:$0x1] =	wrdreg $0xFFFFFFFF  }
0xa7: {  	s28 =	simm.s32 $_size_execute0_lowered;
	s2 =	sadd.s32 s2, s4;
	[dreg:$0x0] =	wrdreg $0x0  }
0xa8: {  	s4 =	sshll.u32 s28, $0x1;
	[dreg:$0x2] =	wrdreg s2  }
0xa9: {  	[dreg:$0x3] =	wrdreg s4  }
0xaa: {  	[dreg:$0x4] =	wrdreg $0xC0  }
0xab: {  	_ =	task [dreg:s6], $0x5FFFF  }
0xac: {  	[dreg:$0x1] =	wrdreg $0xFFFFFFFF  }
0xad: {  	[dreg:$0x0] =	wrdreg $0x60  }
0xae: {  	[dreg:$0x2] =	wrdreg s24  }
0xaf: {  	[dreg:$0x3] =	wrdreg $0xB3800  }
0xb0: {  	[dreg:$0x4] =	wrdreg $0x9  }
0xb1: {  	_ =	task.clear_ibuf [dreg:s6], $0x5FFFF;
	_ =	strace $0x9000004C  }
0xb2: {  	s29 =	simm.s32 $0x9;
	_ =	strace $0x8000004E  }
0xb3: {  	_ =	swait.ge [sflag:s29], $0x1  }
0xb4: {  	[sflag:s29] =	ssyncadd.s32 $0xFFFFFFFF  }
0xb5: {  	_ =	strace $0x9000004E  }
0xb6: {  	_ =	sfence  }
0xb7: {  	s30 =	sld [smem:$0x0];
	_ =	sdelay $0x2  }
0xb8: {  	s31 =	sshll.u32 s1, $0xD;
	s1 =	sshrl.u32 s1, $0x2  }
0xb9: {  	s3 =	sand.u32 $0x4000, s31;
	s1 =	sadd.s32 s1, s30  }
0xba: {  	s0 =	sor.u32 s3, s0;
	s1 =	sshll.u32 s1, $0x11  }
0xbb: {  	s0 =	sor.u32 s1, s0  }
0xbc: {  	s0 =	sadd.s32 $0x8F2B, s0  }
0xbd: {  	[sflag:s0] =	ssyncadd.remote.s32 $0x1  }
0xbe: {  	_ =	sfence.sel $0xFFFF  }
0xbf: {  	[dreg:$0x0] =	wrdreg $0xFFFFFFFF;
	(pc) =	sbr.abs _section_cstart, $3  }
0xc0: {  	[dreg:$0x1] =	wrdreg $0xFFFFFFFF  }
0xc1: {  	_ =	task.clear_ibuf [dreg:s6], $0x2FFFF;
	_ =	strace $0x9FFFFFFF  }
0xc2: {  	(tm) =	ssettm $0x7FFFFFFF  }
0xc3: {  	_ =	shalt  }
tec
execute0_lowered:
.L_overlay_start_1:
0x0: {  	(tag) =	ssettag $0x1  }
0x1: {  	s0 =	srdreg.scid;
	s6 =	rddreg [dreg:$0x0]  }
0x2: {  	s2 =	rddreg [dreg:$0x1];
	s3 =	simm.s32 $0x0;
	s12 =	simm.s32 $0x40  }
0x3: {  	s13 =	simm.s32 $0x5000;
	s14 =	simm.s32 $0x5300;
	s15 =	simm.s32 $0x5100  }
0x4: {  	s16 =	simm.s32 $0x7300;
	s17 =	simm.s32 $0x5200;
	s18 =	simm.s32 $0x9300  }
0x5: {  	s19 =	simm.s32 $0x1;
	s20 =	simm.s32 $0x5080;
	s21 =	simm.s32 $0x2  }
0x6: {  	s22 =	simm.s32 $0x5180;
	s23 =	simm.s32 $0x3;
	s24 =	simm.s32 $0x5280  }
0x7: {  	s25 =	simm.s32 $0x0;
	s5 =	sand.u32 $0x1, s0;
	s0 =	stileid.u32  }
0x8: {  	[smem:$0x7FF] =	sst s3;
	s4 =	sadd.s32 $0x4800, s6;
	s8 =	smul.u32 $0x140000, s5  }
0x9: {  	s1 =	sshll.u32 s5, $0x4;
	s9 =	smul.u32 $0x14000, s0;
	s28 =	ssub.s32 $0x2, s5  }
0xa: {  	s10 =	smul.u32 $0x50000, s0;
	s5 =	sadd.s32 $0x3FA00, s6;
	s1 =	sor.u32 s0, s1  }
0xb: {  	s31 =	sshll.u32 s0, $0x6;
	s29 =	sshrl.u32 s28, $0x1;
	s7 =	smul.u32 $0xA00, s1  }
0xc: {  	s1 =	rddreg [dreg:$0x2];
	_ =	strace $0x8000004D;
	s8 =	sadd.s32 s9, s8  }
0xd: {  	s9 =	ssub.s32 s28, s29;
	s30 =	sshrl.u32 s10, $0x2;
	s10 =	sor.u32 $0x1C04, s31  }
0xe: {  	s8 =	sshrl.u32 s8, $0x3;
	s11 =	sadd.s32 s30, s2;
	s7 =	sadd.s32 s7, s6  }
0xf: {  	s8 =	sadd.s32 s8, s6;
	s11 =	sshrl.u32 s11, $0x3;
	s6 =	sadd.s32 $0x2BA00, s7  }
0x10: {  	v0 =	vimm.f32 $1.000000000e+00;
	s7 =	sadd.s32 $0x42200, s8;
	s8 =	smax.u32 s9, $0x1;
	s9 =	simm.s32 $0x4  }
.LBB2_1:
0x11: {  	[tilespmem:s3], [sflag:$0x4] =	stream.linear.gather [hbm4b:s6+s3], $0x5000, $0x38;
	[tilespmem:$0x1F380] =	vst v63  }
0x12: {  	_ =	swait.ge [sflag:s9], $0x5000  }
0x13: {  	[sflag:s9] =	ssyncset.done $0x0  }
0x14: {  	[sflag:s9] =	ssyncadd.s32 $0xFFFFB000  }
0x15: {  	[spmem:s11], [sflag:s10] =	dma.local [hbm:s5], $0x2800  }
0x16: {  	_ =	swait.ge [sflag:s9], $0x2800  }
0x17: {  	[sflag:s9] =	ssyncset.done $0x0  }
0x18: {  	[sflag:s9] =	ssyncadd.s32 $0xFFFFD800  }
0x19: {  	[tilespmem:$0xB300] =	vst v0  }
0x1a: {  	[tilespmem:$0xB310] =	vst v0  }
0x1b: {  	[tilespmem:$0xB320] =	vst v0  }
0x1c: {  	[tilespmem:$0xB330] =	vst v0  }
0x1d: {  	[bflag:$0x0] =	sbarrier.arrive $0xFFFF  }
0x1e: {  	v1 =	vld [tilespmem:$0x0];
	_ =	sdelay $0x1  }
0x1f: {  	v2 =	vld [tilespmem:$0x10];
	_ =	sdelay $0x1  }
0x20: {  	v3 =	vld [tilespmem:$0x20]  }
0x21: {  	v4 =	vand.u32 $0xFFFF, v1  }
0x22: {  	v59 =	vld [tilespmem:$0x30];
	v1 =	vshrl.u32 v1, $0x10;
	[tilespmem:$0x5000] =	vst v4  }
0x23: {  	[tilespmem:$0x5080] =	vst v1;
	v1 =	vand.u32 $0xFFFF, v2  }
0x24: {  	[tilespmem:$0x5010] =	vst v1;
	v1 =	vshrl.u32 v2, $0x10  }
0x25: {  	[tilespmem:$0x5090] =	vst v1;
	v1 =	vand.u32 $0xFFFF, v3  }
0x26: {  	[tilespmem:$0x5020] =	vst v1;
	v1 =	vshrl.u32 v3, $0x10  }
0x27: {  	[tilespmem:$0x50A0] =	vst v1;
	v1 =	vand.u32 $0xFFFF, v59  }
0x28: {  	[tilespmem:$0x5030] =	vst v1;
	v1 =	vshrl.u32 v59, $0x10  }
0x29: {  	[tilespmem:$0x50B0] =	vst v1  }
0x2a: {  	[tilespmem:s14], [sflag:$0x1] =	stream.indirect.gather [hbm4b:s4+s12], $0x80, s13, s12, $0xb8;
	[tilespmem:$0x1F380] =	vst v63  }
0x2b: {  	v1 =	vld [tilespmem:$0x80];
	_ =	sdelay $0x1  }
0x2c: {  	v2 =	vld [tilespmem:$0x90];
	_ =	sdelay $0x1  }
0x2d: {  	v3 =	vld [tilespmem:$0xA0]  }
0x2e: {  	v60 =	vand.u32 $0xFFFF, v1  }
0x2f: {  	v61 =	vld [tilespmem:$0xB0];
	v1 =	vshrl.u32 v1, $0x10;
	[tilespmem:$0x5100] =	vst v60  }
0x30: {  	[tilespmem:$0x5180] =	vst v1;
	v1 =	vand.u32 $0xFFFF, v2  }
0x31: {  	[tilespmem:$0x5110] =	vst v1;
	v1 =	vshrl.u32 v2, $0x10  }
0x32: {  	[tilespmem:$0x5190] =	vst v1;
	v1 =	vand.u32 $0xFFFF, v3  }
0x33: {  	[tilespmem:$0x5120] =	vst v1;
	v1 =	vshrl.u32 v3, $0x10  }
0x34: {  	[tilespmem:$0x51A0] =	vst v1;
	v1 =	vand.u32 $0xFFFF, v61  }
0x35: {  	[tilespmem:$0x5130] =	vst v1;
	v1 =	vshrl.u32 v61, $0x10  }
0x36: {  	[tilespmem:$0x51B0] =	vst v1  }
0x37: {  	[tilespmem:s16], [sflag:$0x2] =	stream.indirect.gather [hbm4b:s4+s12], $0x80, s15, s12, $0xb8;
	[tilespmem:$0x1F380] =	vst v63  }
0x38: {  	v1 =	vld [tilespmem:$0x100];
	_ =	sdelay $0x1  }
0x39: {  	v2 =	vld [tilespmem:$0x110];
	_ =	sdelay $0x1  }
0x3a: {  	v3 =	vld [tilespmem:$0x120]  }
0x3b: {  	v62 =	vand.u32 $0xFFFF, v1  }
0x3c: {  	v63 =	vld [tilespmem:$0x130];
	v1 =	vshrl.u32 v1, $0x10;
	[tilespmem:$0x5200] =	vst v62  }
0x3d: {  	[tilespmem:$0x5280] =	vst v1;
	v1 =	vand.u32 $0xFFFF, v2  }
0x3e: {  	[tilespmem:$0x5210] =	vst v1;
	v1 =	vshrl.u32 v2, $0x10  }
0x3f: {  	[tilespmem:$0x5290] =	vst v1;
	v1 =	vand.u32 $0xFFFF, v3  }
0x40: {  	[tilespmem:$0x5220] =	vst v1;
	v1 =	vshrl.u32 v3, $0x10  }
0x41: {  	[tilespmem:$0x52A0] =	vst v1;
	v1 =	vand.u32 $0xFFFF, v63  }
0x42: {  	[tilespmem:$0x5230] =	vst v1;
	v1 =	vshrl.u32 v63, $0x10  }
0x43: {  	[tilespmem:$0x52B0] =	vst v1  }
0x44: {  	[tilespmem:s18], [sflag:$0x3] =	stream.indirect.gather [hbm4b:s4+s12], $0x80, s17, s12, $0xb8;
	[tilespmem:$0x1F380] =	vst v63  }
0x45: {  	_ =	swait.ge [sflag:s19], $0x2000  }
0x46: {  	[sflag:s19] =	ssyncset.done $0x0  }
0x47: {  	[sflag:s19] =	ssyncadd.s32 $0xFFFFE000  }
0x48: {  	[spmem:s2] =	stream.indirect.scatter.add.f32 [tilespmem:s14], [sflag:$0x4], $0x80, s20, s12, $0xb8;
	[tilespmem:$0x1F380] =	vst v63  }
0x49: {  	_ =	swait.ge [sflag:s9], $0x2000  }
0x4a: {  	[sflag:s9] =	ssyncset.done $0x0  }
0x4b: {  	s26 =	simm.s32 $0x2B0;
	[sflag:s9] =	ssyncadd.s32 $0xFFFFE000  }
0x4c: {  	v1 =	vld [tilespmem:s26+$0xFFFFFED0];
	_ =	sdelay $0x4  }
0x4d: {  	v2 =	vand.u32 $0xFFFF, v1  }
0x4e: {  	v1 =	vshrl.u32 v1, $0x10;
	[tilespmem:$0x5000] =	vst v2  }
0x4f: {  	[tilespmem:$0x5080] =	vst v1  }
0x50: {  	v1 =	vld [tilespmem:s26+$0xFFFFFEE0];
	_ =	sdelay $0x4  }
0x51: {  	v2 =	vand.u32 $0xFFFF, v1  }
0x52: {  	v1 =	vshrl.u32 v1, $0x10;
	[tilespmem:$0x5010] =	vst v2  }
0x53: {  	[tilespmem:$0x5090] =	vst v1  }
0x54: {  	v1 =	vld [tilespmem:s26+$0xFFFFFEF0];
	_ =	sdelay $0x4  }
0x55: {  	v2 =	vand.u32 $0xFFFF, v1  }
0x56: {  	v1 =	vshrl.u32 v1, $0x10;
	[tilespmem:$0x5020] =	vst v2  }
0x57: {  	[tilespmem:$0x50A0] =	vst v1  }
0x58: {  	v1 =	vld [tilespmem:s26+$0xFFFFFF00];
	_ =	sdelay $0x4  }
0x59: {  	v2 =	vand.u32 $0xFFFF, v1  }
0x5a: {  	v1 =	vshrl.u32 v1, $0x10;
	[tilespmem:$0x5030] =	vst v2  }
0x5b: {  	[tilespmem:$0x50B0] =	vst v1  }
0x5c: {  	[tilespmem:s14], [sflag:$0x1] =	stream.indirect.gather [hbm4b:s4+s12], $0x80, s13, s12, $0xb8;
	[tilespmem:$0x1F380] =	vst v63  }
0x5d: {  	_ =	swait.ge [sflag:s21], $0x2000  }
0x5e: {  	[sflag:s21] =	ssyncset.done $0x0  }
0x5f: {  	[sflag:s21] =	ssyncadd.s32 $0xFFFFE000  }
0x60: {  	[spmem:s2] =	stream.indirect.scatter.add.f32 [tilespmem:s16], [sflag:$0x4], $0x80, s22, s12, $0xb8;
	[tilespmem:$0x1F380] =	vst v63  }
0x61: {  	_ =	swait.ge [sflag:s9], $0x2000  }
0x62: {  	[sflag:s9] =	ssyncset.done $0x0  }
0x63: {  	[sflag:s9] =	ssyncadd.s32 $0xFFFFE000  }
0x64: {  	v1 =	vld [tilespmem:s26+$0xFFFFFF50];
	_ =	sdelay $0x4  }
0x65: {  	v2 =	vand.u32 $0xFFFF, v1  }
0x66: {  	v1 =	vshrl.u32 v1, $0x10;
	[tilespmem:$0x5100] =	vst v2  }
0x67: {  	[tilespmem:$0x5180] =	vst v1  }
0x68: {  	v1 =	vld [tilespmem:s26+$0xFFFFFF60];
	_ =	sdelay $0x4  }
0x69: {  	v2 =	vand.u32 $0xFFFF, v1  }
0x6a: {  	v1 =	vshrl.u32 v1, $0x10;
	[tilespmem:$0x5110] =	vst v2  }
0x6b: {  	[tilespmem:$0x5190] =	vst v1  }
0x6c: {  	v1 =	vld [tilespmem:s26+$0xFFFFFF70];
	_ =	sdelay $0x4  }
0x6d: {  	v2 =	vand.u32 $0xFFFF, v1  }
0x6e: {  	v1 =	vshrl.u32 v1, $0x10;
	[tilespmem:$0x5120] =	vst v2  }
0x6f: {  	[tilespmem:$0x51A0] =	vst v1  }
0x70: {  	v1 =	vld [tilespmem:s26+$0xFFFFFF80];
	_ =	sdelay $0x4  }
0x71: {  	v2 =	vand.u32 $0xFFFF, v1  }
0x72: {  	v1 =	vshrl.u32 v1, $0x10;
	[tilespmem:$0x5130] =	vst v2  }
0x73: {  	[tilespmem:$0x51B0] =	vst v1  }
0x74: {  	[tilespmem:s16], [sflag:$0x2] =	stream.indirect.gather [hbm4b:s4+s12], $0x80, s15, s12, $0xb8;
	[tilespmem:$0x1F380] =	vst v63  }
0x75: {  	_ =	swait.ge [sflag:s23], $0x2000  }
0x76: {  	[sflag:s23] =	ssyncset.done $0x0  }
0x77: {  	[sflag:s23] =	ssyncadd.s32 $0xFFFFE000  }
0x78: {  	[spmem:s2] =	stream.indirect.scatter.add.f32 [tilespmem:s18], [sflag:$0x4], $0x80, s24, s12, $0xb8;
	[tilespmem:$0x1F380] =	vst v63  }
0x79: {  	_ =	swait.ge [sflag:s9], $0x2000  }
0x7a: {  	[sflag:s9] =	ssyncset.done $0x0  }
0x7b: {  	[sflag:s9] =	ssyncadd.s32 $0xFFFFE000  }
0x7c: {  	v1 =	vld [tilespmem:s26+$0xFFFFFFD0];
	_ =	sdelay $0x4  }
0x7d: {  	v2 =	vand.u32 $0xFFFF, v1  }
0x7e: {  	v1 =	vshrl.u32 v1, $0x10;
	[tilespmem:$0x5200] =	vst v2  }
0x7f: {  	[tilespmem:$0x5280] =	vst v1  }
0x80: {  	v1 =	vld [tilespmem:s26+$0xFFFFFFE0];
	_ =	sdelay $0x4  }
0x81: {  	v2 =	vand.u32 $0xFFFF, v1  }
0x82: {  	v1 =	vshrl.u32 v1, $0x10;
	[tilespmem:$0x5210] =	vst v2  }
0x83: {  	[tilespmem:$0x5290] =	vst v1  }
0x84: {  	s28 =	simm.s32 $0x10C0;
	v1 =	vld [tilespmem:s26+$0xFFFFFFF0]  }
.LBB2_2:
0x85: {  	_ =	sdelay $0x2  }
0x86: {  	p0 =	sne.s32 s28, $0x13CC0;
	s29 =	smov.u32 s28;
	s28 =	sadd.s32 $0x600, s28  }
0x87: {  	v2 =	vand.u32 $0xFFFF, v1;
	v1 =	vshrl.u32 v1, $0x10  }
0x88: {  	[tilespmem:$0x5220] =	vst v2  }
0x89: {  	[tilespmem:$0x52A0] =	vst v1  }
0x8a: {  	v1 =	vld [tilespmem:s26+$0x0];
	_ =	sdelay $0x4  }
0x8b: {  	v2 =	vand.u32 $0xFFFF, v1;
	v1 =	vshrl.u32 v1, $0x10  }
0x8c: {  	[tilespmem:$0x5230] =	vst v2  }
0x8d: {  	[tilespmem:$0x52B0] =	vst v1  }
0x8e: {  	[tilespmem:s18], [sflag:$0x3] =	stream.indirect.gather [hbm4b:s4+s12], $0x80, s17, s12, $0xb8;
	[tilespmem:$0x1F380] =	vst v63  }
0x8f: {  	_ =	swait.ge [sflag:s19], $0x2000  }
0x90: {  	[sflag:s19] =	ssyncset.done $0x0  }
0x91: {  	[sflag:s19] =	ssyncadd.s32 $0xFFFFE000  }
0x92: {  	[spmem:s2] =	stream.indirect.scatter.add.f32 [tilespmem:s14], [sflag:$0x4], $0x80, s20, s12, $0xb8;
	[tilespmem:$0x1F380] =	vst v63  }
0x93: {  	_ =	swait.ge [sflag:s9], $0x2000  }
0x94: {  	[sflag:s9] =	ssyncset.done $0x0  }
0x95: {  	s26 =	sshra.s32 s29, $0x2;
	[sflag:s9] =	ssyncadd.s32 $0xFFFFE000  }
0x96: {  	v1 =	vld [tilespmem:s26+$0xFFFFFED0];
	_ =	sdelay $0x4  }
0x97: {  	v2 =	vand.u32 $0xFFFF, v1;
	v1 =	vshrl.u32 v1, $0x10  }
0x98: {  	[tilespmem:$0x5000] =	vst v2  }
0x99: {  	[tilespmem:$0x5080] =	vst v1  }
0x9a: {  	v1 =	vld [tilespmem:s26+$0xFFFFFEE0];
	_ =	sdelay $0x4  }
0x9b: {  	v2 =	vand.u32 $0xFFFF, v1;
	v1 =	vshrl.u32 v1, $0x10  }
0x9c: {  	[tilespmem:$0x5010] =	vst v2  }
0x9d: {  	[tilespmem:$0x5090] =	vst v1  }
0x9e: {  	v1 =	vld [tilespmem:s26+$0xFFFFFEF0];
	_ =	sdelay $0x4  }
0x9f: {  	v2 =	vand.u32 $0xFFFF, v1;
	v1 =	vshrl.u32 v1, $0x10  }
0xa0: {  	[tilespmem:$0x5020] =	vst v2  }
0xa1: {  	[tilespmem:$0x50A0] =	vst v1  }
0xa2: {  	v1 =	vld [tilespmem:s26+$0xFFFFFF00];
	_ =	sdelay $0x4  }
0xa3: {  	v2 =	vand.u32 $0xFFFF, v1;
	v1 =	vshrl.u32 v1, $0x10  }
0xa4: {  	[tilespmem:$0x5030] =	vst v2  }
0xa5: {  	[tilespmem:$0x50B0] =	vst v1  }
0xa6: {  	[tilespmem:s14], [sflag:$0x1] =	stream.indirect.gather [hbm4b:s4+s12], $0x80, s13, s12, $0xb8;
	[tilespmem:$0x1F380] =	vst v63  }
0xa7: {  	_ =	swait.ge [sflag:s21], $0x2000  }
0xa8: {  	[sflag:s21] =	ssyncset.done $0x0  }
0xa9: {  	[sflag:s21] =	ssyncadd.s32 $0xFFFFE000  }
0xaa: {  	[spmem:s2] =	stream.indirect.scatter.add.f32 [tilespmem:s16], [sflag:$0x4], $0x80, s22, s12, $0xb8;
	[tilespmem:$0x1F380] =	vst v63  }
0xab: {  	_ =	swait.ge [sflag:s9], $0x2000  }
0xac: {  	[sflag:s9] =	ssyncset.done $0x0  }
0xad: {  	[sflag:s9] =	ssyncadd.s32 $0xFFFFE000  }
0xae: {  	v1 =	vld [tilespmem:s26+$0xFFFFFF50];
	_ =	sdelay $0x4  }
0xaf: {  	v2 =	vand.u32 $0xFFFF, v1;
	v1 =	vshrl.u32 v1, $0x10  }
0xb0: {  	[tilespmem:$0x5100] =	vst v2  }
0xb1: {  	[tilespmem:$0x5180] =	vst v1  }
0xb2: {  	v1 =	vld [tilespmem:s26+$0xFFFFFF60];
	_ =	sdelay $0x4  }
0xb3: {  	v2 =	vand.u32 $0xFFFF, v1;
	v1 =	vshrl.u32 v1, $0x10  }
0xb4: {  	[tilespmem:$0x5110] =	vst v2  }
0xb5: {  	[tilespmem:$0x5190] =	vst v1  }
0xb6: {  	v1 =	vld [tilespmem:s26+$0xFFFFFF70];
	_ =	sdelay $0x4  }
0xb7: {  	v2 =	vand.u32 $0xFFFF, v1;
	v1 =	vshrl.u32 v1, $0x10  }
0xb8: {  	[tilespmem:$0x5120] =	vst v2  }
0xb9: {  	[tilespmem:$0x51A0] =	vst v1  }
0xba: {  	v1 =	vld [tilespmem:s26+$0xFFFFFF80];
	_ =	sdelay $0x4  }
0xbb: {  	v2 =	vand.u32 $0xFFFF, v1;
	v1 =	vshrl.u32 v1, $0x10  }
0xbc: {  	[tilespmem:$0x5130] =	vst v2  }
0xbd: {  	[tilespmem:$0x51B0] =	vst v1  }
0xbe: {  	[tilespmem:s16], [sflag:$0x2] =	stream.indirect.gather [hbm4b:s4+s12], $0x80, s15, s12, $0xb8;
	[tilespmem:$0x1F380] =	vst v63  }
0xbf: {  	_ =	swait.ge [sflag:s23], $0x2000  }
0xc0: {  	[sflag:s23] =	ssyncset.done $0x0  }
0xc1: {  	[sflag:s23] =	ssyncadd.s32 $0xFFFFE000  }
0xc2: {  	[spmem:s2] =	stream.indirect.scatter.add.f32 [tilespmem:s18], [sflag:$0x4], $0x80, s24, s12, $0xb8;
	[tilespmem:$0x1F380] =	vst v63  }
0xc3: {  	_ =	swait.ge [sflag:s9], $0x2000  }
0xc4: {  	[sflag:s9] =	ssyncset.done $0x0  }
0xc5: {  	[sflag:s9] =	ssyncadd.s32 $0xFFFFE000  }
0xc6: {  	v1 =	vld [tilespmem:s26+$0xFFFFFFD0];
	_ =	sdelay $0x4  }
0xc7: {  	v2 =	vand.u32 $0xFFFF, v1;
	v1 =	vshrl.u32 v1, $0x10  }
0xc8: {  	[tilespmem:$0x5200] =	vst v2  }
0xc9: {  	[tilespmem:$0x5280] =	vst v1  }
0xca: {  	v1 =	vld [tilespmem:s26+$0xFFFFFFE0];
	_ =	sdelay $0x3  }
.Ltmp0:
0xcb: {  	(pc) =	sbr.rel @p0 .LBB2_2-.Ltmp0, $4  }
0xcc: {  	v2 =	vand.u32 $0xFFFF, v1;
	v1 =	vshrl.u32 v1, $0x10  }
0xcd: {  	[tilespmem:$0x5210] =	vst v2  }
0xce: {  	[tilespmem:$0x5290] =	vst v1  }
0xcf: {  	v1 =	vld [tilespmem:s26+$0xFFFFFFF0]  }
0xd0: {  	_ =	sdelay $0x3  }
0xd1: {  	v2 =	vand.u32 $0xFFFF, v1  }
0xd2: {  	v1 =	vshrl.u32 v1, $0x10;
	[tilespmem:$0x5220] =	vst v2  }
0xd3: {  	[tilespmem:$0x52A0] =	vst v1  }
0xd4: {  	v1 =	vld [tilespmem:s26+$0x0];
	_ =	sdelay $0x4  }
0xd5: {  	v2 =	vand.u32 $0xFFFF, v1  }
0xd6: {  	v1 =	vshrl.u32 v1, $0x10;
	[tilespmem:$0x5230] =	vst v2  }
0xd7: {  	[tilespmem:$0x52B0] =	vst v1  }
0xd8: {  	[tilespmem:s18], [sflag:$0x3] =	stream.indirect.gather [hbm4b:s4+s12], $0x80, s17, s12, $0xb8;
	[tilespmem:$0x1F380] =	vst v63  }
0xd9: {  	_ =	swait.ge [sflag:s19], $0x2000  }
0xda: {  	[sflag:s19] =	ssyncset.done $0x0  }
0xdb: {  	[sflag:s19] =	ssyncadd.s32 $0xFFFFE000  }
0xdc: {  	[spmem:s2] =	stream.indirect.scatter.add.f32 [tilespmem:s14], [sflag:$0x4], $0x80, s20, s12, $0xb8;
	[tilespmem:$0x1F380] =	vst v63  }
0xdd: {  	_ =	swait.ge [sflag:s9], $0x2000  }
0xde: {  	[sflag:s9] =	ssyncset.done $0x0  }
0xdf: {  	[sflag:s9] =	ssyncadd.s32 $0xFFFFE000  }
0xe0: {  	v1 =	vld [tilespmem:$0x4F80];
	_ =	sdelay $0x1  }
0xe1: {  	v2 =	vld [tilespmem:$0x4F90];
	_ =	sdelay $0x1  }
0xe2: {  	v3 =	vld [tilespmem:$0x4FA0]  }
0xe3: {  	v4 =	vand.u32 $0xFFFF, v1  }
0xe4: {  	v63 =	vld [tilespmem:$0x4FB0];
	v1 =	vshrl.u32 v1, $0x10;
	[tilespmem:$0x5000] =	vst v4  }
0xe5: {  	[tilespmem:$0x5080] =	vst v1;
	v1 =	vand.u32 $0xFFFF, v2  }
0xe6: {  	[tilespmem:$0x5010] =	vst v1;
	v1 =	vshrl.u32 v2, $0x10  }
0xe7: {  	[tilespmem:$0x5090] =	vst v1;
	v1 =	vand.u32 $0xFFFF, v3  }
0xe8: {  	[tilespmem:$0x5020] =	vst v1;
	v1 =	vshrl.u32 v3, $0x10  }
0xe9: {  	[tilespmem:$0x50A0] =	vst v1;
	v1 =	vand.u32 $0xFFFF, v63  }
0xea: {  	[tilespmem:$0x5030] =	vst v1;
	v1 =	vshrl.u32 v63, $0x10  }
0xeb: {  	[tilespmem:$0x50B0] =	vst v1  }
0xec: {  	[tilespmem:s14], [sflag:$0x1] =	stream.indirect.gather [hbm4b:s4+s12], $0x80, s13, s12, $0xb8;
	[tilespmem:$0x1F380] =	vst v63  }
0xed: {  	_ =	swait.ge [sflag:s21], $0x2000  }
0xee: {  	[sflag:s21] =	ssyncset.done $0x0  }
0xef: {  	[sflag:s21] =	ssyncadd.s32 $0xFFFFE000  }
0xf0: {  	[spmem:s2] =	stream.indirect.scatter.add.f32 [tilespmem:s16], [sflag:$0x4], $0x80, s22, s12, $0xb8;
	[tilespmem:$0x1F380] =	vst v63  }
0xf1: {  	_ =	swait.ge [sflag:s9], $0x2000  }
0xf2: {  	[sflag:s9] =	ssyncset.done $0x0  }
0xf3: {  	[sflag:s9] =	ssyncadd.s32 $0xFFFFE000  }
0xf4: {  	_ =	swait.ge [sflag:s23], $0x2000  }
0xf5: {  	[sflag:s23] =	ssyncset.done $0x0  }
0xf6: {  	[sflag:s23] =	ssyncadd.s32 $0xFFFFE000  }
0xf7: {  	[spmem:s2] =	stream.indirect.scatter.add.f32 [tilespmem:s18], [sflag:$0x4], $0x80, s24, s12, $0xb8;
	[tilespmem:$0x1F380] =	vst v63  }
0xf8: {  	_ =	swait.ge [sflag:s9], $0x2000  }
0xf9: {  	[sflag:s9] =	ssyncset.done $0x0  }
0xfa: {  	[sflag:s9] =	ssyncadd.s32 $0xFFFFE000  }
0xfb: {  	_ =	swait.ge [sflag:s19], $0x2000  }
0xfc: {  	[sflag:s19] =	ssyncset.done $0x0  }
0xfd: {  	[sflag:s19] =	ssyncadd.s32 $0xFFFFE000  }
0xfe: {  	[spmem:s2] =	stream.indirect.scatter.add.f32 [tilespmem:s14], [sflag:$0x4], $0x80, s20, s12, $0xb8;
	[tilespmem:$0x1F380] =	vst v63  }
0xff: {  	_ =	swait.ge [sflag:s9], $0x2000  }
0x100: {  	s25 =	sadd.s32 $0x1, s25;
	[sflag:s9] =	ssyncset.done $0x0  }
0x101: {  	p0 =	sne.s32 s25, s8;
	[sflag:s9] =	ssyncadd.s32 $0xFFFFE000  }
.Ltmp1:
0x102: {  	[bflag:$0x0] =	sbarrier.arrive $0xFFFF;
	(pc) =	sbr.rel @p0 .LBB2_1-.Ltmp1, $4  }
0x103: {  	[hbm:s7], [sflag:s10] =	dma.local [spmem:s11], $0x2800  }
0x104: {  	_ =	swait.ge [sflag:s9], $0x2800  }
0x105: {  	[sflag:s9] =	ssyncset.done $0x0  }
0x106: {  	[sflag:s9] =	ssyncadd.s32 $0xFFFFD800  }
0x107: {  	_ =	sfence.sel $0x180000  }
0x108: {  	[bflag:$0x0] =	sbarrier.arrive $0xFFFF  }
0x109: {  	p0 =	sne.s32 s0, $0x0;
	_ =	strace $0x9000004D  }
0x10a: {  	s0 =	sadd.s32 @!p0 $0x100000, s1;
	[bflag:$0x2] =	sbarrier.arrive $0xFFFF  }
0x10b: {  	[sflag:s0] =	ssyncadd.tile.s32 @!p0 $0x1;
	_ =	shalt  }
.Lfunc_end2:
_tile_overlayer_lowered:
.L_overlay_start_2:
0x10c: {  	(tag) =	ssettag $0x2  }
0x10d: {  	s0 =	rddreg [dreg:$0x0];
	s2 =	stileid.u32  }
0x10e: {  	s1 =	rddreg [dreg:$0x1];
	p0 =	sne.s32 s2, $0x0  }
0x10f: {  	s3 =	rddreg [dreg:$0x2];
	[bflag:$0x3] =	sbarrier.arrive $0xFFFF;
	s2 =	simm.s32 @!p0 $0x1C04  }
0x110: {  	[timem:s3], [sflag:s2] =	dma.local @!p0 [hbm:s0], s1  }
0x111: {  	s0 =	simm.s32 @!p0 $0x4  }
0x112: {  	_ =	swait.ge @!p0 [sflag:s0], s1  }
0x113: {  	s1 =	ssub.s32 @!p0 $0x0, s1;
	[sflag:s0] =	ssyncset.done @!p0 $0x0  }
0x114: {  	[sflag:s0] =	ssyncadd.s32 @!p0 s1  }
0x115: {  	[bflag:$0x3] =	sbarrier.arrive $0xFFFF  }
0x116: {  	_ =	shalt  }

// kernel: sc_edge_agg_deg.3.cloned.1.call-start
scs
__scs_entry_jumppad:
0x0: {  	(pc) =	sbr.rel $0x88, $3  }
0x1: {  	(tag) =	ssettag $0x0;
	lr =	simm.s32 $0x1  }
0x2: {  	[smem:$0x3F8B] =	sst lr;
	_ =	strace $0xD0000000  }
0x3: {  	_ = 	snop  }
0x4: {  	_ = 	snop  }
0x5: {  	_ = 	snop  }
0x6: {  	_ = 	snop  }
0x7: {  	_ = 	snop  }
__scs_overlays_trampoline_lowered:
0x8: {  	[smem:$0x3F9A] =	sst s0  }
0x9: {  	[smem:$0x3F9B] =	sst s1  }
0xa: {  	[smem:$0x3F9C] =	sst s2  }
0xb: {  	[smem:$0x3F9D] =	sst s3  }
0xc: {  	[smem:$0x3F9E] =	sst s4  }
0xd: {  	[smem:$0x3F9F] =	sst s5  }
0xe: {  	[smem:$0x3FA0] =	sst s6  }
0xf: {  	[smem:$0x3FA1] =	sst s7  }
0x10: {  	[smem:$0x3FA2] =	sst s8  }
0x11: {  	[smem:$0x3FA3] =	sst s9;
	s0 =	simm.s32 @!p0 $0x0  }
0x12: {  	s1 =	sld [smem:$0x3F89];
	s0 =	simm.s32 @p0 $0x1  }
0x13: {  	[smem:$0x3FA4] =	sst s0;
	s0 =	simm.s32 @!p1 $0x0  }
0x14: {  	s2 =	sld [smem:$0x3F88];
	s0 =	simm.s32 @p1 $0x1  }
0x15: {  	[smem:$0x3FA5] =	sst s0;
	s0 =	simm.s32 @!p2 $0x0  }
0x16: {  	s3 =	sld [smem:$0x3FDB];
	s0 =	simm.s32 @p2 $0x1  }
0x17: {  	s4 =	simm.s32 $0x1BF5;
	[smem:$0x3FA7] =	sst s0  }
0x18: {  	s0 =	sld [smem:$0x3F8A];
	_ =	swait.ge [sflag:s4], $0x0  }
0x19: {  	s7 =	sld [smem:$0x3F8B]  }
0x1a: {  	s8 =	sadd.s32 $0xFFFFE003, lr  }
0x1b: {  	s9 =	sadd.s32 $0xFFFFFEF7, lr;
	s5 =	simm.s32 $0xFFFFFFFF;
	p2 =	slt.u32 s8, $0xFFFFF086  }
0x1c: {  	p1 =	slt.u32 s9, $0xF7A;
	s5 =	simm.s32 @!p2 $0x0  }
0x1d: {  	s5 =	simm.s32 @p1 $0x1;
	p0 =	seq.s32 s7, s2  }
0x1e: {  	s7 =	smul.u32 @!p0 $0xF7A, s2;
	p2 =	seq.s32 @!p0 s5, $0x0  }
0x1f: {  	s9 =	smul.u32 $0xF7A, s1;
	s8 =	simm.s32 @!p0 $0x1BF5;
	p2 =	por !p2, p0  }
0x20: {  	[sflag:s8] =	ssyncset.s32 @!p0 $0xFFFFF086;
	s6 =	sadd.s32 @!p0 s3, s7;
	s7 =	simm.s32 @!p0 $0x108  }
0x21: {  	s3 =	sadd.s32 s3, s9;
	s6 =	sadd.s32 @!p0 $0x88, s6;
	s7 =	simm.s32 @p2 $0x1082  }
0x22: {  	[simem:s7], [sflag:s8] =	dma.local @!p0 [hbm:s6], $0xF7A  }
0x23: {  	s9 =	sor.u32 $0xD0000000, s2;
	s6 =	simm.s32 $0x108;
	_ =	swait.ge @!p0 [sflag:s8], $0x0  }
0x24: {  	s3 =	sadd.s32 $0x88, s3;
	s6 =	simm.s32 @!p1 $0x1082;
	[sflag:s4] =	ssyncset.s32 $0xFFFFF086  }
0x25: {  	[simem:s6], [sflag:s4] =	dma.local [hbm:s3], $0xF7A  }
0x26: {  	[smem:$0x3F8B] =	sst s1;
	(tag) =	ssettag s2;
	_ =	strace s9  }
0x27: {  	s1 =	sld [smem:$0x3F9B]  }
0x28: {  	s2 =	sld [smem:$0x3F9C]  }
0x29: {  	s4 =	sld [smem:$0x3F9E]  }
0x2a: {  	p0 =	seq.s32 s5, $0x0;
	s5 =	sld [smem:$0x3F9F]  }
0x2b: {  	s6 =	sld [smem:$0x3FA0]  }
0x2c: {  	s7 =	sld [smem:$0x3FA1]  }
0x2d: {  	s3 =	simm.s32 $0x108;
	s8 =	sld [smem:$0x3FA2]  }
0x2e: {  	s3 =	simm.s32 @!p0 $0x1082;
	s9 =	sld [smem:$0x3FA3]  }
0x2f: {  	lr =	sadd.s32 s0, s3;
	s0 =	sld [smem:$0x3F9A]  }
0x30: {  	s3 =	sld [smem:$0x3F9D]  }
0x31: {  	[smem:$0x3FA6] =	sst s10  }
0x32: {  	s10 =	sld [smem:$0x3FA4];
	_ =	sdelay $0x3  }
0x33: {  	p0 =	seq.s32 s10, $0x1;
	s10 =	sld [smem:$0x3FA6];
	_ =	sdelay $0x3  }
0x34: {  	[smem:$0x3FA6] =	sst s10  }
0x35: {  	s10 =	sld [smem:$0x3FA5];
	_ =	sdelay $0x3  }
0x36: {  	p1 =	seq.s32 s10, $0x1;
	s10 =	sld [smem:$0x3FA6];
	_ =	sdelay $0x3  }
0x37: {  	[smem:$0x3FA6] =	sst s10  }
0x38: {  	s10 =	sld [smem:$0x3FA7]  }
0x39: {  	_ = 	snop;
	(pc) =	sbr.ind lr, $3  }
0x3a: {  	_ = 	snop  }
0x3b: {  	_ = 	snop  }
0x3c: {  	p2 =	seq.s32 s10, $0x1;
	s10 =	sld [smem:$0x3FA6]  }
0x3d: {  	_ =	shalt  }
0x3e: {  	_ =	shalt  }
0x3f: {  	_ =	shalt  }
0x40: {  	_ =	shalt  }
0x41: {  	_ =	shalt  }
0x42: {  	_ =	shalt  }
0x43: {  	_ =	shalt  }
0x44: {  	_ =	shalt  }
0x45: {  	_ =	shalt  }
0x46: {  	_ =	shalt  }
0x47: {  	_ =	shalt  }
0x48: {  	_ =	shalt  }
0x49: {  	_ =	shalt  }
0x4a: {  	_ =	shalt  }
0x4b: {  	_ =	shalt  }
0x4c: {  	_ =	shalt  }
0x4d: {  	_ =	shalt  }
0x4e: {  	_ =	shalt  }
0x4f: {  	_ =	shalt  }
0x50: {  	_ =	shalt  }
0x51: {  	_ =	shalt  }
0x52: {  	_ =	shalt  }
0x53: {  	_ =	shalt  }
0x54: {  	_ =	shalt  }
0x55: {  	_ =	shalt  }
0x56: {  	_ =	shalt  }
0x57: {  	_ =	shalt  }
0x58: {  	_ =	shalt  }
0x59: {  	_ =	shalt  }
0x5a: {  	_ =	shalt  }
0x5b: {  	_ =	shalt  }
0x5c: {  	_ =	shalt  }
0x5d: {  	_ =	shalt  }
0x5e: {  	_ =	shalt  }
0x5f: {  	_ =	shalt  }
0x60: {  	_ =	shalt  }
0x61: {  	_ =	shalt  }
0x62: {  	_ =	shalt  }
0x63: {  	_ =	shalt  }
0x64: {  	_ =	shalt  }
0x65: {  	_ =	shalt  }
0x66: {  	_ =	shalt  }
0x67: {  	_ =	shalt  }
0x68: {  	_ =	shalt  }
0x69: {  	_ =	shalt  }
0x6a: {  	_ =	shalt  }
0x6b: {  	_ =	shalt  }
0x6c: {  	_ =	shalt  }
0x6d: {  	_ =	shalt  }
0x6e: {  	_ =	shalt  }
0x6f: {  	_ =	shalt  }
0x70: {  	_ =	shalt  }
0x71: {  	_ =	shalt  }
0x72: {  	_ =	shalt  }
0x73: {  	_ =	shalt  }
0x74: {  	_ =	shalt  }
0x75: {  	_ =	shalt  }
0x76: {  	_ =	shalt  }
0x77: {  	_ =	shalt  }
0x78: {  	_ =	shalt  }
0x79: {  	_ =	shalt  }
0x7a: {  	_ =	shalt  }
0x7b: {  	_ =	shalt  }
0x7c: {  	_ =	shalt  }
0x7d: {  	_ =	shalt  }
0x7e: {  	_ =	shalt  }
0x7f: {  	_ =	shalt  }
0x80: {  	_ =	shalt  }
0x81: {  	_ =	shalt  }
0x82: {  	_ =	shalt  }
0x83: {  	_ =	shalt  }
0x84: {  	_ =	shalt  }
0x85: {  	_ =	shalt  }
0x86: {  	_ =	shalt  }
0x87: {  	_ =	shalt  }
.Lfunc_end0:
.L_simem_size_0:
called_computation_lowered:
.L_overlay_start_0:
0x88: {  	s2 =	sld [smem:$0x3FD9]  }
0x89: {  	s3 =	sld [smem:$0x3FFE];
	_ =	sdelay $0x1  }
0x8a: {  	s1 =	srdreg.scid  }
0x8b: {  	s0 =	sand.u32 $0x1, s1  }
0x8c: {  	s16 =	sshll.u32 s0, $0xA;
	s2 =	sadd.s32 s3, s2  }
0x8d: {  	s2 =	sadd.s32 s2, s16  }
0x8e: {  	[smem:$0x3FB2] =	sst s2  }
0x8f: {  	_ = 	snop  }
0x90: {  	(tm) =	ssettm $0x1  }
0x91: {  	s17 =	sld [smem:$0x3FFB];
	_ =	sdelay $0x3  }
0x92: {  	_ =	strace s17  }
0x93: {  	s2 =	sld [smem:$0x3FFC];
	_ =	sdelay $0x3  }
0x94: {  	_ =	strace s2  }
0x95: {  	s2 =	sld [smem:$0x3FFD];
	_ =	sdelay $0x3  }
0x96: {  	_ =	strace s2  }
0x97: {  	_ =	strace $0x8FFFFFFF  }
0x98: {  	s18 =	sld [smem:$0x3FDB];
	_ =	sdelay $0x1  }
0x99: {  	s19 =	simm.s32 $_scs_section_size  }
0x9a: {  	s4 =	simm.s32 $_size__tile_overlayer_lowered;
	s5 =	simm.s32 $_tile_overlayer_lowered  }
0x9b: {  	s22 =	simm.s32 $0x1BFF;
	s21 =	sshll.u32 s5, $0x1;
	s2 =	sadd.s32 s19, s18  }
0x9c: {  	s6 =	simm.s32 $0x0;
	s20 =	sshll.u32 s4, $0x1;
	s4 =	sadd.s32 s21, s2  }
0x9d: {  	[timem:s6], [sflag:s22] =	dma.local [hbm:s4], s20  }
0x9e: {  	_ =	swait.ge [sflag:s22], s20  }
0x9f: {  	s3 =	ssub.s32 $0x0, s20;
	[sflag:s22] =	ssyncset.done $0x0  }
0xa0: {  	[sflag:s22] =	ssyncadd.s32 s3;
	_ =	sdelay $0x1  }
0xa1: {  	s23 =	simm.s32 $0x1B8B  }
0xa2: {  	_ =	swait.ge [sflag:s23], $0x1  }
0xa3: {  	[sflag:s23] =	ssyncset.done $0x0  }
0xa4: {  	s25 =	simm.s32 $0x1B8E;
	s24 =	sld [smem:$0x3FFE];
	[sflag:s23] =	ssyncadd.s32 $0xFFFFFFFF  }
0xa5: {  	s26 =	simm.s32 $execute0_lowered;
	[smem:$0x3FD2] =	sst s25  }
0xa6: {  	s4 =	sshll.u32 s26, $0x1;
	_ =	strace $0x80000046;
	[dreg:$0x1] =	wrdreg $0xFFFFFFFF  }
0xa7: {  	s28 =	simm.s32 $_size_execute0_lowered;
	s2 =	sadd.s32 s2, s4;
	[dreg:$0x0] =	wrdreg $0x0  }
0xa8: {  	s4 =	sshll.u32 s28, $0x1;
	[dreg:$0x2] =	wrdreg s2  }
0xa9: {  	[dreg:$0x3] =	wrdreg s4  }
0xaa: {  	[dreg:$0x4] =	wrdreg $0xC0  }
0xab: {  	_ =	task [dreg:s6], $0x5FFFF  }
0xac: {  	[dreg:$0x1] =	wrdreg $0xFFFFFFFF  }
0xad: {  	[dreg:$0x0] =	wrdreg $0x60  }
0xae: {  	[dreg:$0x2] =	wrdreg s24  }
0xaf: {  	[dreg:$0x3] =	wrdreg $0xB3800  }
0xb0: {  	[dreg:$0x4] =	wrdreg $0x1F3800  }
0xb1: {  	[dreg:$0x5] =	wrdreg $0x9  }
0xb2: {  	_ =	task.clear_ibuf [dreg:s6], $0x6FFFF;
	_ =	strace $0x90000046  }
0xb3: {  	s29 =	simm.s32 $0x9;
	_ =	strace $0x80000048  }
0xb4: {  	_ =	swait.ge [sflag:s29], $0x1  }
0xb5: {  	[sflag:s29] =	ssyncadd.s32 $0xFFFFFFFF  }
0xb6: {  	_ =	strace $0x90000048  }
0xb7: {  	_ =	sfence  }
0xb8: {  	s30 =	sld [smem:$0x0];
	_ =	sdelay $0x2  }
0xb9: {  	s31 =	sshll.u32 s1, $0xD;
	s1 =	sshrl.u32 s1, $0x2  }
0xba: {  	s3 =	sand.u32 $0x4000, s31;
	s1 =	sadd.s32 s1, s30  }
0xbb: {  	s0 =	sor.u32 s3, s0;
	s1 =	sshll.u32 s1, $0x11  }
0xbc: {  	s0 =	sor.u32 s1, s0  }
0xbd: {  	s0 =	sadd.s32 $0x8F2B, s0  }
0xbe: {  	[sflag:s0] =	ssyncadd.remote.s32 $0x1  }
0xbf: {  	_ =	sfence.sel $0xFFFF  }
0xc0: {  	[dreg:$0x0] =	wrdreg $0xFFFFFFFF;
	(pc) =	sbr.abs _section_cstart, $3  }
0xc1: {  	[dreg:$0x1] =	wrdreg $0xFFFFFFFF  }
0xc2: {  	_ =	task.clear_ibuf [dreg:s6], $0x2FFFF;
	_ =	strace $0x9FFFFFFF  }
0xc3: {  	(tm) =	ssettm $0x7FFFFFFF  }
tec
execute0_lowered:
.L_overlay_start_1:
0x0: {  	(tag) =	ssettag $0x1  }
0x1: {  	s7 =	rddreg [dreg:$0x0]  }
0x2: {  	s0 =	srdreg.scid;
	s2 =	rddreg [dreg:$0x1]  }
0x3: {  	s4 =	stileid.u32;
	s3 =	rddreg [dreg:$0x2]  }
0x4: {  	s5 =	simm.s32 $0x0;
	s16 =	simm.s32 $0x40;
	s17 =	simm.s32 $0x5000  }
0x5: {  	s18 =	simm.s32 $0x5300;
	s19 =	simm.s32 $0x5100;
	s20 =	simm.s32 $0x7300  }
0x6: {  	s21 =	simm.s32 $0x5200;
	s22 =	simm.s32 $0x9300;
	s23 =	simm.s32 $0x1  }
0x7: {  	s24 =	simm.s32 $0x5080;
	s28 =	simm.s32 $0x5180;
	s29 =	simm.s32 $0x3  }
0x8: {  	s30 =	simm.s32 $0x5280;
	s31 =	simm.s32 $0x0;
	s8 =	smul.u32 $0x280, s4  }
0x9: {  	s0 =	sand.u32 $0x1, s0;
	[smem:$0x7FF] =	sst s5;
	s9 =	smul.u32 $0x14000, s4  }
0xa: {  	s5 =	sadd.s32 $0x4800, s7;
	s12 =	smul.u32 $0x50000, s4;
	s26 =	sshll.u32 s4, $0x6  }
0xb: {  	s1 =	sshll.u32 s0, $0x4;
	s6 =	smul.u32 $0x140000, s0;
	_ =	strace $0x80000047  }
0xc: {  	s11 =	smul.u32 $0x2800, s0;
	s0 =	ssub.s32 $0x2, s0;
	s1 =	sor.u32 s4, s1  }
0xd: {  	s10 =	sshrl.u32 s8, $0x3;
	s13 =	sshrl.u32 s0, $0x1;
	s12 =	sshrl.u32 s12, $0x2  }
0xe: {  	s15 =	sadd.s32 s8, s3;
	s1 =	smul.u32 $0xA00, s1;
	s9 =	sadd.s32 s9, s6  }
0xf: {  	s6 =	sadd.s32 $0x3FA00, s7;
	s10 =	sadd.s32 s10, s7;
	s11 =	sadd.s32 s8, s11  }
0x10: {  	s0 =	ssub.s32 s0, s13;
	s25 =	sadd.s32 s12, s2;
	s12 =	simm.s32 $0x4  }
0x11: {  	s13 =	sor.u32 $0x1C04, s26;
	s15 =	sshrl.u32 s15, $0x3;
	s26 =	simm.s32 $0x2  }
0x12: {  	s9 =	sshrl.u32 s9, $0x3;
	s11 =	sshrl.u32 s11, $0x3;
	s8 =	sadd.s32 $0x42200, s10  }
0x13: {  	s14 =	sshrl.u32 s25, $0x3;
	s25 =	simm.s32 $0xB300;
	s1 =	sadd.s32 s1, s7  }
0x14: {  	s9 =	sadd.s32 s9, s7;
	s11 =	sadd.s32 s11, s7;
	s7 =	sadd.s32 $0x2BA00, s1  }
0x15: {  	v0 =	vimm.f32 $1.000000000e+00;
	s9 =	sadd.s32 $0x43200, s9;
	s10 =	sadd.s32 $0x42800, s11;
	s11 =	smax.u32 s0, $0x1  }
.LBB2_1:
0x16: {  	s0 =	simm.s32 $0x0  }
0x17: {  	[tilespmem:s0], [sflag:$0x4] =	stream.linear.gather [hbm4b:s7+s0], $0x5000, $0x38;
	[tilespmem:$0x1F600] =	vst v63  }
0x18: {  	_ =	swait.ge [sflag:s12], $0x5000  }
0x19: {  	[sflag:s12] =	ssyncset.done $0x0  }
0x1a: {  	[sflag:s12] =	ssyncadd.s32 $0xFFFFB000  }
0x1b: {  	[spmem:s14], [sflag:s13] =	dma.local [hbm:s6], $0x2800  }
0x1c: {  	_ =	swait.ge [sflag:s12], $0x2800  }
0x1d: {  	[sflag:s12] =	ssyncset.done $0x0  }
0x1e: {  	[sflag:s12] =	ssyncadd.s32 $0xFFFFD800  }
0x1f: {  	[spmem:s15], [sflag:s13] =	dma.local [hbm:s8], $0x50  }
0x20: {  	_ =	swait.ge [sflag:s12], $0x50  }
0x21: {  	[sflag:s12] =	ssyncset.done $0x0  }
0x22: {  	[sflag:s12] =	ssyncadd.s32 $0xFFFFFFB0  }
0x23: {  	[tilespmem:$0xB300] =	vst v0  }
0x24: {  	[tilespmem:$0xB310] =	vst v0  }
0x25: {  	[tilespmem:$0xB320] =	vst v0  }
0x26: {  	[tilespmem:$0xB330] =	vst v0  }
0x27: {  	[bflag:$0x0] =	sbarrier.arrive $0xFFFF  }
0x28: {  	v1 =	vld [tilespmem:$0x0];
	_ =	sdelay $0x1  }
0x29: {  	v2 =	vld [tilespmem:$0x10];
	_ =	sdelay $0x1  }
0x2a: {  	v3 =	vld [tilespmem:$0x20]  }
0x2b: {  	v4 =	vand.u32 $0xFFFF, v1  }
0x2c: {  	v59 =	vld [tilespmem:$0x30];
	v1 =	vshrl.u32 v1, $0x10;
	[tilespmem:$0x5000] =	vst v4  }
0x2d: {  	[tilespmem:$0x5080] =	vst v1;
	v1 =	vand.u32 $0xFFFF, v2  }
0x2e: {  	[tilespmem:$0x5010] =	vst v1;
	v1 =	vshrl.u32 v2, $0x10  }
0x2f: {  	[tilespmem:$0x5090] =	vst v1;
	v1 =	vand.u32 $0xFFFF, v3  }
0x30: {  	[tilespmem:$0x5020] =	vst v1;
	v1 =	vshrl.u32 v3, $0x10  }
0x31: {  	[tilespmem:$0x50A0] =	vst v1;
	v1 =	vand.u32 $0xFFFF, v59  }
0x32: {  	[tilespmem:$0x5030] =	vst v1;
	v1 =	vshrl.u32 v59, $0x10  }
0x33: {  	[tilespmem:$0x50B0] =	vst v1  }
0x34: {  	[tilespmem:s18], [sflag:$0x1] =	stream.indirect.gather [hbm4b:s5+s16], $0x80, s17, s16, $0xb8;
	[tilespmem:$0x1F600] =	vst v63  }
0x35: {  	v1 =	vld [tilespmem:$0x80];
	_ =	sdelay $0x1  }
0x36: {  	v2 =	vld [tilespmem:$0x90];
	_ =	sdelay $0x1  }
0x37: {  	v3 =	vld [tilespmem:$0xA0]  }
0x38: {  	v60 =	vand.u32 $0xFFFF, v1  }
0x39: {  	v61 =	vld [tilespmem:$0xB0];
	v1 =	vshrl.u32 v1, $0x10;
	[tilespmem:$0x5100] =	vst v60  }
0x3a: {  	[tilespmem:$0x5180] =	vst v1;
	v1 =	vand.u32 $0xFFFF, v2  }
0x3b: {  	[tilespmem:$0x5110] =	vst v1;
	v1 =	vshrl.u32 v2, $0x10  }
0x3c: {  	[tilespmem:$0x5190] =	vst v1;
	v1 =	vand.u32 $0xFFFF, v3  }
0x3d: {  	[tilespmem:$0x5120] =	vst v1;
	v1 =	vshrl.u32 v3, $0x10  }
0x3e: {  	[tilespmem:$0x51A0] =	vst v1;
	v1 =	vand.u32 $0xFFFF, v61  }
0x3f: {  	[tilespmem:$0x5130] =	vst v1;
	v1 =	vshrl.u32 v61, $0x10  }
0x40: {  	[tilespmem:$0x51B0] =	vst v1  }
0x41: {  	[tilespmem:s20], [sflag:$0x2] =	stream.indirect.gather [hbm4b:s5+s16], $0x80, s19, s16, $0xb8;
	[tilespmem:$0x1F600] =	vst v63  }
0x42: {  	v1 =	vld [tilespmem:$0x100];
	_ =	sdelay $0x1  }
0x43: {  	v2 =	vld [tilespmem:$0x110];
	_ =	sdelay $0x1  }
0x44: {  	v3 =	vld [tilespmem:$0x120]  }
0x45: {  	v62 =	vand.u32 $0xFFFF, v1  }
0x46: {  	v63 =	vld [tilespmem:$0x130];
	v1 =	vshrl.u32 v1, $0x10;
	[tilespmem:$0x5200] =	vst v62  }
0x47: {  	[tilespmem:$0x5280] =	vst v1;
	v1 =	vand.u32 $0xFFFF, v2  }
0x48: {  	[tilespmem:$0x5210] =	vst v1;
	v1 =	vshrl.u32 v2, $0x10  }
0x49: {  	[tilespmem:$0x5290] =	vst v1;
	v1 =	vand.u32 $0xFFFF, v3  }
0x4a: {  	[tilespmem:$0x5220] =	vst v1;
	v1 =	vshrl.u32 v3, $0x10  }
0x4b: {  	[tilespmem:$0x52A0] =	vst v1;
	v1 =	vand.u32 $0xFFFF, v63  }
0x4c: {  	[tilespmem:$0x5230] =	vst v1;
	v1 =	vshrl.u32 v63, $0x10  }
0x4d: {  	[tilespmem:$0x52B0] =	vst v1  }
0x4e: {  	[tilespmem:s22], [sflag:$0x3] =	stream.indirect.gather [hbm4b:s5+s16], $0x80, s21, s16, $0xb8;
	[tilespmem:$0x1F600] =	vst v63  }
0x4f: {  	_ =	swait.ge [sflag:s23], $0x2000  }
0x50: {  	[sflag:s23] =	ssyncset.done $0x0  }
0x51: {  	[sflag:s23] =	ssyncadd.s32 $0xFFFFE000  }
0x52: {  	[spmem:s2] =	stream.indirect.scatter.add.f32 [tilespmem:s18], [sflag:$0x4], $0x80, s24, s16, $0xb8;
	[tilespmem:$0x1F600] =	vst v63  }
0x53: {  	_ =	swait.ge [sflag:s12], $0x2000  }
0x54: {  	[sflag:s12] =	ssyncset.done $0x0  }
0x55: {  	[sflag:s12] =	ssyncadd.s32 $0xFFFFE000  }
0x56: {  	[spmem:s3] =	stream.indirect.scatter.add.f32 [tilespmem:s25], [sflag:$0x4], $0x1, s24, s16, $0xb8;
	[tilespmem:$0x1F600] =	vst v63  }
0x57: {  	_ =	swait.ge [sflag:s12], $0x40  }
0x58: {  	[sflag:s12] =	ssyncset.done $0x0  }
0x59: {  	s1 =	simm.s32 $0x2B0;
	[sflag:s12] =	ssyncadd.s32 $0xFFFFFFC0  }
0x5a: {  	v1 =	vld [tilespmem:s1+$0xFFFFFED0];
	_ =	sdelay $0x4  }
0x5b: {  	v2 =	vand.u32 $0xFFFF, v1  }
0x5c: {  	v1 =	vshrl.u32 v1, $0x10;
	[tilespmem:$0x5000] =	vst v2  }
0x5d: {  	[tilespmem:$0x5080] =	vst v1  }
0x5e: {  	v1 =	vld [tilespmem:s1+$0xFFFFFEE0];
	_ =	sdelay $0x4  }
0x5f: {  	v2 =	vand.u32 $0xFFFF, v1  }
0x60: {  	v1 =	vshrl.u32 v1, $0x10;
	[tilespmem:$0x5010] =	vst v2  }
0x61: {  	[tilespmem:$0x5090] =	vst v1  }
0x62: {  	v1 =	vld [tilespmem:s1+$0xFFFFFEF0];
	_ =	sdelay $0x4  }
0x63: {  	v2 =	vand.u32 $0xFFFF, v1  }
0x64: {  	v1 =	vshrl.u32 v1, $0x10;
	[tilespmem:$0x5020] =	vst v2  }
0x65: {  	[tilespmem:$0x50A0] =	vst v1  }
0x66: {  	v1 =	vld [tilespmem:s1+$0xFFFFFF00];
	_ =	sdelay $0x4  }
0x67: {  	v2 =	vand.u32 $0xFFFF, v1  }
0x68: {  	v1 =	vshrl.u32 v1, $0x10;
	[tilespmem:$0x5030] =	vst v2  }
0x69: {  	[tilespmem:$0x50B0] =	vst v1  }
0x6a: {  	[tilespmem:s18], [sflag:$0x1] =	stream.indirect.gather [hbm4b:s5+s16], $0x80, s17, s16, $0xb8;
	[tilespmem:$0x1F600] =	vst v63  }
0x6b: {  	_ =	swait.ge [sflag:s26], $0x2000  }
0x6c: {  	[sflag:s26] =	ssyncset.done $0x0  }
0x6d: {  	[sflag:s26] =	ssyncadd.s32 $0xFFFFE000  }
0x6e: {  	[spmem:s2] =	stream.indirect.scatter.add.f32 [tilespmem:s20], [sflag:$0x4], $0x80, s28, s16, $0xb8;
	[tilespmem:$0x1F600] =	vst v63  }
0x6f: {  	_ =	swait.ge [sflag:s12], $0x2000  }
0x70: {  	[sflag:s12] =	ssyncset.done $0x0  }
0x71: {  	[sflag:s12] =	ssyncadd.s32 $0xFFFFE000  }
0x72: {  	[spmem:s3] =	stream.indirect.scatter.add.f32 [tilespmem:s25], [sflag:$0x4], $0x1, s28, s16, $0xb8;
	[tilespmem:$0x1F600] =	vst v63  }
0x73: {  	_ =	swait.ge [sflag:s12], $0x40  }
0x74: {  	[sflag:s12] =	ssyncset.done $0x0  }
0x75: {  	[sflag:s12] =	ssyncadd.s32 $0xFFFFFFC0  }
0x76: {  	v1 =	vld [tilespmem:s1+$0xFFFFFF50];
	_ =	sdelay $0x4  }
0x77: {  	v2 =	vand.u32 $0xFFFF, v1  }
0x78: {  	v1 =	vshrl.u32 v1, $0x10;
	[tilespmem:$0x5100] =	vst v2  }
0x79: {  	[tilespmem:$0x5180] =	vst v1  }
0x7a: {  	v1 =	vld [tilespmem:s1+$0xFFFFFF60];
	_ =	sdelay $0x4  }
0x7b: {  	v2 =	vand.u32 $0xFFFF, v1  }
0x7c: {  	v1 =	vshrl.u32 v1, $0x10;
	[tilespmem:$0x5110] =	vst v2  }
0x7d: {  	[tilespmem:$0x5190] =	vst v1  }
0x7e: {  	v1 =	vld [tilespmem:s1+$0xFFFFFF70];
	_ =	sdelay $0x4  }
0x7f: {  	v2 =	vand.u32 $0xFFFF, v1  }
0x80: {  	v1 =	vshrl.u32 v1, $0x10;
	[tilespmem:$0x5120] =	vst v2  }
0x81: {  	[tilespmem:$0x51A0] =	vst v1  }
0x82: {  	v1 =	vld [tilespmem:s1+$0xFFFFFF80];
	_ =	sdelay $0x4  }
0x83: {  	v2 =	vand.u32 $0xFFFF, v1  }
0x84: {  	v1 =	vshrl.u32 v1, $0x10;
	[tilespmem:$0x5130] =	vst v2  }
0x85: {  	[tilespmem:$0x51B0] =	vst v1  }
0x86: {  	[tilespmem:s20], [sflag:$0x2] =	stream.indirect.gather [hbm4b:s5+s16], $0x80, s19, s16, $0xb8;
	[tilespmem:$0x1F600] =	vst v63  }
0x87: {  	_ =	swait.ge [sflag:s29], $0x2000  }
0x88: {  	[sflag:s29] =	ssyncset.done $0x0  }
0x89: {  	[sflag:s29] =	ssyncadd.s32 $0xFFFFE000  }
0x8a: {  	[spmem:s2] =	stream.indirect.scatter.add.f32 [tilespmem:s22], [sflag:$0x4], $0x80, s30, s16, $0xb8;
	[tilespmem:$0x1F600] =	vst v63  }
0x8b: {  	_ =	swait.ge [sflag:s12], $0x2000  }
0x8c: {  	[sflag:s12] =	ssyncset.done $0x0  }
0x8d: {  	[sflag:s12] =	ssyncadd.s32 $0xFFFFE000  }
0x8e: {  	[spmem:s3] =	stream.indirect.scatter.add.f32 [tilespmem:s25], [sflag:$0x4], $0x1, s30, s16, $0xb8;
	[tilespmem:$0x1F600] =	vst v63  }
0x8f: {  	_ =	swait.ge [sflag:s12], $0x40  }
0x90: {  	[sflag:s12] =	ssyncset.done $0x0  }
0x91: {  	[sflag:s12] =	ssyncadd.s32 $0xFFFFFFC0  }
0x92: {  	v1 =	vld [tilespmem:s1+$0xFFFFFFD0];
	_ =	sdelay $0x4  }
0x93: {  	v2 =	vand.u32 $0xFFFF, v1  }
0x94: {  	v1 =	vshrl.u32 v1, $0x10;
	[tilespmem:$0x5200] =	vst v2  }
0x95: {  	[tilespmem:$0x5280] =	vst v1  }
0x96: {  	v1 =	vld [tilespmem:s1+$0xFFFFFFE0];
	_ =	sdelay $0x4  }
0x97: {  	v2 =	vand.u32 $0xFFFF, v1  }
0x98: {  	v1 =	vshrl.u32 v1, $0x10;
	[tilespmem:$0x5210] =	vst v2  }
0x99: {  	[tilespmem:$0x5290] =	vst v1  }
0x9a: {  	s0 =	simm.s32 $0x10C0;
	v1 =	vld [tilespmem:s1+$0xFFFFFFF0]  }
.LBB2_2:
0x9b: {  	_ =	sdelay $0x2  }
0x9c: {  	p0 =	sne.s32 s0, $0x13CC0;
	s4 =	smov.u32 s0;
	s0 =	sadd.s32 $0x600, s0  }
0x9d: {  	v2 =	vand.u32 $0xFFFF, v1;
	v1 =	vshrl.u32 v1, $0x10  }
0x9e: {  	[tilespmem:$0x5220] =	vst v2  }
0x9f: {  	[tilespmem:$0x52A0] =	vst v1  }
0xa0: {  	v1 =	vld [tilespmem:s1+$0x0];
	_ =	sdelay $0x4  }
0xa1: {  	v2 =	vand.u32 $0xFFFF, v1;
	v1 =	vshrl.u32 v1, $0x10  }
0xa2: {  	[tilespmem:$0x5230] =	vst v2  }
0xa3: {  	[tilespmem:$0x52B0] =	vst v1  }
0xa4: {  	[tilespmem:s22], [sflag:$0x3] =	stream.indirect.gather [hbm4b:s5+s16], $0x80, s21, s16, $0xb8;
	[tilespmem:$0x1F600] =	vst v63  }
0xa5: {  	_ =	swait.ge [sflag:s23], $0x2000  }
0xa6: {  	[sflag:s23] =	ssyncset.done $0x0  }
0xa7: {  	[sflag:s23] =	ssyncadd.s32 $0xFFFFE000  }
0xa8: {  	[spmem:s2] =	stream.indirect.scatter.add.f32 [tilespmem:s18], [sflag:$0x4], $0x80, s24, s16, $0xb8;
	[tilespmem:$0x1F600] =	vst v63  }
0xa9: {  	_ =	swait.ge [sflag:s12], $0x2000  }
0xaa: {  	[sflag:s12] =	ssyncset.done $0x0  }
0xab: {  	[sflag:s12] =	ssyncadd.s32 $0xFFFFE000  }
0xac: {  	[spmem:s3] =	stream.indirect.scatter.add.f32 [tilespmem:s25], [sflag:$0x4], $0x1, s24, s16, $0xb8;
	[tilespmem:$0x1F600] =	vst v63  }
0xad: {  	_ =	swait.ge [sflag:s12], $0x40  }
0xae: {  	[sflag:s12] =	ssyncset.done $0x0  }
0xaf: {  	s1 =	sshra.s32 s4, $0x2;
	[sflag:s12] =	ssyncadd.s32 $0xFFFFFFC0  }
0xb0: {  	v1 =	vld [tilespmem:s1+$0xFFFFFED0];
	_ =	sdelay $0x4  }
0xb1: {  	v2 =	vand.u32 $0xFFFF, v1;
	v1 =	vshrl.u32 v1, $0x10  }
0xb2: {  	[tilespmem:$0x5000] =	vst v2  }
0xb3: {  	[tilespmem:$0x5080] =	vst v1  }
0xb4: {  	v1 =	vld [tilespmem:s1+$0xFFFFFEE0];
	_ =	sdelay $0x4  }
0xb5: {  	v2 =	vand.u32 $0xFFFF, v1;
	v1 =	vshrl.u32 v1, $0x10  }
0xb6: {  	[tilespmem:$0x5010] =	vst v2  }
0xb7: {  	[tilespmem:$0x5090] =	vst v1  }
0xb8: {  	v1 =	vld [tilespmem:s1+$0xFFFFFEF0];
	_ =	sdelay $0x4  }
0xb9: {  	v2 =	vand.u32 $0xFFFF, v1;
	v1 =	vshrl.u32 v1, $0x10  }
0xba: {  	[tilespmem:$0x5020] =	vst v2  }
0xbb: {  	[tilespmem:$0x50A0] =	vst v1  }
0xbc: {  	v1 =	vld [tilespmem:s1+$0xFFFFFF00];
	_ =	sdelay $0x4  }
0xbd: {  	v2 =	vand.u32 $0xFFFF, v1;
	v1 =	vshrl.u32 v1, $0x10  }
0xbe: {  	[tilespmem:$0x5030] =	vst v2  }
0xbf: {  	[tilespmem:$0x50B0] =	vst v1  }
0xc0: {  	[tilespmem:s18], [sflag:$0x1] =	stream.indirect.gather [hbm4b:s5+s16], $0x80, s17, s16, $0xb8;
	[tilespmem:$0x1F600] =	vst v63  }
0xc1: {  	_ =	swait.ge [sflag:s26], $0x2000  }
0xc2: {  	[sflag:s26] =	ssyncset.done $0x0  }
0xc3: {  	[sflag:s26] =	ssyncadd.s32 $0xFFFFE000  }
0xc4: {  	[spmem:s2] =	stream.indirect.scatter.add.f32 [tilespmem:s20], [sflag:$0x4], $0x80, s28, s16, $0xb8;
	[tilespmem:$0x1F600] =	vst v63  }
0xc5: {  	_ =	swait.ge [sflag:s12], $0x2000  }
0xc6: {  	[sflag:s12] =	ssyncset.done $0x0  }
0xc7: {  	[sflag:s12] =	ssyncadd.s32 $0xFFFFE000  }
0xc8: {  	[spmem:s3] =	stream.indirect.scatter.add.f32 [tilespmem:s25], [sflag:$0x4], $0x1, s28, s16, $0xb8;
	[tilespmem:$0x1F600] =	vst v63  }
0xc9: {  	_ =	swait.ge [sflag:s12], $0x40  }
0xca: {  	[sflag:s12] =	ssyncset.done $0x0  }
0xcb: {  	[sflag:s12] =	ssyncadd.s32 $0xFFFFFFC0  }
0xcc: {  	v1 =	vld [tilespmem:s1+$0xFFFFFF50];
	_ =	sdelay $0x4  }
0xcd: {  	v2 =	vand.u32 $0xFFFF, v1;
	v1 =	vshrl.u32 v1, $0x10  }
0xce: {  	[tilespmem:$0x5100] =	vst v2  }
0xcf: {  	[tilespmem:$0x5180] =	vst v1  }
0xd0: {  	v1 =	vld [tilespmem:s1+$0xFFFFFF60];
	_ =	sdelay $0x4  }
0xd1: {  	v2 =	vand.u32 $0xFFFF, v1;
	v1 =	vshrl.u32 v1, $0x10  }
0xd2: {  	[tilespmem:$0x5110] =	vst v2  }
0xd3: {  	[tilespmem:$0x5190] =	vst v1  }
0xd4: {  	v1 =	vld [tilespmem:s1+$0xFFFFFF70];
	_ =	sdelay $0x4  }
0xd5: {  	v2 =	vand.u32 $0xFFFF, v1;
	v1 =	vshrl.u32 v1, $0x10  }
0xd6: {  	[tilespmem:$0x5120] =	vst v2  }
0xd7: {  	[tilespmem:$0x51A0] =	vst v1  }
0xd8: {  	v1 =	vld [tilespmem:s1+$0xFFFFFF80];
	_ =	sdelay $0x4  }
0xd9: {  	v2 =	vand.u32 $0xFFFF, v1;
	v1 =	vshrl.u32 v1, $0x10  }
0xda: {  	[tilespmem:$0x5130] =	vst v2  }
0xdb: {  	[tilespmem:$0x51B0] =	vst v1  }
0xdc: {  	[tilespmem:s20], [sflag:$0x2] =	stream.indirect.gather [hbm4b:s5+s16], $0x80, s19, s16, $0xb8;
	[tilespmem:$0x1F600] =	vst v63  }
0xdd: {  	_ =	swait.ge [sflag:s29], $0x2000  }
0xde: {  	[sflag:s29] =	ssyncset.done $0x0  }
0xdf: {  	[sflag:s29] =	ssyncadd.s32 $0xFFFFE000  }
0xe0: {  	[spmem:s2] =	stream.indirect.scatter.add.f32 [tilespmem:s22], [sflag:$0x4], $0x80, s30, s16, $0xb8;
	[tilespmem:$0x1F600] =	vst v63  }
0xe1: {  	_ =	swait.ge [sflag:s12], $0x2000  }
0xe2: {  	[sflag:s12] =	ssyncset.done $0x0  }
0xe3: {  	[sflag:s12] =	ssyncadd.s32 $0xFFFFE000  }
0xe4: {  	[spmem:s3] =	stream.indirect.scatter.add.f32 [tilespmem:s25], [sflag:$0x4], $0x1, s30, s16, $0xb8;
	[tilespmem:$0x1F600] =	vst v63  }
0xe5: {  	_ =	swait.ge [sflag:s12], $0x40  }
0xe6: {  	[sflag:s12] =	ssyncset.done $0x0  }
0xe7: {  	[sflag:s12] =	ssyncadd.s32 $0xFFFFFFC0  }
0xe8: {  	v1 =	vld [tilespmem:s1+$0xFFFFFFD0];
	_ =	sdelay $0x4  }
0xe9: {  	v2 =	vand.u32 $0xFFFF, v1;
	v1 =	vshrl.u32 v1, $0x10  }
0xea: {  	[tilespmem:$0x5200] =	vst v2  }
0xeb: {  	[tilespmem:$0x5280] =	vst v1  }
0xec: {  	v1 =	vld [tilespmem:s1+$0xFFFFFFE0];
	_ =	sdelay $0x3  }
.Ltmp0:
0xed: {  	(pc) =	sbr.rel @p0 .LBB2_2-.Ltmp0, $4  }
0xee: {  	v2 =	vand.u32 $0xFFFF, v1;
	v1 =	vshrl.u32 v1, $0x10  }
0xef: {  	[tilespmem:$0x5210] =	vst v2  }
0xf0: {  	[tilespmem:$0x5290] =	vst v1  }
0xf1: {  	v1 =	vld [tilespmem:s1+$0xFFFFFFF0]  }
0xf2: {  	_ =	sdelay $0x3  }
0xf3: {  	v2 =	vand.u32 $0xFFFF, v1  }
0xf4: {  	v1 =	vshrl.u32 v1, $0x10;
	[tilespmem:$0x5220] =	vst v2  }
0xf5: {  	[tilespmem:$0x52A0] =	vst v1  }
0xf6: {  	v1 =	vld [tilespmem:s1+$0x0];
	_ =	sdelay $0x4  }
0xf7: {  	v2 =	vand.u32 $0xFFFF, v1  }
0xf8: {  	v1 =	vshrl.u32 v1, $0x10;
	[tilespmem:$0x5230] =	vst v2  }
0xf9: {  	[tilespmem:$0x52B0] =	vst v1  }
0xfa: {  	[tilespmem:s22], [sflag:$0x3] =	stream.indirect.gather [hbm4b:s5+s16], $0x80, s21, s16, $0xb8;
	[tilespmem:$0x1F600] =	vst v63  }
0xfb: {  	_ =	swait.ge [sflag:s23], $0x2000  }
0xfc: {  	[sflag:s23] =	ssyncset.done $0x0  }
0xfd: {  	[sflag:s23] =	ssyncadd.s32 $0xFFFFE000  }
0xfe: {  	[spmem:s2] =	stream.indirect.scatter.add.f32 [tilespmem:s18], [sflag:$0x4], $0x80, s24, s16, $0xb8;
	[tilespmem:$0x1F600] =	vst v63  }
0xff: {  	_ =	swait.ge [sflag:s12], $0x2000  }
0x100: {  	[sflag:s12] =	ssyncset.done $0x0  }
0x101: {  	[sflag:s12] =	ssyncadd.s32 $0xFFFFE000  }
0x102: {  	[spmem:s3] =	stream.indirect.scatter.add.f32 [tilespmem:s25], [sflag:$0x4], $0x1, s24, s16, $0xb8;
	[tilespmem:$0x1F600] =	vst v63  }
0x103: {  	_ =	swait.ge [sflag:s12], $0x40  }
0x104: {  	[sflag:s12] =	ssyncset.done $0x0  }
0x105: {  	[sflag:s12] =	ssyncadd.s32 $0xFFFFFFC0  }
0x106: {  	v1 =	vld [tilespmem:$0x4F80];
	_ =	sdelay $0x1  }
0x107: {  	v2 =	vld [tilespmem:$0x4F90];
	_ =	sdelay $0x1  }
0x108: {  	v3 =	vld [tilespmem:$0x4FA0]  }
0x109: {  	v4 =	vand.u32 $0xFFFF, v1  }
0x10a: {  	v63 =	vld [tilespmem:$0x4FB0];
	v1 =	vshrl.u32 v1, $0x10;
	[tilespmem:$0x5000] =	vst v4  }
0x10b: {  	[tilespmem:$0x5080] =	vst v1;
	v1 =	vand.u32 $0xFFFF, v2  }
0x10c: {  	[tilespmem:$0x5010] =	vst v1;
	v1 =	vshrl.u32 v2, $0x10  }
0x10d: {  	[tilespmem:$0x5090] =	vst v1;
	v1 =	vand.u32 $0xFFFF, v3  }
0x10e: {  	[tilespmem:$0x5020] =	vst v1;
	v1 =	vshrl.u32 v3, $0x10  }
0x10f: {  	[tilespmem:$0x50A0] =	vst v1;
	v1 =	vand.u32 $0xFFFF, v63  }
0x110: {  	[tilespmem:$0x5030] =	vst v1;
	v1 =	vshrl.u32 v63, $0x10  }
0x111: {  	[tilespmem:$0x50B0] =	vst v1  }
0x112: {  	[tilespmem:s18], [sflag:$0x1] =	stream.indirect.gather [hbm4b:s5+s16], $0x80, s17, s16, $0xb8;
	[tilespmem:$0x1F600] =	vst v63  }
0x113: {  	_ =	swait.ge [sflag:s26], $0x2000  }
0x114: {  	[sflag:s26] =	ssyncset.done $0x0  }
0x115: {  	[sflag:s26] =	ssyncadd.s32 $0xFFFFE000  }
0x116: {  	[spmem:s2] =	stream.indirect.scatter.add.f32 [tilespmem:s20], [sflag:$0x4], $0x80, s28, s16, $0xb8;
	[tilespmem:$0x1F600] =	vst v63  }
0x117: {  	_ =	swait.ge [sflag:s12], $0x2000  }
0x118: {  	[sflag:s12] =	ssyncset.done $0x0  }
0x119: {  	[sflag:s12] =	ssyncadd.s32 $0xFFFFE000  }
0x11a: {  	[spmem:s3] =	stream.indirect.scatter.add.f32 [tilespmem:s25], [sflag:$0x4], $0x1, s28, s16, $0xb8;
	[tilespmem:$0x1F600] =	vst v63  }
0x11b: {  	_ =	swait.ge [sflag:s12], $0x40  }
0x11c: {  	[sflag:s12] =	ssyncset.done $0x0  }
0x11d: {  	[sflag:s12] =	ssyncadd.s32 $0xFFFFFFC0  }
0x11e: {  	_ =	swait.ge [sflag:s29], $0x2000  }
0x11f: {  	[sflag:s29] =	ssyncset.done $0x0  }
0x120: {  	[sflag:s29] =	ssyncadd.s32 $0xFFFFE000  }
0x121: {  	[spmem:s2] =	stream.indirect.scatter.add.f32 [tilespmem:s22], [sflag:$0x4], $0x80, s30, s16, $0xb8;
	[tilespmem:$0x1F600] =	vst v63  }
0x122: {  	_ =	swait.ge [sflag:s12], $0x2000  }
0x123: {  	[sflag:s12] =	ssyncset.done $0x0  }
0x124: {  	[sflag:s12] =	ssyncadd.s32 $0xFFFFE000  }
0x125: {  	[spmem:s3] =	stream.indirect.scatter.add.f32 [tilespmem:s25], [sflag:$0x4], $0x1, s30, s16, $0xb8;
	[tilespmem:$0x1F600] =	vst v63  }
0x126: {  	_ =	swait.ge [sflag:s12], $0x40  }
0x127: {  	[sflag:s12] =	ssyncset.done $0x0  }
0x128: {  	[sflag:s12] =	ssyncadd.s32 $0xFFFFFFC0  }
0x129: {  	_ =	swait.ge [sflag:s23], $0x2000  }
0x12a: {  	[sflag:s23] =	ssyncset.done $0x0  }
0x12b: {  	[sflag:s23] =	ssyncadd.s32 $0xFFFFE000  }
0x12c: {  	[spmem:s2] =	stream.indirect.scatter.add.f32 [tilespmem:s18], [sflag:$0x4], $0x80, s24, s16, $0xb8;
	[tilespmem:$0x1F600] =	vst v63  }
0x12d: {  	_ =	swait.ge [sflag:s12], $0x2000  }
0x12e: {  	[sflag:s12] =	ssyncset.done $0x0  }
0x12f: {  	[sflag:s12] =	ssyncadd.s32 $0xFFFFE000  }
0x130: {  	[spmem:s3] =	stream.indirect.scatter.add.f32 [tilespmem:s25], [sflag:$0x4], $0x1, s24, s16, $0xb8;
	[tilespmem:$0x1F600] =	vst v63  }
0x131: {  	_ =	swait.ge [sflag:s12], $0x40  }
0x132: {  	[sflag:s12] =	ssyncset.done $0x0  }
0x133: {  	[sflag:s12] =	ssyncadd.s32 $0xFFFFFFC0  }
0x134: {  	[bflag:$0x0] =	sbarrier.arrive $0xFFFF  }
0x135: {  	[hbm:s9], [sflag:s13] =	dma.local [spmem:s14], $0x2800  }
0x136: {  	s31 =	sadd.s32 $0x1, s31;
	_ =	swait.ge [sflag:s12], $0x2800  }
0x137: {  	p0 =	sne.s32 s31, s11;
	[sflag:s12] =	ssyncset.done $0x0  }
.Ltmp1:
0x138: {  	[sflag:s12] =	ssyncadd.s32 $0xFFFFD800;
	(pc) =	sbr.rel @p0 .LBB2_1-.Ltmp1, $4  }
0x139: {  	[hbm:s10], [sflag:s13] =	dma.local [spmem:s15], $0x50  }
0x13a: {  	_ =	swait.ge [sflag:s12], $0x50  }
0x13b: {  	[sflag:s12] =	ssyncset.done $0x0  }
0x13c: {  	[sflag:s12] =	ssyncadd.s32 $0xFFFFFFB0  }
0x13d: {  	_ =	sfence.sel $0x180000  }
0x13e: {  	[bflag:$0x0] =	sbarrier.arrive $0xFFFF  }
0x13f: {  	_ =	strace $0x90000047  }
0x140: {  	s0 =	stileid.u32;
	[bflag:$0x2] =	sbarrier.arrive $0xFFFF  }
0x141: {  	p0 =	sne.s32 s0, $0x0;
	s0 =	rddreg [dreg:$0x3]  }
0x142: {  	s0 =	sadd.s32 @!p0 $0x100000, s0  }
0x143: {  	[sflag:s0] =	ssyncadd.tile.s32 @!p0 $0x1;
	_ =	shalt  }
.Lfunc_end2:
_tile_overlayer_lowered:
.L_overlay_start_2:
0x144: {  	(tag) =	ssettag $0x2  }
0x145: {  	s0 =	rddreg [dreg:$0x0];
	s2 =	stileid.u32  }
0x146: {  	s1 =	rddreg [dreg:$0x1];
	p0 =	sne.s32 s2, $0x0  }
0x147: {  	s3 =	rddreg [dreg:$0x2];
	[bflag:$0x3] =	sbarrier.arrive $0xFFFF;
	s2 =	simm.s32 @!p0 $0x1C04  }
0x148: {  	[timem:s3], [sflag:s2] =	dma.local @!p0 [hbm:s0], s1  }
0x149: {  	s0 =	simm.s32 @!p0 $0x4  }
0x14a: {  	_ =	swait.ge @!p0 [sflag:s0], s1  }
0x14b: {  	s1 =	ssub.s32 @!p0 $0x0, s1;
	[sflag:s0] =	ssyncset.done @!p0 $0x0  }
0x14c: {  	[sflag:s0] =	ssyncadd.s32 @!p0 s1  }
0x14d: {  	[bflag:$0x3] =	sbarrier.arrive $0xFFFF  }
0x14e: {  	_ =	shalt  }

</sc_bundles>
